<compile_context>
chip_gen: v7x
topology: tpu7x:2x2x1
jax: 0.10.2.dev20260603
libtpu: 0.0.44.dev20260713+nightly
codegen_flags: <defaults>
</compile_context>

<pallas_src>
import functools

import jax
import jax.numpy as jnp
from jax import lax
from jax.experimental import pallas as pl
from jax.experimental.pallas import tpu as pltpu
from jax.experimental.pallas import tpu_sc as plsc

INPUT_DIMS = 1024
D = 128
SZ0 = 4096
BRANCH = 16
K = 16
ROWS = 2048
ROW_BLK = 256
NW = 32
RPW = ROWS // NW


def _halv16(x):
    x = x[..., :8] + x[..., 8:16]
    x = x[..., :4] + x[..., 4:8]
    x = x[..., :2] + x[..., 2:4]
    return x[..., 0:1] + x[..., 1:2]



def _p1_body(x_ref, w_ref, b_ref, k0_ref, e_ref, q1_ref):
    q = jnp.dot(x_ref[...], w_ref[...], preferred_element_type=jnp.float32)
    q = q + b_ref[...]
    q0 = q[:, :D]
    q1_ref[...] = q[:, D:]
    lg = lax.dot_general(q0, k0_ref[...], (((1,), (1,)), ((), ())),
                         preferred_element_type=jnp.float32)
    lg = lg / jnp.sqrt(jnp.float32(D))
    m = jnp.max(lg, axis=-1, keepdims=True)
    e_ref[...] = jnp.exp(lg - m)


def _p1(x, W, b, key0):
    return pl.pallas_call(
        _p1_body,
        grid=(ROWS // ROW_BLK,),
        in_specs=[
            pl.BlockSpec((ROW_BLK, INPUT_DIMS), lambda i: (i, 0)),
            pl.BlockSpec((INPUT_DIMS, 2 * D), lambda i: (0, 0)),
            pl.BlockSpec((1, 2 * D), lambda i: (0, 0)),
            pl.BlockSpec((SZ0, D), lambda i: (0, 0)),
        ],
        out_specs=[
            pl.BlockSpec((ROW_BLK, SZ0), lambda i: (i, 0)),
            pl.BlockSpec((ROW_BLK, D), lambda i: (i, 0)),
        ],
        out_shape=[
            jax.ShapeDtypeStruct((ROWS, SZ0), jnp.float32),
            jax.ShapeDtypeStruct((ROWS, D), jnp.float32),
        ],
    )(x, W, b.reshape(1, -1), key0)



P2_BLK = 256


def _p2_body(e_ref, s_ref, i0_ref, v0_ref):
    a = e_ref[...] / s_ref[...]
    iota = lax.broadcasted_iota(jnp.int32, (P2_BLK, SZ0), 1)
    vals = []
    idxs = []
    cur = a
    for _ in range(K):
        gm = jnp.max(cur, axis=-1, keepdims=True)
        sel = jnp.where(cur == gm, iota, SZ0)
        ix = jnp.min(sel, axis=-1, keepdims=True)
        vals.append(gm)
        idxs.append(ix)
        cur = jnp.where(iota == ix, -jnp.inf, cur)
    tv = jnp.concatenate(vals, axis=-1)
    i0_ref[...] = jnp.concatenate(idxs, axis=-1)
    v0_ref[...] = tv / _halv16(tv)


def _p2(e, S):
    return pl.pallas_call(
        _p2_body,
        grid=(ROWS // P2_BLK,),
        in_specs=[
            pl.BlockSpec((P2_BLK, SZ0), lambda i: (i, 0)),
            pl.BlockSpec((P2_BLK, 1), lambda i: (i, 0)),
        ],
        out_specs=[
            pl.BlockSpec((P2_BLK, K), lambda i: (i, 0)),
            pl.BlockSpec((P2_BLK, K), lambda i: (i, 0)),
        ],
        out_shape=[
            jax.ShapeDtypeStruct((ROWS, K), jnp.int32),
            jax.ShapeDtypeStruct((ROWS, K), jnp.float32),
        ],
    )(e, S)



def _p3_body(i0_hbm, q1_hbm, k1t_hbm, dots_hbm, idx_v, q1_v, kk0_v, kk1_v,
             out_v, sem0, sem1):
    wid = lax.axis_index("s") * 2 + lax.axis_index("c")
    base = wid * RPW
    pltpu.sync_copy(i0_hbm.at[pl.ds(base, RPW)], idx_v)
    pltpu.sync_copy(q1_hbm.at[pl.ds(base, RPW)], q1_v)

    def start(r, kk_v, sem):
        pltpu.async_copy(k1t_hbm.at[idx_v.at[r]], kk_v, sem)

    def wait(r, kk_v, sem):
        pltpu.make_async_copy(k1t_hbm.at[idx_v.at[r]], kk_v, sem).wait()

    def compute(r, kk_v):
        def k_body(k, carry2):
            acc = None
            for t in range(8):
                qv = q1_v[r, pl.ds(t * 16, 16)]
                for half in range(2):
                    g = 2 * t + half
                    ps = [kk_v[k, pl.ds((16 * t + 8 * half + m) * 16, 16)]
                          * qv[8 * half + m] for m in range(8)]
                    grp = ((ps[0] + ps[1]) + (ps[2] + ps[3])) + (
                        (ps[4] + ps[5]) + (ps[6] + ps[7]))
                    acc = grp if g == 0 else acc + grp
            out_v[r, pl.ds(k * 16, 16)] = acc
            return carry2

        lax.fori_loop(0, K, k_body, 0)

    start(0, kk0_v, sem0)

    def pair_body(i, carry):
        r0 = 2 * i
        start(r0 + 1, kk1_v, sem1)
        wait(r0, kk0_v, sem0)
        compute(r0, kk0_v)

        @pl.when(r0 + 2 < RPW)
        def _():
            start(r0 + 2, kk0_v, sem0)

        wait(r0 + 1, kk1_v, sem1)
        compute(r0 + 1, kk1_v)
        return carry

    lax.fori_loop(0, RPW // 2, pair_body, 0)
    pltpu.sync_copy(out_v, dots_hbm.at[pl.ds(base, RPW)])


def _p3(i0, q1, k1t):
    mesh = plsc.VectorSubcoreMesh(core_axis_name="c", subcore_axis_name="s")
    f = functools.partial(
        pl.kernel,
        out_type=jax.ShapeDtypeStruct((ROWS, K * BRANCH), jnp.float32),
        mesh=mesh,
        scratch_types=[
            pltpu.VMEM((RPW, K), jnp.int32),
            pltpu.VMEM((RPW, D), jnp.float32),
            pltpu.VMEM((K, D * BRANCH), jnp.float32),
            pltpu.VMEM((K, D * BRANCH), jnp.float32),
            pltpu.VMEM((RPW, K * BRANCH), jnp.float32),
            pltpu.SemaphoreType.DMA,
            pltpu.SemaphoreType.DMA,
        ],
    )(_p3_body)
    return f(i0, q1, k1t)



def _p4_body(dots_ref, v0_ref, fv_ref, fi_ref):
    lg = dots_ref[...] / jnp.sqrt(jnp.float32(D))
    lg = lg.reshape(ROW_BLK, K, BRANCH)
    mx = jnp.max(lg, axis=-1, keepdims=True)
    e1 = jnp.exp(lg - mx)
    s1 = _halv16(e1)
    sm = e1 / s1
    attn = (v0_ref[...][:, :, None] * sm).reshape(ROW_BLK, K * BRANCH)
    iota = lax.broadcasted_iota(jnp.int32, (ROW_BLK, K * BRANCH), 1)
    vals = []
    idxs = []
    cur = attn
    for _ in range(K):
        gm = jnp.max(cur, axis=-1, keepdims=True)
        sel = jnp.where(cur == gm, iota, K * BRANCH)
        ix = jnp.min(sel, axis=-1, keepdims=True)
        vals.append(gm)
        idxs.append(ix)
        cur = jnp.where(iota == ix, -jnp.inf, cur)
    fv = jnp.concatenate(vals, axis=-1)
    fi_ref[...] = jnp.concatenate(idxs, axis=-1)
    fv_ref[...] = fv / _halv16(fv)


def _p4(dots, v0):
    return pl.pallas_call(
        _p4_body,
        grid=(ROWS // ROW_BLK,),
        in_specs=[
            pl.BlockSpec((ROW_BLK, K * BRANCH), lambda i: (i, 0)),
            pl.BlockSpec((ROW_BLK, K), lambda i: (i, 0)),
        ],
        out_specs=[
            pl.BlockSpec((ROW_BLK, K), lambda i: (i, 0)),
            pl.BlockSpec((ROW_BLK, K), lambda i: (i, 0)),
        ],
        out_shape=[
            jax.ShapeDtypeStruct((ROWS, K), jnp.float32),
            jax.ShapeDtypeStruct((ROWS, K), jnp.int32),
        ],
    )(dots, v0)


def kernel(input_hiddens, W, b, key0, key1):
    e, q1 = _p1(input_hiddens, W, b, key0)
    S = jnp.sum(e, axis=-1, keepdims=True)
    i0, v0 = _p2(e, S)
    k1t = key1.transpose(0, 2, 1).reshape(SZ0, D * BRANCH)
    dots = _p3(i0, q1, k1t)
    fv, fi = _p4(dots, v0)
    return (fv, fi)

# --- scband reference (transcript-rebuilt; emitter-appended) ---
"""Pipeline reference for scband-indexer-15023795602044 (READ-ONLY COPY).

The authoritative reference and input builder live on the scoring server;
editing this copy changes nothing except your own understanding.
"""

import jax, jax.numpy as jnp
import numpy as np

INPUT_DIMS = 1024
INDEX_DIMS = 128
INDEX_SIZES = [4096, 65536]
K = 16
DEPTH = 2


def scaled_dot_softmax(q, k):
    d = q.shape[-1]
    logits = jnp.matmul(q[..., None, :], jnp.swapaxes(k, -1, -2))
    logits = jnp.squeeze(logits, -2) / jnp.sqrt(jnp.float32(d))
    return jax.nn.softmax(logits, axis=-1)


def setup_inputs(seed: int = 0) -> dict:
    key = jax.random.key(seed)
    k1, k2, k3, k4 = jax.random.split(key, 4)
    input_hiddens = jax.random.normal(k1, (2048, INPUT_DIMS), dtype=jnp.float32)
    # query_fn: nn.Linear(input_dims, depth*index_dims); store W as [in, out]
    W = jax.random.normal(k2, (INPUT_DIMS, DEPTH * INDEX_DIMS), dtype=jnp.float32) * (1.0 / np.sqrt(INPUT_DIMS))
    b = jnp.zeros((DEPTH * INDEX_DIMS,), dtype=jnp.float32)
    # keys[0]: [sz0, index_dims]; keys[1]: [sz0, sz1//sz0, index_dims]; init normal(std=0.01)
    key0 = jax.random.normal(k3, (INDEX_SIZES[0], INDEX_DIMS), dtype=jnp.float32) * 0.01
    key1 = jax.random.normal(k4, (INDEX_SIZES[0], INDEX_SIZES[1] // INDEX_SIZES[0], INDEX_DIMS), dtype=jnp.float32) * 0.01
    return {"input_hiddens": input_hiddens, "W": W, "b": b, "key0": key0, "key1": key1}


def reference(input_hiddens, W, b, key0, key1):
    queries = (input_hiddens @ W + b).reshape(input_hiddens.shape[:-1] + (DEPTH, INDEX_DIMS))
    # level 0
    q0 = queries[..., 0, :]
    attn = scaled_dot_softmax(q0, key0)  # [..., sz0]
    attn_topk_val, attn_topk_ind = jax.lax.top_k(attn, K)
    attn_topk_val = attn_topk_val / jnp.sum(attn_topk_val, axis=-1, keepdims=True)
    # level 1
    q1 = queries[..., 1, :][..., None, :]          # [..., 1, d]
    kk = jnp.take(key1, attn_topk_ind, axis=0)     # [..., k, branch, d]
    attn = attn_topk_val[..., None] * scaled_dot_softmax(q1, kk)  # [..., k, branch]
    attn = attn.reshape(attn.shape[:-2] + (-1,))   # [..., k*branch]
    attn_topk_val, attn_topk_ind = jax.lax.top_k(attn, K)
    attn_topk_val = attn_topk_val / jnp.sum(attn_topk_val, axis=-1, keepdims=True)
    return (attn_topk_val, attn_topk_ind)

if __name__ == "__main__":
    import jax
    _d = setup_inputs()
    print(jax.jit(kernel)(*tuple(_d.values())))

</pallas_src>

<mosaic_0001>
#map = affine_map<(d0, d1) -> (0, 0)>
module attributes {stable_mosaic.version = 14 : i64} {
  func.func @_p3_body(%arg0: i32, %arg1: i32, %arg2: memref<2048x16xi32, #tpu.memory_space<hbm>>, %arg3: memref<2048x128xf32, #tpu.memory_space<hbm>>, %arg4: memref<4096x2048xf32, #tpu.memory_space<hbm>>, %arg5: memref<2048x256xf32, #tpu.memory_space<hbm>>, %arg6: memref<64x16xi32, #tpu.memory_space<vmem>>, %arg7: memref<64x128xf32, #tpu.memory_space<vmem>>, %arg8: memref<16x2048xf32, #tpu.memory_space<vmem>>, %arg9: memref<16x2048xf32, #tpu.memory_space<vmem>>, %arg10: memref<64x256xf32, #tpu.memory_space<vmem>>, %arg11: memref<!tpu.dma_semaphore, #tpu.memory_space<semaphore_mem>>, %arg12: memref<!tpu.dma_semaphore, #tpu.memory_space<semaphore_mem>>) attributes {dimension_semantics = [#tpu.dimension_semantics<core_parallel>, #tpu.dimension_semantics<subcore_parallel>], iteration_bounds = array<i64: 2, 16>, scalar_prefetch = 0 : i64, scratch_operands = 7 : i64, tpu.core_type = #tpu.core_type<sc_vector_subcore>, window_params = [{transform_indices = #map}, {transform_indices = #map}, {transform_indices = #map}, {transform_indices = #map}]} {
    %mul3A = arith.constant 2 : i32
    %mul3A_0 = arith.muli %arg1, %mul3A : i32
    %add3A = arith.addi %mul3A_0, %arg0 : i32
    %mul3A_1 = arith.constant 64 : i32
    %mul3A_2 = arith.muli %add3A, %mul3A_1 : i32
    "tpu.region"() ({
      %run_scoped3A = tpu.sem_alloc : memref<!tpu.dma_semaphore, #tpu.memory_space<semaphore_mem>>
      %dma_start3A_14 = arith.constant 0 : i32
      %dma_start3A_15 = tpu.memref_slice %arg2[%mul3A_2, %dma_start3A_14] : memref<2048x16xi32, #tpu.memory_space<hbm>> -> memref<64x16xi32, #tpu.memory_space<hbm>>
      %dma_start3A_16 = arith.constant 0 : i32
      %dma_start3A_17 = tpu.memref_slice %arg2[%mul3A_2, %dma_start3A_16] : memref<2048x16xi32, #tpu.memory_space<hbm>> -> memref<64x16xi32, #tpu.memory_space<hbm>>
      tpu.enqueue_dma source(%dma_start3A_17 : memref<64x16xi32, #tpu.memory_space<hbm>>) target(%arg6 : memref<64x16xi32, #tpu.memory_space<vmem>>) target_semaphore(%run_scoped3A : memref<!tpu.dma_semaphore, #tpu.memory_space<semaphore_mem>>)
      %dma_wait3A = arith.constant 0 : i32
      %dma_wait3A_18 = tpu.memref_slice %arg2[%mul3A_2, %dma_wait3A] : memref<2048x16xi32, #tpu.memory_space<hbm>> -> memref<64x16xi32, #tpu.memory_space<hbm>>
      %dma_wait3A_19 = arith.constant 0 : i32
      %dma_wait3A_20 = tpu.memref_slice %arg2[%mul3A_2, %dma_wait3A_19] : memref<2048x16xi32, #tpu.memory_space<hbm>> -> memref<64x16xi32, #tpu.memory_space<hbm>>
      tpu.wait_dma2 semaphore(%run_scoped3A : memref<!tpu.dma_semaphore, #tpu.memory_space<semaphore_mem>>) src(%dma_wait3A_20 : memref<64x16xi32, #tpu.memory_space<hbm>>) dst(%arg6 : memref<64x16xi32, #tpu.memory_space<vmem>>)
      tpu.yield
    }) : () -> ()
    "tpu.region"() ({
      %run_scoped3A = tpu.sem_alloc : memref<!tpu.dma_semaphore, #tpu.memory_space<semaphore_mem>>
      %dma_start3A_14 = arith.constant 0 : i32
      %dma_start3A_15 = tpu.memref_slice %arg3[%mul3A_2, %dma_start3A_14] : memref<2048x128xf32, #tpu.memory_space<hbm>> -> memref<64x128xf32, #tpu.memory_space<hbm>>
      %dma_start3A_16 = arith.constant 0 : i32
      %dma_start3A_17 = tpu.memref_slice %arg3[%mul3A_2, %dma_start3A_16] : memref<2048x128xf32, #tpu.memory_space<hbm>> -> memref<64x128xf32, #tpu.memory_space<hbm>>
      tpu.enqueue_dma source(%dma_start3A_17 : memref<64x128xf32, #tpu.memory_space<hbm>>) target(%arg7 : memref<64x128xf32, #tpu.memory_space<vmem>>) target_semaphore(%run_scoped3A : memref<!tpu.dma_semaphore, #tpu.memory_space<semaphore_mem>>)
      %dma_wait3A = arith.constant 0 : i32
      %dma_wait3A_18 = tpu.memref_slice %arg3[%mul3A_2, %dma_wait3A] : memref<2048x128xf32, #tpu.memory_space<hbm>> -> memref<64x128xf32, #tpu.memory_space<hbm>>
      %dma_wait3A_19 = arith.constant 0 : i32
      %dma_wait3A_20 = tpu.memref_slice %arg3[%mul3A_2, %dma_wait3A_19] : memref<2048x128xf32, #tpu.memory_space<hbm>> -> memref<64x128xf32, #tpu.memory_space<hbm>>
      tpu.wait_dma2 semaphore(%run_scoped3A : memref<!tpu.dma_semaphore, #tpu.memory_space<semaphore_mem>>) src(%dma_wait3A_20 : memref<64x128xf32, #tpu.memory_space<hbm>>) dst(%arg7 : memref<64x128xf32, #tpu.memory_space<vmem>>)
      tpu.yield
    }) : () -> ()
    %dma_start3A = arith.constant 0 : i32
    %dma_start3A_3 = arith.constant 0 : i32
    %dma_start3A_4 = tpu.memref_slice %arg6[%dma_start3A, %dma_start3A_3] : memref<64x16xi32, #tpu.memory_space<vmem>> -> memref<1x16xi32, #tpu.memory_space<vmem>>
    %dma_start3A_5 = tpu.memref_squeeze %dma_start3A_4 : memref<1x16xi32, #tpu.memory_space<vmem>> -> memref<16xi32, #tpu.memory_space<vmem>>
    %dma_start3A_6 = arith.constant 0 : i32
    %dma_start3A_7 = arith.constant 0 : i32
    %dma_start3A_8 = tpu.memref_slice %arg4[%dma_start3A_6, %dma_start3A_7] : memref<4096x2048xf32, #tpu.memory_space<hbm>> -> memref<4096x2048xf32, #tpu.memory_space<hbm>>
    tpu.enqueue_indirect_dma source(%dma_start3A_8 : memref<4096x2048xf32, #tpu.memory_space<hbm>>) target(%arg8 : memref<16x2048xf32, #tpu.memory_space<vmem>>) offsets(%dma_start3A_5 : memref<16xi32, #tpu.memory_space<vmem>>) semaphore(%arg11 : memref<!tpu.dma_semaphore, #tpu.memory_space<semaphore_mem>>)
    %scan3A = arith.constant 0 : i32
    %scan3A_9 = arith.constant 0 : i32
    %scan3A_10 = arith.constant 32 : i32
    %scan3A_11 = arith.addi %scan3A_9, %scan3A_10 : i32
    %scan3A_12 = arith.constant 1 : i32
    scf.for %scan3A_14 = %scan3A_9 to %scan3A_11 step %scan3A_12  : i32 {
      %mul3A_15 = arith.constant 2 : i32
      %mul3A_16 = arith.muli %mul3A_15, %scan3A_14 : i32
      %add3A_17 = arith.constant 1 : i32
      %add3A_18 = arith.addi %mul3A_16, %add3A_17 : i32
      %dma_start3A_19 = arith.constant 0 : i32
      %dma_start3A_20 = tpu.memref_slice %arg6[%add3A_18, %dma_start3A_19] : memref<64x16xi32, #tpu.memory_space<vmem>> -> memref<1x16xi32, #tpu.memory_space<vmem>>
      %dma_start3A_21 = tpu.memref_squeeze %dma_start3A_20 : memref<1x16xi32, #tpu.memory_space<vmem>> -> memref<16xi32, #tpu.memory_space<vmem>>
      %dma_start3A_22 = arith.constant 0 : i32
      %dma_start3A_23 = arith.constant 0 : i32
      %dma_start3A_24 = tpu.memref_slice %arg4[%dma_start3A_22, %dma_start3A_23] : memref<4096x2048xf32, #tpu.memory_space<hbm>> -> memref<4096x2048xf32, #tpu.memory_space<hbm>>
      tpu.enqueue_indirect_dma source(%dma_start3A_24 : memref<4096x2048xf32, #tpu.memory_space<hbm>>) target(%arg9 : memref<16x2048xf32, #tpu.memory_space<vmem>>) offsets(%dma_start3A_21 : memref<16xi32, #tpu.memory_space<vmem>>) semaphore(%arg12 : memref<!tpu.dma_semaphore, #tpu.memory_space<semaphore_mem>>)
      %dma_wait3A = arith.constant 0 : i32
      %dma_wait3A_25 = tpu.memref_slice %arg6[%mul3A_16, %dma_wait3A] : memref<64x16xi32, #tpu.memory_space<vmem>> -> memref<1x16xi32, #tpu.memory_space<vmem>>
      %dma_wait3A_26 = tpu.memref_squeeze %dma_wait3A_25 : memref<1x16xi32, #tpu.memory_space<vmem>> -> memref<16xi32, #tpu.memory_space<vmem>>
      %dma_wait3A_27 = arith.constant 0 : i32
      %dma_wait3A_28 = arith.constant 0 : i32
      %dma_wait3A_29 = tpu.memref_slice %arg4[%dma_wait3A_27, %dma_wait3A_28] : memref<4096x2048xf32, #tpu.memory_space<hbm>> -> memref<4096x2048xf32, #tpu.memory_space<hbm>>
      tpu.wait_indirect_dma semaphore(%arg11 : memref<!tpu.dma_semaphore, #tpu.memory_space<semaphore_mem>>) src(%dma_wait3A_29 : memref<4096x2048xf32, #tpu.memory_space<hbm>>) dst(%arg8 : memref<16x2048xf32, #tpu.memory_space<vmem>>)
      %scan3A_30 = arith.constant 0 : i32
      %scan3A_31 = arith.constant 0 : i32
      %scan3A_32 = arith.constant 16 : i32
      %scan3A_33 = arith.addi %scan3A_31, %scan3A_32 : i32
      %scan3A_34 = arith.constant 1 : i32
      scf.for %scan3A_56 = %scan3A_31 to %scan3A_33 step %scan3A_34  : i32 {
        %get3A = arith.index_cast %mul3A_16 : i32 to index
        %get3A_57 = arith.constant 0 : index
        %get3A_58 = tpu.vector_load %arg7[%get3A, %get3A_57] {strides = array<i32>} : memref<64x128xf32, #tpu.memory_space<vmem>>, vector<1x16xf32>,
        %get3A_59 = vector.shape_cast %get3A_58 : vector<1x16xf32> to vector<16xf32>
        %get3A_60 = arith.index_cast %scan3A_56 : i32 to index
        %get3A_61 = arith.constant 0 : index
        %get3A_62 = tpu.vector_load %arg8[%get3A_60, %get3A_61] {strides = array<i32>} : memref<16x2048xf32, #tpu.memory_space<vmem>>, vector<1x16xf32>,
        %get3A_63 = vector.shape_cast %get3A_62 : vector<1x16xf32> to vector<16xf32>
        %slice3A = vector.extract_strided_slice %get3A_59 {offsets = [0], sizes = [1], strides = [1]} : vector<16xf32> to vector<1xf32>
        %squeeze3A = vector.extract %slice3A[0] : f32 from vector<1xf32>
        %mul3A_64 = vector.broadcast %squeeze3A : f32 to vector<16xf32>
        %mul3A_65 = arith.mulf %get3A_63, %mul3A_64 : vector<16xf32>
        %get3A_66 = arith.index_cast %scan3A_56 : i32 to index
        %get3A_67 = arith.constant 16 : index
        %get3A_68 = tpu.vector_load %arg8[%get3A_66, %get3A_67] {strides = array<i32>} : memref<16x2048xf32, #tpu.memory_space<vmem>>, vector<1x16xf32>,
        %get3A_69 = vector.shape_cast %get3A_68 : vector<1x16xf32> to vector<16xf32>
        %slice3A_70 = vector.extract_strided_slice %get3A_59 {offsets = [1], sizes = [1], strides = [1]} : vector<16xf32> to vector<1xf32>
        %squeeze3A_71 = vector.extract %slice3A_70[0] : f32 from vector<1xf32>
        %mul3A_72 = vector.broadcast %squeeze3A_71 : f32 to vector<16xf32>
        %mul3A_73 = arith.mulf %get3A_69, %mul3A_72 : vector<16xf32>
        %get3A_74 = arith.index_cast %scan3A_56 : i32 to index
        %get3A_75 = arith.constant 32 : index
        %get3A_76 = tpu.vector_load %arg8[%get3A_74, %get3A_75] {strides = array<i32>} : memref<16x2048xf32, #tpu.memory_space<vmem>>, vector<1x16xf32>,
        %get3A_77 = vector.shape_cast %get3A_76 : vector<1x16xf32> to vector<16xf32>
        %slice3A_78 = vector.extract_strided_slice %get3A_59 {offsets = [2], sizes = [1], strides = [1]} : vector<16xf32> to vector<1xf32>
        %squeeze3A_79 = vector.extract %slice3A_78[0] : f32 from vector<1xf32>
        %mul3A_80 = vector.broadcast %squeeze3A_79 : f32 to vector<16xf32>
        %mul3A_81 = arith.mulf %get3A_77, %mul3A_80 : vector<16xf32>
        %get3A_82 = arith.index_cast %scan3A_56 : i32 to index
        %get3A_83 = arith.constant 48 : index
        %get3A_84 = tpu.vector_load %arg8[%get3A_82, %get3A_83] {strides = array<i32>} : memref<16x2048xf32, #tpu.memory_space<vmem>>, vector<1x16xf32>,
        %get3A_85 = vector.shape_cast %get3A_84 : vector<1x16xf32> to vector<16xf32>
        %slice3A_86 = vector.extract_strided_slice %get3A_59 {offsets = [3], sizes = [1], strides = [1]} : vector<16xf32> to vector<1xf32>
        %squeeze3A_87 = vector.extract %slice3A_86[0] : f32 from vector<1xf32>
        %mul3A_88 = vector.broadcast %squeeze3A_87 : f32 to vector<16xf32>
        %mul3A_89 = arith.mulf %get3A_85, %mul3A_88 : vector<16xf32>
        %get3A_90 = arith.index_cast %scan3A_56 : i32 to index
        %get3A_91 = arith.constant 64 : index
        %get3A_92 = tpu.vector_load %arg8[%get3A_90, %get3A_91] {strides = array<i32>} : memref<16x2048xf32, #tpu.memory_space<vmem>>, vector<1x16xf32>,
        %get3A_93 = vector.shape_cast %get3A_92 : vector<1x16xf32> to vector<16xf32>
        %slice3A_94 = vector.extract_strided_slice %get3A_59 {offsets = [4], sizes = [1], strides = [1]} : vector<16xf32> to vector<1xf32>
        %squeeze3A_95 = vector.extract %slice3A_94[0] : f32 from vector<1xf32>
        %mul3A_96 = vector.broadcast %squeeze3A_95 : f32 to vector<16xf32>
        %mul3A_97 = arith.mulf %get3A_93, %mul3A_96 : vector<16xf32>
        %get3A_98 = arith.index_cast %scan3A_56 : i32 to index
        %get3A_99 = arith.constant 80 : index
        %get3A_100 = tpu.vector_load %arg8[%get3A_98, %get3A_99] {strides = array<i32>} : memref<16x2048xf32, #tpu.memory_space<vmem>>, vector<1x16xf32>,
        %get3A_101 = vector.shape_cast %get3A_100 : vector<1x16xf32> to vector<16xf32>
        %slice3A_102 = vector.extract_strided_slice %get3A_59 {offsets = [5], sizes = [1], strides = [1]} : vector<16xf32> to vector<1xf32>
        %squeeze3A_103 = vector.extract %slice3A_102[0] : f32 from vector<1xf32>
        %mul3A_104 = vector.broadcast %squeeze3A_103 : f32 to vector<16xf32>
        %mul3A_105 = arith.mulf %get3A_101, %mul3A_104 : vector<16xf32>
        %get3A_106 = arith.index_cast %scan3A_56 : i32 to index
        %get3A_107 = arith.constant 96 : index
        %get3A_108 = tpu.vector_load %arg8[%get3A_106, %get3A_107] {strides = array<i32>} : memref<16x2048xf32, #tpu.memory_space<vmem>>, vector<1x16xf32>,
        %get3A_109 = vector.shape_cast %get3A_108 : vector<1x16xf32> to vector<16xf32>
        %slice3A_110 = vector.extract_strided_slice %get3A_59 {offsets = [6], sizes = [1], strides = [1]} : vector<16xf32> to vector<1xf32>
        %squeeze3A_111 = vector.extract %slice3A_110[0] : f32 from vector<1xf32>
        %mul3A_112 = vector.broadcast %squeeze3A_111 : f32 to vector<16xf32>
        %mul3A_113 = arith.mulf %get3A_109, %mul3A_112 : vector<16xf32>
        %get3A_114 = arith.index_cast %scan3A_56 : i32 to index
        %get3A_115 = arith.constant 112 : index
        %get3A_116 = tpu.vector_load %arg8[%get3A_114, %get3A_115] {strides = array<i32>} : memref<16x2048xf32, #tpu.memory_space<vmem>>, vector<1x16xf32>,
        %get3A_117 = vector.shape_cast %get3A_116 : vector<1x16xf32> to vector<16xf32>
        %slice3A_118 = vector.extract_strided_slice %get3A_59 {offsets = [7], sizes = [1], strides = [1]} : vector<16xf32> to vector<1xf32>
        %squeeze3A_119 = vector.extract %slice3A_118[0] : f32 from vector<1xf32>
        %mul3A_120 = vector.broadcast %squeeze3A_119 : f32 to vector<16xf32>
        %mul3A_121 = arith.mulf %get3A_117, %mul3A_120 : vector<16xf32>
        %add3A_122 = arith.addf %mul3A_65, %mul3A_73 : vector<16xf32>
        %add3A_123 = arith.addf %mul3A_81, %mul3A_89 : vector<16xf32>
        %add3A_124 = arith.addf %add3A_122, %add3A_123 : vector<16xf32>
        %add3A_125 = arith.addf %mul3A_97, %mul3A_105 : vector<16xf32>
        %add3A_126 = arith.addf %mul3A_113, %mul3A_121 : vector<16xf32>
        %add3A_127 = arith.addf %add3A_125, %add3A_126 : vector<16xf32>
        %add3A_128 = arith.addf %add3A_124, %add3A_127 : vector<16xf32>
        %get3A_129 = arith.index_cast %scan3A_56 : i32 to index
        %get3A_130 = arith.constant 128 : index
        %get3A_131 = tpu.vector_load %arg8[%get3A_129, %get3A_130] {strides = array<i32>} : memref<16x2048xf32, #tpu.memory_space<vmem>>, vector<1x16xf32>,
        %get3A_132 = vector.shape_cast %get3A_131 : vector<1x16xf32> to vector<16xf32>
        %slice3A_133 = vector.extract_strided_slice %get3A_59 {offsets = [8], sizes = [1], strides = [1]} : vector<16xf32> to vector<1xf32>
        %squeeze3A_134 = vector.extract %slice3A_133[0] : f32 from vector<1xf32>
        %mul3A_135 = vector.broadcast %squeeze3A_134 : f32 to vector<16xf32>
        %mul3A_136 = arith.mulf %get3A_132, %mul3A_135 : vector<16xf32>
        %get3A_137 = arith.index_cast %scan3A_56 : i32 to index
        %get3A_138 = arith.constant 144 : index
        %get3A_139 = tpu.vector_load %arg8[%get3A_137, %get3A_138] {strides = array<i32>} : memref<16x2048xf32, #tpu.memory_space<vmem>>, vector<1x16xf32>,
        %get3A_140 = vector.shape_cast %get3A_139 : vector<1x16xf32> to vector<16xf32>
        %slice3A_141 = vector.extract_strided_slice %get3A_59 {offsets = [9], sizes = [1], strides = [1]} : vector<16xf32> to vector<1xf32>
        %squeeze3A_142 = vector.extract %slice3A_141[0] : f32 from vector<1xf32>
        %mul3A_143 = vector.broadcast %squeeze3A_142 : f32 to vector<16xf32>
        %mul3A_144 = arith.mulf %get3A_140, %mul3A_143 : vector<16xf32>
        %get3A_145 = arith.index_cast %scan3A_56 : i32 to index
        %get3A_146 = arith.constant 160 : index
        %get3A_147 = tpu.vector_load %arg8[%get3A_145, %get3A_146] {strides = array<i32>} : memref<16x2048xf32, #tpu.memory_space<vmem>>, vector<1x16xf32>,
        %get3A_148 = vector.shape_cast %get3A_147 : vector<1x16xf32> to vector<16xf32>
        %slice3A_149 = vector.extract_strided_slice %get3A_59 {offsets = [10], sizes = [1], strides = [1]} : vector<16xf32> to vector<1xf32>
        %squeeze3A_150 = vector.extract %slice3A_149[0] : f32 from vector<1xf32>
        %mul3A_151 = vector.broadcast %squeeze3A_150 : f32 to vector<16xf32>
        %mul3A_152 = arith.mulf %get3A_148, %mul3A_151 : vector<16xf32>
        %get3A_153 = arith.index_cast %scan3A_56 : i32 to index
        %get3A_154 = arith.constant 176 : index
        %get3A_155 = tpu.vector_load %arg8[%get3A_153, %get3A_154] {strides = array<i32>} : memref<16x2048xf32, #tpu.memory_space<vmem>>, vector<1x16xf32>,
        %get3A_156 = vector.shape_cast %get3A_155 : vector<1x16xf32> to vector<16xf32>
        %slice3A_157 = vector.extract_strided_slice %get3A_59 {offsets = [11], sizes = [1], strides = [1]} : vector<16xf32> to vector<1xf32>
        %squeeze3A_158 = vector.extract %slice3A_157[0] : f32 from vector<1xf32>
        %mul3A_159 = vector.broadcast %squeeze3A_158 : f32 to vector<16xf32>
        %mul3A_160 = arith.mulf %get3A_156, %mul3A_159 : vector<16xf32>
        %get3A_161 = arith.index_cast %scan3A_56 : i32 to index
        %get3A_162 = arith.constant 192 : index
        %get3A_163 = tpu.vector_load %arg8[%get3A_161, %get3A_162] {strides = array<i32>} : memref<16x2048xf32, #tpu.memory_space<vmem>>, vector<1x16xf32>,
        %get3A_164 = vector.shape_cast %get3A_163 : vector<1x16xf32> to vector<16xf32>
        %slice3A_165 = vector.extract_strided_slice %get3A_59 {offsets = [12], sizes = [1], strides = [1]} : vector<16xf32> to vector<1xf32>
        %squeeze3A_166 = vector.extract %slice3A_165[0] : f32 from vector<1xf32>
        %mul3A_167 = vector.broadcast %squeeze3A_166 : f32 to vector<16xf32>
        %mul3A_168 = arith.mulf %get3A_164, %mul3A_167 : vector<16xf32>
        %get3A_169 = arith.index_cast %scan3A_56 : i32 to index
        %get3A_170 = arith.constant 208 : index
        %get3A_171 = tpu.vector_load %arg8[%get3A_169, %get3A_170] {strides = array<i32>} : memref<16x2048xf32, #tpu.memory_space<vmem>>, vector<1x16xf32>,
        %get3A_172 = vector.shape_cast %get3A_171 : vector<1x16xf32> to vector<16xf32>
        %slice3A_173 = vector.extract_strided_slice %get3A_59 {offsets = [13], sizes = [1], strides = [1]} : vector<16xf32> to vector<1xf32>
        %squeeze3A_174 = vector.extract %slice3A_173[0] : f32 from vector<1xf32>
        %mul3A_175 = vector.broadcast %squeeze3A_174 : f32 to vector<16xf32>
        %mul3A_176 = arith.mulf %get3A_172, %mul3A_175 : vector<16xf32>
        %get3A_177 = arith.index_cast %scan3A_56 : i32 to index
        %get3A_178 = arith.constant 224 : index
        %get3A_179 = tpu.vector_load %arg8[%get3A_177, %get3A_178] {strides = array<i32>} : memref<16x2048xf32, #tpu.memory_space<vmem>>, vector<1x16xf32>,
        %get3A_180 = vector.shape_cast %get3A_179 : vector<1x16xf32> to vector<16xf32>
        %slice3A_181 = vector.extract_strided_slice %get3A_59 {offsets = [14], sizes = [1], strides = [1]} : vector<16xf32> to vector<1xf32>
        %squeeze3A_182 = vector.extract %slice3A_181[0] : f32 from vector<1xf32>
        %mul3A_183 = vector.broadcast %squeeze3A_182 : f32 to vector<16xf32>
        %mul3A_184 = arith.mulf %get3A_180, %mul3A_183 : vector<16xf32>
        %get3A_185 = arith.index_cast %scan3A_56 : i32 to index
        %get3A_186 = arith.constant 240 : index
        %get3A_187 = tpu.vector_load %arg8[%get3A_185, %get3A_186] {strides = array<i32>} : memref<16x2048xf32, #tpu.memory_space<vmem>>, vector<1x16xf32>,
        %get3A_188 = vector.shape_cast %get3A_187 : vector<1x16xf32> to vector<16xf32>
        %slice3A_189 = vector.extract_strided_slice %get3A_59 {offsets = [15], sizes = [1], strides = [1]} : vector<16xf32> to vector<1xf32>
        %squeeze3A_190 = vector.extract %slice3A_189[0] : f32 from vector<1xf32>
        %mul3A_191 = vector.broadcast %squeeze3A_190 : f32 to vector<16xf32>
        %mul3A_192 = arith.mulf %get3A_188, %mul3A_191 : vector<16xf32>
        %add3A_193 = arith.addf %mul3A_136, %mul3A_144 : vector<16xf32>
        %add3A_194 = arith.addf %mul3A_152, %mul3A_160 : vector<16xf32>
        %add3A_195 = arith.addf %add3A_193, %add3A_194 : vector<16xf32>
        %add3A_196 = arith.addf %mul3A_168, %mul3A_176 : vector<16xf32>
        %add3A_197 = arith.addf %mul3A_184, %mul3A_192 : vector<16xf32>
        %add3A_198 = arith.addf %add3A_196, %add3A_197 : vector<16xf32>
        %add3A_199 = arith.addf %add3A_195, %add3A_198 : vector<16xf32>
        %add3A_200 = arith.addf %add3A_128, %add3A_199 : vector<16xf32>
        %get3A_201 = arith.index_cast %mul3A_16 : i32 to index
        %get3A_202 = arith.constant 16 : index
        %get3A_203 = tpu.vector_load %arg7[%get3A_201, %get3A_202] {strides = array<i32>} : memref<64x128xf32, #tpu.memory_space<vmem>>, vector<1x16xf32>,
        %get3A_204 = vector.shape_cast %get3A_203 : vector<1x16xf32> to vector<16xf32>
        %get3A_205 = arith.index_cast %scan3A_56 : i32 to index
        %get3A_206 = arith.constant 256 : index
        %get3A_207 = tpu.vector_load %arg8[%get3A_205, %get3A_206] {strides = array<i32>} : memref<16x2048xf32, #tpu.memory_space<vmem>>, vector<1x16xf32>,
        %get3A_208 = vector.shape_cast %get3A_207 : vector<1x16xf32> to vector<16xf32>
        %slice3A_209 = vector.extract_strided_slice %get3A_204 {offsets = [0], sizes = [1], strides = [1]} : vector<16xf32> to vector<1xf32>
        %squeeze3A_210 = vector.extract %slice3A_209[0] : f32 from vector<1xf32>
        %mul3A_211 = vector.broadcast %squeeze3A_210 : f32 to vector<16xf32>
        %mul3A_212 = arith.mulf %get3A_208, %mul3A_211 : vector<16xf32>
        %get3A_213 = arith.index_cast %scan3A_56 : i32 to index
        %get3A_214 = arith.constant 272 : index
        %get3A_215 = tpu.vector_load %arg8[%get3A_213, %get3A_214] {strides = array<i32>} : memref<16x2048xf32, #tpu.memory_space<vmem>>, vector<1x16xf32>,
        %get3A_216 = vector.shape_cast %get3A_215 : vector<1x16xf32> to vector<16xf32>
        %slice3A_217 = vector.extract_strided_slice %get3A_204 {offsets = [1], sizes = [1], strides = [1]} : vector<16xf32> to vector<1xf32>
        %squeeze3A_218 = vector.extract %slice3A_217[0] : f32 from vector<1xf32>
        %mul3A_219 = vector.broadcast %squeeze3A_218 : f32 to vector<16xf32>
        %mul3A_220 = arith.mulf %get3A_216, %mul3A_219 : vector<16xf32>
        %get3A_221 = arith.index_cast %scan3A_56 : i32 to index
        %get3A_222 = arith.constant 288 : index
        %get3A_223 = tpu.vector_load %arg8[%get3A_221, %get3A_222] {strides = array<i32>} : memref<16x2048xf32, #tpu.memory_space<vmem>>, vector<1x16xf32>,
        %get3A_224 = vector.shape_cast %get3A_223 : vector<1x16xf32> to vector<16xf32>
        %slice3A_225 = vector.extract_strided_slice %get3A_204 {offsets = [2], sizes = [1], strides = [1]} : vector<16xf32> to vector<1xf32>
        %squeeze3A_226 = vector.extract %slice3A_225[0] : f32 from vector<1xf32>
        %mul3A_227 = vector.broadcast %squeeze3A_226 : f32 to vector<16xf32>
        %mul3A_228 = arith.mulf %get3A_224, %mul3A_227 : vector<16xf32>
        %get3A_229 = arith.index_cast %scan3A_56 : i32 to index
        %get3A_230 = arith.constant 304 : index
        %get3A_231 = tpu.vector_load %arg8[%get3A_229, %get3A_230] {strides = array<i32>} : memref<16x2048xf32, #tpu.memory_space<vmem>>, vector<1x16xf32>,
        %get3A_232 = vector.shape_cast %get3A_231 : vector<1x16xf32> to vector<16xf32>
        %slice3A_233 = vector.extract_strided_slice %get3A_204 {offsets = [3], sizes = [1], strides = [1]} : vector<16xf32> to vector<1xf32>
        %squeeze3A_234 = vector.extract %slice3A_233[0] : f32 from vector<1xf32>
        %mul3A_235 = vector.broadcast %squeeze3A_234 : f32 to vector<16xf32>
        %mul3A_236 = arith.mulf %get3A_232, %mul3A_235 : vector<16xf32>
        %get3A_237 = arith.index_cast %scan3A_56 : i32 to index
        %get3A_238 = arith.constant 320 : index
        %get3A_239 = tpu.vector_load %arg8[%get3A_237, %get3A_238] {strides = array<i32>} : memref<16x2048xf32, #tpu.memory_space<vmem>>, vector<1x16xf32>,
        %get3A_240 = vector.shape_cast %get3A_239 : vector<1x16xf32> to vector<16xf32>
        %slice3A_241 = vector.extract_strided_slice %get3A_204 {offsets = [4], sizes = [1], strides = [1]} : vector<16xf32> to vector<1xf32>
        %squeeze3A_242 = vector.extract %slice3A_241[0] : f32 from vector<1xf32>
        %mul3A_243 = vector.broadcast %squeeze3A_242 : f32 to vector<16xf32>
        %mul3A_244 = arith.mulf %get3A_240, %mul3A_243 : vector<16xf32>
        %get3A_245 = arith.index_cast %scan3A_56 : i32 to index
        %get3A_246 = arith.constant 336 : index
        %get3A_247 = tpu.vector_load %arg8[%get3A_245, %get3A_246] {strides = array<i32>} : memref<16x2048xf32, #tpu.memory_space<vmem>>, vector<1x16xf32>,
        %get3A_248 = vector.shape_cast %get3A_247 : vector<1x16xf32> to vector<16xf32>
        %slice3A_249 = vector.extract_strided_slice %get3A_204 {offsets = [5], sizes = [1], strides = [1]} : vector<16xf32> to vector<1xf32>
        %squeeze3A_250 = vector.extract %slice3A_249[0] : f32 from vector<1xf32>
        %mul3A_251 = vector.broadcast %squeeze3A_250 : f32 to vector<16xf32>
        %mul3A_252 = arith.mulf %get3A_248, %mul3A_251 : vector<16xf32>
        %get3A_253 = arith.index_cast %scan3A_56 : i32 to index
        %get3A_254 = arith.constant 352 : index
        %get3A_255 = tpu.vector_load %arg8[%get3A_253, %get3A_254] {strides = array<i32>} : memref<16x2048xf32, #tpu.memory_space<vmem>>, vector<1x16xf32>,
        %get3A_256 = vector.shape_cast %get3A_255 : vector<1x16xf32> to vector<16xf32>
        %slice3A_257 = vector.extract_strided_slice %get3A_204 {offsets = [6], sizes = [1], strides = [1]} : vector<16xf32> to vector<1xf32>
        %squeeze3A_258 = vector.extract %slice3A_257[0] : f32 from vector<1xf32>
        %mul3A_259 = vector.broadcast %squeeze3A_258 : f32 to vector<16xf32>
        %mul3A_260 = arith.mulf %get3A_256, %mul3A_259 : vector<16xf32>
        %get3A_261 = arith.index_cast %scan3A_56 : i32 to index
        %get3A_262 = arith.constant 368 : index
        %get3A_263 = tpu.vector_load %arg8[%get3A_261, %get3A_262] {strides = array<i32>} : memref<16x2048xf32, #tpu.memory_space<vmem>>, vector<1x16xf32>,
        %get3A_264 = vector.shape_cast %get3A_263 : vector<1x16xf32> to vector<16xf32>
        %slice3A_265 = vector.extract_strided_slice %get3A_204 {offsets = [7], sizes = [1], strides = [1]} : vector<16xf32> to vector<1xf32>
        %squeeze3A_266 = vector.extract %slice3A_265[0] : f32 from vector<1xf32>
        %mul3A_267 = vector.broadcast %squeeze3A_266 : f32 to vector<16xf32>
        %mul3A_268 = arith.mulf %get3A_264, %mul3A_267 : vector<16xf32>
        %add3A_269 = arith.addf %mul3A_212, %mul3A_220 : vector<16xf32>
        %add3A_270 = arith.addf %mul3A_228, %mul3A_236 : vector<16xf32>
        %add3A_271 = arith.addf %add3A_269, %add3A_270 : vector<16xf32>
        %add3A_272 = arith.addf %mul3A_244, %mul3A_252 : vector<16xf32>
        %add3A_273 = arith.addf %mul3A_260, %mul3A_268 : vector<16xf32>
        %add3A_274 = arith.addf %add3A_272, %add3A_273 : vector<16xf32>
        %add3A_275 = arith.addf %add3A_271, %add3A_274 : vector<16xf32>
        %add3A_276 = arith.addf %add3A_200, %add3A_275 : vector<16xf32>
        %get3A_277 = arith.index_cast %scan3A_56 : i32 to index
        %get3A_278 = arith.constant 384 : index
        %get3A_279 = tpu.vector_load %arg8[%get3A_277, %get3A_278] {strides = array<i32>} : memref<16x2048xf32, #tpu.memory_space<vmem>>, vector<1x16xf32>,
        %get3A_280 = vector.shape_cast %get3A_279 : vector<1x16xf32> to vector<16xf32>
        %slice3A_281 = vector.extract_strided_slice %get3A_204 {offsets = [8], sizes = [1], strides = [1]} : vector<16xf32> to vector<1xf32>
        %squeeze3A_282 = vector.extract %slice3A_281[0] : f32 from vector<1xf32>
        %mul3A_283 = vector.broadcast %squeeze3A_282 : f32 to vector<16xf32>
        %mul3A_284 = arith.mulf %get3A_280, %mul3A_283 : vector<16xf32>
        %get3A_285 = arith.index_cast %scan3A_56 : i32 to index
        %get3A_286 = arith.constant 400 : index
        %get3A_287 = tpu.vector_load %arg8[%get3A_285, %get3A_286] {strides = array<i32>} : memref<16x2048xf32, #tpu.memory_space<vmem>>, vector<1x16xf32>,
        %get3A_288 = vector.shape_cast %get3A_287 : vector<1x16xf32> to vector<16xf32>
        %slice3A_289 = vector.extract_strided_slice %get3A_204 {offsets = [9], sizes = [1], strides = [1]} : vector<16xf32> to vector<1xf32>
        %squeeze3A_290 = vector.extract %slice3A_289[0] : f32 from vector<1xf32>
        %mul3A_291 = vector.broadcast %squeeze3A_290 : f32 to vector<16xf32>
        %mul3A_292 = arith.mulf %get3A_288, %mul3A_291 : vector<16xf32>
        %get3A_293 = arith.index_cast %scan3A_56 : i32 to index
        %get3A_294 = arith.constant 416 : index
        %get3A_295 = tpu.vector_load %arg8[%get3A_293, %get3A_294] {strides = array<i32>} : memref<16x2048xf32, #tpu.memory_space<vmem>>, vector<1x16xf32>,
        %get3A_296 = vector.shape_cast %get3A_295 : vector<1x16xf32> to vector<16xf32>
        %slice3A_297 = vector.extract_strided_slice %get3A_204 {offsets = [10], sizes = [1], strides = [1]} : vector<16xf32> to vector<1xf32>
        %squeeze3A_298 = vector.extract %slice3A_297[0] : f32 from vector<1xf32>
        %mul3A_299 = vector.broadcast %squeeze3A_298 : f32 to vector<16xf32>
        %mul3A_300 = arith.mulf %get3A_296, %mul3A_299 : vector<16xf32>
        %get3A_301 = arith.index_cast %scan3A_56 : i32 to index
        %get3A_302 = arith.constant 432 : index
        %get3A_303 = tpu.vector_load %arg8[%get3A_301, %get3A_302] {strides = array<i32>} : memref<16x2048xf32, #tpu.memory_space<vmem>>, vector<1x16xf32>,
        %get3A_304 = vector.shape_cast %get3A_303 : vector<1x16xf32> to vector<16xf32>
        %slice3A_305 = vector.extract_strided_slice %get3A_204 {offsets = [11], sizes = [1], strides = [1]} : vector<16xf32> to vector<1xf32>
        %squeeze3A_306 = vector.extract %slice3A_305[0] : f32 from vector<1xf32>
        %mul3A_307 = vector.broadcast %squeeze3A_306 : f32 to vector<16xf32>
        %mul3A_308 = arith.mulf %get3A_304, %mul3A_307 : vector<16xf32>
        %get3A_309 = arith.index_cast %scan3A_56 : i32 to index
        %get3A_310 = arith.constant 448 : index
        %get3A_311 = tpu.vector_load %arg8[%get3A_309, %get3A_310] {strides = array<i32>} : memref<16x2048xf32, #tpu.memory_space<vmem>>, vector<1x16xf32>,
        %get3A_312 = vector.shape_cast %get3A_311 : vector<1x16xf32> to vector<16xf32>
        %slice3A_313 = vector.extract_strided_slice %get3A_204 {offsets = [12], sizes = [1], strides = [1]} : vector<16xf32> to vector<1xf32>
        %squeeze3A_314 = vector.extract %slice3A_313[0] : f32 from vector<1xf32>
        %mul3A_315 = vector.broadcast %squeeze3A_314 : f32 to vector<16xf32>
        %mul3A_316 = arith.mulf %get3A_312, %mul3A_315 : vector<16xf32>
        %get3A_317 = arith.index_cast %scan3A_56 : i32 to index
        %get3A_318 = arith.constant 464 : index
        %get3A_319 = tpu.vector_load %arg8[%get3A_317, %get3A_318] {strides = array<i32>} : memref<16x2048xf32, #tpu.memory_space<vmem>>, vector<1x16xf32>,
        %get3A_320 = vector.shape_cast %get3A_319 : vector<1x16xf32> to vector<16xf32>
        %slice3A_321 = vector.extract_strided_slice %get3A_204 {offsets = [13], sizes = [1], strides = [1]} : vector<16xf32> to vector<1xf32>
        %squeeze3A_322 = vector.extract %slice3A_321[0] : f32 from vector<1xf32>
        %mul3A_323 = vector.broadcast %squeeze3A_322 : f32 to vector<16xf32>
        %mul3A_324 = arith.mulf %get3A_320, %mul3A_323 : vector<16xf32>
        %get3A_325 = arith.index_cast %scan3A_56 : i32 to index
        %get3A_326 = arith.constant 480 : index
        %get3A_327 = tpu.vector_load %arg8[%get3A_325, %get3A_326] {strides = array<i32>} : memref<16x2048xf32, #tpu.memory_space<vmem>>, vector<1x16xf32>,
        %get3A_328 = vector.shape_cast %get3A_327 : vector<1x16xf32> to vector<16xf32>
        %slice3A_329 = vector.extract_strided_slice %get3A_204 {offsets = [14], sizes = [1], strides = [1]} : vector<16xf32> to vector<1xf32>
        %squeeze3A_330 = vector.extract %slice3A_329[0] : f32 from vector<1xf32>
        %mul3A_331 = vector.broadcast %squeeze3A_330 : f32 to vector<16xf32>
        %mul3A_332 = arith.mulf %get3A_328, %mul3A_331 : vector<16xf32>
        %get3A_333 = arith.index_cast %scan3A_56 : i32 to index
        %get3A_334 = arith.constant 496 : index
        %get3A_335 = tpu.vector_load %arg8[%get3A_333, %get3A_334] {strides = array<i32>} : memref<16x2048xf32, #tpu.memory_space<vmem>>, vector<1x16xf32>,
        %get3A_336 = vector.shape_cast %get3A_335 : vector<1x16xf32> to vector<16xf32>
        %slice3A_337 = vector.extract_strided_slice %get3A_204 {offsets = [15], sizes = [1], strides = [1]} : vector<16xf32> to vector<1xf32>
        %squeeze3A_338 = vector.extract %slice3A_337[0] : f32 from vector<1xf32>
        %mul3A_339 = vector.broadcast %squeeze3A_338 : f32 to vector<16xf32>
        %mul3A_340 = arith.mulf %get3A_336, %mul3A_339 : vector<16xf32>
        %add3A_341 = arith.addf %mul3A_284, %mul3A_292 : vector<16xf32>
        %add3A_342 = arith.addf %mul3A_300, %mul3A_308 : vector<16xf32>
        %add3A_343 = arith.addf %add3A_341, %add3A_342 : vector<16xf32>
        %add3A_344 = arith.addf %mul3A_316, %mul3A_324 : vector<16xf32>
        %add3A_345 = arith.addf %mul3A_332, %mul3A_340 : vector<16xf32>
        %add3A_346 = arith.addf %add3A_344, %add3A_345 : vector<16xf32>
        %add3A_347 = arith.addf %add3A_343, %add3A_346 : vector<16xf32>
        %add3A_348 = arith.addf %add3A_276, %add3A_347 : vector<16xf32>
        %get3A_349 = arith.index_cast %mul3A_16 : i32 to index
        %get3A_350 = arith.constant 32 : index
        %get3A_351 = tpu.vector_load %arg7[%get3A_349, %get3A_350] {strides = array<i32>} : memref<64x128xf32, #tpu.memory_space<vmem>>, vector<1x16xf32>,
        %get3A_352 = vector.shape_cast %get3A_351 : vector<1x16xf32> to vector<16xf32>
        %get3A_353 = arith.index_cast %scan3A_56 : i32 to index
        %get3A_354 = arith.constant 512 : index
        %get3A_355 = tpu.vector_load %arg8[%get3A_353, %get3A_354] {strides = array<i32>} : memref<16x2048xf32, #tpu.memory_space<vmem>>, vector<1x16xf32>,
        %get3A_356 = vector.shape_cast %get3A_355 : vector<1x16xf32> to vector<16xf32>
        %slice3A_357 = vector.extract_strided_slice %get3A_352 {offsets = [0], sizes = [1], strides = [1]} : vector<16xf32> to vector<1xf32>
        %squeeze3A_358 = vector.extract %slice3A_357[0] : f32 from vector<1xf32>
        %mul3A_359 = vector.broadcast %squeeze3A_358 : f32 to vector<16xf32>
        %mul3A_360 = arith.mulf %get3A_356, %mul3A_359 : vector<16xf32>
        %get3A_361 = arith.index_cast %scan3A_56 : i32 to index
        %get3A_362 = arith.constant 528 : index
        %get3A_363 = tpu.vector_load %arg8[%get3A_361, %get3A_362] {strides = array<i32>} : memref<16x2048xf32, #tpu.memory_space<vmem>>, vector<1x16xf32>,
        %get3A_364 = vector.shape_cast %get3A_363 : vector<1x16xf32> to vector<16xf32>
        %slice3A_365 = vector.extract_strided_slice %get3A_352 {offsets = [1], sizes = [1], strides = [1]} : vector<16xf32> to vector<1xf32>
        %squeeze3A_366 = vector.extract %slice3A_365[0] : f32 from vector<1xf32>
        %mul3A_367 = vector.broadcast %squeeze3A_366 : f32 to vector<16xf32>
        %mul3A_368 = arith.mulf %get3A_364, %mul3A_367 : vector<16xf32>
        %get3A_369 = arith.index_cast %scan3A_56 : i32 to index
        %get3A_370 = arith.constant 544 : index
        %get3A_371 = tpu.vector_load %arg8[%get3A_369, %get3A_370] {strides = array<i32>} : memref<16x2048xf32, #tpu.memory_space<vmem>>, vector<1x16xf32>,
        %get3A_372 = vector.shape_cast %get3A_371 : vector<1x16xf32> to vector<16xf32>
        %slice3A_373 = vector.extract_strided_slice %get3A_352 {offsets = [2], sizes = [1], strides = [1]} : vector<16xf32> to vector<1xf32>
        %squeeze3A_374 = vector.extract %slice3A_373[0] : f32 from vector<1xf32>
        %mul3A_375 = vector.broadcast %squeeze3A_374 : f32 to vector<16xf32>
        %mul3A_376 = arith.mulf %get3A_372, %mul3A_375 : vector<16xf32>
        %get3A_377 = arith.index_cast %scan3A_56 : i32 to index
        %get3A_378 = arith.constant 560 : index
        %get3A_379 = tpu.vector_load %arg8[%get3A_377, %get3A_378] {strides = array<i32>} : memref<16x2048xf32, #tpu.memory_space<vmem>>, vector<1x16xf32>,
        %get3A_380 = vector.shape_cast %get3A_379 : vector<1x16xf32> to vector<16xf32>
        %slice3A_381 = vector.extract_strided_slice %get3A_352 {offsets = [3], sizes = [1], strides = [1]} : vector<16xf32> to vector<1xf32>
        %squeeze3A_382 = vector.extract %slice3A_381[0] : f32 from vector<1xf32>
        %mul3A_383 = vector.broadcast %squeeze3A_382 : f32 to vector<16xf32>
        %mul3A_384 = arith.mulf %get3A_380, %mul3A_383 : vector<16xf32>
        %get3A_385 = arith.index_cast %scan3A_56 : i32 to index
        %get3A_386 = arith.constant 576 : index
        %get3A_387 = tpu.vector_load %arg8[%get3A_385, %get3A_386] {strides = array<i32>} : memref<16x2048xf32, #tpu.memory_space<vmem>>, vector<1x16xf32>,
        %get3A_388 = vector.shape_cast %get3A_387 : vector<1x16xf32> to vector<16xf32>
        %slice3A_389 = vector.extract_strided_slice %get3A_352 {offsets = [4], sizes = [1], strides = [1]} : vector<16xf32> to vector<1xf32>
        %squeeze3A_390 = vector.extract %slice3A_389[0] : f32 from vector<1xf32>
        %mul3A_391 = vector.broadcast %squeeze3A_390 : f32 to vector<16xf32>
        %mul3A_392 = arith.mulf %get3A_388, %mul3A_391 : vector<16xf32>
        %get3A_393 = arith.index_cast %scan3A_56 : i32 to index
        %get3A_394 = arith.constant 592 : index
        %get3A_395 = tpu.vector_load %arg8[%get3A_393, %get3A_394] {strides = array<i32>} : memref<16x2048xf32, #tpu.memory_space<vmem>>, vector<1x16xf32>,
        %get3A_396 = vector.shape_cast %get3A_395 : vector<1x16xf32> to vector<16xf32>
        %slice3A_397 = vector.extract_strided_slice %get3A_352 {offsets = [5], sizes = [1], strides = [1]} : vector<16xf32> to vector<1xf32>
        %squeeze3A_398 = vector.extract %slice3A_397[0] : f32 from vector<1xf32>
        %mul3A_399 = vector.broadcast %squeeze3A_398 : f32 to vector<16xf32>
        %mul3A_400 = arith.mulf %get3A_396, %mul3A_399 : vector<16xf32>
        %get3A_401 = arith.index_cast %scan3A_56 : i32 to index
        %get3A_402 = arith.constant 608 : index
        %get3A_403 = tpu.vector_load %arg8[%get3A_401, %get3A_402] {strides = array<i32>} : memref<16x2048xf32, #tpu.memory_space<vmem>>, vector<1x16xf32>,
        %get3A_404 = vector.shape_cast %get3A_403 : vector<1x16xf32> to vector<16xf32>
        %slice3A_405 = vector.extract_strided_slice %get3A_352 {offsets = [6], sizes = [1], strides = [1]} : vector<16xf32> to vector<1xf32>
        %squeeze3A_406 = vector.extract %slice3A_405[0] : f32 from vector<1xf32>
        %mul3A_407 = vector.broadcast %squeeze3A_406 : f32 to vector<16xf32>
        %mul3A_408 = arith.mulf %get3A_404, %mul3A_407 : vector<16xf32>
        %get3A_409 = arith.index_cast %scan3A_56 : i32 to index
        %get3A_410 = arith.constant 624 : index
        %get3A_411 = tpu.vector_load %arg8[%get3A_409, %get3A_410] {strides = array<i32>} : memref<16x2048xf32, #tpu.memory_space<vmem>>, vector<1x16xf32>,
        %get3A_412 = vector.shape_cast %get3A_411 : vector<1x16xf32> to vector<16xf32>
        %slice3A_413 = vector.extract_strided_slice %get3A_352 {offsets = [7], sizes = [1], strides = [1]} : vector<16xf32> to vector<1xf32>
        %squeeze3A_414 = vector.extract %slice3A_413[0] : f32 from vector<1xf32>
        %mul3A_415 = vector.broadcast %squeeze3A_414 : f32 to vector<16xf32>
        %mul3A_416 = arith.mulf %get3A_412, %mul3A_415 : vector<16xf32>
        %add3A_417 = arith.addf %mul3A_360, %mul3A_368 : vector<16xf32>
        %add3A_418 = arith.addf %mul3A_376, %mul3A_384 : vector<16xf32>
        %add3A_419 = arith.addf %add3A_417, %add3A_418 : vector<16xf32>
        %add3A_420 = arith.addf %mul3A_392, %mul3A_400 : vector<16xf32>
        %add3A_421 = arith.addf %mul3A_408, %mul3A_416 : vector<16xf32>
        %add3A_422 = arith.addf %add3A_420, %add3A_421 : vector<16xf32>
        %add3A_423 = arith.addf %add3A_419, %add3A_422 : vector<16xf32>
        %add3A_424 = arith.addf %add3A_348, %add3A_423 : vector<16xf32>
        %get3A_425 = arith.index_cast %scan3A_56 : i32 to index
        %get3A_426 = arith.constant 640 : index
        %get3A_427 = tpu.vector_load %arg8[%get3A_425, %get3A_426] {strides = array<i32>} : memref<16x2048xf32, #tpu.memory_space<vmem>>, vector<1x16xf32>,
        %get3A_428 = vector.shape_cast %get3A_427 : vector<1x16xf32> to vector<16xf32>
        %slice3A_429 = vector.extract_strided_slice %get3A_352 {offsets = [8], sizes = [1], strides = [1]} : vector<16xf32> to vector<1xf32>
        %squeeze3A_430 = vector.extract %slice3A_429[0] : f32 from vector<1xf32>
        %mul3A_431 = vector.broadcast %squeeze3A_430 : f32 to vector<16xf32>
        %mul3A_432 = arith.mulf %get3A_428, %mul3A_431 : vector<16xf32>
        %get3A_433 = arith.index_cast %scan3A_56 : i32 to index
        %get3A_434 = arith.constant 656 : index
        %get3A_435 = tpu.vector_load %arg8[%get3A_433, %get3A_434] {strides = array<i32>} : memref<16x2048xf32, #tpu.memory_space<vmem>>, vector<1x16xf32>,
        %get3A_436 = vector.shape_cast %get3A_435 : vector<1x16xf32> to vector<16xf32>
        %slice3A_437 = vector.extract_strided_slice %get3A_352 {offsets = [9], sizes = [1], strides = [1]} : vector<16xf32> to vector<1xf32>
        %squeeze3A_438 = vector.extract %slice3A_437[0] : f32 from vector<1xf32>
        %mul3A_439 = vector.broadcast %squeeze3A_438 : f32 to vector<16xf32>
        %mul3A_440 = arith.mulf %get3A_436, %mul3A_439 : vector<16xf32>
        %get3A_441 = arith.index_cast %scan3A_56 : i32 to index
        %get3A_442 = arith.constant 672 : index
        %get3A_443 = tpu.vector_load %arg8[%get3A_441, %get3A_442] {strides = array<i32>} : memref<16x2048xf32, #tpu.memory_space<vmem>>, vector<1x16xf32>,
        %get3A_444 = vector.shape_cast %get3A_443 : vector<1x16xf32> to vector<16xf32>
        %slice3A_445 = vector.extract_strided_slice %get3A_352 {offsets = [10], sizes = [1], strides = [1]} : vector<16xf32> to vector<1xf32>
        %squeeze3A_446 = vector.extract %slice3A_445[0] : f32 from vector<1xf32>
        %mul3A_447 = vector.broadcast %squeeze3A_446 : f32 to vector<16xf32>
        %mul3A_448 = arith.mulf %get3A_444, %mul3A_447 : vector<16xf32>
        %get3A_449 = arith.index_cast %scan3A_56 : i32 to index
        %get3A_450 = arith.constant 688 : index
        %get3A_451 = tpu.vector_load %arg8[%get3A_449, %get3A_450] {strides = array<i32>} : memref<16x2048xf32, #tpu.memory_space<vmem>>, vector<1x16xf32>,
        %get3A_452 = vector.shape_cast %get3A_451 : vector<1x16xf32> to vector<16xf32>
        %slice3A_453 = vector.extract_strided_slice %get3A_352 {offsets = [11], sizes = [1], strides = [1]} : vector<16xf32> to vector<1xf32>
        %squeeze3A_454 = vector.extract %slice3A_453[0] : f32 from vector<1xf32>
        %mul3A_455 = vector.broadcast %squeeze3A_454 : f32 to vector<16xf32>
        %mul3A_456 = arith.mulf %get3A_452, %mul3A_455 : vector<16xf32>
        %get3A_457 = arith.index_cast %scan3A_56 : i32 to index
        %get3A_458 = arith.constant 704 : index
        %get3A_459 = tpu.vector_load %arg8[%get3A_457, %get3A_458] {strides = array<i32>} : memref<16x2048xf32, #tpu.memory_space<vmem>>, vector<1x16xf32>,
        %get3A_460 = vector.shape_cast %get3A_459 : vector<1x16xf32> to vector<16xf32>
        %slice3A_461 = vector.extract_strided_slice %get3A_352 {offsets = [12], sizes = [1], strides = [1]} : vector<16xf32> to vector<1xf32>
        %squeeze3A_462 = vector.extract %slice3A_461[0] : f32 from vector<1xf32>
        %mul3A_463 = vector.broadcast %squeeze3A_462 : f32 to vector<16xf32>
        %mul3A_464 = arith.mulf %get3A_460, %mul3A_463 : vector<16xf32>
        %get3A_465 = arith.index_cast %scan3A_56 : i32 to index
        %get3A_466 = arith.constant 720 : index
        %get3A_467 = tpu.vector_load %arg8[%get3A_465, %get3A_466] {strides = array<i32>} : memref<16x2048xf32, #tpu.memory_space<vmem>>, vector<1x16xf32>,
        %get3A_468 = vector.shape_cast %get3A_467 : vector<1x16xf32> to vector<16xf32>
        %slice3A_469 = vector.extract_strided_slice %get3A_352 {offsets = [13], sizes = [1], strides = [1]} : vector<16xf32> to vector<1xf32>
        %squeeze3A_470 = vector.extract %slice3A_469[0] : f32 from vector<1xf32>
        %mul3A_471 = vector.broadcast %squeeze3A_470 : f32 to vector<16xf32>
        %mul3A_472 = arith.mulf %get3A_468, %mul3A_471 : vector<16xf32>
        %get3A_473 = arith.index_cast %scan3A_56 : i32 to index
        %get3A_474 = arith.constant 736 : index
        %get3A_475 = tpu.vector_load %arg8[%get3A_473, %get3A_474] {strides = array<i32>} : memref<16x2048xf32, #tpu.memory_space<vmem>>, vector<1x16xf32>,
        %get3A_476 = vector.shape_cast %get3A_475 : vector<1x16xf32> to vector<16xf32>
        %slice3A_477 = vector.extract_strided_slice %get3A_352 {offsets = [14], sizes = [1], strides = [1]} : vector<16xf32> to vector<1xf32>
        %squeeze3A_478 = vector.extract %slice3A_477[0] : f32 from vector<1xf32>
        %mul3A_479 = vector.broadcast %squeeze3A_478 : f32 to vector<16xf32>
        %mul3A_480 = arith.mulf %get3A_476, %mul3A_479 : vector<16xf32>
        %get3A_481 = arith.index_cast %scan3A_56 : i32 to index
        %get3A_482 = arith.constant 752 : index
        %get3A_483 = tpu.vector_load %arg8[%get3A_481, %get3A_482] {strides = array<i32>} : memref<16x2048xf32, #tpu.memory_space<vmem>>, vector<1x16xf32>,
        %get3A_484 = vector.shape_cast %get3A_483 : vector<1x16xf32> to vector<16xf32>
        %slice3A_485 = vector.extract_strided_slice %get3A_352 {offsets = [15], sizes = [1], strides = [1]} : vector<16xf32> to vector<1xf32>
        %squeeze3A_486 = vector.extract %slice3A_485[0] : f32 from vector<1xf32>
        %mul3A_487 = vector.broadcast %squeeze3A_486 : f32 to vector<16xf32>
        %mul3A_488 = arith.mulf %get3A_484, %mul3A_487 : vector<16xf32>
        %add3A_489 = arith.addf %mul3A_432, %mul3A_440 : vector<16xf32>
        %add3A_490 = arith.addf %mul3A_448, %mul3A_456 : vector<16xf32>
        %add3A_491 = arith.addf %add3A_489, %add3A_490 : vector<16xf32>
        %add3A_492 = arith.addf %mul3A_464, %mul3A_472 : vector<16xf32>
        %add3A_493 = arith.addf %mul3A_480, %mul3A_488 : vector<16xf32>
        %add3A_494 = arith.addf %add3A_492, %add3A_493 : vector<16xf32>
        %add3A_495 = arith.addf %add3A_491, %add3A_494 : vector<16xf32>
        %add3A_496 = arith.addf %add3A_424, %add3A_495 : vector<16xf32>
        %get3A_497 = arith.index_cast %mul3A_16 : i32 to index
        %get3A_498 = arith.constant 48 : index
        %get3A_499 = tpu.vector_load %arg7[%get3A_497, %get3A_498] {strides = array<i32>} : memref<64x128xf32, #tpu.memory_space<vmem>>, vector<1x16xf32>,
        %get3A_500 = vector.shape_cast %get3A_499 : vector<1x16xf32> to vector<16xf32>
        %get3A_501 = arith.index_cast %scan3A_56 : i32 to index
        %get3A_502 = arith.constant 768 : index
        %get3A_503 = tpu.vector_load %arg8[%get3A_501, %get3A_502] {strides = array<i32>} : memref<16x2048xf32, #tpu.memory_space<vmem>>, vector<1x16xf32>,
        %get3A_504 = vector.shape_cast %get3A_503 : vector<1x16xf32> to vector<16xf32>
        %slice3A_505 = vector.extract_strided_slice %get3A_500 {offsets = [0], sizes = [1], strides = [1]} : vector<16xf32> to vector<1xf32>
        %squeeze3A_506 = vector.extract %slice3A_505[0] : f32 from vector<1xf32>
        %mul3A_507 = vector.broadcast %squeeze3A_506 : f32 to vector<16xf32>
        %mul3A_508 = arith.mulf %get3A_504, %mul3A_507 : vector<16xf32>
        %get3A_509 = arith.index_cast %scan3A_56 : i32 to index
        %get3A_510 = arith.constant 784 : index
        %get3A_511 = tpu.vector_load %arg8[%get3A_509, %get3A_510] {strides = array<i32>} : memref<16x2048xf32, #tpu.memory_space<vmem>>, vector<1x16xf32>,
        %get3A_512 = vector.shape_cast %get3A_511 : vector<1x16xf32> to vector<16xf32>
        %slice3A_513 = vector.extract_strided_slice %get3A_500 {offsets = [1], sizes = [1], strides = [1]} : vector<16xf32> to vector<1xf32>
        %squeeze3A_514 = vector.extract %slice3A_513[0] : f32 from vector<1xf32>
        %mul3A_515 = vector.broadcast %squeeze3A_514 : f32 to vector<16xf32>
        %mul3A_516 = arith.mulf %get3A_512, %mul3A_515 : vector<16xf32>
        %get3A_517 = arith.index_cast %scan3A_56 : i32 to index
        %get3A_518 = arith.constant 800 : index
        %get3A_519 = tpu.vector_load %arg8[%get3A_517, %get3A_518] {strides = array<i32>} : memref<16x2048xf32, #tpu.memory_space<vmem>>, vector<1x16xf32>,
        %get3A_520 = vector.shape_cast %get3A_519 : vector<1x16xf32> to vector<16xf32>
        %slice3A_521 = vector.extract_strided_slice %get3A_500 {offsets = [2], sizes = [1], strides = [1]} : vector<16xf32> to vector<1xf32>
        %squeeze3A_522 = vector.extract %slice3A_521[0] : f32 from vector<1xf32>
        %mul3A_523 = vector.broadcast %squeeze3A_522 : f32 to vector<16xf32>
        %mul3A_524 = arith.mulf %get3A_520, %mul3A_523 : vector<16xf32>
        %get3A_525 = arith.index_cast %scan3A_56 : i32 to index
        %get3A_526 = arith.constant 816 : index
        %get3A_527 = tpu.vector_load %arg8[%get3A_525, %get3A_526] {strides = array<i32>} : memref<16x2048xf32, #tpu.memory_space<vmem>>, vector<1x16xf32>,
        %get3A_528 = vector.shape_cast %get3A_527 : vector<1x16xf32> to vector<16xf32>
        %slice3A_529 = vector.extract_strided_slice %get3A_500 {offsets = [3], sizes = [1], strides = [1]} : vector<16xf32> to vector<1xf32>
        %squeeze3A_530 = vector.extract %slice3A_529[0] : f32 from vector<1xf32>
        %mul3A_531 = vector.broadcast %squeeze3A_530 : f32 to vector<16xf32>
        %mul3A_532 = arith.mulf %get3A_528, %mul3A_531 : vector<16xf32>
        %get3A_533 = arith.index_cast %scan3A_56 : i32 to index
        %get3A_534 = arith.constant 832 : index
        %get3A_535 = tpu.vector_load %arg8[%get3A_533, %get3A_534] {strides = array<i32>} : memref<16x2048xf32, #tpu.memory_space<vmem>>, vector<1x16xf32>,
        %get3A_536 = vector.shape_cast %get3A_535 : vector<1x16xf32> to vector<16xf32>
        %slice3A_537 = vector.extract_strided_slice %get3A_500 {offsets = [4], sizes = [1], strides = [1]} : vector<16xf32> to vector<1xf32>
        %squeeze3A_538 = vector.extract %slice3A_537[0] : f32 from vector<1xf32>
        %mul3A_539 = vector.broadcast %squeeze3A_538 : f32 to vector<16xf32>
        %mul3A_540 = arith.mulf %get3A_536, %mul3A_539 : vector<16xf32>
        %get3A_541 = arith.index_cast %scan3A_56 : i32 to index
        %get3A_542 = arith.constant 848 : index
        %get3A_543 = tpu.vector_load %arg8[%get3A_541, %get3A_542] {strides = array<i32>} : memref<16x2048xf32, #tpu.memory_space<vmem>>, vector<1x16xf32>,
        %get3A_544 = vector.shape_cast %get3A_543 : vector<1x16xf32> to vector<16xf32>
        %slice3A_545 = vector.extract_strided_slice %get3A_500 {offsets = [5], sizes = [1], strides = [1]} : vector<16xf32> to vector<1xf32>
        %squeeze3A_546 = vector.extract %slice3A_545[0] : f32 from vector<1xf32>
        %mul3A_547 = vector.broadcast %squeeze3A_546 : f32 to vector<16xf32>
        %mul3A_548 = arith.mulf %get3A_544, %mul3A_547 : vector<16xf32>
        %get3A_549 = arith.index_cast %scan3A_56 : i32 to index
        %get3A_550 = arith.constant 864 : index
        %get3A_551 = tpu.vector_load %arg8[%get3A_549, %get3A_550] {strides = array<i32>} : memref<16x2048xf32, #tpu.memory_space<vmem>>, vector<1x16xf32>,
        %get3A_552 = vector.shape_cast %get3A_551 : vector<1x16xf32> to vector<16xf32>
        %slice3A_553 = vector.extract_strided_slice %get3A_500 {offsets = [6], sizes = [1], strides = [1]} : vector<16xf32> to vector<1xf32>
        %squeeze3A_554 = vector.extract %slice3A_553[0] : f32 from vector<1xf32>
        %mul3A_555 = vector.broadcast %squeeze3A_554 : f32 to vector<16xf32>
        %mul3A_556 = arith.mulf %get3A_552, %mul3A_555 : vector<16xf32>
        %get3A_557 = arith.index_cast %scan3A_56 : i32 to index
        %get3A_558 = arith.constant 880 : index
        %get3A_559 = tpu.vector_load %arg8[%get3A_557, %get3A_558] {strides = array<i32>} : memref<16x2048xf32, #tpu.memory_space<vmem>>, vector<1x16xf32>,
        %get3A_560 = vector.shape_cast %get3A_559 : vector<1x16xf32> to vector<16xf32>
        %slice3A_561 = vector.extract_strided_slice %get3A_500 {offsets = [7], sizes = [1], strides = [1]} : vector<16xf32> to vector<1xf32>
        %squeeze3A_562 = vector.extract %slice3A_561[0] : f32 from vector<1xf32>
        %mul3A_563 = vector.broadcast %squeeze3A_562 : f32 to vector<16xf32>
        %mul3A_564 = arith.mulf %get3A_560, %mul3A_563 : vector<16xf32>
        %add3A_565 = arith.addf %mul3A_508, %mul3A_516 : vector<16xf32>
        %add3A_566 = arith.addf %mul3A_524, %mul3A_532 : vector<16xf32>
        %add3A_567 = arith.addf %add3A_565, %add3A_566 : vector<16xf32>
        %add3A_568 = arith.addf %mul3A_540, %mul3A_548 : vector<16xf32>
        %add3A_569 = arith.addf %mul3A_556, %mul3A_564 : vector<16xf32>
        %add3A_570 = arith.addf %add3A_568, %add3A_569 : vector<16xf32>
        %add3A_571 = arith.addf %add3A_567, %add3A_570 : vector<16xf32>
        %add3A_572 = arith.addf %add3A_496, %add3A_571 : vector<16xf32>
        %get3A_573 = arith.index_cast %scan3A_56 : i32 to index
        %get3A_574 = arith.constant 896 : index
        %get3A_575 = tpu.vector_load %arg8[%get3A_573, %get3A_574] {strides = array<i32>} : memref<16x2048xf32, #tpu.memory_space<vmem>>, vector<1x16xf32>,
        %get3A_576 = vector.shape_cast %get3A_575 : vector<1x16xf32> to vector<16xf32>
        %slice3A_577 = vector.extract_strided_slice %get3A_500 {offsets = [8], sizes = [1], strides = [1]} : vector<16xf32> to vector<1xf32>
        %squeeze3A_578 = vector.extract %slice3A_577[0] : f32 from vector<1xf32>
        %mul3A_579 = vector.broadcast %squeeze3A_578 : f32 to vector<16xf32>
        %mul3A_580 = arith.mulf %get3A_576, %mul3A_579 : vector<16xf32>
        %get3A_581 = arith.index_cast %scan3A_56 : i32 to index
        %get3A_582 = arith.constant 912 : index
        %get3A_583 = tpu.vector_load %arg8[%get3A_581, %get3A_582] {strides = array<i32>} : memref<16x2048xf32, #tpu.memory_space<vmem>>, vector<1x16xf32>,
        %get3A_584 = vector.shape_cast %get3A_583 : vector<1x16xf32> to vector<16xf32>
        %slice3A_585 = vector.extract_strided_slice %get3A_500 {offsets = [9], sizes = [1], strides = [1]} : vector<16xf32> to vector<1xf32>
        %squeeze3A_586 = vector.extract %slice3A_585[0] : f32 from vector<1xf32>
        %mul3A_587 = vector.broadcast %squeeze3A_586 : f32 to vector<16xf32>
        %mul3A_588 = arith.mulf %get3A_584, %mul3A_587 : vector<16xf32>
        %get3A_589 = arith.index_cast %scan3A_56 : i32 to index
        %get3A_590 = arith.constant 928 : index
        %get3A_591 = tpu.vector_load %arg8[%get3A_589, %get3A_590] {strides = array<i32>} : memref<16x2048xf32, #tpu.memory_space<vmem>>, vector<1x16xf32>,
        %get3A_592 = vector.shape_cast %get3A_591 : vector<1x16xf32> to vector<16xf32>
        %slice3A_593 = vector.extract_strided_slice %get3A_500 {offsets = [10], sizes = [1], strides = [1]} : vector<16xf32> to vector<1xf32>
        %squeeze3A_594 = vector.extract %slice3A_593[0] : f32 from vector<1xf32>
        %mul3A_595 = vector.broadcast %squeeze3A_594 : f32 to vector<16xf32>
        %mul3A_596 = arith.mulf %get3A_592, %mul3A_595 : vector<16xf32>
        %get3A_597 = arith.index_cast %scan3A_56 : i32 to index
        %get3A_598 = arith.constant 944 : index
        %get3A_599 = tpu.vector_load %arg8[%get3A_597, %get3A_598] {strides = array<i32>} : memref<16x2048xf32, #tpu.memory_space<vmem>>, vector<1x16xf32>,
        %get3A_600 = vector.shape_cast %get3A_599 : vector<1x16xf32> to vector<16xf32>
        %slice3A_601 = vector.extract_strided_slice %get3A_500 {offsets = [11], sizes = [1], strides = [1]} : vector<16xf32> to vector<1xf32>
        %squeeze3A_602 = vector.extract %slice3A_601[0] : f32 from vector<1xf32>
        %mul3A_603 = vector.broadcast %squeeze3A_602 : f32 to vector<16xf32>
        %mul3A_604 = arith.mulf %get3A_600, %mul3A_603 : vector<16xf32>
        %get3A_605 = arith.index_cast %scan3A_56 : i32 to index
        %get3A_606 = arith.constant 960 : index
        %get3A_607 = tpu.vector_load %arg8[%get3A_605, %get3A_606] {strides = array<i32>} : memref<16x2048xf32, #tpu.memory_space<vmem>>, vector<1x16xf32>,
        %get3A_608 = vector.shape_cast %get3A_607 : vector<1x16xf32> to vector<16xf32>
        %slice3A_609 = vector.extract_strided_slice %get3A_500 {offsets = [12], sizes = [1], strides = [1]} : vector<16xf32> to vector<1xf32>
        %squeeze3A_610 = vector.extract %slice3A_609[0] : f32 from vector<1xf32>
        %mul3A_611 = vector.broadcast %squeeze3A_610 : f32 to vector<16xf32>
        %mul3A_612 = arith.mulf %get3A_608, %mul3A_611 : vector<16xf32>
        %get3A_613 = arith.index_cast %scan3A_56 : i32 to index
        %get3A_614 = arith.constant 976 : index
        %get3A_615 = tpu.vector_load %arg8[%get3A_613, %get3A_614] {strides = array<i32>} : memref<16x2048xf32, #tpu.memory_space<vmem>>, vector<1x16xf32>,
        %get3A_616 = vector.shape_cast %get3A_615 : vector<1x16xf32> to vector<16xf32>
        %slice3A_617 = vector.extract_strided_slice %get3A_500 {offsets = [13], sizes = [1], strides = [1]} : vector<16xf32> to vector<1xf32>
        %squeeze3A_618 = vector.extract %slice3A_617[0] : f32 from vector<1xf32>
        %mul3A_619 = vector.broadcast %squeeze3A_618 : f32 to vector<16xf32>
        %mul3A_620 = arith.mulf %get3A_616, %mul3A_619 : vector<16xf32>
        %get3A_621 = arith.index_cast %scan3A_56 : i32 to index
        %get3A_622 = arith.constant 992 : index
        %get3A_623 = tpu.vector_load %arg8[%get3A_621, %get3A_622] {strides = array<i32>} : memref<16x2048xf32, #tpu.memory_space<vmem>>, vector<1x16xf32>,
        %get3A_624 = vector.shape_cast %get3A_623 : vector<1x16xf32> to vector<16xf32>
        %slice3A_625 = vector.extract_strided_slice %get3A_500 {offsets = [14], sizes = [1], strides = [1]} : vector<16xf32> to vector<1xf32>
        %squeeze3A_626 = vector.extract %slice3A_625[0] : f32 from vector<1xf32>
        %mul3A_627 = vector.broadcast %squeeze3A_626 : f32 to vector<16xf32>
        %mul3A_628 = arith.mulf %get3A_624, %mul3A_627 : vector<16xf32>
        %get3A_629 = arith.index_cast %scan3A_56 : i32 to index
        %get3A_630 = arith.constant 1008 : index
        %get3A_631 = tpu.vector_load %arg8[%get3A_629, %get3A_630] {strides = array<i32>} : memref<16x2048xf32, #tpu.memory_space<vmem>>, vector<1x16xf32>,
        %get3A_632 = vector.shape_cast %get3A_631 : vector<1x16xf32> to vector<16xf32>
        %slice3A_633 = vector.extract_strided_slice %get3A_500 {offsets = [15], sizes = [1], strides = [1]} : vector<16xf32> to vector<1xf32>
        %squeeze3A_634 = vector.extract %slice3A_633[0] : f32 from vector<1xf32>
        %mul3A_635 = vector.broadcast %squeeze3A_634 : f32 to vector<16xf32>
        %mul3A_636 = arith.mulf %get3A_632, %mul3A_635 : vector<16xf32>
        %add3A_637 = arith.addf %mul3A_580, %mul3A_588 : vector<16xf32>
        %add3A_638 = arith.addf %mul3A_596, %mul3A_604 : vector<16xf32>
        %add3A_639 = arith.addf %add3A_637, %add3A_638 : vector<16xf32>
        %add3A_640 = arith.addf %mul3A_612, %mul3A_620 : vector<16xf32>
        %add3A_641 = arith.addf %mul3A_628, %mul3A_636 : vector<16xf32>
        %add3A_642 = arith.addf %add3A_640, %add3A_641 : vector<16xf32>
        %add3A_643 = arith.addf %add3A_639, %add3A_642 : vector<16xf32>
        %add3A_644 = arith.addf %add3A_572, %add3A_643 : vector<16xf32>
        %get3A_645 = arith.index_cast %mul3A_16 : i32 to index
        %get3A_646 = arith.constant 64 : index
        %get3A_647 = tpu.vector_load %arg7[%get3A_645, %get3A_646] {strides = array<i32>} : memref<64x128xf32, #tpu.memory_space<vmem>>, vector<1x16xf32>,
        %get3A_648 = vector.shape_cast %get3A_647 : vector<1x16xf32> to vector<16xf32>
        %get3A_649 = arith.index_cast %scan3A_56 : i32 to index
        %get3A_650 = arith.constant 1024 : index
        %get3A_651 = tpu.vector_load %arg8[%get3A_649, %get3A_650] {strides = array<i32>} : memref<16x2048xf32, #tpu.memory_space<vmem>>, vector<1x16xf32>,
        %get3A_652 = vector.shape_cast %get3A_651 : vector<1x16xf32> to vector<16xf32>
        %slice3A_653 = vector.extract_strided_slice %get3A_648 {offsets = [0], sizes = [1], strides = [1]} : vector<16xf32> to vector<1xf32>
        %squeeze3A_654 = vector.extract %slice3A_653[0] : f32 from vector<1xf32>
        %mul3A_655 = vector.broadcast %squeeze3A_654 : f32 to vector<16xf32>
        %mul3A_656 = arith.mulf %get3A_652, %mul3A_655 : vector<16xf32>
        %get3A_657 = arith.index_cast %scan3A_56 : i32 to index
        %get3A_658 = arith.constant 1040 : index
        %get3A_659 = tpu.vector_load %arg8[%get3A_657, %get3A_658] {strides = array<i32>} : memref<16x2048xf32, #tpu.memory_space<vmem>>, vector<1x16xf32>,
        %get3A_660 = vector.shape_cast %get3A_659 : vector<1x16xf32> to vector<16xf32>
        %slice3A_661 = vector.extract_strided_slice %get3A_648 {offsets = [1], sizes = [1], strides = [1]} : vector<16xf32> to vector<1xf32>
        %squeeze3A_662 = vector.extract %slice3A_661[0] : f32 from vector<1xf32>
        %mul3A_663 = vector.broadcast %squeeze3A_662 : f32 to vector<16xf32>
        %mul3A_664 = arith.mulf %get3A_660, %mul3A_663 : vector<16xf32>
        %get3A_665 = arith.index_cast %scan3A_56 : i32 to index
        %get3A_666 = arith.constant 1056 : index
        %get3A_667 = tpu.vector_load %arg8[%get3A_665, %get3A_666] {strides = array<i32>} : memref<16x2048xf32, #tpu.memory_space<vmem>>, vector<1x16xf32>,
        %get3A_668 = vector.shape_cast %get3A_667 : vector<1x16xf32> to vector<16xf32>
        %slice3A_669 = vector.extract_strided_slice %get3A_648 {offsets = [2], sizes = [1], strides = [1]} : vector<16xf32> to vector<1xf32>
        %squeeze3A_670 = vector.extract %slice3A_669[0] : f32 from vector<1xf32>
        %mul3A_671 = vector.broadcast %squeeze3A_670 : f32 to vector<16xf32>
        %mul3A_672 = arith.mulf %get3A_668, %mul3A_671 : vector<16xf32>
        %get3A_673 = arith.index_cast %scan3A_56 : i32 to index
        %get3A_674 = arith.constant 1072 : index
        %get3A_675 = tpu.vector_load %arg8[%get3A_673, %get3A_674] {strides = array<i32>} : memref<16x2048xf32, #tpu.memory_space<vmem>>, vector<1x16xf32>,
        %get3A_676 = vector.shape_cast %get3A_675 : vector<1x16xf32> to vector<16xf32>
        %slice3A_677 = vector.extract_strided_slice %get3A_648 {offsets = [3], sizes = [1], strides = [1]} : vector<16xf32> to vector<1xf32>
        %squeeze3A_678 = vector.extract %slice3A_677[0] : f32 from vector<1xf32>
        %mul3A_679 = vector.broadcast %squeeze3A_678 : f32 to vector<16xf32>
        %mul3A_680 = arith.mulf %get3A_676, %mul3A_679 : vector<16xf32>
        %get3A_681 = arith.index_cast %scan3A_56 : i32 to index
        %get3A_682 = arith.constant 1088 : index
        %get3A_683 = tpu.vector_load %arg8[%get3A_681, %get3A_682] {strides = array<i32>} : memref<16x2048xf32, #tpu.memory_space<vmem>>, vector<1x16xf32>,
        %get3A_684 = vector.shape_cast %get3A_683 : vector<1x16xf32> to vector<16xf32>
        %slice3A_685 = vector.extract_strided_slice %get3A_648 {offsets = [4], sizes = [1], strides = [1]} : vector<16xf32> to vector<1xf32>
        %squeeze3A_686 = vector.extract %slice3A_685[0] : f32 from vector<1xf32>
        %mul3A_687 = vector.broadcast %squeeze3A_686 : f32 to vector<16xf32>
        %mul3A_688 = arith.mulf %get3A_684, %mul3A_687 : vector<16xf32>
        %get3A_689 = arith.index_cast %scan3A_56 : i32 to index
        %get3A_690 = arith.constant 1104 : index
        %get3A_691 = tpu.vector_load %arg8[%get3A_689, %get3A_690] {strides = array<i32>} : memref<16x2048xf32, #tpu.memory_space<vmem>>, vector<1x16xf32>,
        %get3A_692 = vector.shape_cast %get3A_691 : vector<1x16xf32> to vector<16xf32>
        %slice3A_693 = vector.extract_strided_slice %get3A_648 {offsets = [5], sizes = [1], strides = [1]} : vector<16xf32> to vector<1xf32>
        %squeeze3A_694 = vector.extract %slice3A_693[0] : f32 from vector<1xf32>
        %mul3A_695 = vector.broadcast %squeeze3A_694 : f32 to vector<16xf32>
        %mul3A_696 = arith.mulf %get3A_692, %mul3A_695 : vector<16xf32>
        %get3A_697 = arith.index_cast %scan3A_56 : i32 to index
        %get3A_698 = arith.constant 1120 : index
        %get3A_699 = tpu.vector_load %arg8[%get3A_697, %get3A_698] {strides = array<i32>} : memref<16x2048xf32, #tpu.memory_space<vmem>>, vector<1x16xf32>,
        %get3A_700 = vector.shape_cast %get3A_699 : vector<1x16xf32> to vector<16xf32>
        %slice3A_701 = vector.extract_strided_slice %get3A_648 {offsets = [6], sizes = [1], strides = [1]} : vector<16xf32> to vector<1xf32>
        %squeeze3A_702 = vector.extract %slice3A_701[0] : f32 from vector<1xf32>
        %mul3A_703 = vector.broadcast %squeeze3A_702 : f32 to vector<16xf32>
        %mul3A_704 = arith.mulf %get3A_700, %mul3A_703 : vector<16xf32>
        %get3A_705 = arith.index_cast %scan3A_56 : i32 to index
        %get3A_706 = arith.constant 1136 : index
        %get3A_707 = tpu.vector_load %arg8[%get3A_705, %get3A_706] {strides = array<i32>} : memref<16x2048xf32, #tpu.memory_space<vmem>>, vector<1x16xf32>,
        %get3A_708 = vector.shape_cast %get3A_707 : vector<1x16xf32> to vector<16xf32>
        %slice3A_709 = vector.extract_strided_slice %get3A_648 {offsets = [7], sizes = [1], strides = [1]} : vector<16xf32> to vector<1xf32>
        %squeeze3A_710 = vector.extract %slice3A_709[0] : f32 from vector<1xf32>
        %mul3A_711 = vector.broadcast %squeeze3A_710 : f32 to vector<16xf32>
        %mul3A_712 = arith.mulf %get3A_708, %mul3A_711 : vector<16xf32>
        %add3A_713 = arith.addf %mul3A_656, %mul3A_664 : vector<16xf32>
        %add3A_714 = arith.addf %mul3A_672, %mul3A_680 : vector<16xf32>
        %add3A_715 = arith.addf %add3A_713, %add3A_714 : vector<16xf32>
        %add3A_716 = arith.addf %mul3A_688, %mul3A_696 : vector<16xf32>
        %add3A_717 = arith.addf %mul3A_704, %mul3A_712 : vector<16xf32>
        %add3A_718 = arith.addf %add3A_716, %add3A_717 : vector<16xf32>
        %add3A_719 = arith.addf %add3A_715, %add3A_718 : vector<16xf32>
        %add3A_720 = arith.addf %add3A_644, %add3A_719 : vector<16xf32>
        %get3A_721 = arith.index_cast %scan3A_56 : i32 to index
        %get3A_722 = arith.constant 1152 : index
        %get3A_723 = tpu.vector_load %arg8[%get3A_721, %get3A_722] {strides = array<i32>} : memref<16x2048xf32, #tpu.memory_space<vmem>>, vector<1x16xf32>,
        %get3A_724 = vector.shape_cast %get3A_723 : vector<1x16xf32> to vector<16xf32>
        %slice3A_725 = vector.extract_strided_slice %get3A_648 {offsets = [8], sizes = [1], strides = [1]} : vector<16xf32> to vector<1xf32>
        %squeeze3A_726 = vector.extract %slice3A_725[0] : f32 from vector<1xf32>
        %mul3A_727 = vector.broadcast %squeeze3A_726 : f32 to vector<16xf32>
        %mul3A_728 = arith.mulf %get3A_724, %mul3A_727 : vector<16xf32>
        %get3A_729 = arith.index_cast %scan3A_56 : i32 to index
        %get3A_730 = arith.constant 1168 : index
        %get3A_731 = tpu.vector_load %arg8[%get3A_729, %get3A_730] {strides = array<i32>} : memref<16x2048xf32, #tpu.memory_space<vmem>>, vector<1x16xf32>,
        %get3A_732 = vector.shape_cast %get3A_731 : vector<1x16xf32> to vector<16xf32>
        %slice3A_733 = vector.extract_strided_slice %get3A_648 {offsets = [9], sizes = [1], strides = [1]} : vector<16xf32> to vector<1xf32>
        %squeeze3A_734 = vector.extract %slice3A_733[0] : f32 from vector<1xf32>
        %mul3A_735 = vector.broadcast %squeeze3A_734 : f32 to vector<16xf32>
        %mul3A_736 = arith.mulf %get3A_732, %mul3A_735 : vector<16xf32>
        %get3A_737 = arith.index_cast %scan3A_56 : i32 to index
        %get3A_738 = arith.constant 1184 : index
        %get3A_739 = tpu.vector_load %arg8[%get3A_737, %get3A_738] {strides = array<i32>} : memref<16x2048xf32, #tpu.memory_space<vmem>>, vector<1x16xf32>,
        %get3A_740 = vector.shape_cast %get3A_739 : vector<1x16xf32> to vector<16xf32>
        %slice3A_741 = vector.extract_strided_slice %get3A_648 {offsets = [10], sizes = [1], strides = [1]} : vector<16xf32> to vector<1xf32>
        %squeeze3A_742 = vector.extract %slice3A_741[0] : f32 from vector<1xf32>
        %mul3A_743 = vector.broadcast %squeeze3A_742 : f32 to vector<16xf32>
        %mul3A_744 = arith.mulf %get3A_740, %mul3A_743 : vector<16xf32>
        %get3A_745 = arith.index_cast %scan3A_56 : i32 to index
        %get3A_746 = arith.constant 1200 : index
        %get3A_747 = tpu.vector_load %arg8[%get3A_745, %get3A_746] {strides = array<i32>} : memref<16x2048xf32, #tpu.memory_space<vmem>>, vector<1x16xf32>,
        %get3A_748 = vector.shape_cast %get3A_747 : vector<1x16xf32> to vector<16xf32>
        %slice3A_749 = vector.extract_strided_slice %get3A_648 {offsets = [11], sizes = [1], strides = [1]} : vector<16xf32> to vector<1xf32>
        %squeeze3A_750 = vector.extract %slice3A_749[0] : f32 from vector<1xf32>
        %mul3A_751 = vector.broadcast %squeeze3A_750 : f32 to vector<16xf32>
        %mul3A_752 = arith.mulf %get3A_748, %mul3A_751 : vector<16xf32>
        %get3A_753 = arith.index_cast %scan3A_56 : i32 to index
        %get3A_754 = arith.constant 1216 : index
        %get3A_755 = tpu.vector_load %arg8[%get3A_753, %get3A_754] {strides = array<i32>} : memref<16x2048xf32, #tpu.memory_space<vmem>>, vector<1x16xf32>,
        %get3A_756 = vector.shape_cast %get3A_755 : vector<1x16xf32> to vector<16xf32>
        %slice3A_757 = vector.extract_strided_slice %get3A_648 {offsets = [12], sizes = [1], strides = [1]} : vector<16xf32> to vector<1xf32>
        %squeeze3A_758 = vector.extract %slice3A_757[0] : f32 from vector<1xf32>
        %mul3A_759 = vector.broadcast %squeeze3A_758 : f32 to vector<16xf32>
        %mul3A_760 = arith.mulf %get3A_756, %mul3A_759 : vector<16xf32>
        %get3A_761 = arith.index_cast %scan3A_56 : i32 to index
        %get3A_762 = arith.constant 1232 : index
        %get3A_763 = tpu.vector_load %arg8[%get3A_761, %get3A_762] {strides = array<i32>} : memref<16x2048xf32, #tpu.memory_space<vmem>>, vector<1x16xf32>,
        %get3A_764 = vector.shape_cast %get3A_763 : vector<1x16xf32> to vector<16xf32>
        %slice3A_765 = vector.extract_strided_slice %get3A_648 {offsets = [13], sizes = [1], strides = [1]} : vector<16xf32> to vector<1xf32>
        %squeeze3A_766 = vector.extract %slice3A_765[0] : f32 from vector<1xf32>
        %mul3A_767 = vector.broadcast %squeeze3A_766 : f32 to vector<16xf32>
        %mul3A_768 = arith.mulf %get3A_764, %mul3A_767 : vector<16xf32>
        %get3A_769 = arith.index_cast %scan3A_56 : i32 to index
        %get3A_770 = arith.constant 1248 : index
        %get3A_771 = tpu.vector_load %arg8[%get3A_769, %get3A_770] {strides = array<i32>} : memref<16x2048xf32, #tpu.memory_space<vmem>>, vector<1x16xf32>,
        %get3A_772 = vector.shape_cast %get3A_771 : vector<1x16xf32> to vector<16xf32>
        %slice3A_773 = vector.extract_strided_slice %get3A_648 {offsets = [14], sizes = [1], strides = [1]} : vector<16xf32> to vector<1xf32>
        %squeeze3A_774 = vector.extract %slice3A_773[0] : f32 from vector<1xf32>
        %mul3A_775 = vector.broadcast %squeeze3A_774 : f32 to vector<16xf32>
        %mul3A_776 = arith.mulf %get3A_772, %mul3A_775 : vector<16xf32>
        %get3A_777 = arith.index_cast %scan3A_56 : i32 to index
        %get3A_778 = arith.constant 1264 : index
        %get3A_779 = tpu.vector_load %arg8[%get3A_777, %get3A_778] {strides = array<i32>} : memref<16x2048xf32, #tpu.memory_space<vmem>>, vector<1x16xf32>,
        %get3A_780 = vector.shape_cast %get3A_779 : vector<1x16xf32> to vector<16xf32>
        %slice3A_781 = vector.extract_strided_slice %get3A_648 {offsets = [15], sizes = [1], strides = [1]} : vector<16xf32> to vector<1xf32>
        %squeeze3A_782 = vector.extract %slice3A_781[0] : f32 from vector<1xf32>
        %mul3A_783 = vector.broadcast %squeeze3A_782 : f32 to vector<16xf32>
        %mul3A_784 = arith.mulf %get3A_780, %mul3A_783 : vector<16xf32>
        %add3A_785 = arith.addf %mul3A_728, %mul3A_736 : vector<16xf32>
        %add3A_786 = arith.addf %mul3A_744, %mul3A_752 : vector<16xf32>
        %add3A_787 = arith.addf %add3A_785, %add3A_786 : vector<16xf32>
        %add3A_788 = arith.addf %mul3A_760, %mul3A_768 : vector<16xf32>
        %add3A_789 = arith.addf %mul3A_776, %mul3A_784 : vector<16xf32>
        %add3A_790 = arith.addf %add3A_788, %add3A_789 : vector<16xf32>
        %add3A_791 = arith.addf %add3A_787, %add3A_790 : vector<16xf32>
        %add3A_792 = arith.addf %add3A_720, %add3A_791 : vector<16xf32>
        %get3A_793 = arith.index_cast %mul3A_16 : i32 to index
        %get3A_794 = arith.constant 80 : index
        %get3A_795 = tpu.vector_load %arg7[%get3A_793, %get3A_794] {strides = array<i32>} : memref<64x128xf32, #tpu.memory_space<vmem>>, vector<1x16xf32>,
        %get3A_796 = vector.shape_cast %get3A_795 : vector<1x16xf32> to vector<16xf32>
        %get3A_797 = arith.index_cast %scan3A_56 : i32 to index
        %get3A_798 = arith.constant 1280 : index
        %get3A_799 = tpu.vector_load %arg8[%get3A_797, %get3A_798] {strides = array<i32>} : memref<16x2048xf32, #tpu.memory_space<vmem>>, vector<1x16xf32>,
        %get3A_800 = vector.shape_cast %get3A_799 : vector<1x16xf32> to vector<16xf32>
        %slice3A_801 = vector.extract_strided_slice %get3A_796 {offsets = [0], sizes = [1], strides = [1]} : vector<16xf32> to vector<1xf32>
        %squeeze3A_802 = vector.extract %slice3A_801[0] : f32 from vector<1xf32>
        %mul3A_803 = vector.broadcast %squeeze3A_802 : f32 to vector<16xf32>
        %mul3A_804 = arith.mulf %get3A_800, %mul3A_803 : vector<16xf32>
        %get3A_805 = arith.index_cast %scan3A_56 : i32 to index
        %get3A_806 = arith.constant 1296 : index
        %get3A_807 = tpu.vector_load %arg8[%get3A_805, %get3A_806] {strides = array<i32>} : memref<16x2048xf32, #tpu.memory_space<vmem>>, vector<1x16xf32>,
        %get3A_808 = vector.shape_cast %get3A_807 : vector<1x16xf32> to vector<16xf32>
        %slice3A_809 = vector.extract_strided_slice %get3A_796 {offsets = [1], sizes = [1], strides = [1]} : vector<16xf32> to vector<1xf32>
        %squeeze3A_810 = vector.extract %slice3A_809[0] : f32 from vector<1xf32>
        %mul3A_811 = vector.broadcast %squeeze3A_810 : f32 to vector<16xf32>
        %mul3A_812 = arith.mulf %get3A_808, %mul3A_811 : vector<16xf32>
        %get3A_813 = arith.index_cast %scan3A_56 : i32 to index
        %get3A_814 = arith.constant 1312 : index
        %get3A_815 = tpu.vector_load %arg8[%get3A_813, %get3A_814] {strides = array<i32>} : memref<16x2048xf32, #tpu.memory_space<vmem>>, vector<1x16xf32>,
        %get3A_816 = vector.shape_cast %get3A_815 : vector<1x16xf32> to vector<16xf32>
        %slice3A_817 = vector.extract_strided_slice %get3A_796 {offsets = [2], sizes = [1], strides = [1]} : vector<16xf32> to vector<1xf32>
        %squeeze3A_818 = vector.extract %slice3A_817[0] : f32 from vector<1xf32>
        %mul3A_819 = vector.broadcast %squeeze3A_818 : f32 to vector<16xf32>
        %mul3A_820 = arith.mulf %get3A_816, %mul3A_819 : vector<16xf32>
        %get3A_821 = arith.index_cast %scan3A_56 : i32 to index
        %get3A_822 = arith.constant 1328 : index
        %get3A_823 = tpu.vector_load %arg8[%get3A_821, %get3A_822] {strides = array<i32>} : memref<16x2048xf32, #tpu.memory_space<vmem>>, vector<1x16xf32>,
        %get3A_824 = vector.shape_cast %get3A_823 : vector<1x16xf32> to vector<16xf32>
        %slice3A_825 = vector.extract_strided_slice %get3A_796 {offsets = [3], sizes = [1], strides = [1]} : vector<16xf32> to vector<1xf32>
        %squeeze3A_826 = vector.extract %slice3A_825[0] : f32 from vector<1xf32>
        %mul3A_827 = vector.broadcast %squeeze3A_826 : f32 to vector<16xf32>
        %mul3A_828 = arith.mulf %get3A_824, %mul3A_827 : vector<16xf32>
        %get3A_829 = arith.index_cast %scan3A_56 : i32 to index
        %get3A_830 = arith.constant 1344 : index
        %get3A_831 = tpu.vector_load %arg8[%get3A_829, %get3A_830] {strides = array<i32>} : memref<16x2048xf32, #tpu.memory_space<vmem>>, vector<1x16xf32>,
        %get3A_832 = vector.shape_cast %get3A_831 : vector<1x16xf32> to vector<16xf32>
        %slice3A_833 = vector.extract_strided_slice %get3A_796 {offsets = [4], sizes = [1], strides = [1]} : vector<16xf32> to vector<1xf32>
        %squeeze3A_834 = vector.extract %slice3A_833[0] : f32 from vector<1xf32>
        %mul3A_835 = vector.broadcast %squeeze3A_834 : f32 to vector<16xf32>
        %mul3A_836 = arith.mulf %get3A_832, %mul3A_835 : vector<16xf32>
        %get3A_837 = arith.index_cast %scan3A_56 : i32 to index
        %get3A_838 = arith.constant 1360 : index
        %get3A_839 = tpu.vector_load %arg8[%get3A_837, %get3A_838] {strides = array<i32>} : memref<16x2048xf32, #tpu.memory_space<vmem>>, vector<1x16xf32>,
        %get3A_840 = vector.shape_cast %get3A_839 : vector<1x16xf32> to vector<16xf32>
        %slice3A_841 = vector.extract_strided_slice %get3A_796 {offsets = [5], sizes = [1], strides = [1]} : vector<16xf32> to vector<1xf32>
        %squeeze3A_842 = vector.extract %slice3A_841[0] : f32 from vector<1xf32>
        %mul3A_843 = vector.broadcast %squeeze3A_842 : f32 to vector<16xf32>
        %mul3A_844 = arith.mulf %get3A_840, %mul3A_843 : vector<16xf32>
        %get3A_845 = arith.index_cast %scan3A_56 : i32 to index
        %get3A_846 = arith.constant 1376 : index
        %get3A_847 = tpu.vector_load %arg8[%get3A_845, %get3A_846] {strides = array<i32>} : memref<16x2048xf32, #tpu.memory_space<vmem>>, vector<1x16xf32>,
        %get3A_848 = vector.shape_cast %get3A_847 : vector<1x16xf32> to vector<16xf32>
        %slice3A_849 = vector.extract_strided_slice %get3A_796 {offsets = [6], sizes = [1], strides = [1]} : vector<16xf32> to vector<1xf32>
        %squeeze3A_850 = vector.extract %slice3A_849[0] : f32 from vector<1xf32>
        %mul3A_851 = vector.broadcast %squeeze3A_850 : f32 to vector<16xf32>
        %mul3A_852 = arith.mulf %get3A_848, %mul3A_851 : vector<16xf32>
        %get3A_853 = arith.index_cast %scan3A_56 : i32 to index
        %get3A_854 = arith.constant 1392 : index
        %get3A_855 = tpu.vector_load %arg8[%get3A_853, %get3A_854] {strides = array<i32>} : memref<16x2048xf32, #tpu.memory_space<vmem>>, vector<1x16xf32>,
        %get3A_856 = vector.shape_cast %get3A_855 : vector<1x16xf32> to vector<16xf32>
        %slice3A_857 = vector.extract_strided_slice %get3A_796 {offsets = [7], sizes = [1], strides = [1]} : vector<16xf32> to vector<1xf32>
        %squeeze3A_858 = vector.extract %slice3A_857[0] : f32 from vector<1xf32>
        %mul3A_859 = vector.broadcast %squeeze3A_858 : f32 to vector<16xf32>
        %mul3A_860 = arith.mulf %get3A_856, %mul3A_859 : vector<16xf32>
        %add3A_861 = arith.addf %mul3A_804, %mul3A_812 : vector<16xf32>
        %add3A_862 = arith.addf %mul3A_820, %mul3A_828 : vector<16xf32>
        %add3A_863 = arith.addf %add3A_861, %add3A_862 : vector<16xf32>
        %add3A_864 = arith.addf %mul3A_836, %mul3A_844 : vector<16xf32>
        %add3A_865 = arith.addf %mul3A_852, %mul3A_860 : vector<16xf32>
        %add3A_866 = arith.addf %add3A_864, %add3A_865 : vector<16xf32>
        %add3A_867 = arith.addf %add3A_863, %add3A_866 : vector<16xf32>
        %add3A_868 = arith.addf %add3A_792, %add3A_867 : vector<16xf32>
        %get3A_869 = arith.index_cast %scan3A_56 : i32 to index
        %get3A_870 = arith.constant 1408 : index
        %get3A_871 = tpu.vector_load %arg8[%get3A_869, %get3A_870] {strides = array<i32>} : memref<16x2048xf32, #tpu.memory_space<vmem>>, vector<1x16xf32>,
        %get3A_872 = vector.shape_cast %get3A_871 : vector<1x16xf32> to vector<16xf32>
        %slice3A_873 = vector.extract_strided_slice %get3A_796 {offsets = [8], sizes = [1], strides = [1]} : vector<16xf32> to vector<1xf32>
        %squeeze3A_874 = vector.extract %slice3A_873[0] : f32 from vector<1xf32>
        %mul3A_875 = vector.broadcast %squeeze3A_874 : f32 to vector<16xf32>
        %mul3A_876 = arith.mulf %get3A_872, %mul3A_875 : vector<16xf32>
        %get3A_877 = arith.index_cast %scan3A_56 : i32 to index
        %get3A_878 = arith.constant 1424 : index
        %get3A_879 = tpu.vector_load %arg8[%get3A_877, %get3A_878] {strides = array<i32>} : memref<16x2048xf32, #tpu.memory_space<vmem>>, vector<1x16xf32>,
        %get3A_880 = vector.shape_cast %get3A_879 : vector<1x16xf32> to vector<16xf32>
        %slice3A_881 = vector.extract_strided_slice %get3A_796 {offsets = [9], sizes = [1], strides = [1]} : vector<16xf32> to vector<1xf32>
        %squeeze3A_882 = vector.extract %slice3A_881[0] : f32 from vector<1xf32>
        %mul3A_883 = vector.broadcast %squeeze3A_882 : f32 to vector<16xf32>
        %mul3A_884 = arith.mulf %get3A_880, %mul3A_883 : vector<16xf32>
        %get3A_885 = arith.index_cast %scan3A_56 : i32 to index
        %get3A_886 = arith.constant 1440 : index
        %get3A_887 = tpu.vector_load %arg8[%get3A_885, %get3A_886] {strides = array<i32>} : memref<16x2048xf32, #tpu.memory_space<vmem>>, vector<1x16xf32>,
        %get3A_888 = vector.shape_cast %get3A_887 : vector<1x16xf32> to vector<16xf32>
        %slice3A_889 = vector.extract_strided_slice %get3A_796 {offsets = [10], sizes = [1], strides = [1]} : vector<16xf32> to vector<1xf32>
        %squeeze3A_890 = vector.extract %slice3A_889[0] : f32 from vector<1xf32>
        %mul3A_891 = vector.broadcast %squeeze3A_890 : f32 to vector<16xf32>
        %mul3A_892 = arith.mulf %get3A_888, %mul3A_891 : vector<16xf32>
        %get3A_893 = arith.index_cast %scan3A_56 : i32 to index
        %get3A_894 = arith.constant 1456 : index
        %get3A_895 = tpu.vector_load %arg8[%get3A_893, %get3A_894] {strides = array<i32>} : memref<16x2048xf32, #tpu.memory_space<vmem>>, vector<1x16xf32>,
        %get3A_896 = vector.shape_cast %get3A_895 : vector<1x16xf32> to vector<16xf32>
        %slice3A_897 = vector.extract_strided_slice %get3A_796 {offsets = [11], sizes = [1], strides = [1]} : vector<16xf32> to vector<1xf32>
        %squeeze3A_898 = vector.extract %slice3A_897[0] : f32 from vector<1xf32>
        %mul3A_899 = vector.broadcast %squeeze3A_898 : f32 to vector<16xf32>
        %mul3A_900 = arith.mulf %get3A_896, %mul3A_899 : vector<16xf32>
        %get3A_901 = arith.index_cast %scan3A_56 : i32 to index
        %get3A_902 = arith.constant 1472 : index
        %get3A_903 = tpu.vector_load %arg8[%get3A_901, %get3A_902] {strides = array<i32>} : memref<16x2048xf32, #tpu.memory_space<vmem>>, vector<1x16xf32>,
        %get3A_904 = vector.shape_cast %get3A_903 : vector<1x16xf32> to vector<16xf32>
        %slice3A_905 = vector.extract_strided_slice %get3A_796 {offsets = [12], sizes = [1], strides = [1]} : vector<16xf32> to vector<1xf32>
        %squeeze3A_906 = vector.extract %slice3A_905[0] : f32 from vector<1xf32>
        %mul3A_907 = vector.broadcast %squeeze3A_906 : f32 to vector<16xf32>
        %mul3A_908 = arith.mulf %get3A_904, %mul3A_907 : vector<16xf32>
        %get3A_909 = arith.index_cast %scan3A_56 : i32 to index
        %get3A_910 = arith.constant 1488 : index
        %get3A_911 = tpu.vector_load %arg8[%get3A_909, %get3A_910] {strides = array<i32>} : memref<16x2048xf32, #tpu.memory_space<vmem>>, vector<1x16xf32>,
        %get3A_912 = vector.shape_cast %get3A_911 : vector<1x16xf32> to vector<16xf32>
        %slice3A_913 = vector.extract_strided_slice %get3A_796 {offsets = [13], sizes = [1], strides = [1]} : vector<16xf32> to vector<1xf32>
        %squeeze3A_914 = vector.extract %slice3A_913[0] : f32 from vector<1xf32>
        %mul3A_915 = vector.broadcast %squeeze3A_914 : f32 to vector<16xf32>
        %mul3A_916 = arith.mulf %get3A_912, %mul3A_915 : vector<16xf32>
        %get3A_917 = arith.index_cast %scan3A_56 : i32 to index
        %get3A_918 = arith.constant 1504 : index
        %get3A_919 = tpu.vector_load %arg8[%get3A_917, %get3A_918] {strides = array<i32>} : memref<16x2048xf32, #tpu.memory_space<vmem>>, vector<1x16xf32>,
        %get3A_920 = vector.shape_cast %get3A_919 : vector<1x16xf32> to vector<16xf32>
        %slice3A_921 = vector.extract_strided_slice %get3A_796 {offsets = [14], sizes = [1], strides = [1]} : vector<16xf32> to vector<1xf32>
        %squeeze3A_922 = vector.extract %slice3A_921[0] : f32 from vector<1xf32>
        %mul3A_923 = vector.broadcast %squeeze3A_922 : f32 to vector<16xf32>
        %mul3A_924 = arith.mulf %get3A_920, %mul3A_923 : vector<16xf32>
        %get3A_925 = arith.index_cast %scan3A_56 : i32 to index
        %get3A_926 = arith.constant 1520 : index
        %get3A_927 = tpu.vector_load %arg8[%get3A_925, %get3A_926] {strides = array<i32>} : memref<16x2048xf32, #tpu.memory_space<vmem>>, vector<1x16xf32>,
        %get3A_928 = vector.shape_cast %get3A_927 : vector<1x16xf32> to vector<16xf32>
        %slice3A_929 = vector.extract_strided_slice %get3A_796 {offsets = [15], sizes = [1], strides = [1]} : vector<16xf32> to vector<1xf32>
        %squeeze3A_930 = vector.extract %slice3A_929[0] : f32 from vector<1xf32>
        %mul3A_931 = vector.broadcast %squeeze3A_930 : f32 to vector<16xf32>
        %mul3A_932 = arith.mulf %get3A_928, %mul3A_931 : vector<16xf32>
        %add3A_933 = arith.addf %mul3A_876, %mul3A_884 : vector<16xf32>
        %add3A_934 = arith.addf %mul3A_892, %mul3A_900 : vector<16xf32>
        %add3A_935 = arith.addf %add3A_933, %add3A_934 : vector<16xf32>
        %add3A_936 = arith.addf %mul3A_908, %mul3A_916 : vector<16xf32>
        %add3A_937 = arith.addf %mul3A_924, %mul3A_932 : vector<16xf32>
        %add3A_938 = arith.addf %add3A_936, %add3A_937 : vector<16xf32>
        %add3A_939 = arith.addf %add3A_935, %add3A_938 : vector<16xf32>
        %add3A_940 = arith.addf %add3A_868, %add3A_939 : vector<16xf32>
        %get3A_941 = arith.index_cast %mul3A_16 : i32 to index
        %get3A_942 = arith.constant 96 : index
        %get3A_943 = tpu.vector_load %arg7[%get3A_941, %get3A_942] {strides = array<i32>} : memref<64x128xf32, #tpu.memory_space<vmem>>, vector<1x16xf32>,
        %get3A_944 = vector.shape_cast %get3A_943 : vector<1x16xf32> to vector<16xf32>
        %get3A_945 = arith.index_cast %scan3A_56 : i32 to index
        %get3A_946 = arith.constant 1536 : index
        %get3A_947 = tpu.vector_load %arg8[%get3A_945, %get3A_946] {strides = array<i32>} : memref<16x2048xf32, #tpu.memory_space<vmem>>, vector<1x16xf32>,
        %get3A_948 = vector.shape_cast %get3A_947 : vector<1x16xf32> to vector<16xf32>
        %slice3A_949 = vector.extract_strided_slice %get3A_944 {offsets = [0], sizes = [1], strides = [1]} : vector<16xf32> to vector<1xf32>
        %squeeze3A_950 = vector.extract %slice3A_949[0] : f32 from vector<1xf32>
        %mul3A_951 = vector.broadcast %squeeze3A_950 : f32 to vector<16xf32>
        %mul3A_952 = arith.mulf %get3A_948, %mul3A_951 : vector<16xf32>
        %get3A_953 = arith.index_cast %scan3A_56 : i32 to index
        %get3A_954 = arith.constant 1552 : index
        %get3A_955 = tpu.vector_load %arg8[%get3A_953, %get3A_954] {strides = array<i32>} : memref<16x2048xf32, #tpu.memory_space<vmem>>, vector<1x16xf32>,
        %get3A_956 = vector.shape_cast %get3A_955 : vector<1x16xf32> to vector<16xf32>
        %slice3A_957 = vector.extract_strided_slice %get3A_944 {offsets = [1], sizes = [1], strides = [1]} : vector<16xf32> to vector<1xf32>
        %squeeze3A_958 = vector.extract %slice3A_957[0] : f32 from vector<1xf32>
        %mul3A_959 = vector.broadcast %squeeze3A_958 : f32 to vector<16xf32>
        %mul3A_960 = arith.mulf %get3A_956, %mul3A_959 : vector<16xf32>
        %get3A_961 = arith.index_cast %scan3A_56 : i32 to index
        %get3A_962 = arith.constant 1568 : index
        %get3A_963 = tpu.vector_load %arg8[%get3A_961, %get3A_962] {strides = array<i32>} : memref<16x2048xf32, #tpu.memory_space<vmem>>, vector<1x16xf32>,
        %get3A_964 = vector.shape_cast %get3A_963 : vector<1x16xf32> to vector<16xf32>
        %slice3A_965 = vector.extract_strided_slice %get3A_944 {offsets = [2], sizes = [1], strides = [1]} : vector<16xf32> to vector<1xf32>
        %squeeze3A_966 = vector.extract %slice3A_965[0] : f32 from vector<1xf32>
        %mul3A_967 = vector.broadcast %squeeze3A_966 : f32 to vector<16xf32>
        %mul3A_968 = arith.mulf %get3A_964, %mul3A_967 : vector<16xf32>
        %get3A_969 = arith.index_cast %scan3A_56 : i32 to index
        %get3A_970 = arith.constant 1584 : index
        %get3A_971 = tpu.vector_load %arg8[%get3A_969, %get3A_970] {strides = array<i32>} : memref<16x2048xf32, #tpu.memory_space<vmem>>, vector<1x16xf32>,
        %get3A_972 = vector.shape_cast %get3A_971 : vector<1x16xf32> to vector<16xf32>
        %slice3A_973 = vector.extract_strided_slice %get3A_944 {offsets = [3], sizes = [1], strides = [1]} : vector<16xf32> to vector<1xf32>
        %squeeze3A_974 = vector.extract %slice3A_973[0] : f32 from vector<1xf32>
        %mul3A_975 = vector.broadcast %squeeze3A_974 : f32 to vector<16xf32>
        %mul3A_976 = arith.mulf %get3A_972, %mul3A_975 : vector<16xf32>
        %get3A_977 = arith.index_cast %scan3A_56 : i32 to index
        %get3A_978 = arith.constant 1600 : index
        %get3A_979 = tpu.vector_load %arg8[%get3A_977, %get3A_978] {strides = array<i32>} : memref<16x2048xf32, #tpu.memory_space<vmem>>, vector<1x16xf32>,
        %get3A_980 = vector.shape_cast %get3A_979 : vector<1x16xf32> to vector<16xf32>
        %slice3A_981 = vector.extract_strided_slice %get3A_944 {offsets = [4], sizes = [1], strides = [1]} : vector<16xf32> to vector<1xf32>
        %squeeze3A_982 = vector.extract %slice3A_981[0] : f32 from vector<1xf32>
        %mul3A_983 = vector.broadcast %squeeze3A_982 : f32 to vector<16xf32>
        %mul3A_984 = arith.mulf %get3A_980, %mul3A_983 : vector<16xf32>
        %get3A_985 = arith.index_cast %scan3A_56 : i32 to index
        %get3A_986 = arith.constant 1616 : index
        %get3A_987 = tpu.vector_load %arg8[%get3A_985, %get3A_986] {strides = array<i32>} : memref<16x2048xf32, #tpu.memory_space<vmem>>, vector<1x16xf32>,
        %get3A_988 = vector.shape_cast %get3A_987 : vector<1x16xf32> to vector<16xf32>
        %slice3A_989 = vector.extract_strided_slice %get3A_944 {offsets = [5], sizes = [1], strides = [1]} : vector<16xf32> to vector<1xf32>
        %squeeze3A_990 = vector.extract %slice3A_989[0] : f32 from vector<1xf32>
        %mul3A_991 = vector.broadcast %squeeze3A_990 : f32 to vector<16xf32>
        %mul3A_992 = arith.mulf %get3A_988, %mul3A_991 : vector<16xf32>
        %get3A_993 = arith.index_cast %scan3A_56 : i32 to index
        %get3A_994 = arith.constant 1632 : index
        %get3A_995 = tpu.vector_load %arg8[%get3A_993, %get3A_994] {strides = array<i32>} : memref<16x2048xf32, #tpu.memory_space<vmem>>, vector<1x16xf32>,
        %get3A_996 = vector.shape_cast %get3A_995 : vector<1x16xf32> to vector<16xf32>
        %slice3A_997 = vector.extract_strided_slice %get3A_944 {offsets = [6], sizes = [1], strides = [1]} : vector<16xf32> to vector<1xf32>
        %squeeze3A_998 = vector.extract %slice3A_997[0] : f32 from vector<1xf32>
        %mul3A_999 = vector.broadcast %squeeze3A_998 : f32 to vector<16xf32>
        %mul3A_1000 = arith.mulf %get3A_996, %mul3A_999 : vector<16xf32>
        %get3A_1001 = arith.index_cast %scan3A_56 : i32 to index
        %get3A_1002 = arith.constant 1648 : index
        %get3A_1003 = tpu.vector_load %arg8[%get3A_1001, %get3A_1002] {strides = array<i32>} : memref<16x2048xf32, #tpu.memory_space<vmem>>, vector<1x16xf32>,
        %get3A_1004 = vector.shape_cast %get3A_1003 : vector<1x16xf32> to vector<16xf32>
        %slice3A_1005 = vector.extract_strided_slice %get3A_944 {offsets = [7], sizes = [1], strides = [1]} : vector<16xf32> to vector<1xf32>
        %squeeze3A_1006 = vector.extract %slice3A_1005[0] : f32 from vector<1xf32>
        %mul3A_1007 = vector.broadcast %squeeze3A_1006 : f32 to vector<16xf32>
        %mul3A_1008 = arith.mulf %get3A_1004, %mul3A_1007 : vector<16xf32>
        %add3A_1009 = arith.addf %mul3A_952, %mul3A_960 : vector<16xf32>
        %add3A_1010 = arith.addf %mul3A_968, %mul3A_976 : vector<16xf32>
        %add3A_1011 = arith.addf %add3A_1009, %add3A_1010 : vector<16xf32>
        %add3A_1012 = arith.addf %mul3A_984, %mul3A_992 : vector<16xf32>
        %add3A_1013 = arith.addf %mul3A_1000, %mul3A_1008 : vector<16xf32>
        %add3A_1014 = arith.addf %add3A_1012, %add3A_1013 : vector<16xf32>
        %add3A_1015 = arith.addf %add3A_1011, %add3A_1014 : vector<16xf32>
        %add3A_1016 = arith.addf %add3A_940, %add3A_1015 : vector<16xf32>
        %get3A_1017 = arith.index_cast %scan3A_56 : i32 to index
        %get3A_1018 = arith.constant 1664 : index
        %get3A_1019 = tpu.vector_load %arg8[%get3A_1017, %get3A_1018] {strides = array<i32>} : memref<16x2048xf32, #tpu.memory_space<vmem>>, vector<1x16xf32>,
        %get3A_1020 = vector.shape_cast %get3A_1019 : vector<1x16xf32> to vector<16xf32>
        %slice3A_1021 = vector.extract_strided_slice %get3A_944 {offsets = [8], sizes = [1], strides = [1]} : vector<16xf32> to vector<1xf32>
        %squeeze3A_1022 = vector.extract %slice3A_1021[0] : f32 from vector<1xf32>
        %mul3A_1023 = vector.broadcast %squeeze3A_1022 : f32 to vector<16xf32>
        %mul3A_1024 = arith.mulf %get3A_1020, %mul3A_1023 : vector<16xf32>
        %get3A_1025 = arith.index_cast %scan3A_56 : i32 to index
        %get3A_1026 = arith.constant 1680 : index
        %get3A_1027 = tpu.vector_load %arg8[%get3A_1025, %get3A_1026] {strides = array<i32>} : memref<16x2048xf32, #tpu.memory_space<vmem>>, vector<1x16xf32>,
        %get3A_1028 = vector.shape_cast %get3A_1027 : vector<1x16xf32> to vector<16xf32>
        %slice3A_1029 = vector.extract_strided_slice %get3A_944 {offsets = [9], sizes = [1], strides = [1]} : vector<16xf32> to vector<1xf32>
        %squeeze3A_1030 = vector.extract %slice3A_1029[0] : f32 from vector<1xf32>
        %mul3A_1031 = vector.broadcast %squeeze3A_1030 : f32 to vector<16xf32>
        %mul3A_1032 = arith.mulf %get3A_1028, %mul3A_1031 : vector<16xf32>
        %get3A_1033 = arith.index_cast %scan3A_56 : i32 to index
        %get3A_1034 = arith.constant 1696 : index
        %get3A_1035 = tpu.vector_load %arg8[%get3A_1033, %get3A_1034] {strides = array<i32>} : memref<16x2048xf32, #tpu.memory_space<vmem>>, vector<1x16xf32>,
        %get3A_1036 = vector.shape_cast %get3A_1035 : vector<1x16xf32> to vector<16xf32>
        %slice3A_1037 = vector.extract_strided_slice %get3A_944 {offsets = [10], sizes = [1], strides = [1]} : vector<16xf32> to vector<1xf32>
        %squeeze3A_1038 = vector.extract %slice3A_1037[0] : f32 from vector<1xf32>
        %mul3A_1039 = vector.broadcast %squeeze3A_1038 : f32 to vector<16xf32>
        %mul3A_1040 = arith.mulf %get3A_1036, %mul3A_1039 : vector<16xf32>
        %get3A_1041 = arith.index_cast %scan3A_56 : i32 to index
        %get3A_1042 = arith.constant 1712 : index
        %get3A_1043 = tpu.vector_load %arg8[%get3A_1041, %get3A_1042] {strides = array<i32>} : memref<16x2048xf32, #tpu.memory_space<vmem>>, vector<1x16xf32>,
        %get3A_1044 = vector.shape_cast %get3A_1043 : vector<1x16xf32> to vector<16xf32>
        %slice3A_1045 = vector.extract_strided_slice %get3A_944 {offsets = [11], sizes = [1], strides = [1]} : vector<16xf32> to vector<1xf32>
        %squeeze3A_1046 = vector.extract %slice3A_1045[0] : f32 from vector<1xf32>
        %mul3A_1047 = vector.broadcast %squeeze3A_1046 : f32 to vector<16xf32>
        %mul3A_1048 = arith.mulf %get3A_1044, %mul3A_1047 : vector<16xf32>
        %get3A_1049 = arith.index_cast %scan3A_56 : i32 to index
        %get3A_1050 = arith.constant 1728 : index
        %get3A_1051 = tpu.vector_load %arg8[%get3A_1049, %get3A_1050] {strides = array<i32>} : memref<16x2048xf32, #tpu.memory_space<vmem>>, vector<1x16xf32>,
        %get3A_1052 = vector.shape_cast %get3A_1051 : vector<1x16xf32> to vector<16xf32>
        %slice3A_1053 = vector.extract_strided_slice %get3A_944 {offsets = [12], sizes = [1], strides = [1]} : vector<16xf32> to vector<1xf32>
        %squeeze3A_1054 = vector.extract %slice3A_1053[0] : f32 from vector<1xf32>
        %mul3A_1055 = vector.broadcast %squeeze3A_1054 : f32 to vector<16xf32>
        %mul3A_1056 = arith.mulf %get3A_1052, %mul3A_1055 : vector<16xf32>
        %get3A_1057 = arith.index_cast %scan3A_56 : i32 to index
        %get3A_1058 = arith.constant 1744 : index
        %get3A_1059 = tpu.vector_load %arg8[%get3A_1057, %get3A_1058] {strides = array<i32>} : memref<16x2048xf32, #tpu.memory_space<vmem>>, vector<1x16xf32>,
        %get3A_1060 = vector.shape_cast %get3A_1059 : vector<1x16xf32> to vector<16xf32>
        %slice3A_1061 = vector.extract_strided_slice %get3A_944 {offsets = [13], sizes = [1], strides = [1]} : vector<16xf32> to vector<1xf32>
        %squeeze3A_1062 = vector.extract %slice3A_1061[0] : f32 from vector<1xf32>
        %mul3A_1063 = vector.broadcast %squeeze3A_1062 : f32 to vector<16xf32>
        %mul3A_1064 = arith.mulf %get3A_1060, %mul3A_1063 : vector<16xf32>
        %get3A_1065 = arith.index_cast %scan3A_56 : i32 to index
        %get3A_1066 = arith.constant 1760 : index
        %get3A_1067 = tpu.vector_load %arg8[%get3A_1065, %get3A_1066] {strides = array<i32>} : memref<16x2048xf32, #tpu.memory_space<vmem>>, vector<1x16xf32>,
        %get3A_1068 = vector.shape_cast %get3A_1067 : vector<1x16xf32> to vector<16xf32>
        %slice3A_1069 = vector.extract_strided_slice %get3A_944 {offsets = [14], sizes = [1], strides = [1]} : vector<16xf32> to vector<1xf32>
        %squeeze3A_1070 = vector.extract %slice3A_1069[0] : f32 from vector<1xf32>
        %mul3A_1071 = vector.broadcast %squeeze3A_1070 : f32 to vector<16xf32>
        %mul3A_1072 = arith.mulf %get3A_1068, %mul3A_1071 : vector<16xf32>
        %get3A_1073 = arith.index_cast %scan3A_56 : i32 to index
        %get3A_1074 = arith.constant 1776 : index
        %get3A_1075 = tpu.vector_load %arg8[%get3A_1073, %get3A_1074] {strides = array<i32>} : memref<16x2048xf32, #tpu.memory_space<vmem>>, vector<1x16xf32>,
        %get3A_1076 = vector.shape_cast %get3A_1075 : vector<1x16xf32> to vector<16xf32>
        %slice3A_1077 = vector.extract_strided_slice %get3A_944 {offsets = [15], sizes = [1], strides = [1]} : vector<16xf32> to vector<1xf32>
        %squeeze3A_1078 = vector.extract %slice3A_1077[0] : f32 from vector<1xf32>
        %mul3A_1079 = vector.broadcast %squeeze3A_1078 : f32 to vector<16xf32>
        %mul3A_1080 = arith.mulf %get3A_1076, %mul3A_1079 : vector<16xf32>
        %add3A_1081 = arith.addf %mul3A_1024, %mul3A_1032 : vector<16xf32>
        %add3A_1082 = arith.addf %mul3A_1040, %mul3A_1048 : vector<16xf32>
        %add3A_1083 = arith.addf %add3A_1081, %add3A_1082 : vector<16xf32>
        %add3A_1084 = arith.addf %mul3A_1056, %mul3A_1064 : vector<16xf32>
        %add3A_1085 = arith.addf %mul3A_1072, %mul3A_1080 : vector<16xf32>
        %add3A_1086 = arith.addf %add3A_1084, %add3A_1085 : vector<16xf32>
        %add3A_1087 = arith.addf %add3A_1083, %add3A_1086 : vector<16xf32>
        %add3A_1088 = arith.addf %add3A_1016, %add3A_1087 : vector<16xf32>
        %get3A_1089 = arith.index_cast %mul3A_16 : i32 to index
        %get3A_1090 = arith.constant 112 : index
        %get3A_1091 = tpu.vector_load %arg7[%get3A_1089, %get3A_1090] {strides = array<i32>} : memref<64x128xf32, #tpu.memory_space<vmem>>, vector<1x16xf32>,
        %get3A_1092 = vector.shape_cast %get3A_1091 : vector<1x16xf32> to vector<16xf32>
        %get3A_1093 = arith.index_cast %scan3A_56 : i32 to index
        %get3A_1094 = arith.constant 1792 : index
        %get3A_1095 = tpu.vector_load %arg8[%get3A_1093, %get3A_1094] {strides = array<i32>} : memref<16x2048xf32, #tpu.memory_space<vmem>>, vector<1x16xf32>,
        %get3A_1096 = vector.shape_cast %get3A_1095 : vector<1x16xf32> to vector<16xf32>
        %slice3A_1097 = vector.extract_strided_slice %get3A_1092 {offsets = [0], sizes = [1], strides = [1]} : vector<16xf32> to vector<1xf32>
        %squeeze3A_1098 = vector.extract %slice3A_1097[0] : f32 from vector<1xf32>
        %mul3A_1099 = vector.broadcast %squeeze3A_1098 : f32 to vector<16xf32>
        %mul3A_1100 = arith.mulf %get3A_1096, %mul3A_1099 : vector<16xf32>
        %get3A_1101 = arith.index_cast %scan3A_56 : i32 to index
        %get3A_1102 = arith.constant 1808 : index
        %get3A_1103 = tpu.vector_load %arg8[%get3A_1101, %get3A_1102] {strides = array<i32>} : memref<16x2048xf32, #tpu.memory_space<vmem>>, vector<1x16xf32>,
        %get3A_1104 = vector.shape_cast %get3A_1103 : vector<1x16xf32> to vector<16xf32>
        %slice3A_1105 = vector.extract_strided_slice %get3A_1092 {offsets = [1], sizes = [1], strides = [1]} : vector<16xf32> to vector<1xf32>
        %squeeze3A_1106 = vector.extract %slice3A_1105[0] : f32 from vector<1xf32>
        %mul3A_1107 = vector.broadcast %squeeze3A_1106 : f32 to vector<16xf32>
        %mul3A_1108 = arith.mulf %get3A_1104, %mul3A_1107 : vector<16xf32>
        %get3A_1109 = arith.index_cast %scan3A_56 : i32 to index
        %get3A_1110 = arith.constant 1824 : index
        %get3A_1111 = tpu.vector_load %arg8[%get3A_1109, %get3A_1110] {strides = array<i32>} : memref<16x2048xf32, #tpu.memory_space<vmem>>, vector<1x16xf32>,
        %get3A_1112 = vector.shape_cast %get3A_1111 : vector<1x16xf32> to vector<16xf32>
        %slice3A_1113 = vector.extract_strided_slice %get3A_1092 {offsets = [2], sizes = [1], strides = [1]} : vector<16xf32> to vector<1xf32>
        %squeeze3A_1114 = vector.extract %slice3A_1113[0] : f32 from vector<1xf32>
        %mul3A_1115 = vector.broadcast %squeeze3A_1114 : f32 to vector<16xf32>
        %mul3A_1116 = arith.mulf %get3A_1112, %mul3A_1115 : vector<16xf32>
        %get3A_1117 = arith.index_cast %scan3A_56 : i32 to index
        %get3A_1118 = arith.constant 1840 : index
        %get3A_1119 = tpu.vector_load %arg8[%get3A_1117, %get3A_1118] {strides = array<i32>} : memref<16x2048xf32, #tpu.memory_space<vmem>>, vector<1x16xf32>,
        %get3A_1120 = vector.shape_cast %get3A_1119 : vector<1x16xf32> to vector<16xf32>
        %slice3A_1121 = vector.extract_strided_slice %get3A_1092 {offsets = [3], sizes = [1], strides = [1]} : vector<16xf32> to vector<1xf32>
        %squeeze3A_1122 = vector.extract %slice3A_1121[0] : f32 from vector<1xf32>
        %mul3A_1123 = vector.broadcast %squeeze3A_1122 : f32 to vector<16xf32>
        %mul3A_1124 = arith.mulf %get3A_1120, %mul3A_1123 : vector<16xf32>
        %get3A_1125 = arith.index_cast %scan3A_56 : i32 to index
        %get3A_1126 = arith.constant 1856 : index
        %get3A_1127 = tpu.vector_load %arg8[%get3A_1125, %get3A_1126] {strides = array<i32>} : memref<16x2048xf32, #tpu.memory_space<vmem>>, vector<1x16xf32>,
        %get3A_1128 = vector.shape_cast %get3A_1127 : vector<1x16xf32> to vector<16xf32>
        %slice3A_1129 = vector.extract_strided_slice %get3A_1092 {offsets = [4], sizes = [1], strides = [1]} : vector<16xf32> to vector<1xf32>
        %squeeze3A_1130 = vector.extract %slice3A_1129[0] : f32 from vector<1xf32>
        %mul3A_1131 = vector.broadcast %squeeze3A_1130 : f32 to vector<16xf32>
        %mul3A_1132 = arith.mulf %get3A_1128, %mul3A_1131 : vector<16xf32>
        %get3A_1133 = arith.index_cast %scan3A_56 : i32 to index
        %get3A_1134 = arith.constant 1872 : index
        %get3A_1135 = tpu.vector_load %arg8[%get3A_1133, %get3A_1134] {strides = array<i32>} : memref<16x2048xf32, #tpu.memory_space<vmem>>, vector<1x16xf32>,
        %get3A_1136 = vector.shape_cast %get3A_1135 : vector<1x16xf32> to vector<16xf32>
        %slice3A_1137 = vector.extract_strided_slice %get3A_1092 {offsets = [5], sizes = [1], strides = [1]} : vector<16xf32> to vector<1xf32>
        %squeeze3A_1138 = vector.extract %slice3A_1137[0] : f32 from vector<1xf32>
        %mul3A_1139 = vector.broadcast %squeeze3A_1138 : f32 to vector<16xf32>
        %mul3A_1140 = arith.mulf %get3A_1136, %mul3A_1139 : vector<16xf32>
        %get3A_1141 = arith.index_cast %scan3A_56 : i32 to index
        %get3A_1142 = arith.constant 1888 : index
        %get3A_1143 = tpu.vector_load %arg8[%get3A_1141, %get3A_1142] {strides = array<i32>} : memref<16x2048xf32, #tpu.memory_space<vmem>>, vector<1x16xf32>,
        %get3A_1144 = vector.shape_cast %get3A_1143 : vector<1x16xf32> to vector<16xf32>
        %slice3A_1145 = vector.extract_strided_slice %get3A_1092 {offsets = [6], sizes = [1], strides = [1]} : vector<16xf32> to vector<1xf32>
        %squeeze3A_1146 = vector.extract %slice3A_1145[0] : f32 from vector<1xf32>
        %mul3A_1147 = vector.broadcast %squeeze3A_1146 : f32 to vector<16xf32>
        %mul3A_1148 = arith.mulf %get3A_1144, %mul3A_1147 : vector<16xf32>
        %get3A_1149 = arith.index_cast %scan3A_56 : i32 to index
        %get3A_1150 = arith.constant 1904 : index
        %get3A_1151 = tpu.vector_load %arg8[%get3A_1149, %get3A_1150] {strides = array<i32>} : memref<16x2048xf32, #tpu.memory_space<vmem>>, vector<1x16xf32>,
        %get3A_1152 = vector.shape_cast %get3A_1151 : vector<1x16xf32> to vector<16xf32>
        %slice3A_1153 = vector.extract_strided_slice %get3A_1092 {offsets = [7], sizes = [1], strides = [1]} : vector<16xf32> to vector<1xf32>
        %squeeze3A_1154 = vector.extract %slice3A_1153[0] : f32 from vector<1xf32>
        %mul3A_1155 = vector.broadcast %squeeze3A_1154 : f32 to vector<16xf32>
        %mul3A_1156 = arith.mulf %get3A_1152, %mul3A_1155 : vector<16xf32>
        %add3A_1157 = arith.addf %mul3A_1100, %mul3A_1108 : vector<16xf32>
        %add3A_1158 = arith.addf %mul3A_1116, %mul3A_1124 : vector<16xf32>
        %add3A_1159 = arith.addf %add3A_1157, %add3A_1158 : vector<16xf32>
        %add3A_1160 = arith.addf %mul3A_1132, %mul3A_1140 : vector<16xf32>
        %add3A_1161 = arith.addf %mul3A_1148, %mul3A_1156 : vector<16xf32>
        %add3A_1162 = arith.addf %add3A_1160, %add3A_1161 : vector<16xf32>
        %add3A_1163 = arith.addf %add3A_1159, %add3A_1162 : vector<16xf32>
        %add3A_1164 = arith.addf %add3A_1088, %add3A_1163 : vector<16xf32>
        %get3A_1165 = arith.index_cast %scan3A_56 : i32 to index
        %get3A_1166 = arith.constant 1920 : index
        %get3A_1167 = tpu.vector_load %arg8[%get3A_1165, %get3A_1166] {strides = array<i32>} : memref<16x2048xf32, #tpu.memory_space<vmem>>, vector<1x16xf32>,
        %get3A_1168 = vector.shape_cast %get3A_1167 : vector<1x16xf32> to vector<16xf32>
        %slice3A_1169 = vector.extract_strided_slice %get3A_1092 {offsets = [8], sizes = [1], strides = [1]} : vector<16xf32> to vector<1xf32>
        %squeeze3A_1170 = vector.extract %slice3A_1169[0] : f32 from vector<1xf32>
        %mul3A_1171 = vector.broadcast %squeeze3A_1170 : f32 to vector<16xf32>
        %mul3A_1172 = arith.mulf %get3A_1168, %mul3A_1171 : vector<16xf32>
        %get3A_1173 = arith.index_cast %scan3A_56 : i32 to index
        %get3A_1174 = arith.constant 1936 : index
        %get3A_1175 = tpu.vector_load %arg8[%get3A_1173, %get3A_1174] {strides = array<i32>} : memref<16x2048xf32, #tpu.memory_space<vmem>>, vector<1x16xf32>,
        %get3A_1176 = vector.shape_cast %get3A_1175 : vector<1x16xf32> to vector<16xf32>
        %slice3A_1177 = vector.extract_strided_slice %get3A_1092 {offsets = [9], sizes = [1], strides = [1]} : vector<16xf32> to vector<1xf32>
        %squeeze3A_1178 = vector.extract %slice3A_1177[0] : f32 from vector<1xf32>
        %mul3A_1179 = vector.broadcast %squeeze3A_1178 : f32 to vector<16xf32>
        %mul3A_1180 = arith.mulf %get3A_1176, %mul3A_1179 : vector<16xf32>
        %get3A_1181 = arith.index_cast %scan3A_56 : i32 to index
        %get3A_1182 = arith.constant 1952 : index
        %get3A_1183 = tpu.vector_load %arg8[%get3A_1181, %get3A_1182] {strides = array<i32>} : memref<16x2048xf32, #tpu.memory_space<vmem>>, vector<1x16xf32>,
        %get3A_1184 = vector.shape_cast %get3A_1183 : vector<1x16xf32> to vector<16xf32>
        %slice3A_1185 = vector.extract_strided_slice %get3A_1092 {offsets = [10], sizes = [1], strides = [1]} : vector<16xf32> to vector<1xf32>
        %squeeze3A_1186 = vector.extract %slice3A_1185[0] : f32 from vector<1xf32>
        %mul3A_1187 = vector.broadcast %squeeze3A_1186 : f32 to vector<16xf32>
        %mul3A_1188 = arith.mulf %get3A_1184, %mul3A_1187 : vector<16xf32>
        %get3A_1189 = arith.index_cast %scan3A_56 : i32 to index
        %get3A_1190 = arith.constant 1968 : index
        %get3A_1191 = tpu.vector_load %arg8[%get3A_1189, %get3A_1190] {strides = array<i32>} : memref<16x2048xf32, #tpu.memory_space<vmem>>, vector<1x16xf32>,
        %get3A_1192 = vector.shape_cast %get3A_1191 : vector<1x16xf32> to vector<16xf32>
        %slice3A_1193 = vector.extract_strided_slice %get3A_1092 {offsets = [11], sizes = [1], strides = [1]} : vector<16xf32> to vector<1xf32>
        %squeeze3A_1194 = vector.extract %slice3A_1193[0] : f32 from vector<1xf32>
        %mul3A_1195 = vector.broadcast %squeeze3A_1194 : f32 to vector<16xf32>
        %mul3A_1196 = arith.mulf %get3A_1192, %mul3A_1195 : vector<16xf32>
        %get3A_1197 = arith.index_cast %scan3A_56 : i32 to index
        %get3A_1198 = arith.constant 1984 : index
        %get3A_1199 = tpu.vector_load %arg8[%get3A_1197, %get3A_1198] {strides = array<i32>} : memref<16x2048xf32, #tpu.memory_space<vmem>>, vector<1x16xf32>,
        %get3A_1200 = vector.shape_cast %get3A_1199 : vector<1x16xf32> to vector<16xf32>
        %slice3A_1201 = vector.extract_strided_slice %get3A_1092 {offsets = [12], sizes = [1], strides = [1]} : vector<16xf32> to vector<1xf32>
        %squeeze3A_1202 = vector.extract %slice3A_1201[0] : f32 from vector<1xf32>
        %mul3A_1203 = vector.broadcast %squeeze3A_1202 : f32 to vector<16xf32>
        %mul3A_1204 = arith.mulf %get3A_1200, %mul3A_1203 : vector<16xf32>
        %get3A_1205 = arith.index_cast %scan3A_56 : i32 to index
        %get3A_1206 = arith.constant 2000 : index
        %get3A_1207 = tpu.vector_load %arg8[%get3A_1205, %get3A_1206] {strides = array<i32>} : memref<16x2048xf32, #tpu.memory_space<vmem>>, vector<1x16xf32>,
        %get3A_1208 = vector.shape_cast %get3A_1207 : vector<1x16xf32> to vector<16xf32>
        %slice3A_1209 = vector.extract_strided_slice %get3A_1092 {offsets = [13], sizes = [1], strides = [1]} : vector<16xf32> to vector<1xf32>
        %squeeze3A_1210 = vector.extract %slice3A_1209[0] : f32 from vector<1xf32>
        %mul3A_1211 = vector.broadcast %squeeze3A_1210 : f32 to vector<16xf32>
        %mul3A_1212 = arith.mulf %get3A_1208, %mul3A_1211 : vector<16xf32>
        %get3A_1213 = arith.index_cast %scan3A_56 : i32 to index
        %get3A_1214 = arith.constant 2016 : index
        %get3A_1215 = tpu.vector_load %arg8[%get3A_1213, %get3A_1214] {strides = array<i32>} : memref<16x2048xf32, #tpu.memory_space<vmem>>, vector<1x16xf32>,
        %get3A_1216 = vector.shape_cast %get3A_1215 : vector<1x16xf32> to vector<16xf32>
        %slice3A_1217 = vector.extract_strided_slice %get3A_1092 {offsets = [14], sizes = [1], strides = [1]} : vector<16xf32> to vector<1xf32>
        %squeeze3A_1218 = vector.extract %slice3A_1217[0] : f32 from vector<1xf32>
        %mul3A_1219 = vector.broadcast %squeeze3A_1218 : f32 to vector<16xf32>
        %mul3A_1220 = arith.mulf %get3A_1216, %mul3A_1219 : vector<16xf32>
        %get3A_1221 = arith.index_cast %scan3A_56 : i32 to index
        %get3A_1222 = arith.constant 2032 : index
        %get3A_1223 = tpu.vector_load %arg8[%get3A_1221, %get3A_1222] {strides = array<i32>} : memref<16x2048xf32, #tpu.memory_space<vmem>>, vector<1x16xf32>,
        %get3A_1224 = vector.shape_cast %get3A_1223 : vector<1x16xf32> to vector<16xf32>
        %slice3A_1225 = vector.extract_strided_slice %get3A_1092 {offsets = [15], sizes = [1], strides = [1]} : vector<16xf32> to vector<1xf32>
        %squeeze3A_1226 = vector.extract %slice3A_1225[0] : f32 from vector<1xf32>
        %mul3A_1227 = vector.broadcast %squeeze3A_1226 : f32 to vector<16xf32>
        %mul3A_1228 = arith.mulf %get3A_1224, %mul3A_1227 : vector<16xf32>
        %add3A_1229 = arith.addf %mul3A_1172, %mul3A_1180 : vector<16xf32>
        %add3A_1230 = arith.addf %mul3A_1188, %mul3A_1196 : vector<16xf32>
        %add3A_1231 = arith.addf %add3A_1229, %add3A_1230 : vector<16xf32>
        %add3A_1232 = arith.addf %mul3A_1204, %mul3A_1212 : vector<16xf32>
        %add3A_1233 = arith.addf %mul3A_1220, %mul3A_1228 : vector<16xf32>
        %add3A_1234 = arith.addf %add3A_1232, %add3A_1233 : vector<16xf32>
        %add3A_1235 = arith.addf %add3A_1231, %add3A_1234 : vector<16xf32>
        %add3A_1236 = arith.addf %add3A_1164, %add3A_1235 : vector<16xf32>
        %mul3A_1237 = arith.constant 16 : i32
        %mul3A_1238 = arith.muli %scan3A_56, %mul3A_1237 : i32
        %swap3A = arith.index_cast %mul3A_16 : i32 to index
        %swap3A_1239 = arith.index_cast %mul3A_1238 : i32 to index
        %swap3A_1240 = tpu.vector_load %arg10[%swap3A, %swap3A_1239] {strides = array<i32>} : memref<64x256xf32, #tpu.memory_space<vmem>>, vector<1x16xf32>,
        %swap3A_1241 = vector.shape_cast %swap3A_1240 : vector<1x16xf32> to vector<16xf32>
        %swap3A_1242 = vector.shape_cast %add3A_1236 : vector<16xf32> to vector<1x16xf32>
        tpu.vector_store %arg10[%swap3A, %swap3A_1239], %swap3A_1242 {strides = array<i32>} : memref<64x256xf32, #tpu.memory_space<vmem>>, vector<1x16xf32>,
      }
      %scan3A_35 = arith.constant 16 : i32
      %add3A_36 = arith.constant 2 : i32
      %add3A_37 = arith.addi %mul3A_16, %add3A_36 : i32
      %lt3A = arith.constant 64 : i32
      %lt3A_38 = arith.cmpi slt, %add3A_37, %lt3A : i32
      %convert_element_type3A = arith.extui %lt3A_38 : i1 to i32
      %cond3A = arith.constant 0 : i32
      %cond3A_39 = arith.cmpi ne, %convert_element_type3A, %cond3A : i32
      scf.if %cond3A_39 {
        %add3A_56 = arith.constant 2 : i32
        %add3A_57 = arith.addi %mul3A_16, %add3A_56 : i32
        %dma_start3A_58 = arith.constant 0 : i32
        %dma_start3A_59 = tpu.memref_slice %arg6[%add3A_57, %dma_start3A_58] : memref<64x16xi32, #tpu.memory_space<vmem>> -> memref<1x16xi32, #tpu.memory_space<vmem>>
        %dma_start3A_60 = tpu.memref_squeeze %dma_start3A_59 : memref<1x16xi32, #tpu.memory_space<vmem>> -> memref<16xi32, #tpu.memory_space<vmem>>
        %dma_start3A_61 = arith.constant 0 : i32
        %dma_start3A_62 = arith.constant 0 : i32
        %dma_start3A_63 = tpu.memref_slice %arg4[%dma_start3A_61, %dma_start3A_62] : memref<4096x2048xf32, #tpu.memory_space<hbm>> -> memref<4096x2048xf32, #tpu.memory_space<hbm>>
        tpu.enqueue_indirect_dma source(%dma_start3A_63 : memref<4096x2048xf32, #tpu.memory_space<hbm>>) target(%arg8 : memref<16x2048xf32, #tpu.memory_space<vmem>>) offsets(%dma_start3A_60 : memref<16xi32, #tpu.memory_space<vmem>>) semaphore(%arg11 : memref<!tpu.dma_semaphore, #tpu.memory_space<semaphore_mem>>)
      } else {
      }
      %add3A_40 = arith.constant 1 : i32
      %add3A_41 = arith.addi %mul3A_16, %add3A_40 : i32
      %dma_wait3A_42 = arith.constant 0 : i32
      %dma_wait3A_43 = tpu.memref_slice %arg6[%add3A_41, %dma_wait3A_42] : memref<64x16xi32, #tpu.memory_space<vmem>> -> memref<1x16xi32, #tpu.memory_space<vmem>>
      %dma_wait3A_44 = tpu.memref_squeeze %dma_wait3A_43 : memref<1x16xi32, #tpu.memory_space<vmem>> -> memref<16xi32, #tpu.memory_space<vmem>>
      %dma_wait3A_45 = arith.constant 0 : i32
      %dma_wait3A_46 = arith.constant 0 : i32
      %dma_wait3A_47 = tpu.memref_slice %arg4[%dma_wait3A_45, %dma_wait3A_46] : memref<4096x2048xf32, #tpu.memory_space<hbm>> -> memref<4096x2048xf32, #tpu.memory_space<hbm>>
      tpu.wait_indirect_dma semaphore(%arg12 : memref<!tpu.dma_semaphore, #tpu.memory_space<semaphore_mem>>) src(%dma_wait3A_47 : memref<4096x2048xf32, #tpu.memory_space<hbm>>) dst(%arg9 : memref<16x2048xf32, #tpu.memory_space<vmem>>)
      %add3A_48 = arith.constant 1 : i32
      %add3A_49 = arith.addi %mul3A_16, %add3A_48 : i32
      %scan3A_50 = arith.constant 0 : i32
      %scan3A_51 = arith.constant 0 : i32
      %scan3A_52 = arith.constant 16 : i32
      %scan3A_53 = arith.addi %scan3A_51, %scan3A_52 : i32
      %scan3A_54 = arith.constant 1 : i32
      scf.for %scan3A_56 = %scan3A_51 to %scan3A_53 step %scan3A_54  : i32 {
        %get3A = arith.index_cast %add3A_49 : i32 to index
        %get3A_57 = arith.constant 0 : index
        %get3A_58 = tpu.vector_load %arg7[%get3A, %get3A_57] {strides = array<i32>} : memref<64x128xf32, #tpu.memory_space<vmem>>, vector<1x16xf32>,
        %get3A_59 = vector.shape_cast %get3A_58 : vector<1x16xf32> to vector<16xf32>
        %get3A_60 = arith.index_cast %scan3A_56 : i32 to index
        %get3A_61 = arith.constant 0 : index
        %get3A_62 = tpu.vector_load %arg9[%get3A_60, %get3A_61] {strides = array<i32>} : memref<16x2048xf32, #tpu.memory_space<vmem>>, vector<1x16xf32>,
        %get3A_63 = vector.shape_cast %get3A_62 : vector<1x16xf32> to vector<16xf32>
        %slice3A = vector.extract_strided_slice %get3A_59 {offsets = [0], sizes = [1], strides = [1]} : vector<16xf32> to vector<1xf32>
        %squeeze3A = vector.extract %slice3A[0] : f32 from vector<1xf32>
        %mul3A_64 = vector.broadcast %squeeze3A : f32 to vector<16xf32>
        %mul3A_65 = arith.mulf %get3A_63, %mul3A_64 : vector<16xf32>
        %get3A_66 = arith.index_cast %scan3A_56 : i32 to index
        %get3A_67 = arith.constant 16 : index
        %get3A_68 = tpu.vector_load %arg9[%get3A_66, %get3A_67] {strides = array<i32>} : memref<16x2048xf32, #tpu.memory_space<vmem>>, vector<1x16xf32>,
        %get3A_69 = vector.shape_cast %get3A_68 : vector<1x16xf32> to vector<16xf32>
        %slice3A_70 = vector.extract_strided_slice %get3A_59 {offsets = [1], sizes = [1], strides = [1]} : vector<16xf32> to vector<1xf32>
        %squeeze3A_71 = vector.extract %slice3A_70[0] : f32 from vector<1xf32>
        %mul3A_72 = vector.broadcast %squeeze3A_71 : f32 to vector<16xf32>
        %mul3A_73 = arith.mulf %get3A_69, %mul3A_72 : vector<16xf32>
        %get3A_74 = arith.index_cast %scan3A_56 : i32 to index
        %get3A_75 = arith.constant 32 : index
        %get3A_76 = tpu.vector_load %arg9[%get3A_74, %get3A_75] {strides = array<i32>} : memref<16x2048xf32, #tpu.memory_space<vmem>>, vector<1x16xf32>,
        %get3A_77 = vector.shape_cast %get3A_76 : vector<1x16xf32> to vector<16xf32>
        %slice3A_78 = vector.extract_strided_slice %get3A_59 {offsets = [2], sizes = [1], strides = [1]} : vector<16xf32> to vector<1xf32>
        %squeeze3A_79 = vector.extract %slice3A_78[0] : f32 from vector<1xf32>
        %mul3A_80 = vector.broadcast %squeeze3A_79 : f32 to vector<16xf32>
        %mul3A_81 = arith.mulf %get3A_77, %mul3A_80 : vector<16xf32>
        %get3A_82 = arith.index_cast %scan3A_56 : i32 to index
        %get3A_83 = arith.constant 48 : index
        %get3A_84 = tpu.vector_load %arg9[%get3A_82, %get3A_83] {strides = array<i32>} : memref<16x2048xf32, #tpu.memory_space<vmem>>, vector<1x16xf32>,
        %get3A_85 = vector.shape_cast %get3A_84 : vector<1x16xf32> to vector<16xf32>
        %slice3A_86 = vector.extract_strided_slice %get3A_59 {offsets = [3], sizes = [1], strides = [1]} : vector<16xf32> to vector<1xf32>
        %squeeze3A_87 = vector.extract %slice3A_86[0] : f32 from vector<1xf32>
        %mul3A_88 = vector.broadcast %squeeze3A_87 : f32 to vector<16xf32>
        %mul3A_89 = arith.mulf %get3A_85, %mul3A_88 : vector<16xf32>
        %get3A_90 = arith.index_cast %scan3A_56 : i32 to index
        %get3A_91 = arith.constant 64 : index
        %get3A_92 = tpu.vector_load %arg9[%get3A_90, %get3A_91] {strides = array<i32>} : memref<16x2048xf32, #tpu.memory_space<vmem>>, vector<1x16xf32>,
        %get3A_93 = vector.shape_cast %get3A_92 : vector<1x16xf32> to vector<16xf32>
        %slice3A_94 = vector.extract_strided_slice %get3A_59 {offsets = [4], sizes = [1], strides = [1]} : vector<16xf32> to vector<1xf32>
        %squeeze3A_95 = vector.extract %slice3A_94[0] : f32 from vector<1xf32>
        %mul3A_96 = vector.broadcast %squeeze3A_95 : f32 to vector<16xf32>
        %mul3A_97 = arith.mulf %get3A_93, %mul3A_96 : vector<16xf32>
        %get3A_98 = arith.index_cast %scan3A_56 : i32 to index
        %get3A_99 = arith.constant 80 : index
        %get3A_100 = tpu.vector_load %arg9[%get3A_98, %get3A_99] {strides = array<i32>} : memref<16x2048xf32, #tpu.memory_space<vmem>>, vector<1x16xf32>,
        %get3A_101 = vector.shape_cast %get3A_100 : vector<1x16xf32> to vector<16xf32>
        %slice3A_102 = vector.extract_strided_slice %get3A_59 {offsets = [5], sizes = [1], strides = [1]} : vector<16xf32> to vector<1xf32>
        %squeeze3A_103 = vector.extract %slice3A_102[0] : f32 from vector<1xf32>
        %mul3A_104 = vector.broadcast %squeeze3A_103 : f32 to vector<16xf32>
        %mul3A_105 = arith.mulf %get3A_101, %mul3A_104 : vector<16xf32>
        %get3A_106 = arith.index_cast %scan3A_56 : i32 to index
        %get3A_107 = arith.constant 96 : index
        %get3A_108 = tpu.vector_load %arg9[%get3A_106, %get3A_107] {strides = array<i32>} : memref<16x2048xf32, #tpu.memory_space<vmem>>, vector<1x16xf32>,
        %get3A_109 = vector.shape_cast %get3A_108 : vector<1x16xf32> to vector<16xf32>
        %slice3A_110 = vector.extract_strided_slice %get3A_59 {offsets = [6], sizes = [1], strides = [1]} : vector<16xf32> to vector<1xf32>
        %squeeze3A_111 = vector.extract %slice3A_110[0] : f32 from vector<1xf32>
        %mul3A_112 = vector.broadcast %squeeze3A_111 : f32 to vector<16xf32>
        %mul3A_113 = arith.mulf %get3A_109, %mul3A_112 : vector<16xf32>
        %get3A_114 = arith.index_cast %scan3A_56 : i32 to index
        %get3A_115 = arith.constant 112 : index
        %get3A_116 = tpu.vector_load %arg9[%get3A_114, %get3A_115] {strides = array<i32>} : memref<16x2048xf32, #tpu.memory_space<vmem>>, vector<1x16xf32>,
        %get3A_117 = vector.shape_cast %get3A_116 : vector<1x16xf32> to vector<16xf32>
        %slice3A_118 = vector.extract_strided_slice %get3A_59 {offsets = [7], sizes = [1], strides = [1]} : vector<16xf32> to vector<1xf32>
        %squeeze3A_119 = vector.extract %slice3A_118[0] : f32 from vector<1xf32>
        %mul3A_120 = vector.broadcast %squeeze3A_119 : f32 to vector<16xf32>
        %mul3A_121 = arith.mulf %get3A_117, %mul3A_120 : vector<16xf32>
        %add3A_122 = arith.addf %mul3A_65, %mul3A_73 : vector<16xf32>
        %add3A_123 = arith.addf %mul3A_81, %mul3A_89 : vector<16xf32>
        %add3A_124 = arith.addf %add3A_122, %add3A_123 : vector<16xf32>
        %add3A_125 = arith.addf %mul3A_97, %mul3A_105 : vector<16xf32>
        %add3A_126 = arith.addf %mul3A_113, %mul3A_121 : vector<16xf32>
        %add3A_127 = arith.addf %add3A_125, %add3A_126 : vector<16xf32>
        %add3A_128 = arith.addf %add3A_124, %add3A_127 : vector<16xf32>
        %get3A_129 = arith.index_cast %scan3A_56 : i32 to index
        %get3A_130 = arith.constant 128 : index
        %get3A_131 = tpu.vector_load %arg9[%get3A_129, %get3A_130] {strides = array<i32>} : memref<16x2048xf32, #tpu.memory_space<vmem>>, vector<1x16xf32>,
        %get3A_132 = vector.shape_cast %get3A_131 : vector<1x16xf32> to vector<16xf32>
        %slice3A_133 = vector.extract_strided_slice %get3A_59 {offsets = [8], sizes = [1], strides = [1]} : vector<16xf32> to vector<1xf32>
        %squeeze3A_134 = vector.extract %slice3A_133[0] : f32 from vector<1xf32>
        %mul3A_135 = vector.broadcast %squeeze3A_134 : f32 to vector<16xf32>
        %mul3A_136 = arith.mulf %get3A_132, %mul3A_135 : vector<16xf32>
        %get3A_137 = arith.index_cast %scan3A_56 : i32 to index
        %get3A_138 = arith.constant 144 : index
        %get3A_139 = tpu.vector_load %arg9[%get3A_137, %get3A_138] {strides = array<i32>} : memref<16x2048xf32, #tpu.memory_space<vmem>>, vector<1x16xf32>,
        %get3A_140 = vector.shape_cast %get3A_139 : vector<1x16xf32> to vector<16xf32>
        %slice3A_141 = vector.extract_strided_slice %get3A_59 {offsets = [9], sizes = [1], strides = [1]} : vector<16xf32> to vector<1xf32>
        %squeeze3A_142 = vector.extract %slice3A_141[0] : f32 from vector<1xf32>
        %mul3A_143 = vector.broadcast %squeeze3A_142 : f32 to vector<16xf32>
        %mul3A_144 = arith.mulf %get3A_140, %mul3A_143 : vector<16xf32>
        %get3A_145 = arith.index_cast %scan3A_56 : i32 to index
        %get3A_146 = arith.constant 160 : index
        %get3A_147 = tpu.vector_load %arg9[%get3A_145, %get3A_146] {strides = array<i32>} : memref<16x2048xf32, #tpu.memory_space<vmem>>, vector<1x16xf32>,
        %get3A_148 = vector.shape_cast %get3A_147 : vector<1x16xf32> to vector<16xf32>
        %slice3A_149 = vector.extract_strided_slice %get3A_59 {offsets = [10], sizes = [1], strides = [1]} : vector<16xf32> to vector<1xf32>
        %squeeze3A_150 = vector.extract %slice3A_149[0] : f32 from vector<1xf32>
        %mul3A_151 = vector.broadcast %squeeze3A_150 : f32 to vector<16xf32>
        %mul3A_152 = arith.mulf %get3A_148, %mul3A_151 : vector<16xf32>
        %get3A_153 = arith.index_cast %scan3A_56 : i32 to index
        %get3A_154 = arith.constant 176 : index
        %get3A_155 = tpu.vector_load %arg9[%get3A_153, %get3A_154] {strides = array<i32>} : memref<16x2048xf32, #tpu.memory_space<vmem>>, vector<1x16xf32>,
        %get3A_156 = vector.shape_cast %get3A_155 : vector<1x16xf32> to vector<16xf32>
        %slice3A_157 = vector.extract_strided_slice %get3A_59 {offsets = [11], sizes = [1], strides = [1]} : vector<16xf32> to vector<1xf32>
        %squeeze3A_158 = vector.extract %slice3A_157[0] : f32 from vector<1xf32>
        %mul3A_159 = vector.broadcast %squeeze3A_158 : f32 to vector<16xf32>
        %mul3A_160 = arith.mulf %get3A_156, %mul3A_159 : vector<16xf32>
        %get3A_161 = arith.index_cast %scan3A_56 : i32 to index
        %get3A_162 = arith.constant 192 : index
        %get3A_163 = tpu.vector_load %arg9[%get3A_161, %get3A_162] {strides = array<i32>} : memref<16x2048xf32, #tpu.memory_space<vmem>>, vector<1x16xf32>,
        %get3A_164 = vector.shape_cast %get3A_163 : vector<1x16xf32> to vector<16xf32>
        %slice3A_165 = vector.extract_strided_slice %get3A_59 {offsets = [12], sizes = [1], strides = [1]} : vector<16xf32> to vector<1xf32>
        %squeeze3A_166 = vector.extract %slice3A_165[0] : f32 from vector<1xf32>
        %mul3A_167 = vector.broadcast %squeeze3A_166 : f32 to vector<16xf32>
        %mul3A_168 = arith.mulf %get3A_164, %mul3A_167 : vector<16xf32>
        %get3A_169 = arith.index_cast %scan3A_56 : i32 to index
        %get3A_170 = arith.constant 208 : index
        %get3A_171 = tpu.vector_load %arg9[%get3A_169, %get3A_170] {strides = array<i32>} : memref<16x2048xf32, #tpu.memory_space<vmem>>, vector<1x16xf32>,
        %get3A_172 = vector.shape_cast %get3A_171 : vector<1x16xf32> to vector<16xf32>
        %slice3A_173 = vector.extract_strided_slice %get3A_59 {offsets = [13], sizes = [1], strides = [1]} : vector<16xf32> to vector<1xf32>
        %squeeze3A_174 = vector.extract %slice3A_173[0] : f32 from vector<1xf32>
        %mul3A_175 = vector.broadcast %squeeze3A_174 : f32 to vector<16xf32>
        %mul3A_176 = arith.mulf %get3A_172, %mul3A_175 : vector<16xf32>
        %get3A_177 = arith.index_cast %scan3A_56 : i32 to index
        %get3A_178 = arith.constant 224 : index
        %get3A_179 = tpu.vector_load %arg9[%get3A_177, %get3A_178] {strides = array<i32>} : memref<16x2048xf32, #tpu.memory_space<vmem>>, vector<1x16xf32>,
        %get3A_180 = vector.shape_cast %get3A_179 : vector<1x16xf32> to vector<16xf32>
        %slice3A_181 = vector.extract_strided_slice %get3A_59 {offsets = [14], sizes = [1], strides = [1]} : vector<16xf32> to vector<1xf32>
        %squeeze3A_182 = vector.extract %slice3A_181[0] : f32 from vector<1xf32>
        %mul3A_183 = vector.broadcast %squeeze3A_182 : f32 to vector<16xf32>
        %mul3A_184 = arith.mulf %get3A_180, %mul3A_183 : vector<16xf32>
        %get3A_185 = arith.index_cast %scan3A_56 : i32 to index
        %get3A_186 = arith.constant 240 : index
        %get3A_187 = tpu.vector_load %arg9[%get3A_185, %get3A_186] {strides = array<i32>} : memref<16x2048xf32, #tpu.memory_space<vmem>>, vector<1x16xf32>,
        %get3A_188 = vector.shape_cast %get3A_187 : vector<1x16xf32> to vector<16xf32>
        %slice3A_189 = vector.extract_strided_slice %get3A_59 {offsets = [15], sizes = [1], strides = [1]} : vector<16xf32> to vector<1xf32>
        %squeeze3A_190 = vector.extract %slice3A_189[0] : f32 from vector<1xf32>
        %mul3A_191 = vector.broadcast %squeeze3A_190 : f32 to vector<16xf32>
        %mul3A_192 = arith.mulf %get3A_188, %mul3A_191 : vector<16xf32>
        %add3A_193 = arith.addf %mul3A_136, %mul3A_144 : vector<16xf32>
        %add3A_194 = arith.addf %mul3A_152, %mul3A_160 : vector<16xf32>
        %add3A_195 = arith.addf %add3A_193, %add3A_194 : vector<16xf32>
        %add3A_196 = arith.addf %mul3A_168, %mul3A_176 : vector<16xf32>
        %add3A_197 = arith.addf %mul3A_184, %mul3A_192 : vector<16xf32>
        %add3A_198 = arith.addf %add3A_196, %add3A_197 : vector<16xf32>
        %add3A_199 = arith.addf %add3A_195, %add3A_198 : vector<16xf32>
        %add3A_200 = arith.addf %add3A_128, %add3A_199 : vector<16xf32>
        %get3A_201 = arith.index_cast %add3A_49 : i32 to index
        %get3A_202 = arith.constant 16 : index
        %get3A_203 = tpu.vector_load %arg7[%get3A_201, %get3A_202] {strides = array<i32>} : memref<64x128xf32, #tpu.memory_space<vmem>>, vector<1x16xf32>,
        %get3A_204 = vector.shape_cast %get3A_203 : vector<1x16xf32> to vector<16xf32>
        %get3A_205 = arith.index_cast %scan3A_56 : i32 to index
        %get3A_206 = arith.constant 256 : index
        %get3A_207 = tpu.vector_load %arg9[%get3A_205, %get3A_206] {strides = array<i32>} : memref<16x2048xf32, #tpu.memory_space<vmem>>, vector<1x16xf32>,
        %get3A_208 = vector.shape_cast %get3A_207 : vector<1x16xf32> to vector<16xf32>
        %slice3A_209 = vector.extract_strided_slice %get3A_204 {offsets = [0], sizes = [1], strides = [1]} : vector<16xf32> to vector<1xf32>
        %squeeze3A_210 = vector.extract %slice3A_209[0] : f32 from vector<1xf32>
        %mul3A_211 = vector.broadcast %squeeze3A_210 : f32 to vector<16xf32>
        %mul3A_212 = arith.mulf %get3A_208, %mul3A_211 : vector<16xf32>
        %get3A_213 = arith.index_cast %scan3A_56 : i32 to index
        %get3A_214 = arith.constant 272 : index
        %get3A_215 = tpu.vector_load %arg9[%get3A_213, %get3A_214] {strides = array<i32>} : memref<16x2048xf32, #tpu.memory_space<vmem>>, vector<1x16xf32>,
        %get3A_216 = vector.shape_cast %get3A_215 : vector<1x16xf32> to vector<16xf32>
        %slice3A_217 = vector.extract_strided_slice %get3A_204 {offsets = [1], sizes = [1], strides = [1]} : vector<16xf32> to vector<1xf32>
        %squeeze3A_218 = vector.extract %slice3A_217[0] : f32 from vector<1xf32>
        %mul3A_219 = vector.broadcast %squeeze3A_218 : f32 to vector<16xf32>
        %mul3A_220 = arith.mulf %get3A_216, %mul3A_219 : vector<16xf32>
        %get3A_221 = arith.index_cast %scan3A_56 : i32 to index
        %get3A_222 = arith.constant 288 : index
        %get3A_223 = tpu.vector_load %arg9[%get3A_221, %get3A_222] {strides = array<i32>} : memref<16x2048xf32, #tpu.memory_space<vmem>>, vector<1x16xf32>,
        %get3A_224 = vector.shape_cast %get3A_223 : vector<1x16xf32> to vector<16xf32>
        %slice3A_225 = vector.extract_strided_slice %get3A_204 {offsets = [2], sizes = [1], strides = [1]} : vector<16xf32> to vector<1xf32>
        %squeeze3A_226 = vector.extract %slice3A_225[0] : f32 from vector<1xf32>
        %mul3A_227 = vector.broadcast %squeeze3A_226 : f32 to vector<16xf32>
        %mul3A_228 = arith.mulf %get3A_224, %mul3A_227 : vector<16xf32>
        %get3A_229 = arith.index_cast %scan3A_56 : i32 to index
        %get3A_230 = arith.constant 304 : index
        %get3A_231 = tpu.vector_load %arg9[%get3A_229, %get3A_230] {strides = array<i32>} : memref<16x2048xf32, #tpu.memory_space<vmem>>, vector<1x16xf32>,
        %get3A_232 = vector.shape_cast %get3A_231 : vector<1x16xf32> to vector<16xf32>
        %slice3A_233 = vector.extract_strided_slice %get3A_204 {offsets = [3], sizes = [1], strides = [1]} : vector<16xf32> to vector<1xf32>
        %squeeze3A_234 = vector.extract %slice3A_233[0] : f32 from vector<1xf32>
        %mul3A_235 = vector.broadcast %squeeze3A_234 : f32 to vector<16xf32>
        %mul3A_236 = arith.mulf %get3A_232, %mul3A_235 : vector<16xf32>
        %get3A_237 = arith.index_cast %scan3A_56 : i32 to index
        %get3A_238 = arith.constant 320 : index
        %get3A_239 = tpu.vector_load %arg9[%get3A_237, %get3A_238] {strides = array<i32>} : memref<16x2048xf32, #tpu.memory_space<vmem>>, vector<1x16xf32>,
        %get3A_240 = vector.shape_cast %get3A_239 : vector<1x16xf32> to vector<16xf32>
        %slice3A_241 = vector.extract_strided_slice %get3A_204 {offsets = [4], sizes = [1], strides = [1]} : vector<16xf32> to vector<1xf32>
        %squeeze3A_242 = vector.extract %slice3A_241[0] : f32 from vector<1xf32>
        %mul3A_243 = vector.broadcast %squeeze3A_242 : f32 to vector<16xf32>
        %mul3A_244 = arith.mulf %get3A_240, %mul3A_243 : vector<16xf32>
        %get3A_245 = arith.index_cast %scan3A_56 : i32 to index
        %get3A_246 = arith.constant 336 : index
        %get3A_247 = tpu.vector_load %arg9[%get3A_245, %get3A_246] {strides = array<i32>} : memref<16x2048xf32, #tpu.memory_space<vmem>>, vector<1x16xf32>,
        %get3A_248 = vector.shape_cast %get3A_247 : vector<1x16xf32> to vector<16xf32>
        %slice3A_249 = vector.extract_strided_slice %get3A_204 {offsets = [5], sizes = [1], strides = [1]} : vector<16xf32> to vector<1xf32>
        %squeeze3A_250 = vector.extract %slice3A_249[0] : f32 from vector<1xf32>
        %mul3A_251 = vector.broadcast %squeeze3A_250 : f32 to vector<16xf32>
        %mul3A_252 = arith.mulf %get3A_248, %mul3A_251 : vector<16xf32>
        %get3A_253 = arith.index_cast %scan3A_56 : i32 to index
        %get3A_254 = arith.constant 352 : index
        %get3A_255 = tpu.vector_load %arg9[%get3A_253, %get3A_254] {strides = array<i32>} : memref<16x2048xf32, #tpu.memory_space<vmem>>, vector<1x16xf32>,
        %get3A_256 = vector.shape_cast %get3A_255 : vector<1x16xf32> to vector<16xf32>
        %slice3A_257 = vector.extract_strided_slice %get3A_204 {offsets = [6], sizes = [1], strides = [1]} : vector<16xf32> to vector<1xf32>
        %squeeze3A_258 = vector.extract %slice3A_257[0] : f32 from vector<1xf32>
        %mul3A_259 = vector.broadcast %squeeze3A_258 : f32 to vector<16xf32>
        %mul3A_260 = arith.mulf %get3A_256, %mul3A_259 : vector<16xf32>
        %get3A_261 = arith.index_cast %scan3A_56 : i32 to index
        %get3A_262 = arith.constant 368 : index
        %get3A_263 = tpu.vector_load %arg9[%get3A_261, %get3A_262] {strides = array<i32>} : memref<16x2048xf32, #tpu.memory_space<vmem>>, vector<1x16xf32>,
        %get3A_264 = vector.shape_cast %get3A_263 : vector<1x16xf32> to vector<16xf32>
        %slice3A_265 = vector.extract_strided_slice %get3A_204 {offsets = [7], sizes = [1], strides = [1]} : vector<16xf32> to vector<1xf32>
        %squeeze3A_266 = vector.extract %slice3A_265[0] : f32 from vector<1xf32>
        %mul3A_267 = vector.broadcast %squeeze3A_266 : f32 to vector<16xf32>
        %mul3A_268 = arith.mulf %get3A_264, %mul3A_267 : vector<16xf32>
        %add3A_269 = arith.addf %mul3A_212, %mul3A_220 : vector<16xf32>
        %add3A_270 = arith.addf %mul3A_228, %mul3A_236 : vector<16xf32>
        %add3A_271 = arith.addf %add3A_269, %add3A_270 : vector<16xf32>
        %add3A_272 = arith.addf %mul3A_244, %mul3A_252 : vector<16xf32>
        %add3A_273 = arith.addf %mul3A_260, %mul3A_268 : vector<16xf32>
        %add3A_274 = arith.addf %add3A_272, %add3A_273 : vector<16xf32>
        %add3A_275 = arith.addf %add3A_271, %add3A_274 : vector<16xf32>
        %add3A_276 = arith.addf %add3A_200, %add3A_275 : vector<16xf32>
        %get3A_277 = arith.index_cast %scan3A_56 : i32 to index
        %get3A_278 = arith.constant 384 : index
        %get3A_279 = tpu.vector_load %arg9[%get3A_277, %get3A_278] {strides = array<i32>} : memref<16x2048xf32, #tpu.memory_space<vmem>>, vector<1x16xf32>,
        %get3A_280 = vector.shape_cast %get3A_279 : vector<1x16xf32> to vector<16xf32>
        %slice3A_281 = vector.extract_strided_slice %get3A_204 {offsets = [8], sizes = [1], strides = [1]} : vector<16xf32> to vector<1xf32>
        %squeeze3A_282 = vector.extract %slice3A_281[0] : f32 from vector<1xf32>
        %mul3A_283 = vector.broadcast %squeeze3A_282 : f32 to vector<16xf32>
        %mul3A_284 = arith.mulf %get3A_280, %mul3A_283 : vector<16xf32>
        %get3A_285 = arith.index_cast %scan3A_56 : i32 to index
        %get3A_286 = arith.constant 400 : index
        %get3A_287 = tpu.vector_load %arg9[%get3A_285, %get3A_286] {strides = array<i32>} : memref<16x2048xf32, #tpu.memory_space<vmem>>, vector<1x16xf32>,
        %get3A_288 = vector.shape_cast %get3A_287 : vector<1x16xf32> to vector<16xf32>
        %slice3A_289 = vector.extract_strided_slice %get3A_204 {offsets = [9], sizes = [1], strides = [1]} : vector<16xf32> to vector<1xf32>
        %squeeze3A_290 = vector.extract %slice3A_289[0] : f32 from vector<1xf32>
        %mul3A_291 = vector.broadcast %squeeze3A_290 : f32 to vector<16xf32>
        %mul3A_292 = arith.mulf %get3A_288, %mul3A_291 : vector<16xf32>
        %get3A_293 = arith.index_cast %scan3A_56 : i32 to index
        %get3A_294 = arith.constant 416 : index
        %get3A_295 = tpu.vector_load %arg9[%get3A_293, %get3A_294] {strides = array<i32>} : memref<16x2048xf32, #tpu.memory_space<vmem>>, vector<1x16xf32>,
        %get3A_296 = vector.shape_cast %get3A_295 : vector<1x16xf32> to vector<16xf32>
        %slice3A_297 = vector.extract_strided_slice %get3A_204 {offsets = [10], sizes = [1], strides = [1]} : vector<16xf32> to vector<1xf32>
        %squeeze3A_298 = vector.extract %slice3A_297[0] : f32 from vector<1xf32>
        %mul3A_299 = vector.broadcast %squeeze3A_298 : f32 to vector<16xf32>
        %mul3A_300 = arith.mulf %get3A_296, %mul3A_299 : vector<16xf32>
        %get3A_301 = arith.index_cast %scan3A_56 : i32 to index
        %get3A_302 = arith.constant 432 : index
        %get3A_303 = tpu.vector_load %arg9[%get3A_301, %get3A_302] {strides = array<i32>} : memref<16x2048xf32, #tpu.memory_space<vmem>>, vector<1x16xf32>,
        %get3A_304 = vector.shape_cast %get3A_303 : vector<1x16xf32> to vector<16xf32>
        %slice3A_305 = vector.extract_strided_slice %get3A_204 {offsets = [11], sizes = [1], strides = [1]} : vector<16xf32> to vector<1xf32>
        %squeeze3A_306 = vector.extract %slice3A_305[0] : f32 from vector<1xf32>
        %mul3A_307 = vector.broadcast %squeeze3A_306 : f32 to vector<16xf32>
        %mul3A_308 = arith.mulf %get3A_304, %mul3A_307 : vector<16xf32>
        %get3A_309 = arith.index_cast %scan3A_56 : i32 to index
        %get3A_310 = arith.constant 448 : index
        %get3A_311 = tpu.vector_load %arg9[%get3A_309, %get3A_310] {strides = array<i32>} : memref<16x2048xf32, #tpu.memory_space<vmem>>, vector<1x16xf32>,
        %get3A_312 = vector.shape_cast %get3A_311 : vector<1x16xf32> to vector<16xf32>
        %slice3A_313 = vector.extract_strided_slice %get3A_204 {offsets = [12], sizes = [1], strides = [1]} : vector<16xf32> to vector<1xf32>
        %squeeze3A_314 = vector.extract %slice3A_313[0] : f32 from vector<1xf32>
        %mul3A_315 = vector.broadcast %squeeze3A_314 : f32 to vector<16xf32>
        %mul3A_316 = arith.mulf %get3A_312, %mul3A_315 : vector<16xf32>
        %get3A_317 = arith.index_cast %scan3A_56 : i32 to index
        %get3A_318 = arith.constant 464 : index
        %get3A_319 = tpu.vector_load %arg9[%get3A_317, %get3A_318] {strides = array<i32>} : memref<16x2048xf32, #tpu.memory_space<vmem>>, vector<1x16xf32>,
        %get3A_320 = vector.shape_cast %get3A_319 : vector<1x16xf32> to vector<16xf32>
        %slice3A_321 = vector.extract_strided_slice %get3A_204 {offsets = [13], sizes = [1], strides = [1]} : vector<16xf32> to vector<1xf32>
        %squeeze3A_322 = vector.extract %slice3A_321[0] : f32 from vector<1xf32>
        %mul3A_323 = vector.broadcast %squeeze3A_322 : f32 to vector<16xf32>
        %mul3A_324 = arith.mulf %get3A_320, %mul3A_323 : vector<16xf32>
        %get3A_325 = arith.index_cast %scan3A_56 : i32 to index
        %get3A_326 = arith.constant 480 : index
        %get3A_327 = tpu.vector_load %arg9[%get3A_325, %get3A_326] {strides = array<i32>} : memref<16x2048xf32, #tpu.memory_space<vmem>>, vector<1x16xf32>,
        %get3A_328 = vector.shape_cast %get3A_327 : vector<1x16xf32> to vector<16xf32>
        %slice3A_329 = vector.extract_strided_slice %get3A_204 {offsets = [14], sizes = [1], strides = [1]} : vector<16xf32> to vector<1xf32>
        %squeeze3A_330 = vector.extract %slice3A_329[0] : f32 from vector<1xf32>
        %mul3A_331 = vector.broadcast %squeeze3A_330 : f32 to vector<16xf32>
        %mul3A_332 = arith.mulf %get3A_328, %mul3A_331 : vector<16xf32>
        %get3A_333 = arith.index_cast %scan3A_56 : i32 to index
        %get3A_334 = arith.constant 496 : index
        %get3A_335 = tpu.vector_load %arg9[%get3A_333, %get3A_334] {strides = array<i32>} : memref<16x2048xf32, #tpu.memory_space<vmem>>, vector<1x16xf32>,
        %get3A_336 = vector.shape_cast %get3A_335 : vector<1x16xf32> to vector<16xf32>
        %slice3A_337 = vector.extract_strided_slice %get3A_204 {offsets = [15], sizes = [1], strides = [1]} : vector<16xf32> to vector<1xf32>
        %squeeze3A_338 = vector.extract %slice3A_337[0] : f32 from vector<1xf32>
        %mul3A_339 = vector.broadcast %squeeze3A_338 : f32 to vector<16xf32>
        %mul3A_340 = arith.mulf %get3A_336, %mul3A_339 : vector<16xf32>
        %add3A_341 = arith.addf %mul3A_284, %mul3A_292 : vector<16xf32>
        %add3A_342 = arith.addf %mul3A_300, %mul3A_308 : vector<16xf32>
        %add3A_343 = arith.addf %add3A_341, %add3A_342 : vector<16xf32>
        %add3A_344 = arith.addf %mul3A_316, %mul3A_324 : vector<16xf32>
        %add3A_345 = arith.addf %mul3A_332, %mul3A_340 : vector<16xf32>
        %add3A_346 = arith.addf %add3A_344, %add3A_345 : vector<16xf32>
        %add3A_347 = arith.addf %add3A_343, %add3A_346 : vector<16xf32>
        %add3A_348 = arith.addf %add3A_276, %add3A_347 : vector<16xf32>
        %get3A_349 = arith.index_cast %add3A_49 : i32 to index
        %get3A_350 = arith.constant 32 : index
        %get3A_351 = tpu.vector_load %arg7[%get3A_349, %get3A_350] {strides = array<i32>} : memref<64x128xf32, #tpu.memory_space<vmem>>, vector<1x16xf32>,
        %get3A_352 = vector.shape_cast %get3A_351 : vector<1x16xf32> to vector<16xf32>
        %get3A_353 = arith.index_cast %scan3A_56 : i32 to index
        %get3A_354 = arith.constant 512 : index
        %get3A_355 = tpu.vector_load %arg9[%get3A_353, %get3A_354] {strides = array<i32>} : memref<16x2048xf32, #tpu.memory_space<vmem>>, vector<1x16xf32>,
        %get3A_356 = vector.shape_cast %get3A_355 : vector<1x16xf32> to vector<16xf32>
        %slice3A_357 = vector.extract_strided_slice %get3A_352 {offsets = [0], sizes = [1], strides = [1]} : vector<16xf32> to vector<1xf32>
        %squeeze3A_358 = vector.extract %slice3A_357[0] : f32 from vector<1xf32>
        %mul3A_359 = vector.broadcast %squeeze3A_358 : f32 to vector<16xf32>
        %mul3A_360 = arith.mulf %get3A_356, %mul3A_359 : vector<16xf32>
        %get3A_361 = arith.index_cast %scan3A_56 : i32 to index
        %get3A_362 = arith.constant 528 : index
        %get3A_363 = tpu.vector_load %arg9[%get3A_361, %get3A_362] {strides = array<i32>} : memref<16x2048xf32, #tpu.memory_space<vmem>>, vector<1x16xf32>,
        %get3A_364 = vector.shape_cast %get3A_363 : vector<1x16xf32> to vector<16xf32>
        %slice3A_365 = vector.extract_strided_slice %get3A_352 {offsets = [1], sizes = [1], strides = [1]} : vector<16xf32> to vector<1xf32>
        %squeeze3A_366 = vector.extract %slice3A_365[0] : f32 from vector<1xf32>
        %mul3A_367 = vector.broadcast %squeeze3A_366 : f32 to vector<16xf32>
        %mul3A_368 = arith.mulf %get3A_364, %mul3A_367 : vector<16xf32>
        %get3A_369 = arith.index_cast %scan3A_56 : i32 to index
        %get3A_370 = arith.constant 544 : index
        %get3A_371 = tpu.vector_load %arg9[%get3A_369, %get3A_370] {strides = array<i32>} : memref<16x2048xf32, #tpu.memory_space<vmem>>, vector<1x16xf32>,
        %get3A_372 = vector.shape_cast %get3A_371 : vector<1x16xf32> to vector<16xf32>
        %slice3A_373 = vector.extract_strided_slice %get3A_352 {offsets = [2], sizes = [1], strides = [1]} : vector<16xf32> to vector<1xf32>
        %squeeze3A_374 = vector.extract %slice3A_373[0] : f32 from vector<1xf32>
        %mul3A_375 = vector.broadcast %squeeze3A_374 : f32 to vector<16xf32>
        %mul3A_376 = arith.mulf %get3A_372, %mul3A_375 : vector<16xf32>
        %get3A_377 = arith.index_cast %scan3A_56 : i32 to index
        %get3A_378 = arith.constant 560 : index
        %get3A_379 = tpu.vector_load %arg9[%get3A_377, %get3A_378] {strides = array<i32>} : memref<16x2048xf32, #tpu.memory_space<vmem>>, vector<1x16xf32>,
        %get3A_380 = vector.shape_cast %get3A_379 : vector<1x16xf32> to vector<16xf32>
        %slice3A_381 = vector.extract_strided_slice %get3A_352 {offsets = [3], sizes = [1], strides = [1]} : vector<16xf32> to vector<1xf32>
        %squeeze3A_382 = vector.extract %slice3A_381[0] : f32 from vector<1xf32>
        %mul3A_383 = vector.broadcast %squeeze3A_382 : f32 to vector<16xf32>
        %mul3A_384 = arith.mulf %get3A_380, %mul3A_383 : vector<16xf32>
        %get3A_385 = arith.index_cast %scan3A_56 : i32 to index
        %get3A_386 = arith.constant 576 : index
        %get3A_387 = tpu.vector_load %arg9[%get3A_385, %get3A_386] {strides = array<i32>} : memref<16x2048xf32, #tpu.memory_space<vmem>>, vector<1x16xf32>,
        %get3A_388 = vector.shape_cast %get3A_387 : vector<1x16xf32> to vector<16xf32>
        %slice3A_389 = vector.extract_strided_slice %get3A_352 {offsets = [4], sizes = [1], strides = [1]} : vector<16xf32> to vector<1xf32>
        %squeeze3A_390 = vector.extract %slice3A_389[0] : f32 from vector<1xf32>
        %mul3A_391 = vector.broadcast %squeeze3A_390 : f32 to vector<16xf32>
        %mul3A_392 = arith.mulf %get3A_388, %mul3A_391 : vector<16xf32>
        %get3A_393 = arith.index_cast %scan3A_56 : i32 to index
        %get3A_394 = arith.constant 592 : index
        %get3A_395 = tpu.vector_load %arg9[%get3A_393, %get3A_394] {strides = array<i32>} : memref<16x2048xf32, #tpu.memory_space<vmem>>, vector<1x16xf32>,
        %get3A_396 = vector.shape_cast %get3A_395 : vector<1x16xf32> to vector<16xf32>
        %slice3A_397 = vector.extract_strided_slice %get3A_352 {offsets = [5], sizes = [1], strides = [1]} : vector<16xf32> to vector<1xf32>
        %squeeze3A_398 = vector.extract %slice3A_397[0] : f32 from vector<1xf32>
        %mul3A_399 = vector.broadcast %squeeze3A_398 : f32 to vector<16xf32>
        %mul3A_400 = arith.mulf %get3A_396, %mul3A_399 : vector<16xf32>
        %get3A_401 = arith.index_cast %scan3A_56 : i32 to index
        %get3A_402 = arith.constant 608 : index
        %get3A_403 = tpu.vector_load %arg9[%get3A_401, %get3A_402] {strides = array<i32>} : memref<16x2048xf32, #tpu.memory_space<vmem>>, vector<1x16xf32>,
        %get3A_404 = vector.shape_cast %get3A_403 : vector<1x16xf32> to vector<16xf32>
        %slice3A_405 = vector.extract_strided_slice %get3A_352 {offsets = [6], sizes = [1], strides = [1]} : vector<16xf32> to vector<1xf32>
        %squeeze3A_406 = vector.extract %slice3A_405[0] : f32 from vector<1xf32>
        %mul3A_407 = vector.broadcast %squeeze3A_406 : f32 to vector<16xf32>
        %mul3A_408 = arith.mulf %get3A_404, %mul3A_407 : vector<16xf32>
        %get3A_409 = arith.index_cast %scan3A_56 : i32 to index
        %get3A_410 = arith.constant 624 : index
        %get3A_411 = tpu.vector_load %arg9[%get3A_409, %get3A_410] {strides = array<i32>} : memref<16x2048xf32, #tpu.memory_space<vmem>>, vector<1x16xf32>,
        %get3A_412 = vector.shape_cast %get3A_411 : vector<1x16xf32> to vector<16xf32>
        %slice3A_413 = vector.extract_strided_slice %get3A_352 {offsets = [7], sizes = [1], strides = [1]} : vector<16xf32> to vector<1xf32>
        %squeeze3A_414 = vector.extract %slice3A_413[0] : f32 from vector<1xf32>
        %mul3A_415 = vector.broadcast %squeeze3A_414 : f32 to vector<16xf32>
        %mul3A_416 = arith.mulf %get3A_412, %mul3A_415 : vector<16xf32>
        %add3A_417 = arith.addf %mul3A_360, %mul3A_368 : vector<16xf32>
        %add3A_418 = arith.addf %mul3A_376, %mul3A_384 : vector<16xf32>
        %add3A_419 = arith.addf %add3A_417, %add3A_418 : vector<16xf32>
        %add3A_420 = arith.addf %mul3A_392, %mul3A_400 : vector<16xf32>
        %add3A_421 = arith.addf %mul3A_408, %mul3A_416 : vector<16xf32>
        %add3A_422 = arith.addf %add3A_420, %add3A_421 : vector<16xf32>
        %add3A_423 = arith.addf %add3A_419, %add3A_422 : vector<16xf32>
        %add3A_424 = arith.addf %add3A_348, %add3A_423 : vector<16xf32>
        %get3A_425 = arith.index_cast %scan3A_56 : i32 to index
        %get3A_426 = arith.constant 640 : index
        %get3A_427 = tpu.vector_load %arg9[%get3A_425, %get3A_426] {strides = array<i32>} : memref<16x2048xf32, #tpu.memory_space<vmem>>, vector<1x16xf32>,
        %get3A_428 = vector.shape_cast %get3A_427 : vector<1x16xf32> to vector<16xf32>
        %slice3A_429 = vector.extract_strided_slice %get3A_352 {offsets = [8], sizes = [1], strides = [1]} : vector<16xf32> to vector<1xf32>
        %squeeze3A_430 = vector.extract %slice3A_429[0] : f32 from vector<1xf32>
        %mul3A_431 = vector.broadcast %squeeze3A_430 : f32 to vector<16xf32>
        %mul3A_432 = arith.mulf %get3A_428, %mul3A_431 : vector<16xf32>
        %get3A_433 = arith.index_cast %scan3A_56 : i32 to index
        %get3A_434 = arith.constant 656 : index
        %get3A_435 = tpu.vector_load %arg9[%get3A_433, %get3A_434] {strides = array<i32>} : memref<16x2048xf32, #tpu.memory_space<vmem>>, vector<1x16xf32>,
        %get3A_436 = vector.shape_cast %get3A_435 : vector<1x16xf32> to vector<16xf32>
        %slice3A_437 = vector.extract_strided_slice %get3A_352 {offsets = [9], sizes = [1], strides = [1]} : vector<16xf32> to vector<1xf32>
        %squeeze3A_438 = vector.extract %slice3A_437[0] : f32 from vector<1xf32>
        %mul3A_439 = vector.broadcast %squeeze3A_438 : f32 to vector<16xf32>
        %mul3A_440 = arith.mulf %get3A_436, %mul3A_439 : vector<16xf32>
        %get3A_441 = arith.index_cast %scan3A_56 : i32 to index
        %get3A_442 = arith.constant 672 : index
        %get3A_443 = tpu.vector_load %arg9[%get3A_441, %get3A_442] {strides = array<i32>} : memref<16x2048xf32, #tpu.memory_space<vmem>>, vector<1x16xf32>,
        %get3A_444 = vector.shape_cast %get3A_443 : vector<1x16xf32> to vector<16xf32>
        %slice3A_445 = vector.extract_strided_slice %get3A_352 {offsets = [10], sizes = [1], strides = [1]} : vector<16xf32> to vector<1xf32>
        %squeeze3A_446 = vector.extract %slice3A_445[0] : f32 from vector<1xf32>
        %mul3A_447 = vector.broadcast %squeeze3A_446 : f32 to vector<16xf32>
        %mul3A_448 = arith.mulf %get3A_444, %mul3A_447 : vector<16xf32>
        %get3A_449 = arith.index_cast %scan3A_56 : i32 to index
        %get3A_450 = arith.constant 688 : index
        %get3A_451 = tpu.vector_load %arg9[%get3A_449, %get3A_450] {strides = array<i32>} : memref<16x2048xf32, #tpu.memory_space<vmem>>, vector<1x16xf32>,
        %get3A_452 = vector.shape_cast %get3A_451 : vector<1x16xf32> to vector<16xf32>
        %slice3A_453 = vector.extract_strided_slice %get3A_352 {offsets = [11], sizes = [1], strides = [1]} : vector<16xf32> to vector<1xf32>
        %squeeze3A_454 = vector.extract %slice3A_453[0] : f32 from vector<1xf32>
        %mul3A_455 = vector.broadcast %squeeze3A_454 : f32 to vector<16xf32>
        %mul3A_456 = arith.mulf %get3A_452, %mul3A_455 : vector<16xf32>
        %get3A_457 = arith.index_cast %scan3A_56 : i32 to index
        %get3A_458 = arith.constant 704 : index
        %get3A_459 = tpu.vector_load %arg9[%get3A_457, %get3A_458] {strides = array<i32>} : memref<16x2048xf32, #tpu.memory_space<vmem>>, vector<1x16xf32>,
        %get3A_460 = vector.shape_cast %get3A_459 : vector<1x16xf32> to vector<16xf32>
        %slice3A_461 = vector.extract_strided_slice %get3A_352 {offsets = [12], sizes = [1], strides = [1]} : vector<16xf32> to vector<1xf32>
        %squeeze3A_462 = vector.extract %slice3A_461[0] : f32 from vector<1xf32>
        %mul3A_463 = vector.broadcast %squeeze3A_462 : f32 to vector<16xf32>
        %mul3A_464 = arith.mulf %get3A_460, %mul3A_463 : vector<16xf32>
        %get3A_465 = arith.index_cast %scan3A_56 : i32 to index
        %get3A_466 = arith.constant 720 : index
        %get3A_467 = tpu.vector_load %arg9[%get3A_465, %get3A_466] {strides = array<i32>} : memref<16x2048xf32, #tpu.memory_space<vmem>>, vector<1x16xf32>,
        %get3A_468 = vector.shape_cast %get3A_467 : vector<1x16xf32> to vector<16xf32>
        %slice3A_469 = vector.extract_strided_slice %get3A_352 {offsets = [13], sizes = [1], strides = [1]} : vector<16xf32> to vector<1xf32>
        %squeeze3A_470 = vector.extract %slice3A_469[0] : f32 from vector<1xf32>
        %mul3A_471 = vector.broadcast %squeeze3A_470 : f32 to vector<16xf32>
        %mul3A_472 = arith.mulf %get3A_468, %mul3A_471 : vector<16xf32>
        %get3A_473 = arith.index_cast %scan3A_56 : i32 to index
        %get3A_474 = arith.constant 736 : index
        %get3A_475 = tpu.vector_load %arg9[%get3A_473, %get3A_474] {strides = array<i32>} : memref<16x2048xf32, #tpu.memory_space<vmem>>, vector<1x16xf32>,
        %get3A_476 = vector.shape_cast %get3A_475 : vector<1x16xf32> to vector<16xf32>
        %slice3A_477 = vector.extract_strided_slice %get3A_352 {offsets = [14], sizes = [1], strides = [1]} : vector<16xf32> to vector<1xf32>
        %squeeze3A_478 = vector.extract %slice3A_477[0] : f32 from vector<1xf32>
        %mul3A_479 = vector.broadcast %squeeze3A_478 : f32 to vector<16xf32>
        %mul3A_480 = arith.mulf %get3A_476, %mul3A_479 : vector<16xf32>
        %get3A_481 = arith.index_cast %scan3A_56 : i32 to index
        %get3A_482 = arith.constant 752 : index
        %get3A_483 = tpu.vector_load %arg9[%get3A_481, %get3A_482] {strides = array<i32>} : memref<16x2048xf32, #tpu.memory_space<vmem>>, vector<1x16xf32>,
        %get3A_484 = vector.shape_cast %get3A_483 : vector<1x16xf32> to vector<16xf32>
        %slice3A_485 = vector.extract_strided_slice %get3A_352 {offsets = [15], sizes = [1], strides = [1]} : vector<16xf32> to vector<1xf32>
        %squeeze3A_486 = vector.extract %slice3A_485[0] : f32 from vector<1xf32>
        %mul3A_487 = vector.broadcast %squeeze3A_486 : f32 to vector<16xf32>
        %mul3A_488 = arith.mulf %get3A_484, %mul3A_487 : vector<16xf32>
        %add3A_489 = arith.addf %mul3A_432, %mul3A_440 : vector<16xf32>
        %add3A_490 = arith.addf %mul3A_448, %mul3A_456 : vector<16xf32>
        %add3A_491 = arith.addf %add3A_489, %add3A_490 : vector<16xf32>
        %add3A_492 = arith.addf %mul3A_464, %mul3A_472 : vector<16xf32>
        %add3A_493 = arith.addf %mul3A_480, %mul3A_488 : vector<16xf32>
        %add3A_494 = arith.addf %add3A_492, %add3A_493 : vector<16xf32>
        %add3A_495 = arith.addf %add3A_491, %add3A_494 : vector<16xf32>
        %add3A_496 = arith.addf %add3A_424, %add3A_495 : vector<16xf32>
        %get3A_497 = arith.index_cast %add3A_49 : i32 to index
        %get3A_498 = arith.constant 48 : index
        %get3A_499 = tpu.vector_load %arg7[%get3A_497, %get3A_498] {strides = array<i32>} : memref<64x128xf32, #tpu.memory_space<vmem>>, vector<1x16xf32>,
        %get3A_500 = vector.shape_cast %get3A_499 : vector<1x16xf32> to vector<16xf32>
        %get3A_501 = arith.index_cast %scan3A_56 : i32 to index
        %get3A_502 = arith.constant 768 : index
        %get3A_503 = tpu.vector_load %arg9[%get3A_501, %get3A_502] {strides = array<i32>} : memref<16x2048xf32, #tpu.memory_space<vmem>>, vector<1x16xf32>,
        %get3A_504 = vector.shape_cast %get3A_503 : vector<1x16xf32> to vector<16xf32>
        %slice3A_505 = vector.extract_strided_slice %get3A_500 {offsets = [0], sizes = [1], strides = [1]} : vector<16xf32> to vector<1xf32>
        %squeeze3A_506 = vector.extract %slice3A_505[0] : f32 from vector<1xf32>
        %mul3A_507 = vector.broadcast %squeeze3A_506 : f32 to vector<16xf32>
        %mul3A_508 = arith.mulf %get3A_504, %mul3A_507 : vector<16xf32>
        %get3A_509 = arith.index_cast %scan3A_56 : i32 to index
        %get3A_510 = arith.constant 784 : index
        %get3A_511 = tpu.vector_load %arg9[%get3A_509, %get3A_510] {strides = array<i32>} : memref<16x2048xf32, #tpu.memory_space<vmem>>, vector<1x16xf32>,
        %get3A_512 = vector.shape_cast %get3A_511 : vector<1x16xf32> to vector<16xf32>
        %slice3A_513 = vector.extract_strided_slice %get3A_500 {offsets = [1], sizes = [1], strides = [1]} : vector<16xf32> to vector<1xf32>
        %squeeze3A_514 = vector.extract %slice3A_513[0] : f32 from vector<1xf32>
        %mul3A_515 = vector.broadcast %squeeze3A_514 : f32 to vector<16xf32>
        %mul3A_516 = arith.mulf %get3A_512, %mul3A_515 : vector<16xf32>
        %get3A_517 = arith.index_cast %scan3A_56 : i32 to index
        %get3A_518 = arith.constant 800 : index
        %get3A_519 = tpu.vector_load %arg9[%get3A_517, %get3A_518] {strides = array<i32>} : memref<16x2048xf32, #tpu.memory_space<vmem>>, vector<1x16xf32>,
        %get3A_520 = vector.shape_cast %get3A_519 : vector<1x16xf32> to vector<16xf32>
        %slice3A_521 = vector.extract_strided_slice %get3A_500 {offsets = [2], sizes = [1], strides = [1]} : vector<16xf32> to vector<1xf32>
        %squeeze3A_522 = vector.extract %slice3A_521[0] : f32 from vector<1xf32>
        %mul3A_523 = vector.broadcast %squeeze3A_522 : f32 to vector<16xf32>
        %mul3A_524 = arith.mulf %get3A_520, %mul3A_523 : vector<16xf32>
        %get3A_525 = arith.index_cast %scan3A_56 : i32 to index
        %get3A_526 = arith.constant 816 : index
        %get3A_527 = tpu.vector_load %arg9[%get3A_525, %get3A_526] {strides = array<i32>} : memref<16x2048xf32, #tpu.memory_space<vmem>>, vector<1x16xf32>,
        %get3A_528 = vector.shape_cast %get3A_527 : vector<1x16xf32> to vector<16xf32>
        %slice3A_529 = vector.extract_strided_slice %get3A_500 {offsets = [3], sizes = [1], strides = [1]} : vector<16xf32> to vector<1xf32>
        %squeeze3A_530 = vector.extract %slice3A_529[0] : f32 from vector<1xf32>
        %mul3A_531 = vector.broadcast %squeeze3A_530 : f32 to vector<16xf32>
        %mul3A_532 = arith.mulf %get3A_528, %mul3A_531 : vector<16xf32>
        %get3A_533 = arith.index_cast %scan3A_56 : i32 to index
        %get3A_534 = arith.constant 832 : index
        %get3A_535 = tpu.vector_load %arg9[%get3A_533, %get3A_534] {strides = array<i32>} : memref<16x2048xf32, #tpu.memory_space<vmem>>, vector<1x16xf32>,
        %get3A_536 = vector.shape_cast %get3A_535 : vector<1x16xf32> to vector<16xf32>
        %slice3A_537 = vector.extract_strided_slice %get3A_500 {offsets = [4], sizes = [1], strides = [1]} : vector<16xf32> to vector<1xf32>
        %squeeze3A_538 = vector.extract %slice3A_537[0] : f32 from vector<1xf32>
        %mul3A_539 = vector.broadcast %squeeze3A_538 : f32 to vector<16xf32>
        %mul3A_540 = arith.mulf %get3A_536, %mul3A_539 : vector<16xf32>
        %get3A_541 = arith.index_cast %scan3A_56 : i32 to index
        %get3A_542 = arith.constant 848 : index
        %get3A_543 = tpu.vector_load %arg9[%get3A_541, %get3A_542] {strides = array<i32>} : memref<16x2048xf32, #tpu.memory_space<vmem>>, vector<1x16xf32>,
        %get3A_544 = vector.shape_cast %get3A_543 : vector<1x16xf32> to vector<16xf32>
        %slice3A_545 = vector.extract_strided_slice %get3A_500 {offsets = [5], sizes = [1], strides = [1]} : vector<16xf32> to vector<1xf32>
        %squeeze3A_546 = vector.extract %slice3A_545[0] : f32 from vector<1xf32>
        %mul3A_547 = vector.broadcast %squeeze3A_546 : f32 to vector<16xf32>
        %mul3A_548 = arith.mulf %get3A_544, %mul3A_547 : vector<16xf32>
        %get3A_549 = arith.index_cast %scan3A_56 : i32 to index
        %get3A_550 = arith.constant 864 : index
        %get3A_551 = tpu.vector_load %arg9[%get3A_549, %get3A_550] {strides = array<i32>} : memref<16x2048xf32, #tpu.memory_space<vmem>>, vector<1x16xf32>,
        %get3A_552 = vector.shape_cast %get3A_551 : vector<1x16xf32> to vector<16xf32>
        %slice3A_553 = vector.extract_strided_slice %get3A_500 {offsets = [6], sizes = [1], strides = [1]} : vector<16xf32> to vector<1xf32>
        %squeeze3A_554 = vector.extract %slice3A_553[0] : f32 from vector<1xf32>
        %mul3A_555 = vector.broadcast %squeeze3A_554 : f32 to vector<16xf32>
        %mul3A_556 = arith.mulf %get3A_552, %mul3A_555 : vector<16xf32>
        %get3A_557 = arith.index_cast %scan3A_56 : i32 to index
        %get3A_558 = arith.constant 880 : index
        %get3A_559 = tpu.vector_load %arg9[%get3A_557, %get3A_558] {strides = array<i32>} : memref<16x2048xf32, #tpu.memory_space<vmem>>, vector<1x16xf32>,
        %get3A_560 = vector.shape_cast %get3A_559 : vector<1x16xf32> to vector<16xf32>
        %slice3A_561 = vector.extract_strided_slice %get3A_500 {offsets = [7], sizes = [1], strides = [1]} : vector<16xf32> to vector<1xf32>
        %squeeze3A_562 = vector.extract %slice3A_561[0] : f32 from vector<1xf32>
        %mul3A_563 = vector.broadcast %squeeze3A_562 : f32 to vector<16xf32>
        %mul3A_564 = arith.mulf %get3A_560, %mul3A_563 : vector<16xf32>
        %add3A_565 = arith.addf %mul3A_508, %mul3A_516 : vector<16xf32>
        %add3A_566 = arith.addf %mul3A_524, %mul3A_532 : vector<16xf32>
        %add3A_567 = arith.addf %add3A_565, %add3A_566 : vector<16xf32>
        %add3A_568 = arith.addf %mul3A_540, %mul3A_548 : vector<16xf32>
        %add3A_569 = arith.addf %mul3A_556, %mul3A_564 : vector<16xf32>
        %add3A_570 = arith.addf %add3A_568, %add3A_569 : vector<16xf32>
        %add3A_571 = arith.addf %add3A_567, %add3A_570 : vector<16xf32>
        %add3A_572 = arith.addf %add3A_496, %add3A_571 : vector<16xf32>
        %get3A_573 = arith.index_cast %scan3A_56 : i32 to index
        %get3A_574 = arith.constant 896 : index
        %get3A_575 = tpu.vector_load %arg9[%get3A_573, %get3A_574] {strides = array<i32>} : memref<16x2048xf32, #tpu.memory_space<vmem>>, vector<1x16xf32>,
        %get3A_576 = vector.shape_cast %get3A_575 : vector<1x16xf32> to vector<16xf32>
        %slice3A_577 = vector.extract_strided_slice %get3A_500 {offsets = [8], sizes = [1], strides = [1]} : vector<16xf32> to vector<1xf32>
        %squeeze3A_578 = vector.extract %slice3A_577[0] : f32 from vector<1xf32>
        %mul3A_579 = vector.broadcast %squeeze3A_578 : f32 to vector<16xf32>
        %mul3A_580 = arith.mulf %get3A_576, %mul3A_579 : vector<16xf32>
        %get3A_581 = arith.index_cast %scan3A_56 : i32 to index
        %get3A_582 = arith.constant 912 : index
        %get3A_583 = tpu.vector_load %arg9[%get3A_581, %get3A_582] {strides = array<i32>} : memref<16x2048xf32, #tpu.memory_space<vmem>>, vector<1x16xf32>,
        %get3A_584 = vector.shape_cast %get3A_583 : vector<1x16xf32> to vector<16xf32>
        %slice3A_585 = vector.extract_strided_slice %get3A_500 {offsets = [9], sizes = [1], strides = [1]} : vector<16xf32> to vector<1xf32>
        %squeeze3A_586 = vector.extract %slice3A_585[0] : f32 from vector<1xf32>
        %mul3A_587 = vector.broadcast %squeeze3A_586 : f32 to vector<16xf32>
        %mul3A_588 = arith.mulf %get3A_584, %mul3A_587 : vector<16xf32>
        %get3A_589 = arith.index_cast %scan3A_56 : i32 to index
        %get3A_590 = arith.constant 928 : index
        %get3A_591 = tpu.vector_load %arg9[%get3A_589, %get3A_590] {strides = array<i32>} : memref<16x2048xf32, #tpu.memory_space<vmem>>, vector<1x16xf32>,
        %get3A_592 = vector.shape_cast %get3A_591 : vector<1x16xf32> to vector<16xf32>
        %slice3A_593 = vector.extract_strided_slice %get3A_500 {offsets = [10], sizes = [1], strides = [1]} : vector<16xf32> to vector<1xf32>
        %squeeze3A_594 = vector.extract %slice3A_593[0] : f32 from vector<1xf32>
        %mul3A_595 = vector.broadcast %squeeze3A_594 : f32 to vector<16xf32>
        %mul3A_596 = arith.mulf %get3A_592, %mul3A_595 : vector<16xf32>
        %get3A_597 = arith.index_cast %scan3A_56 : i32 to index
        %get3A_598 = arith.constant 944 : index
        %get3A_599 = tpu.vector_load %arg9[%get3A_597, %get3A_598] {strides = array<i32>} : memref<16x2048xf32, #tpu.memory_space<vmem>>, vector<1x16xf32>,
        %get3A_600 = vector.shape_cast %get3A_599 : vector<1x16xf32> to vector<16xf32>
        %slice3A_601 = vector.extract_strided_slice %get3A_500 {offsets = [11], sizes = [1], strides = [1]} : vector<16xf32> to vector<1xf32>
        %squeeze3A_602 = vector.extract %slice3A_601[0] : f32 from vector<1xf32>
        %mul3A_603 = vector.broadcast %squeeze3A_602 : f32 to vector<16xf32>
        %mul3A_604 = arith.mulf %get3A_600, %mul3A_603 : vector<16xf32>
        %get3A_605 = arith.index_cast %scan3A_56 : i32 to index
        %get3A_606 = arith.constant 960 : index
        %get3A_607 = tpu.vector_load %arg9[%get3A_605, %get3A_606] {strides = array<i32>} : memref<16x2048xf32, #tpu.memory_space<vmem>>, vector<1x16xf32>,
        %get3A_608 = vector.shape_cast %get3A_607 : vector<1x16xf32> to vector<16xf32>
        %slice3A_609 = vector.extract_strided_slice %get3A_500 {offsets = [12], sizes = [1], strides = [1]} : vector<16xf32> to vector<1xf32>
        %squeeze3A_610 = vector.extract %slice3A_609[0] : f32 from vector<1xf32>
        %mul3A_611 = vector.broadcast %squeeze3A_610 : f32 to vector<16xf32>
        %mul3A_612 = arith.mulf %get3A_608, %mul3A_611 : vector<16xf32>
        %get3A_613 = arith.index_cast %scan3A_56 : i32 to index
        %get3A_614 = arith.constant 976 : index
        %get3A_615 = tpu.vector_load %arg9[%get3A_613, %get3A_614] {strides = array<i32>} : memref<16x2048xf32, #tpu.memory_space<vmem>>, vector<1x16xf32>,
        %get3A_616 = vector.shape_cast %get3A_615 : vector<1x16xf32> to vector<16xf32>
        %slice3A_617 = vector.extract_strided_slice %get3A_500 {offsets = [13], sizes = [1], strides = [1]} : vector<16xf32> to vector<1xf32>
        %squeeze3A_618 = vector.extract %slice3A_617[0] : f32 from vector<1xf32>
        %mul3A_619 = vector.broadcast %squeeze3A_618 : f32 to vector<16xf32>
        %mul3A_620 = arith.mulf %get3A_616, %mul3A_619 : vector<16xf32>
        %get3A_621 = arith.index_cast %scan3A_56 : i32 to index
        %get3A_622 = arith.constant 992 : index
        %get3A_623 = tpu.vector_load %arg9[%get3A_621, %get3A_622] {strides = array<i32>} : memref<16x2048xf32, #tpu.memory_space<vmem>>, vector<1x16xf32>,
        %get3A_624 = vector.shape_cast %get3A_623 : vector<1x16xf32> to vector<16xf32>
        %slice3A_625 = vector.extract_strided_slice %get3A_500 {offsets = [14], sizes = [1], strides = [1]} : vector<16xf32> to vector<1xf32>
        %squeeze3A_626 = vector.extract %slice3A_625[0] : f32 from vector<1xf32>
        %mul3A_627 = vector.broadcast %squeeze3A_626 : f32 to vector<16xf32>
        %mul3A_628 = arith.mulf %get3A_624, %mul3A_627 : vector<16xf32>
        %get3A_629 = arith.index_cast %scan3A_56 : i32 to index
        %get3A_630 = arith.constant 1008 : index
        %get3A_631 = tpu.vector_load %arg9[%get3A_629, %get3A_630] {strides = array<i32>} : memref<16x2048xf32, #tpu.memory_space<vmem>>, vector<1x16xf32>,
        %get3A_632 = vector.shape_cast %get3A_631 : vector<1x16xf32> to vector<16xf32>
        %slice3A_633 = vector.extract_strided_slice %get3A_500 {offsets = [15], sizes = [1], strides = [1]} : vector<16xf32> to vector<1xf32>
        %squeeze3A_634 = vector.extract %slice3A_633[0] : f32 from vector<1xf32>
        %mul3A_635 = vector.broadcast %squeeze3A_634 : f32 to vector<16xf32>
        %mul3A_636 = arith.mulf %get3A_632, %mul3A_635 : vector<16xf32>
        %add3A_637 = arith.addf %mul3A_580, %mul3A_588 : vector<16xf32>
        %add3A_638 = arith.addf %mul3A_596, %mul3A_604 : vector<16xf32>
        %add3A_639 = arith.addf %add3A_637, %add3A_638 : vector<16xf32>
        %add3A_640 = arith.addf %mul3A_612, %mul3A_620 : vector<16xf32>
        %add3A_641 = arith.addf %mul3A_628, %mul3A_636 : vector<16xf32>
        %add3A_642 = arith.addf %add3A_640, %add3A_641 : vector<16xf32>
        %add3A_643 = arith.addf %add3A_639, %add3A_642 : vector<16xf32>
        %add3A_644 = arith.addf %add3A_572, %add3A_643 : vector<16xf32>
        %get3A_645 = arith.index_cast %add3A_49 : i32 to index
        %get3A_646 = arith.constant 64 : index
        %get3A_647 = tpu.vector_load %arg7[%get3A_645, %get3A_646] {strides = array<i32>} : memref<64x128xf32, #tpu.memory_space<vmem>>, vector<1x16xf32>,
        %get3A_648 = vector.shape_cast %get3A_647 : vector<1x16xf32> to vector<16xf32>
        %get3A_649 = arith.index_cast %scan3A_56 : i32 to index
        %get3A_650 = arith.constant 1024 : index
        %get3A_651 = tpu.vector_load %arg9[%get3A_649, %get3A_650] {strides = array<i32>} : memref<16x2048xf32, #tpu.memory_space<vmem>>, vector<1x16xf32>,
        %get3A_652 = vector.shape_cast %get3A_651 : vector<1x16xf32> to vector<16xf32>
        %slice3A_653 = vector.extract_strided_slice %get3A_648 {offsets = [0], sizes = [1], strides = [1]} : vector<16xf32> to vector<1xf32>
        %squeeze3A_654 = vector.extract %slice3A_653[0] : f32 from vector<1xf32>
        %mul3A_655 = vector.broadcast %squeeze3A_654 : f32 to vector<16xf32>
        %mul3A_656 = arith.mulf %get3A_652, %mul3A_655 : vector<16xf32>
        %get3A_657 = arith.index_cast %scan3A_56 : i32 to index
        %get3A_658 = arith.constant 1040 : index
        %get3A_659 = tpu.vector_load %arg9[%get3A_657, %get3A_658] {strides = array<i32>} : memref<16x2048xf32, #tpu.memory_space<vmem>>, vector<1x16xf32>,
        %get3A_660 = vector.shape_cast %get3A_659 : vector<1x16xf32> to vector<16xf32>
        %slice3A_661 = vector.extract_strided_slice %get3A_648 {offsets = [1], sizes = [1], strides = [1]} : vector<16xf32> to vector<1xf32>
        %squeeze3A_662 = vector.extract %slice3A_661[0] : f32 from vector<1xf32>
        %mul3A_663 = vector.broadcast %squeeze3A_662 : f32 to vector<16xf32>
        %mul3A_664 = arith.mulf %get3A_660, %mul3A_663 : vector<16xf32>
        %get3A_665 = arith.index_cast %scan3A_56 : i32 to index
        %get3A_666 = arith.constant 1056 : index
        %get3A_667 = tpu.vector_load %arg9[%get3A_665, %get3A_666] {strides = array<i32>} : memref<16x2048xf32, #tpu.memory_space<vmem>>, vector<1x16xf32>,
        %get3A_668 = vector.shape_cast %get3A_667 : vector<1x16xf32> to vector<16xf32>
        %slice3A_669 = vector.extract_strided_slice %get3A_648 {offsets = [2], sizes = [1], strides = [1]} : vector<16xf32> to vector<1xf32>
        %squeeze3A_670 = vector.extract %slice3A_669[0] : f32 from vector<1xf32>
        %mul3A_671 = vector.broadcast %squeeze3A_670 : f32 to vector<16xf32>
        %mul3A_672 = arith.mulf %get3A_668, %mul3A_671 : vector<16xf32>
        %get3A_673 = arith.index_cast %scan3A_56 : i32 to index
        %get3A_674 = arith.constant 1072 : index
        %get3A_675 = tpu.vector_load %arg9[%get3A_673, %get3A_674] {strides = array<i32>} : memref<16x2048xf32, #tpu.memory_space<vmem>>, vector<1x16xf32>,
        %get3A_676 = vector.shape_cast %get3A_675 : vector<1x16xf32> to vector<16xf32>
        %slice3A_677 = vector.extract_strided_slice %get3A_648 {offsets = [3], sizes = [1], strides = [1]} : vector<16xf32> to vector<1xf32>
        %squeeze3A_678 = vector.extract %slice3A_677[0] : f32 from vector<1xf32>
        %mul3A_679 = vector.broadcast %squeeze3A_678 : f32 to vector<16xf32>
        %mul3A_680 = arith.mulf %get3A_676, %mul3A_679 : vector<16xf32>
        %get3A_681 = arith.index_cast %scan3A_56 : i32 to index
        %get3A_682 = arith.constant 1088 : index
        %get3A_683 = tpu.vector_load %arg9[%get3A_681, %get3A_682] {strides = array<i32>} : memref<16x2048xf32, #tpu.memory_space<vmem>>, vector<1x16xf32>,
        %get3A_684 = vector.shape_cast %get3A_683 : vector<1x16xf32> to vector<16xf32>
        %slice3A_685 = vector.extract_strided_slice %get3A_648 {offsets = [4], sizes = [1], strides = [1]} : vector<16xf32> to vector<1xf32>
        %squeeze3A_686 = vector.extract %slice3A_685[0] : f32 from vector<1xf32>
        %mul3A_687 = vector.broadcast %squeeze3A_686 : f32 to vector<16xf32>
        %mul3A_688 = arith.mulf %get3A_684, %mul3A_687 : vector<16xf32>
        %get3A_689 = arith.index_cast %scan3A_56 : i32 to index
        %get3A_690 = arith.constant 1104 : index
        %get3A_691 = tpu.vector_load %arg9[%get3A_689, %get3A_690] {strides = array<i32>} : memref<16x2048xf32, #tpu.memory_space<vmem>>, vector<1x16xf32>,
        %get3A_692 = vector.shape_cast %get3A_691 : vector<1x16xf32> to vector<16xf32>
        %slice3A_693 = vector.extract_strided_slice %get3A_648 {offsets = [5], sizes = [1], strides = [1]} : vector<16xf32> to vector<1xf32>
        %squeeze3A_694 = vector.extract %slice3A_693[0] : f32 from vector<1xf32>
        %mul3A_695 = vector.broadcast %squeeze3A_694 : f32 to vector<16xf32>
        %mul3A_696 = arith.mulf %get3A_692, %mul3A_695 : vector<16xf32>
        %get3A_697 = arith.index_cast %scan3A_56 : i32 to index
        %get3A_698 = arith.constant 1120 : index
        %get3A_699 = tpu.vector_load %arg9[%get3A_697, %get3A_698] {strides = array<i32>} : memref<16x2048xf32, #tpu.memory_space<vmem>>, vector<1x16xf32>,
        %get3A_700 = vector.shape_cast %get3A_699 : vector<1x16xf32> to vector<16xf32>
        %slice3A_701 = vector.extract_strided_slice %get3A_648 {offsets = [6], sizes = [1], strides = [1]} : vector<16xf32> to vector<1xf32>
        %squeeze3A_702 = vector.extract %slice3A_701[0] : f32 from vector<1xf32>
        %mul3A_703 = vector.broadcast %squeeze3A_702 : f32 to vector<16xf32>
        %mul3A_704 = arith.mulf %get3A_700, %mul3A_703 : vector<16xf32>
        %get3A_705 = arith.index_cast %scan3A_56 : i32 to index
        %get3A_706 = arith.constant 1136 : index
        %get3A_707 = tpu.vector_load %arg9[%get3A_705, %get3A_706] {strides = array<i32>} : memref<16x2048xf32, #tpu.memory_space<vmem>>, vector<1x16xf32>,
        %get3A_708 = vector.shape_cast %get3A_707 : vector<1x16xf32> to vector<16xf32>
        %slice3A_709 = vector.extract_strided_slice %get3A_648 {offsets = [7], sizes = [1], strides = [1]} : vector<16xf32> to vector<1xf32>
        %squeeze3A_710 = vector.extract %slice3A_709[0] : f32 from vector<1xf32>
        %mul3A_711 = vector.broadcast %squeeze3A_710 : f32 to vector<16xf32>
        %mul3A_712 = arith.mulf %get3A_708, %mul3A_711 : vector<16xf32>
        %add3A_713 = arith.addf %mul3A_656, %mul3A_664 : vector<16xf32>
        %add3A_714 = arith.addf %mul3A_672, %mul3A_680 : vector<16xf32>
        %add3A_715 = arith.addf %add3A_713, %add3A_714 : vector<16xf32>
        %add3A_716 = arith.addf %mul3A_688, %mul3A_696 : vector<16xf32>
        %add3A_717 = arith.addf %mul3A_704, %mul3A_712 : vector<16xf32>
        %add3A_718 = arith.addf %add3A_716, %add3A_717 : vector<16xf32>
        %add3A_719 = arith.addf %add3A_715, %add3A_718 : vector<16xf32>
        %add3A_720 = arith.addf %add3A_644, %add3A_719 : vector<16xf32>
        %get3A_721 = arith.index_cast %scan3A_56 : i32 to index
        %get3A_722 = arith.constant 1152 : index
        %get3A_723 = tpu.vector_load %arg9[%get3A_721, %get3A_722] {strides = array<i32>} : memref<16x2048xf32, #tpu.memory_space<vmem>>, vector<1x16xf32>,
        %get3A_724 = vector.shape_cast %get3A_723 : vector<1x16xf32> to vector<16xf32>
        %slice3A_725 = vector.extract_strided_slice %get3A_648 {offsets = [8], sizes = [1], strides = [1]} : vector<16xf32> to vector<1xf32>
        %squeeze3A_726 = vector.extract %slice3A_725[0] : f32 from vector<1xf32>
        %mul3A_727 = vector.broadcast %squeeze3A_726 : f32 to vector<16xf32>
        %mul3A_728 = arith.mulf %get3A_724, %mul3A_727 : vector<16xf32>
        %get3A_729 = arith.index_cast %scan3A_56 : i32 to index
        %get3A_730 = arith.constant 1168 : index
        %get3A_731 = tpu.vector_load %arg9[%get3A_729, %get3A_730] {strides = array<i32>} : memref<16x2048xf32, #tpu.memory_space<vmem>>, vector<1x16xf32>,
        %get3A_732 = vector.shape_cast %get3A_731 : vector<1x16xf32> to vector<16xf32>
        %slice3A_733 = vector.extract_strided_slice %get3A_648 {offsets = [9], sizes = [1], strides = [1]} : vector<16xf32> to vector<1xf32>
        %squeeze3A_734 = vector.extract %slice3A_733[0] : f32 from vector<1xf32>
        %mul3A_735 = vector.broadcast %squeeze3A_734 : f32 to vector<16xf32>
        %mul3A_736 = arith.mulf %get3A_732, %mul3A_735 : vector<16xf32>
        %get3A_737 = arith.index_cast %scan3A_56 : i32 to index
        %get3A_738 = arith.constant 1184 : index
        %get3A_739 = tpu.vector_load %arg9[%get3A_737, %get3A_738] {strides = array<i32>} : memref<16x2048xf32, #tpu.memory_space<vmem>>, vector<1x16xf32>,
        %get3A_740 = vector.shape_cast %get3A_739 : vector<1x16xf32> to vector<16xf32>
        %slice3A_741 = vector.extract_strided_slice %get3A_648 {offsets = [10], sizes = [1], strides = [1]} : vector<16xf32> to vector<1xf32>
        %squeeze3A_742 = vector.extract %slice3A_741[0] : f32 from vector<1xf32>
        %mul3A_743 = vector.broadcast %squeeze3A_742 : f32 to vector<16xf32>
        %mul3A_744 = arith.mulf %get3A_740, %mul3A_743 : vector<16xf32>
        %get3A_745 = arith.index_cast %scan3A_56 : i32 to index
        %get3A_746 = arith.constant 1200 : index
        %get3A_747 = tpu.vector_load %arg9[%get3A_745, %get3A_746] {strides = array<i32>} : memref<16x2048xf32, #tpu.memory_space<vmem>>, vector<1x16xf32>,
        %get3A_748 = vector.shape_cast %get3A_747 : vector<1x16xf32> to vector<16xf32>
        %slice3A_749 = vector.extract_strided_slice %get3A_648 {offsets = [11], sizes = [1], strides = [1]} : vector<16xf32> to vector<1xf32>
        %squeeze3A_750 = vector.extract %slice3A_749[0] : f32 from vector<1xf32>
        %mul3A_751 = vector.broadcast %squeeze3A_750 : f32 to vector<16xf32>
        %mul3A_752 = arith.mulf %get3A_748, %mul3A_751 : vector<16xf32>
        %get3A_753 = arith.index_cast %scan3A_56 : i32 to index
        %get3A_754 = arith.constant 1216 : index
        %get3A_755 = tpu.vector_load %arg9[%get3A_753, %get3A_754] {strides = array<i32>} : memref<16x2048xf32, #tpu.memory_space<vmem>>, vector<1x16xf32>,
        %get3A_756 = vector.shape_cast %get3A_755 : vector<1x16xf32> to vector<16xf32>
        %slice3A_757 = vector.extract_strided_slice %get3A_648 {offsets = [12], sizes = [1], strides = [1]} : vector<16xf32> to vector<1xf32>
        %squeeze3A_758 = vector.extract %slice3A_757[0] : f32 from vector<1xf32>
        %mul3A_759 = vector.broadcast %squeeze3A_758 : f32 to vector<16xf32>
        %mul3A_760 = arith.mulf %get3A_756, %mul3A_759 : vector<16xf32>
        %get3A_761 = arith.index_cast %scan3A_56 : i32 to index
        %get3A_762 = arith.constant 1232 : index
        %get3A_763 = tpu.vector_load %arg9[%get3A_761, %get3A_762] {strides = array<i32>} : memref<16x2048xf32, #tpu.memory_space<vmem>>, vector<1x16xf32>,
        %get3A_764 = vector.shape_cast %get3A_763 : vector<1x16xf32> to vector<16xf32>
        %slice3A_765 = vector.extract_strided_slice %get3A_648 {offsets = [13], sizes = [1], strides = [1]} : vector<16xf32> to vector<1xf32>
        %squeeze3A_766 = vector.extract %slice3A_765[0] : f32 from vector<1xf32>
        %mul3A_767 = vector.broadcast %squeeze3A_766 : f32 to vector<16xf32>
        %mul3A_768 = arith.mulf %get3A_764, %mul3A_767 : vector<16xf32>
        %get3A_769 = arith.index_cast %scan3A_56 : i32 to index
        %get3A_770 = arith.constant 1248 : index
        %get3A_771 = tpu.vector_load %arg9[%get3A_769, %get3A_770] {strides = array<i32>} : memref<16x2048xf32, #tpu.memory_space<vmem>>, vector<1x16xf32>,
        %get3A_772 = vector.shape_cast %get3A_771 : vector<1x16xf32> to vector<16xf32>
        %slice3A_773 = vector.extract_strided_slice %get3A_648 {offsets = [14], sizes = [1], strides = [1]} : vector<16xf32> to vector<1xf32>
        %squeeze3A_774 = vector.extract %slice3A_773[0] : f32 from vector<1xf32>
        %mul3A_775 = vector.broadcast %squeeze3A_774 : f32 to vector<16xf32>
        %mul3A_776 = arith.mulf %get3A_772, %mul3A_775 : vector<16xf32>
        %get3A_777 = arith.index_cast %scan3A_56 : i32 to index
        %get3A_778 = arith.constant 1264 : index
        %get3A_779 = tpu.vector_load %arg9[%get3A_777, %get3A_778] {strides = array<i32>} : memref<16x2048xf32, #tpu.memory_space<vmem>>, vector<1x16xf32>,
        %get3A_780 = vector.shape_cast %get3A_779 : vector<1x16xf32> to vector<16xf32>
        %slice3A_781 = vector.extract_strided_slice %get3A_648 {offsets = [15], sizes = [1], strides = [1]} : vector<16xf32> to vector<1xf32>
        %squeeze3A_782 = vector.extract %slice3A_781[0] : f32 from vector<1xf32>
        %mul3A_783 = vector.broadcast %squeeze3A_782 : f32 to vector<16xf32>
        %mul3A_784 = arith.mulf %get3A_780, %mul3A_783 : vector<16xf32>
        %add3A_785 = arith.addf %mul3A_728, %mul3A_736 : vector<16xf32>
        %add3A_786 = arith.addf %mul3A_744, %mul3A_752 : vector<16xf32>
        %add3A_787 = arith.addf %add3A_785, %add3A_786 : vector<16xf32>
        %add3A_788 = arith.addf %mul3A_760, %mul3A_768 : vector<16xf32>
        %add3A_789 = arith.addf %mul3A_776, %mul3A_784 : vector<16xf32>
        %add3A_790 = arith.addf %add3A_788, %add3A_789 : vector<16xf32>
        %add3A_791 = arith.addf %add3A_787, %add3A_790 : vector<16xf32>
        %add3A_792 = arith.addf %add3A_720, %add3A_791 : vector<16xf32>
        %get3A_793 = arith.index_cast %add3A_49 : i32 to index
        %get3A_794 = arith.constant 80 : index
        %get3A_795 = tpu.vector_load %arg7[%get3A_793, %get3A_794] {strides = array<i32>} : memref<64x128xf32, #tpu.memory_space<vmem>>, vector<1x16xf32>,
        %get3A_796 = vector.shape_cast %get3A_795 : vector<1x16xf32> to vector<16xf32>
        %get3A_797 = arith.index_cast %scan3A_56 : i32 to index
        %get3A_798 = arith.constant 1280 : index
        %get3A_799 = tpu.vector_load %arg9[%get3A_797, %get3A_798] {strides = array<i32>} : memref<16x2048xf32, #tpu.memory_space<vmem>>, vector<1x16xf32>,
        %get3A_800 = vector.shape_cast %get3A_799 : vector<1x16xf32> to vector<16xf32>
        %slice3A_801 = vector.extract_strided_slice %get3A_796 {offsets = [0], sizes = [1], strides = [1]} : vector<16xf32> to vector<1xf32>
        %squeeze3A_802 = vector.extract %slice3A_801[0] : f32 from vector<1xf32>
        %mul3A_803 = vector.broadcast %squeeze3A_802 : f32 to vector<16xf32>
        %mul3A_804 = arith.mulf %get3A_800, %mul3A_803 : vector<16xf32>
        %get3A_805 = arith.index_cast %scan3A_56 : i32 to index
        %get3A_806 = arith.constant 1296 : index
        %get3A_807 = tpu.vector_load %arg9[%get3A_805, %get3A_806] {strides = array<i32>} : memref<16x2048xf32, #tpu.memory_space<vmem>>, vector<1x16xf32>,
        %get3A_808 = vector.shape_cast %get3A_807 : vector<1x16xf32> to vector<16xf32>
        %slice3A_809 = vector.extract_strided_slice %get3A_796 {offsets = [1], sizes = [1], strides = [1]} : vector<16xf32> to vector<1xf32>
        %squeeze3A_810 = vector.extract %slice3A_809[0] : f32 from vector<1xf32>
        %mul3A_811 = vector.broadcast %squeeze3A_810 : f32 to vector<16xf32>
        %mul3A_812 = arith.mulf %get3A_808, %mul3A_811 : vector<16xf32>
        %get3A_813 = arith.index_cast %scan3A_56 : i32 to index
        %get3A_814 = arith.constant 1312 : index
        %get3A_815 = tpu.vector_load %arg9[%get3A_813, %get3A_814] {strides = array<i32>} : memref<16x2048xf32, #tpu.memory_space<vmem>>, vector<1x16xf32>,
        %get3A_816 = vector.shape_cast %get3A_815 : vector<1x16xf32> to vector<16xf32>
        %slice3A_817 = vector.extract_strided_slice %get3A_796 {offsets = [2], sizes = [1], strides = [1]} : vector<16xf32> to vector<1xf32>
        %squeeze3A_818 = vector.extract %slice3A_817[0] : f32 from vector<1xf32>
        %mul3A_819 = vector.broadcast %squeeze3A_818 : f32 to vector<16xf32>
        %mul3A_820 = arith.mulf %get3A_816, %mul3A_819 : vector<16xf32>
        %get3A_821 = arith.index_cast %scan3A_56 : i32 to index
        %get3A_822 = arith.constant 1328 : index
        %get3A_823 = tpu.vector_load %arg9[%get3A_821, %get3A_822] {strides = array<i32>} : memref<16x2048xf32, #tpu.memory_space<vmem>>, vector<1x16xf32>,
        %get3A_824 = vector.shape_cast %get3A_823 : vector<1x16xf32> to vector<16xf32>
        %slice3A_825 = vector.extract_strided_slice %get3A_796 {offsets = [3], sizes = [1], strides = [1]} : vector<16xf32> to vector<1xf32>
        %squeeze3A_826 = vector.extract %slice3A_825[0] : f32 from vector<1xf32>
        %mul3A_827 = vector.broadcast %squeeze3A_826 : f32 to vector<16xf32>
        %mul3A_828 = arith.mulf %get3A_824, %mul3A_827 : vector<16xf32>
        %get3A_829 = arith.index_cast %scan3A_56 : i32 to index
        %get3A_830 = arith.constant 1344 : index
        %get3A_831 = tpu.vector_load %arg9[%get3A_829, %get3A_830] {strides = array<i32>} : memref<16x2048xf32, #tpu.memory_space<vmem>>, vector<1x16xf32>,
        %get3A_832 = vector.shape_cast %get3A_831 : vector<1x16xf32> to vector<16xf32>
        %slice3A_833 = vector.extract_strided_slice %get3A_796 {offsets = [4], sizes = [1], strides = [1]} : vector<16xf32> to vector<1xf32>
        %squeeze3A_834 = vector.extract %slice3A_833[0] : f32 from vector<1xf32>
        %mul3A_835 = vector.broadcast %squeeze3A_834 : f32 to vector<16xf32>
        %mul3A_836 = arith.mulf %get3A_832, %mul3A_835 : vector<16xf32>
        %get3A_837 = arith.index_cast %scan3A_56 : i32 to index
        %get3A_838 = arith.constant 1360 : index
        %get3A_839 = tpu.vector_load %arg9[%get3A_837, %get3A_838] {strides = array<i32>} : memref<16x2048xf32, #tpu.memory_space<vmem>>, vector<1x16xf32>,
        %get3A_840 = vector.shape_cast %get3A_839 : vector<1x16xf32> to vector<16xf32>
        %slice3A_841 = vector.extract_strided_slice %get3A_796 {offsets = [5], sizes = [1], strides = [1]} : vector<16xf32> to vector<1xf32>
        %squeeze3A_842 = vector.extract %slice3A_841[0] : f32 from vector<1xf32>
        %mul3A_843 = vector.broadcast %squeeze3A_842 : f32 to vector<16xf32>
        %mul3A_844 = arith.mulf %get3A_840, %mul3A_843 : vector<16xf32>
        %get3A_845 = arith.index_cast %scan3A_56 : i32 to index
        %get3A_846 = arith.constant 1376 : index
        %get3A_847 = tpu.vector_load %arg9[%get3A_845, %get3A_846] {strides = array<i32>} : memref<16x2048xf32, #tpu.memory_space<vmem>>, vector<1x16xf32>,
        %get3A_848 = vector.shape_cast %get3A_847 : vector<1x16xf32> to vector<16xf32>
        %slice3A_849 = vector.extract_strided_slice %get3A_796 {offsets = [6], sizes = [1], strides = [1]} : vector<16xf32> to vector<1xf32>
        %squeeze3A_850 = vector.extract %slice3A_849[0] : f32 from vector<1xf32>
        %mul3A_851 = vector.broadcast %squeeze3A_850 : f32 to vector<16xf32>
        %mul3A_852 = arith.mulf %get3A_848, %mul3A_851 : vector<16xf32>
        %get3A_853 = arith.index_cast %scan3A_56 : i32 to index
        %get3A_854 = arith.constant 1392 : index
        %get3A_855 = tpu.vector_load %arg9[%get3A_853, %get3A_854] {strides = array<i32>} : memref<16x2048xf32, #tpu.memory_space<vmem>>, vector<1x16xf32>,
        %get3A_856 = vector.shape_cast %get3A_855 : vector<1x16xf32> to vector<16xf32>
        %slice3A_857 = vector.extract_strided_slice %get3A_796 {offsets = [7], sizes = [1], strides = [1]} : vector<16xf32> to vector<1xf32>
        %squeeze3A_858 = vector.extract %slice3A_857[0] : f32 from vector<1xf32>
        %mul3A_859 = vector.broadcast %squeeze3A_858 : f32 to vector<16xf32>
        %mul3A_860 = arith.mulf %get3A_856, %mul3A_859 : vector<16xf32>
        %add3A_861 = arith.addf %mul3A_804, %mul3A_812 : vector<16xf32>
        %add3A_862 = arith.addf %mul3A_820, %mul3A_828 : vector<16xf32>
        %add3A_863 = arith.addf %add3A_861, %add3A_862 : vector<16xf32>
        %add3A_864 = arith.addf %mul3A_836, %mul3A_844 : vector<16xf32>
        %add3A_865 = arith.addf %mul3A_852, %mul3A_860 : vector<16xf32>
        %add3A_866 = arith.addf %add3A_864, %add3A_865 : vector<16xf32>
        %add3A_867 = arith.addf %add3A_863, %add3A_866 : vector<16xf32>
        %add3A_868 = arith.addf %add3A_792, %add3A_867 : vector<16xf32>
        %get3A_869 = arith.index_cast %scan3A_56 : i32 to index
        %get3A_870 = arith.constant 1408 : index
        %get3A_871 = tpu.vector_load %arg9[%get3A_869, %get3A_870] {strides = array<i32>} : memref<16x2048xf32, #tpu.memory_space<vmem>>, vector<1x16xf32>,
        %get3A_872 = vector.shape_cast %get3A_871 : vector<1x16xf32> to vector<16xf32>
        %slice3A_873 = vector.extract_strided_slice %get3A_796 {offsets = [8], sizes = [1], strides = [1]} : vector<16xf32> to vector<1xf32>
        %squeeze3A_874 = vector.extract %slice3A_873[0] : f32 from vector<1xf32>
        %mul3A_875 = vector.broadcast %squeeze3A_874 : f32 to vector<16xf32>
        %mul3A_876 = arith.mulf %get3A_872, %mul3A_875 : vector<16xf32>
        %get3A_877 = arith.index_cast %scan3A_56 : i32 to index
        %get3A_878 = arith.constant 1424 : index
        %get3A_879 = tpu.vector_load %arg9[%get3A_877, %get3A_878] {strides = array<i32>} : memref<16x2048xf32, #tpu.memory_space<vmem>>, vector<1x16xf32>,
        %get3A_880 = vector.shape_cast %get3A_879 : vector<1x16xf32> to vector<16xf32>
        %slice3A_881 = vector.extract_strided_slice %get3A_796 {offsets = [9], sizes = [1], strides = [1]} : vector<16xf32> to vector<1xf32>
        %squeeze3A_882 = vector.extract %slice3A_881[0] : f32 from vector<1xf32>
        %mul3A_883 = vector.broadcast %squeeze3A_882 : f32 to vector<16xf32>
        %mul3A_884 = arith.mulf %get3A_880, %mul3A_883 : vector<16xf32>
        %get3A_885 = arith.index_cast %scan3A_56 : i32 to index
        %get3A_886 = arith.constant 1440 : index
        %get3A_887 = tpu.vector_load %arg9[%get3A_885, %get3A_886] {strides = array<i32>} : memref<16x2048xf32, #tpu.memory_space<vmem>>, vector<1x16xf32>,
        %get3A_888 = vector.shape_cast %get3A_887 : vector<1x16xf32> to vector<16xf32>
        %slice3A_889 = vector.extract_strided_slice %get3A_796 {offsets = [10], sizes = [1], strides = [1]} : vector<16xf32> to vector<1xf32>
        %squeeze3A_890 = vector.extract %slice3A_889[0] : f32 from vector<1xf32>
        %mul3A_891 = vector.broadcast %squeeze3A_890 : f32 to vector<16xf32>
        %mul3A_892 = arith.mulf %get3A_888, %mul3A_891 : vector<16xf32>
        %get3A_893 = arith.index_cast %scan3A_56 : i32 to index
        %get3A_894 = arith.constant 1456 : index
        %get3A_895 = tpu.vector_load %arg9[%get3A_893, %get3A_894] {strides = array<i32>} : memref<16x2048xf32, #tpu.memory_space<vmem>>, vector<1x16xf32>,
        %get3A_896 = vector.shape_cast %get3A_895 : vector<1x16xf32> to vector<16xf32>
        %slice3A_897 = vector.extract_strided_slice %get3A_796 {offsets = [11], sizes = [1], strides = [1]} : vector<16xf32> to vector<1xf32>
        %squeeze3A_898 = vector.extract %slice3A_897[0] : f32 from vector<1xf32>
        %mul3A_899 = vector.broadcast %squeeze3A_898 : f32 to vector<16xf32>
        %mul3A_900 = arith.mulf %get3A_896, %mul3A_899 : vector<16xf32>
        %get3A_901 = arith.index_cast %scan3A_56 : i32 to index
        %get3A_902 = arith.constant 1472 : index
        %get3A_903 = tpu.vector_load %arg9[%get3A_901, %get3A_902] {strides = array<i32>} : memref<16x2048xf32, #tpu.memory_space<vmem>>, vector<1x16xf32>,
        %get3A_904 = vector.shape_cast %get3A_903 : vector<1x16xf32> to vector<16xf32>
        %slice3A_905 = vector.extract_strided_slice %get3A_796 {offsets = [12], sizes = [1], strides = [1]} : vector<16xf32> to vector<1xf32>
        %squeeze3A_906 = vector.extract %slice3A_905[0] : f32 from vector<1xf32>
        %mul3A_907 = vector.broadcast %squeeze3A_906 : f32 to vector<16xf32>
        %mul3A_908 = arith.mulf %get3A_904, %mul3A_907 : vector<16xf32>
        %get3A_909 = arith.index_cast %scan3A_56 : i32 to index
        %get3A_910 = arith.constant 1488 : index
        %get3A_911 = tpu.vector_load %arg9[%get3A_909, %get3A_910] {strides = array<i32>} : memref<16x2048xf32, #tpu.memory_space<vmem>>, vector<1x16xf32>,
        %get3A_912 = vector.shape_cast %get3A_911 : vector<1x16xf32> to vector<16xf32>
        %slice3A_913 = vector.extract_strided_slice %get3A_796 {offsets = [13], sizes = [1], strides = [1]} : vector<16xf32> to vector<1xf32>
        %squeeze3A_914 = vector.extract %slice3A_913[0] : f32 from vector<1xf32>
        %mul3A_915 = vector.broadcast %squeeze3A_914 : f32 to vector<16xf32>
        %mul3A_916 = arith.mulf %get3A_912, %mul3A_915 : vector<16xf32>
        %get3A_917 = arith.index_cast %scan3A_56 : i32 to index
        %get3A_918 = arith.constant 1504 : index
        %get3A_919 = tpu.vector_load %arg9[%get3A_917, %get3A_918] {strides = array<i32>} : memref<16x2048xf32, #tpu.memory_space<vmem>>, vector<1x16xf32>,
        %get3A_920 = vector.shape_cast %get3A_919 : vector<1x16xf32> to vector<16xf32>
        %slice3A_921 = vector.extract_strided_slice %get3A_796 {offsets = [14], sizes = [1], strides = [1]} : vector<16xf32> to vector<1xf32>
        %squeeze3A_922 = vector.extract %slice3A_921[0] : f32 from vector<1xf32>
        %mul3A_923 = vector.broadcast %squeeze3A_922 : f32 to vector<16xf32>
        %mul3A_924 = arith.mulf %get3A_920, %mul3A_923 : vector<16xf32>
        %get3A_925 = arith.index_cast %scan3A_56 : i32 to index
        %get3A_926 = arith.constant 1520 : index
        %get3A_927 = tpu.vector_load %arg9[%get3A_925, %get3A_926] {strides = array<i32>} : memref<16x2048xf32, #tpu.memory_space<vmem>>, vector<1x16xf32>,
        %get3A_928 = vector.shape_cast %get3A_927 : vector<1x16xf32> to vector<16xf32>
        %slice3A_929 = vector.extract_strided_slice %get3A_796 {offsets = [15], sizes = [1], strides = [1]} : vector<16xf32> to vector<1xf32>
        %squeeze3A_930 = vector.extract %slice3A_929[0] : f32 from vector<1xf32>
        %mul3A_931 = vector.broadcast %squeeze3A_930 : f32 to vector<16xf32>
        %mul3A_932 = arith.mulf %get3A_928, %mul3A_931 : vector<16xf32>
        %add3A_933 = arith.addf %mul3A_876, %mul3A_884 : vector<16xf32>
        %add3A_934 = arith.addf %mul3A_892, %mul3A_900 : vector<16xf32>
        %add3A_935 = arith.addf %add3A_933, %add3A_934 : vector<16xf32>
        %add3A_936 = arith.addf %mul3A_908, %mul3A_916 : vector<16xf32>
        %add3A_937 = arith.addf %mul3A_924, %mul3A_932 : vector<16xf32>
        %add3A_938 = arith.addf %add3A_936, %add3A_937 : vector<16xf32>
        %add3A_939 = arith.addf %add3A_935, %add3A_938 : vector<16xf32>
        %add3A_940 = arith.addf %add3A_868, %add3A_939 : vector<16xf32>
        %get3A_941 = arith.index_cast %add3A_49 : i32 to index
        %get3A_942 = arith.constant 96 : index
        %get3A_943 = tpu.vector_load %arg7[%get3A_941, %get3A_942] {strides = array<i32>} : memref<64x128xf32, #tpu.memory_space<vmem>>, vector<1x16xf32>,
        %get3A_944 = vector.shape_cast %get3A_943 : vector<1x16xf32> to vector<16xf32>
        %get3A_945 = arith.index_cast %scan3A_56 : i32 to index
        %get3A_946 = arith.constant 1536 : index
        %get3A_947 = tpu.vector_load %arg9[%get3A_945, %get3A_946] {strides = array<i32>} : memref<16x2048xf32, #tpu.memory_space<vmem>>, vector<1x16xf32>,
        %get3A_948 = vector.shape_cast %get3A_947 : vector<1x16xf32> to vector<16xf32>
        %slice3A_949 = vector.extract_strided_slice %get3A_944 {offsets = [0], sizes = [1], strides = [1]} : vector<16xf32> to vector<1xf32>
        %squeeze3A_950 = vector.extract %slice3A_949[0] : f32 from vector<1xf32>
        %mul3A_951 = vector.broadcast %squeeze3A_950 : f32 to vector<16xf32>
        %mul3A_952 = arith.mulf %get3A_948, %mul3A_951 : vector<16xf32>
        %get3A_953 = arith.index_cast %scan3A_56 : i32 to index
        %get3A_954 = arith.constant 1552 : index
        %get3A_955 = tpu.vector_load %arg9[%get3A_953, %get3A_954] {strides = array<i32>} : memref<16x2048xf32, #tpu.memory_space<vmem>>, vector<1x16xf32>,
        %get3A_956 = vector.shape_cast %get3A_955 : vector<1x16xf32> to vector<16xf32>
        %slice3A_957 = vector.extract_strided_slice %get3A_944 {offsets = [1], sizes = [1], strides = [1]} : vector<16xf32> to vector<1xf32>
        %squeeze3A_958 = vector.extract %slice3A_957[0] : f32 from vector<1xf32>
        %mul3A_959 = vector.broadcast %squeeze3A_958 : f32 to vector<16xf32>
        %mul3A_960 = arith.mulf %get3A_956, %mul3A_959 : vector<16xf32>
        %get3A_961 = arith.index_cast %scan3A_56 : i32 to index
        %get3A_962 = arith.constant 1568 : index
        %get3A_963 = tpu.vector_load %arg9[%get3A_961, %get3A_962] {strides = array<i32>} : memref<16x2048xf32, #tpu.memory_space<vmem>>, vector<1x16xf32>,
        %get3A_964 = vector.shape_cast %get3A_963 : vector<1x16xf32> to vector<16xf32>
        %slice3A_965 = vector.extract_strided_slice %get3A_944 {offsets = [2], sizes = [1], strides = [1]} : vector<16xf32> to vector<1xf32>
        %squeeze3A_966 = vector.extract %slice3A_965[0] : f32 from vector<1xf32>
        %mul3A_967 = vector.broadcast %squeeze3A_966 : f32 to vector<16xf32>
        %mul3A_968 = arith.mulf %get3A_964, %mul3A_967 : vector<16xf32>
        %get3A_969 = arith.index_cast %scan3A_56 : i32 to index
        %get3A_970 = arith.constant 1584 : index
        %get3A_971 = tpu.vector_load %arg9[%get3A_969, %get3A_970] {strides = array<i32>} : memref<16x2048xf32, #tpu.memory_space<vmem>>, vector<1x16xf32>,
        %get3A_972 = vector.shape_cast %get3A_971 : vector<1x16xf32> to vector<16xf32>
        %slice3A_973 = vector.extract_strided_slice %get3A_944 {offsets = [3], sizes = [1], strides = [1]} : vector<16xf32> to vector<1xf32>
        %squeeze3A_974 = vector.extract %slice3A_973[0] : f32 from vector<1xf32>
        %mul3A_975 = vector.broadcast %squeeze3A_974 : f32 to vector<16xf32>
        %mul3A_976 = arith.mulf %get3A_972, %mul3A_975 : vector<16xf32>
        %get3A_977 = arith.index_cast %scan3A_56 : i32 to index
        %get3A_978 = arith.constant 1600 : index
        %get3A_979 = tpu.vector_load %arg9[%get3A_977, %get3A_978] {strides = array<i32>} : memref<16x2048xf32, #tpu.memory_space<vmem>>, vector<1x16xf32>,
        %get3A_980 = vector.shape_cast %get3A_979 : vector<1x16xf32> to vector<16xf32>
        %slice3A_981 = vector.extract_strided_slice %get3A_944 {offsets = [4], sizes = [1], strides = [1]} : vector<16xf32> to vector<1xf32>
        %squeeze3A_982 = vector.extract %slice3A_981[0] : f32 from vector<1xf32>
        %mul3A_983 = vector.broadcast %squeeze3A_982 : f32 to vector<16xf32>
        %mul3A_984 = arith.mulf %get3A_980, %mul3A_983 : vector<16xf32>
        %get3A_985 = arith.index_cast %scan3A_56 : i32 to index
        %get3A_986 = arith.constant 1616 : index
        %get3A_987 = tpu.vector_load %arg9[%get3A_985, %get3A_986] {strides = array<i32>} : memref<16x2048xf32, #tpu.memory_space<vmem>>, vector<1x16xf32>,
        %get3A_988 = vector.shape_cast %get3A_987 : vector<1x16xf32> to vector<16xf32>
        %slice3A_989 = vector.extract_strided_slice %get3A_944 {offsets = [5], sizes = [1], strides = [1]} : vector<16xf32> to vector<1xf32>
        %squeeze3A_990 = vector.extract %slice3A_989[0] : f32 from vector<1xf32>
        %mul3A_991 = vector.broadcast %squeeze3A_990 : f32 to vector<16xf32>
        %mul3A_992 = arith.mulf %get3A_988, %mul3A_991 : vector<16xf32>
        %get3A_993 = arith.index_cast %scan3A_56 : i32 to index
        %get3A_994 = arith.constant 1632 : index
        %get3A_995 = tpu.vector_load %arg9[%get3A_993, %get3A_994] {strides = array<i32>} : memref<16x2048xf32, #tpu.memory_space<vmem>>, vector<1x16xf32>,
        %get3A_996 = vector.shape_cast %get3A_995 : vector<1x16xf32> to vector<16xf32>
        %slice3A_997 = vector.extract_strided_slice %get3A_944 {offsets = [6], sizes = [1], strides = [1]} : vector<16xf32> to vector<1xf32>
        %squeeze3A_998 = vector.extract %slice3A_997[0] : f32 from vector<1xf32>
        %mul3A_999 = vector.broadcast %squeeze3A_998 : f32 to vector<16xf32>
        %mul3A_1000 = arith.mulf %get3A_996, %mul3A_999 : vector<16xf32>
        %get3A_1001 = arith.index_cast %scan3A_56 : i32 to index
        %get3A_1002 = arith.constant 1648 : index
        %get3A_1003 = tpu.vector_load %arg9[%get3A_1001, %get3A_1002] {strides = array<i32>} : memref<16x2048xf32, #tpu.memory_space<vmem>>, vector<1x16xf32>,
        %get3A_1004 = vector.shape_cast %get3A_1003 : vector<1x16xf32> to vector<16xf32>
        %slice3A_1005 = vector.extract_strided_slice %get3A_944 {offsets = [7], sizes = [1], strides = [1]} : vector<16xf32> to vector<1xf32>
        %squeeze3A_1006 = vector.extract %slice3A_1005[0] : f32 from vector<1xf32>
        %mul3A_1007 = vector.broadcast %squeeze3A_1006 : f32 to vector<16xf32>
        %mul3A_1008 = arith.mulf %get3A_1004, %mul3A_1007 : vector<16xf32>
        %add3A_1009 = arith.addf %mul3A_952, %mul3A_960 : vector<16xf32>
        %add3A_1010 = arith.addf %mul3A_968, %mul3A_976 : vector<16xf32>
        %add3A_1011 = arith.addf %add3A_1009, %add3A_1010 : vector<16xf32>
        %add3A_1012 = arith.addf %mul3A_984, %mul3A_992 : vector<16xf32>
        %add3A_1013 = arith.addf %mul3A_1000, %mul3A_1008 : vector<16xf32>
        %add3A_1014 = arith.addf %add3A_1012, %add3A_1013 : vector<16xf32>
        %add3A_1015 = arith.addf %add3A_1011, %add3A_1014 : vector<16xf32>
        %add3A_1016 = arith.addf %add3A_940, %add3A_1015 : vector<16xf32>
        %get3A_1017 = arith.index_cast %scan3A_56 : i32 to index
        %get3A_1018 = arith.constant 1664 : index
        %get3A_1019 = tpu.vector_load %arg9[%get3A_1017, %get3A_1018] {strides = array<i32>} : memref<16x2048xf32, #tpu.memory_space<vmem>>, vector<1x16xf32>,
        %get3A_1020 = vector.shape_cast %get3A_1019 : vector<1x16xf32> to vector<16xf32>
        %slice3A_1021 = vector.extract_strided_slice %get3A_944 {offsets = [8], sizes = [1], strides = [1]} : vector<16xf32> to vector<1xf32>
        %squeeze3A_1022 = vector.extract %slice3A_1021[0] : f32 from vector<1xf32>
        %mul3A_1023 = vector.broadcast %squeeze3A_1022 : f32 to vector<16xf32>
        %mul3A_1024 = arith.mulf %get3A_1020, %mul3A_1023 : vector<16xf32>
        %get3A_1025 = arith.index_cast %scan3A_56 : i32 to index
        %get3A_1026 = arith.constant 1680 : index
        %get3A_1027 = tpu.vector_load %arg9[%get3A_1025, %get3A_1026] {strides = array<i32>} : memref<16x2048xf32, #tpu.memory_space<vmem>>, vector<1x16xf32>,
        %get3A_1028 = vector.shape_cast %get3A_1027 : vector<1x16xf32> to vector<16xf32>
        %slice3A_1029 = vector.extract_strided_slice %get3A_944 {offsets = [9], sizes = [1], strides = [1]} : vector<16xf32> to vector<1xf32>
        %squeeze3A_1030 = vector.extract %slice3A_1029[0] : f32 from vector<1xf32>
        %mul3A_1031 = vector.broadcast %squeeze3A_1030 : f32 to vector<16xf32>
        %mul3A_1032 = arith.mulf %get3A_1028, %mul3A_1031 : vector<16xf32>
        %get3A_1033 = arith.index_cast %scan3A_56 : i32 to index
        %get3A_1034 = arith.constant 1696 : index
        %get3A_1035 = tpu.vector_load %arg9[%get3A_1033, %get3A_1034] {strides = array<i32>} : memref<16x2048xf32, #tpu.memory_space<vmem>>, vector<1x16xf32>,
        %get3A_1036 = vector.shape_cast %get3A_1035 : vector<1x16xf32> to vector<16xf32>
        %slice3A_1037 = vector.extract_strided_slice %get3A_944 {offsets = [10], sizes = [1], strides = [1]} : vector<16xf32> to vector<1xf32>
        %squeeze3A_1038 = vector.extract %slice3A_1037[0] : f32 from vector<1xf32>
        %mul3A_1039 = vector.broadcast %squeeze3A_1038 : f32 to vector<16xf32>
        %mul3A_1040 = arith.mulf %get3A_1036, %mul3A_1039 : vector<16xf32>
        %get3A_1041 = arith.index_cast %scan3A_56 : i32 to index
        %get3A_1042 = arith.constant 1712 : index
        %get3A_1043 = tpu.vector_load %arg9[%get3A_1041, %get3A_1042] {strides = array<i32>} : memref<16x2048xf32, #tpu.memory_space<vmem>>, vector<1x16xf32>,
        %get3A_1044 = vector.shape_cast %get3A_1043 : vector<1x16xf32> to vector<16xf32>
        %slice3A_1045 = vector.extract_strided_slice %get3A_944 {offsets = [11], sizes = [1], strides = [1]} : vector<16xf32> to vector<1xf32>
        %squeeze3A_1046 = vector.extract %slice3A_1045[0] : f32 from vector<1xf32>
        %mul3A_1047 = vector.broadcast %squeeze3A_1046 : f32 to vector<16xf32>
        %mul3A_1048 = arith.mulf %get3A_1044, %mul3A_1047 : vector<16xf32>
        %get3A_1049 = arith.index_cast %scan3A_56 : i32 to index
        %get3A_1050 = arith.constant 1728 : index
        %get3A_1051 = tpu.vector_load %arg9[%get3A_1049, %get3A_1050] {strides = array<i32>} : memref<16x2048xf32, #tpu.memory_space<vmem>>, vector<1x16xf32>,
        %get3A_1052 = vector.shape_cast %get3A_1051 : vector<1x16xf32> to vector<16xf32>
        %slice3A_1053 = vector.extract_strided_slice %get3A_944 {offsets = [12], sizes = [1], strides = [1]} : vector<16xf32> to vector<1xf32>
        %squeeze3A_1054 = vector.extract %slice3A_1053[0] : f32 from vector<1xf32>
        %mul3A_1055 = vector.broadcast %squeeze3A_1054 : f32 to vector<16xf32>
        %mul3A_1056 = arith.mulf %get3A_1052, %mul3A_1055 : vector<16xf32>
        %get3A_1057 = arith.index_cast %scan3A_56 : i32 to index
        %get3A_1058 = arith.constant 1744 : index
        %get3A_1059 = tpu.vector_load %arg9[%get3A_1057, %get3A_1058] {strides = array<i32>} : memref<16x2048xf32, #tpu.memory_space<vmem>>, vector<1x16xf32>,
        %get3A_1060 = vector.shape_cast %get3A_1059 : vector<1x16xf32> to vector<16xf32>
        %slice3A_1061 = vector.extract_strided_slice %get3A_944 {offsets = [13], sizes = [1], strides = [1]} : vector<16xf32> to vector<1xf32>
        %squeeze3A_1062 = vector.extract %slice3A_1061[0] : f32 from vector<1xf32>
        %mul3A_1063 = vector.broadcast %squeeze3A_1062 : f32 to vector<16xf32>
        %mul3A_1064 = arith.mulf %get3A_1060, %mul3A_1063 : vector<16xf32>
        %get3A_1065 = arith.index_cast %scan3A_56 : i32 to index
        %get3A_1066 = arith.constant 1760 : index
        %get3A_1067 = tpu.vector_load %arg9[%get3A_1065, %get3A_1066] {strides = array<i32>} : memref<16x2048xf32, #tpu.memory_space<vmem>>, vector<1x16xf32>,
        %get3A_1068 = vector.shape_cast %get3A_1067 : vector<1x16xf32> to vector<16xf32>
        %slice3A_1069 = vector.extract_strided_slice %get3A_944 {offsets = [14], sizes = [1], strides = [1]} : vector<16xf32> to vector<1xf32>
        %squeeze3A_1070 = vector.extract %slice3A_1069[0] : f32 from vector<1xf32>
        %mul3A_1071 = vector.broadcast %squeeze3A_1070 : f32 to vector<16xf32>
        %mul3A_1072 = arith.mulf %get3A_1068, %mul3A_1071 : vector<16xf32>
        %get3A_1073 = arith.index_cast %scan3A_56 : i32 to index
        %get3A_1074 = arith.constant 1776 : index
        %get3A_1075 = tpu.vector_load %arg9[%get3A_1073, %get3A_1074] {strides = array<i32>} : memref<16x2048xf32, #tpu.memory_space<vmem>>, vector<1x16xf32>,
        %get3A_1076 = vector.shape_cast %get3A_1075 : vector<1x16xf32> to vector<16xf32>
        %slice3A_1077 = vector.extract_strided_slice %get3A_944 {offsets = [15], sizes = [1], strides = [1]} : vector<16xf32> to vector<1xf32>
        %squeeze3A_1078 = vector.extract %slice3A_1077[0] : f32 from vector<1xf32>
        %mul3A_1079 = vector.broadcast %squeeze3A_1078 : f32 to vector<16xf32>
        %mul3A_1080 = arith.mulf %get3A_1076, %mul3A_1079 : vector<16xf32>
        %add3A_1081 = arith.addf %mul3A_1024, %mul3A_1032 : vector<16xf32>
        %add3A_1082 = arith.addf %mul3A_1040, %mul3A_1048 : vector<16xf32>
        %add3A_1083 = arith.addf %add3A_1081, %add3A_1082 : vector<16xf32>
        %add3A_1084 = arith.addf %mul3A_1056, %mul3A_1064 : vector<16xf32>
        %add3A_1085 = arith.addf %mul3A_1072, %mul3A_1080 : vector<16xf32>
        %add3A_1086 = arith.addf %add3A_1084, %add3A_1085 : vector<16xf32>
        %add3A_1087 = arith.addf %add3A_1083, %add3A_1086 : vector<16xf32>
        %add3A_1088 = arith.addf %add3A_1016, %add3A_1087 : vector<16xf32>
        %get3A_1089 = arith.index_cast %add3A_49 : i32 to index
        %get3A_1090 = arith.constant 112 : index
        %get3A_1091 = tpu.vector_load %arg7[%get3A_1089, %get3A_1090] {strides = array<i32>} : memref<64x128xf32, #tpu.memory_space<vmem>>, vector<1x16xf32>,
        %get3A_1092 = vector.shape_cast %get3A_1091 : vector<1x16xf32> to vector<16xf32>
        %get3A_1093 = arith.index_cast %scan3A_56 : i32 to index
        %get3A_1094 = arith.constant 1792 : index
        %get3A_1095 = tpu.vector_load %arg9[%get3A_1093, %get3A_1094] {strides = array<i32>} : memref<16x2048xf32, #tpu.memory_space<vmem>>, vector<1x16xf32>,
        %get3A_1096 = vector.shape_cast %get3A_1095 : vector<1x16xf32> to vector<16xf32>
        %slice3A_1097 = vector.extract_strided_slice %get3A_1092 {offsets = [0], sizes = [1], strides = [1]} : vector<16xf32> to vector<1xf32>
        %squeeze3A_1098 = vector.extract %slice3A_1097[0] : f32 from vector<1xf32>
        %mul3A_1099 = vector.broadcast %squeeze3A_1098 : f32 to vector<16xf32>
        %mul3A_1100 = arith.mulf %get3A_1096, %mul3A_1099 : vector<16xf32>
        %get3A_1101 = arith.index_cast %scan3A_56 : i32 to index
        %get3A_1102 = arith.constant 1808 : index
        %get3A_1103 = tpu.vector_load %arg9[%get3A_1101, %get3A_1102] {strides = array<i32>} : memref<16x2048xf32, #tpu.memory_space<vmem>>, vector<1x16xf32>,
        %get3A_1104 = vector.shape_cast %get3A_1103 : vector<1x16xf32> to vector<16xf32>
        %slice3A_1105 = vector.extract_strided_slice %get3A_1092 {offsets = [1], sizes = [1], strides = [1]} : vector<16xf32> to vector<1xf32>
        %squeeze3A_1106 = vector.extract %slice3A_1105[0] : f32 from vector<1xf32>
        %mul3A_1107 = vector.broadcast %squeeze3A_1106 : f32 to vector<16xf32>
        %mul3A_1108 = arith.mulf %get3A_1104, %mul3A_1107 : vector<16xf32>
        %get3A_1109 = arith.index_cast %scan3A_56 : i32 to index
        %get3A_1110 = arith.constant 1824 : index
        %get3A_1111 = tpu.vector_load %arg9[%get3A_1109, %get3A_1110] {strides = array<i32>} : memref<16x2048xf32, #tpu.memory_space<vmem>>, vector<1x16xf32>,
        %get3A_1112 = vector.shape_cast %get3A_1111 : vector<1x16xf32> to vector<16xf32>
        %slice3A_1113 = vector.extract_strided_slice %get3A_1092 {offsets = [2], sizes = [1], strides = [1]} : vector<16xf32> to vector<1xf32>
        %squeeze3A_1114 = vector.extract %slice3A_1113[0] : f32 from vector<1xf32>
        %mul3A_1115 = vector.broadcast %squeeze3A_1114 : f32 to vector<16xf32>
        %mul3A_1116 = arith.mulf %get3A_1112, %mul3A_1115 : vector<16xf32>
        %get3A_1117 = arith.index_cast %scan3A_56 : i32 to index
        %get3A_1118 = arith.constant 1840 : index
        %get3A_1119 = tpu.vector_load %arg9[%get3A_1117, %get3A_1118] {strides = array<i32>} : memref<16x2048xf32, #tpu.memory_space<vmem>>, vector<1x16xf32>,
        %get3A_1120 = vector.shape_cast %get3A_1119 : vector<1x16xf32> to vector<16xf32>
        %slice3A_1121 = vector.extract_strided_slice %get3A_1092 {offsets = [3], sizes = [1], strides = [1]} : vector<16xf32> to vector<1xf32>
        %squeeze3A_1122 = vector.extract %slice3A_1121[0] : f32 from vector<1xf32>
        %mul3A_1123 = vector.broadcast %squeeze3A_1122 : f32 to vector<16xf32>
        %mul3A_1124 = arith.mulf %get3A_1120, %mul3A_1123 : vector<16xf32>
        %get3A_1125 = arith.index_cast %scan3A_56 : i32 to index
        %get3A_1126 = arith.constant 1856 : index
        %get3A_1127 = tpu.vector_load %arg9[%get3A_1125, %get3A_1126] {strides = array<i32>} : memref<16x2048xf32, #tpu.memory_space<vmem>>, vector<1x16xf32>,
        %get3A_1128 = vector.shape_cast %get3A_1127 : vector<1x16xf32> to vector<16xf32>
        %slice3A_1129 = vector.extract_strided_slice %get3A_1092 {offsets = [4], sizes = [1], strides = [1]} : vector<16xf32> to vector<1xf32>
        %squeeze3A_1130 = vector.extract %slice3A_1129[0] : f32 from vector<1xf32>
        %mul3A_1131 = vector.broadcast %squeeze3A_1130 : f32 to vector<16xf32>
        %mul3A_1132 = arith.mulf %get3A_1128, %mul3A_1131 : vector<16xf32>
        %get3A_1133 = arith.index_cast %scan3A_56 : i32 to index
        %get3A_1134 = arith.constant 1872 : index
        %get3A_1135 = tpu.vector_load %arg9[%get3A_1133, %get3A_1134] {strides = array<i32>} : memref<16x2048xf32, #tpu.memory_space<vmem>>, vector<1x16xf32>,
        %get3A_1136 = vector.shape_cast %get3A_1135 : vector<1x16xf32> to vector<16xf32>
        %slice3A_1137 = vector.extract_strided_slice %get3A_1092 {offsets = [5], sizes = [1], strides = [1]} : vector<16xf32> to vector<1xf32>
        %squeeze3A_1138 = vector.extract %slice3A_1137[0] : f32 from vector<1xf32>
        %mul3A_1139 = vector.broadcast %squeeze3A_1138 : f32 to vector<16xf32>
        %mul3A_1140 = arith.mulf %get3A_1136, %mul3A_1139 : vector<16xf32>
        %get3A_1141 = arith.index_cast %scan3A_56 : i32 to index
        %get3A_1142 = arith.constant 1888 : index
        %get3A_1143 = tpu.vector_load %arg9[%get3A_1141, %get3A_1142] {strides = array<i32>} : memref<16x2048xf32, #tpu.memory_space<vmem>>, vector<1x16xf32>,
        %get3A_1144 = vector.shape_cast %get3A_1143 : vector<1x16xf32> to vector<16xf32>
        %slice3A_1145 = vector.extract_strided_slice %get3A_1092 {offsets = [6], sizes = [1], strides = [1]} : vector<16xf32> to vector<1xf32>
        %squeeze3A_1146 = vector.extract %slice3A_1145[0] : f32 from vector<1xf32>
        %mul3A_1147 = vector.broadcast %squeeze3A_1146 : f32 to vector<16xf32>
        %mul3A_1148 = arith.mulf %get3A_1144, %mul3A_1147 : vector<16xf32>
        %get3A_1149 = arith.index_cast %scan3A_56 : i32 to index
        %get3A_1150 = arith.constant 1904 : index
        %get3A_1151 = tpu.vector_load %arg9[%get3A_1149, %get3A_1150] {strides = array<i32>} : memref<16x2048xf32, #tpu.memory_space<vmem>>, vector<1x16xf32>,
        %get3A_1152 = vector.shape_cast %get3A_1151 : vector<1x16xf32> to vector<16xf32>
        %slice3A_1153 = vector.extract_strided_slice %get3A_1092 {offsets = [7], sizes = [1], strides = [1]} : vector<16xf32> to vector<1xf32>
        %squeeze3A_1154 = vector.extract %slice3A_1153[0] : f32 from vector<1xf32>
        %mul3A_1155 = vector.broadcast %squeeze3A_1154 : f32 to vector<16xf32>
        %mul3A_1156 = arith.mulf %get3A_1152, %mul3A_1155 : vector<16xf32>
        %add3A_1157 = arith.addf %mul3A_1100, %mul3A_1108 : vector<16xf32>
        %add3A_1158 = arith.addf %mul3A_1116, %mul3A_1124 : vector<16xf32>
        %add3A_1159 = arith.addf %add3A_1157, %add3A_1158 : vector<16xf32>
        %add3A_1160 = arith.addf %mul3A_1132, %mul3A_1140 : vector<16xf32>
        %add3A_1161 = arith.addf %mul3A_1148, %mul3A_1156 : vector<16xf32>
        %add3A_1162 = arith.addf %add3A_1160, %add3A_1161 : vector<16xf32>
        %add3A_1163 = arith.addf %add3A_1159, %add3A_1162 : vector<16xf32>
        %add3A_1164 = arith.addf %add3A_1088, %add3A_1163 : vector<16xf32>
        %get3A_1165 = arith.index_cast %scan3A_56 : i32 to index
        %get3A_1166 = arith.constant 1920 : index
        %get3A_1167 = tpu.vector_load %arg9[%get3A_1165, %get3A_1166] {strides = array<i32>} : memref<16x2048xf32, #tpu.memory_space<vmem>>, vector<1x16xf32>,
        %get3A_1168 = vector.shape_cast %get3A_1167 : vector<1x16xf32> to vector<16xf32>
        %slice3A_1169 = vector.extract_strided_slice %get3A_1092 {offsets = [8], sizes = [1], strides = [1]} : vector<16xf32> to vector<1xf32>
        %squeeze3A_1170 = vector.extract %slice3A_1169[0] : f32 from vector<1xf32>
        %mul3A_1171 = vector.broadcast %squeeze3A_1170 : f32 to vector<16xf32>
        %mul3A_1172 = arith.mulf %get3A_1168, %mul3A_1171 : vector<16xf32>
        %get3A_1173 = arith.index_cast %scan3A_56 : i32 to index
        %get3A_1174 = arith.constant 1936 : index
        %get3A_1175 = tpu.vector_load %arg9[%get3A_1173, %get3A_1174] {strides = array<i32>} : memref<16x2048xf32, #tpu.memory_space<vmem>>, vector<1x16xf32>,
        %get3A_1176 = vector.shape_cast %get3A_1175 : vector<1x16xf32> to vector<16xf32>
        %slice3A_1177 = vector.extract_strided_slice %get3A_1092 {offsets = [9], sizes = [1], strides = [1]} : vector<16xf32> to vector<1xf32>
        %squeeze3A_1178 = vector.extract %slice3A_1177[0] : f32 from vector<1xf32>
        %mul3A_1179 = vector.broadcast %squeeze3A_1178 : f32 to vector<16xf32>
        %mul3A_1180 = arith.mulf %get3A_1176, %mul3A_1179 : vector<16xf32>
        %get3A_1181 = arith.index_cast %scan3A_56 : i32 to index
        %get3A_1182 = arith.constant 1952 : index
        %get3A_1183 = tpu.vector_load %arg9[%get3A_1181, %get3A_1182] {strides = array<i32>} : memref<16x2048xf32, #tpu.memory_space<vmem>>, vector<1x16xf32>,
        %get3A_1184 = vector.shape_cast %get3A_1183 : vector<1x16xf32> to vector<16xf32>
        %slice3A_1185 = vector.extract_strided_slice %get3A_1092 {offsets = [10], sizes = [1], strides = [1]} : vector<16xf32> to vector<1xf32>
        %squeeze3A_1186 = vector.extract %slice3A_1185[0] : f32 from vector<1xf32>
        %mul3A_1187 = vector.broadcast %squeeze3A_1186 : f32 to vector<16xf32>
        %mul3A_1188 = arith.mulf %get3A_1184, %mul3A_1187 : vector<16xf32>
        %get3A_1189 = arith.index_cast %scan3A_56 : i32 to index
        %get3A_1190 = arith.constant 1968 : index
        %get3A_1191 = tpu.vector_load %arg9[%get3A_1189, %get3A_1190] {strides = array<i32>} : memref<16x2048xf32, #tpu.memory_space<vmem>>, vector<1x16xf32>,
        %get3A_1192 = vector.shape_cast %get3A_1191 : vector<1x16xf32> to vector<16xf32>
        %slice3A_1193 = vector.extract_strided_slice %get3A_1092 {offsets = [11], sizes = [1], strides = [1]} : vector<16xf32> to vector<1xf32>
        %squeeze3A_1194 = vector.extract %slice3A_1193[0] : f32 from vector<1xf32>
        %mul3A_1195 = vector.broadcast %squeeze3A_1194 : f32 to vector<16xf32>
        %mul3A_1196 = arith.mulf %get3A_1192, %mul3A_1195 : vector<16xf32>
        %get3A_1197 = arith.index_cast %scan3A_56 : i32 to index
        %get3A_1198 = arith.constant 1984 : index
        %get3A_1199 = tpu.vector_load %arg9[%get3A_1197, %get3A_1198] {strides = array<i32>} : memref<16x2048xf32, #tpu.memory_space<vmem>>, vector<1x16xf32>,
        %get3A_1200 = vector.shape_cast %get3A_1199 : vector<1x16xf32> to vector<16xf32>
        %slice3A_1201 = vector.extract_strided_slice %get3A_1092 {offsets = [12], sizes = [1], strides = [1]} : vector<16xf32> to vector<1xf32>
        %squeeze3A_1202 = vector.extract %slice3A_1201[0] : f32 from vector<1xf32>
        %mul3A_1203 = vector.broadcast %squeeze3A_1202 : f32 to vector<16xf32>
        %mul3A_1204 = arith.mulf %get3A_1200, %mul3A_1203 : vector<16xf32>
        %get3A_1205 = arith.index_cast %scan3A_56 : i32 to index
        %get3A_1206 = arith.constant 2000 : index
        %get3A_1207 = tpu.vector_load %arg9[%get3A_1205, %get3A_1206] {strides = array<i32>} : memref<16x2048xf32, #tpu.memory_space<vmem>>, vector<1x16xf32>,
        %get3A_1208 = vector.shape_cast %get3A_1207 : vector<1x16xf32> to vector<16xf32>
        %slice3A_1209 = vector.extract_strided_slice %get3A_1092 {offsets = [13], sizes = [1], strides = [1]} : vector<16xf32> to vector<1xf32>
        %squeeze3A_1210 = vector.extract %slice3A_1209[0] : f32 from vector<1xf32>
        %mul3A_1211 = vector.broadcast %squeeze3A_1210 : f32 to vector<16xf32>
        %mul3A_1212 = arith.mulf %get3A_1208, %mul3A_1211 : vector<16xf32>
        %get3A_1213 = arith.index_cast %scan3A_56 : i32 to index
        %get3A_1214 = arith.constant 2016 : index
        %get3A_1215 = tpu.vector_load %arg9[%get3A_1213, %get3A_1214] {strides = array<i32>} : memref<16x2048xf32, #tpu.memory_space<vmem>>, vector<1x16xf32>,
        %get3A_1216 = vector.shape_cast %get3A_1215 : vector<1x16xf32> to vector<16xf32>
        %slice3A_1217 = vector.extract_strided_slice %get3A_1092 {offsets = [14], sizes = [1], strides = [1]} : vector<16xf32> to vector<1xf32>
        %squeeze3A_1218 = vector.extract %slice3A_1217[0] : f32 from vector<1xf32>
        %mul3A_1219 = vector.broadcast %squeeze3A_1218 : f32 to vector<16xf32>
        %mul3A_1220 = arith.mulf %get3A_1216, %mul3A_1219 : vector<16xf32>
        %get3A_1221 = arith.index_cast %scan3A_56 : i32 to index
        %get3A_1222 = arith.constant 2032 : index
        %get3A_1223 = tpu.vector_load %arg9[%get3A_1221, %get3A_1222] {strides = array<i32>} : memref<16x2048xf32, #tpu.memory_space<vmem>>, vector<1x16xf32>,
        %get3A_1224 = vector.shape_cast %get3A_1223 : vector<1x16xf32> to vector<16xf32>
        %slice3A_1225 = vector.extract_strided_slice %get3A_1092 {offsets = [15], sizes = [1], strides = [1]} : vector<16xf32> to vector<1xf32>
        %squeeze3A_1226 = vector.extract %slice3A_1225[0] : f32 from vector<1xf32>
        %mul3A_1227 = vector.broadcast %squeeze3A_1226 : f32 to vector<16xf32>
        %mul3A_1228 = arith.mulf %get3A_1224, %mul3A_1227 : vector<16xf32>
        %add3A_1229 = arith.addf %mul3A_1172, %mul3A_1180 : vector<16xf32>
        %add3A_1230 = arith.addf %mul3A_1188, %mul3A_1196 : vector<16xf32>
        %add3A_1231 = arith.addf %add3A_1229, %add3A_1230 : vector<16xf32>
        %add3A_1232 = arith.addf %mul3A_1204, %mul3A_1212 : vector<16xf32>
        %add3A_1233 = arith.addf %mul3A_1220, %mul3A_1228 : vector<16xf32>
        %add3A_1234 = arith.addf %add3A_1232, %add3A_1233 : vector<16xf32>
        %add3A_1235 = arith.addf %add3A_1231, %add3A_1234 : vector<16xf32>
        %add3A_1236 = arith.addf %add3A_1164, %add3A_1235 : vector<16xf32>
        %mul3A_1237 = arith.constant 16 : i32
        %mul3A_1238 = arith.muli %scan3A_56, %mul3A_1237 : i32
        %swap3A = arith.index_cast %add3A_49 : i32 to index
        %swap3A_1239 = arith.index_cast %mul3A_1238 : i32 to index
        %swap3A_1240 = tpu.vector_load %arg10[%swap3A, %swap3A_1239] {strides = array<i32>} : memref<64x256xf32, #tpu.memory_space<vmem>>, vector<1x16xf32>,
        %swap3A_1241 = vector.shape_cast %swap3A_1240 : vector<1x16xf32> to vector<16xf32>
        %swap3A_1242 = vector.shape_cast %add3A_1236 : vector<16xf32> to vector<1x16xf32>
        tpu.vector_store %arg10[%swap3A, %swap3A_1239], %swap3A_1242 {strides = array<i32>} : memref<64x256xf32, #tpu.memory_space<vmem>>, vector<1x16xf32>,
      }
      %scan3A_55 = arith.constant 16 : i32
    }
    %scan3A_13 = arith.constant 32 : i32
    "tpu.region"() ({
      %run_scoped3A = tpu.sem_alloc : memref<!tpu.dma_semaphore, #tpu.memory_space<semaphore_mem>>
      %dma_start3A_14 = arith.constant 0 : i32
      %dma_start3A_15 = tpu.memref_slice %arg5[%mul3A_2, %dma_start3A_14] : memref<2048x256xf32, #tpu.memory_space<hbm>> -> memref<64x256xf32, #tpu.memory_space<hbm>>
      %dma_start3A_16 = arith.constant 0 : i32
      %dma_start3A_17 = tpu.memref_slice %arg5[%mul3A_2, %dma_start3A_16] : memref<2048x256xf32, #tpu.memory_space<hbm>> -> memref<64x256xf32, #tpu.memory_space<hbm>>
      tpu.enqueue_dma source(%arg10 : memref<64x256xf32, #tpu.memory_space<vmem>>) target(%dma_start3A_17 : memref<64x256xf32, #tpu.memory_space<hbm>>) target_semaphore(%run_scoped3A : memref<!tpu.dma_semaphore, #tpu.memory_space<semaphore_mem>>)
      %dma_wait3A = arith.constant 0 : i32
      %dma_wait3A_18 = tpu.memref_slice %arg5[%mul3A_2, %dma_wait3A] : memref<2048x256xf32, #tpu.memory_space<hbm>> -> memref<64x256xf32, #tpu.memory_space<hbm>>
      %dma_wait3A_19 = arith.constant 0 : i32
      %dma_wait3A_20 = tpu.memref_slice %arg5[%mul3A_2, %dma_wait3A_19] : memref<2048x256xf32, #tpu.memory_space<hbm>> -> memref<64x256xf32, #tpu.memory_space<hbm>>
      tpu.wait_dma2 semaphore(%run_scoped3A : memref<!tpu.dma_semaphore, #tpu.memory_space<semaphore_mem>>) src(%arg10 : memref<64x256xf32, #tpu.memory_space<vmem>>) dst(%dma_wait3A_20 : memref<64x256xf32, #tpu.memory_space<hbm>>)
      tpu.yield
    }) : () -> ()
    return
  }
}

module attributes {stable_mosaic.version = 14 : i64} {
  func.func @_p1_body(%arg0: i32, %arg1: memref<256x1024xf32, #tpu.memory_space<vmem>>, %arg2: memref<1024x256xf32, #tpu.memory_space<vmem>>, %arg3: memref<1x256xf32, #tpu.memory_space<vmem>>, %arg4: memref<4096x128xf32, #tpu.memory_space<vmem>>, %arg5: memref<256x4096xf32, #tpu.memory_space<vmem>>, %arg6: memref<256x128xf32, #tpu.memory_space<vmem>>) attributes {dimension_semantics = [#tpu.dimension_semantics<arbitrary>], iteration_bounds = array<i64: 8>, scalar_prefetch = 0 : i64, scratch_operands = 0 : i64, tpu.core_type = #tpu.core_type<tc>, window_params = [{transform_indices = @transform_0, window_bounds = array<i64: 256, 1024>}, {pipeline_mode = #tpu.pipeline_mode<synchronous>, transform_indices = @transform_1, window_bounds = array<i64: 1024, 256>}, {pipeline_mode = #tpu.pipeline_mode<synchronous>, transform_indices = @transform_2, window_bounds = array<i64: 1, 256>}, {pipeline_mode = #tpu.pipeline_mode<synchronous>, transform_indices = @transform_3, window_bounds = array<i64: 4096, 128>}, {transform_indices = @transform_4, window_bounds = array<i64: 256, 4096>}, {transform_indices = @transform_5, window_bounds = array<i64: 256, 128>}]} {
    %get3A = arith.constant 0 : index
    %get3A_0 = arith.constant 0 : index
    %get3A_1 = vector.load %arg1[%get3A, %get3A_0] : memref<256x1024xf32, #tpu.memory_space<vmem>>, vector<256x1024xf32>
    %get3A_2 = arith.constant 0 : index
    %get3A_3 = arith.constant 0 : index
    %get3A_4 = vector.load %arg2[%get3A_2, %get3A_3] : memref<1024x256xf32, #tpu.memory_space<vmem>>, vector<1024x256xf32>
    %dot_general3A = arith.constant dense<0.000000e+00> : vector<256x256xf32>
    %dot_general3A_5 = tpu.matmul %get3A_1, %get3A_4, %dot_general3A {dimension_numbers = #tpu.dot_dimension_numbers<[1], [0], [0], [1], [0, 0, 1, 1], [], []>, transpose_lhs_hint = false} : vector<256x1024xf32>, vector<1024x256xf32>, vector<256x256xf32> -> vector<256x256xf32>
    %get3A_6 = arith.constant 0 : index
    %get3A_7 = arith.constant 0 : index
    %get3A_8 = vector.load %arg3[%get3A_6, %get3A_7] : memref<1x256xf32, #tpu.memory_space<vmem>>, vector<1x256xf32>
    %add3A = vector.broadcast %get3A_8 : vector<1x256xf32> to vector<256x256xf32>
    %add3A_9 = arith.addf %dot_general3A_5, %add3A : vector<256x256xf32>
    %slice3A = vector.extract_strided_slice %add3A_9 {offsets = [0, 0], sizes = [256, 128], strides = [1, 1]} : vector<256x256xf32> to vector<256x128xf32>
    %slice3A_10 = vector.extract_strided_slice %add3A_9 {offsets = [0, 128], sizes = [256, 128], strides = [1, 1]} : vector<256x256xf32> to vector<256x128xf32>
    %swap3A = arith.constant 0 : index
    %swap3A_11 = arith.constant 0 : index
    %swap3A_12 = vector.load %arg6[%swap3A, %swap3A_11] : memref<256x128xf32, #tpu.memory_space<vmem>>, vector<256x128xf32>
    tpu.vector_store %arg6[%swap3A, %swap3A_11], %slice3A_10 {strides = array<i32>} : memref<256x128xf32, #tpu.memory_space<vmem>>, vector<256x128xf32>,
    %get3A_13 = arith.constant 0 : index
    %get3A_14 = arith.constant 0 : index
    %get3A_15 = vector.load %arg4[%get3A_13, %get3A_14] : memref<4096x128xf32, #tpu.memory_space<vmem>>, vector<4096x128xf32>
    %dot_general3A_16 = arith.constant dense<0.000000e+00> : vector<256x4096xf32>
    %dot_general3A_17 = tpu.matmul %slice3A, %get3A_15, %dot_general3A_16 {dimension_numbers = #tpu.dot_dimension_numbers<[1], [1], [0], [0], [0, 0, 1, 0], [], []>, transpose_lhs_hint = false} : vector<256x128xf32>, vector<4096x128xf32>, vector<256x4096xf32> -> vector<256x4096xf32>
    %sqrt3A = arith.constant 1.280000e+02 : f32
    %sqrt3A_18 = math.sqrt %sqrt3A : f32
    %div3A = vector.broadcast %sqrt3A_18 : f32 to vector<256x4096xf32>
    %div3A_19 = arith.divf %dot_general3A_17, %div3A : vector<256x4096xf32>
    %reduce_max3A = arith.constant dense<0xFF800000> : vector<256xf32>
    %reduce_max3A_20 = vector.multi_reduction <maximumf>, %div3A_19, %reduce_max3A [1] : vector<256x4096xf32> to vector<256xf32>
    %broadcast_in_dim3A = vector.shape_cast %reduce_max3A_20 : vector<256xf32> to vector<256x1xf32>
    %sub3A = vector.broadcast %broadcast_in_dim3A : vector<256x1xf32> to vector<256x4096xf32>
    %sub3A_21 = arith.subf %div3A_19, %sub3A : vector<256x4096xf32>
    %exp3A = math.exp %sub3A_21 : vector<256x4096xf32>
    %swap3A_22 = arith.constant 0 : index
    %swap3A_23 = arith.constant 0 : index
    %swap3A_24 = vector.load %arg5[%swap3A_22, %swap3A_23] : memref<256x4096xf32, #tpu.memory_space<vmem>>, vector<256x4096xf32>
    tpu.vector_store %arg5[%swap3A_22, %swap3A_23], %exp3A {strides = array<i32>} : memref<256x4096xf32, #tpu.memory_space<vmem>>, vector<256x4096xf32>,
    return
  }
  func.func @transform_0(%arg0: i32) -> (i32, i32) {
    %c0_i32 = arith.constant 0 : i32
    %c0_i32_0 = arith.constant 0 : i32
    return %arg0, %c0_i32 : i32, i32
  }
  func.func @transform_1(%arg0: i32) -> (i32, i32) {
    %c0_i32 = arith.constant 0 : i32
    %c0_i32_0 = arith.constant 0 : i32
    %c0_i32_1 = arith.constant 0 : i32
    return %c0_i32, %c0_i32_0 : i32, i32
  }
  func.func @transform_2(%arg0: i32) -> (i32, i32) {
    %c0_i32 = arith.constant 0 : i32
    %c0_i32_0 = arith.constant 0 : i32
    %c0_i32_1 = arith.constant 0 : i32
    return %c0_i32, %c0_i32_0 : i32, i32
  }
  func.func @transform_3(%arg0: i32) -> (i32, i32) {
    %c0_i32 = arith.constant 0 : i32
    %c0_i32_0 = arith.constant 0 : i32
    %c0_i32_1 = arith.constant 0 : i32
    return %c0_i32, %c0_i32_0 : i32, i32
  }
  func.func @transform_4(%arg0: i32) -> (i32, i32) {
    %c0_i32 = arith.constant 0 : i32
    %c0_i32_0 = arith.constant 0 : i32
    return %arg0, %c0_i32 : i32, i32
  }
  func.func @transform_5(%arg0: i32) -> (i32, i32) {
    %c0_i32 = arith.constant 0 : i32
    %c0_i32_0 = arith.constant 0 : i32
    return %arg0, %c0_i32 : i32, i32
  }
}

module attributes {stable_mosaic.version = 14 : i64} {
  func.func @_p2_body(%arg0: i32, %arg1: memref<256x4096xf32, #tpu.memory_space<vmem>>, %arg2: memref<256x1xf32, #tpu.memory_space<vmem>>, %arg3: memref<256x16xi32, #tpu.memory_space<vmem>>, %arg4: memref<256x16xf32, #tpu.memory_space<vmem>>) attributes {dimension_semantics = [#tpu.dimension_semantics<arbitrary>], iteration_bounds = array<i64: 8>, scalar_prefetch = 0 : i64, scratch_operands = 0 : i64, tpu.core_type = #tpu.core_type<tc>, window_params = [{transform_indices = @transform_0, window_bounds = array<i64: 256, 4096>}, {transform_indices = @transform_1, window_bounds = array<i64: 256, 1>}, {transform_indices = @transform_2, window_bounds = array<i64: 256, 16>}, {transform_indices = @transform_3, window_bounds = array<i64: 256, 16>}]} {
    %get3A = arith.constant 0 : index
    %get3A_0 = arith.constant 0 : index
    %get3A_1 = vector.load %arg1[%get3A, %get3A_0] : memref<256x4096xf32, #tpu.memory_space<vmem>>, vector<256x4096xf32>
    %get3A_2 = arith.constant 0 : index
    %get3A_3 = arith.constant 0 : index
    %get3A_4 = vector.load %arg2[%get3A_2, %get3A_3] : memref<256x1xf32, #tpu.memory_space<vmem>>, vector<256x1xf32>
    %div3A = vector.broadcast %get3A_4 : vector<256x1xf32> to vector<256x4096xf32>
    %div3A_5 = arith.divf %get3A_1, %div3A : vector<256x4096xf32>
    %iota3A = tpu.iota {dimensions = array<i32: 1>} : vector<256x4096xi32>
    %reduce_max3A = arith.constant dense<0xFF800000> : vector<256xf32>
    %reduce_max3A_6 = vector.multi_reduction <maximumf>, %div3A_5, %reduce_max3A [1] : vector<256x4096xf32> to vector<256xf32>
    %broadcast_in_dim3A = vector.shape_cast %reduce_max3A_6 : vector<256xf32> to vector<256x1xf32>
    %eq3A = vector.broadcast %broadcast_in_dim3A : vector<256x1xf32> to vector<256x4096xf32>
    %eq3A_7 = arith.cmpf oeq, %div3A_5, %eq3A : vector<256x4096xf32>
    %jit3A = arith.constant 4096 : i32
    %broadcast_in_dim3A_8 = vector.broadcast %jit3A : i32 to vector<256x4096xi32>
    %select_n3A = arith.select %eq3A_7, %iota3A, %broadcast_in_dim3A_8 : vector<256x4096xi1>, vector<256x4096xi32>
    %reduce_min3A = arith.constant dense<2147483647> : vector<256xi32>
    %reduce_min3A_9 = vector.multi_reduction <minsi>, %select_n3A, %reduce_min3A [1] : vector<256x4096xi32> to vector<256xi32>
    %broadcast_in_dim3A_10 = vector.shape_cast %reduce_min3A_9 : vector<256xi32> to vector<256x1xi32>
    %eq3A_11 = vector.broadcast %broadcast_in_dim3A_10 : vector<256x1xi32> to vector<256x4096xi32>
    %eq3A_12 = arith.cmpi eq, %iota3A, %eq3A_11 : vector<256x4096xi32>
    %jit3A_13 = arith.constant 0xFF800000 : f32
    %broadcast_in_dim3A_14 = vector.broadcast %jit3A_13 : f32 to vector<256x4096xf32>
    %select_n3A_15 = arith.select %eq3A_12, %broadcast_in_dim3A_14, %div3A_5 : vector<256x4096xi1>, vector<256x4096xf32>
    %reduce_max3A_16 = arith.constant dense<0xFF800000> : vector<256xf32>
    %reduce_max3A_17 = vector.multi_reduction <maximumf>, %select_n3A_15, %reduce_max3A_16 [1] : vector<256x4096xf32> to vector<256xf32>
    %broadcast_in_dim3A_18 = vector.shape_cast %reduce_max3A_17 : vector<256xf32> to vector<256x1xf32>
    %eq3A_19 = vector.broadcast %broadcast_in_dim3A_18 : vector<256x1xf32> to vector<256x4096xf32>
    %eq3A_20 = arith.cmpf oeq, %select_n3A_15, %eq3A_19 : vector<256x4096xf32>
    %jit3A_21 = arith.constant 4096 : i32
    %broadcast_in_dim3A_22 = vector.broadcast %jit3A_21 : i32 to vector<256x4096xi32>
    %select_n3A_23 = arith.select %eq3A_20, %iota3A, %broadcast_in_dim3A_22 : vector<256x4096xi1>, vector<256x4096xi32>
    %reduce_min3A_24 = arith.constant dense<2147483647> : vector<256xi32>
    %reduce_min3A_25 = vector.multi_reduction <minsi>, %select_n3A_23, %reduce_min3A_24 [1] : vector<256x4096xi32> to vector<256xi32>
    %broadcast_in_dim3A_26 = vector.shape_cast %reduce_min3A_25 : vector<256xi32> to vector<256x1xi32>
    %eq3A_27 = vector.broadcast %broadcast_in_dim3A_26 : vector<256x1xi32> to vector<256x4096xi32>
    %eq3A_28 = arith.cmpi eq, %iota3A, %eq3A_27 : vector<256x4096xi32>
    %jit3A_29 = arith.constant 0xFF800000 : f32
    %broadcast_in_dim3A_30 = vector.broadcast %jit3A_29 : f32 to vector<256x4096xf32>
    %select_n3A_31 = arith.select %eq3A_28, %broadcast_in_dim3A_30, %select_n3A_15 : vector<256x4096xi1>, vector<256x4096xf32>
    %reduce_max3A_32 = arith.constant dense<0xFF800000> : vector<256xf32>
    %reduce_max3A_33 = vector.multi_reduction <maximumf>, %select_n3A_31, %reduce_max3A_32 [1] : vector<256x4096xf32> to vector<256xf32>
    %broadcast_in_dim3A_34 = vector.shape_cast %reduce_max3A_33 : vector<256xf32> to vector<256x1xf32>
    %eq3A_35 = vector.broadcast %broadcast_in_dim3A_34 : vector<256x1xf32> to vector<256x4096xf32>
    %eq3A_36 = arith.cmpf oeq, %select_n3A_31, %eq3A_35 : vector<256x4096xf32>
    %jit3A_37 = arith.constant 4096 : i32
    %broadcast_in_dim3A_38 = vector.broadcast %jit3A_37 : i32 to vector<256x4096xi32>
    %select_n3A_39 = arith.select %eq3A_36, %iota3A, %broadcast_in_dim3A_38 : vector<256x4096xi1>, vector<256x4096xi32>
    %reduce_min3A_40 = arith.constant dense<2147483647> : vector<256xi32>
    %reduce_min3A_41 = vector.multi_reduction <minsi>, %select_n3A_39, %reduce_min3A_40 [1] : vector<256x4096xi32> to vector<256xi32>
    %broadcast_in_dim3A_42 = vector.shape_cast %reduce_min3A_41 : vector<256xi32> to vector<256x1xi32>
    %eq3A_43 = vector.broadcast %broadcast_in_dim3A_42 : vector<256x1xi32> to vector<256x4096xi32>
    %eq3A_44 = arith.cmpi eq, %iota3A, %eq3A_43 : vector<256x4096xi32>
    %jit3A_45 = arith.constant 0xFF800000 : f32
    %broadcast_in_dim3A_46 = vector.broadcast %jit3A_45 : f32 to vector<256x4096xf32>
    %select_n3A_47 = arith.select %eq3A_44, %broadcast_in_dim3A_46, %select_n3A_31 : vector<256x4096xi1>, vector<256x4096xf32>
    %reduce_max3A_48 = arith.constant dense<0xFF800000> : vector<256xf32>
    %reduce_max3A_49 = vector.multi_reduction <maximumf>, %select_n3A_47, %reduce_max3A_48 [1] : vector<256x4096xf32> to vector<256xf32>
    %broadcast_in_dim3A_50 = vector.shape_cast %reduce_max3A_49 : vector<256xf32> to vector<256x1xf32>
    %eq3A_51 = vector.broadcast %broadcast_in_dim3A_50 : vector<256x1xf32> to vector<256x4096xf32>
    %eq3A_52 = arith.cmpf oeq, %select_n3A_47, %eq3A_51 : vector<256x4096xf32>
    %jit3A_53 = arith.constant 4096 : i32
    %broadcast_in_dim3A_54 = vector.broadcast %jit3A_53 : i32 to vector<256x4096xi32>
    %select_n3A_55 = arith.select %eq3A_52, %iota3A, %broadcast_in_dim3A_54 : vector<256x4096xi1>, vector<256x4096xi32>
    %reduce_min3A_56 = arith.constant dense<2147483647> : vector<256xi32>
    %reduce_min3A_57 = vector.multi_reduction <minsi>, %select_n3A_55, %reduce_min3A_56 [1] : vector<256x4096xi32> to vector<256xi32>
    %broadcast_in_dim3A_58 = vector.shape_cast %reduce_min3A_57 : vector<256xi32> to vector<256x1xi32>
    %eq3A_59 = vector.broadcast %broadcast_in_dim3A_58 : vector<256x1xi32> to vector<256x4096xi32>
    %eq3A_60 = arith.cmpi eq, %iota3A, %eq3A_59 : vector<256x4096xi32>
    %jit3A_61 = arith.constant 0xFF800000 : f32
    %broadcast_in_dim3A_62 = vector.broadcast %jit3A_61 : f32 to vector<256x4096xf32>
    %select_n3A_63 = arith.select %eq3A_60, %broadcast_in_dim3A_62, %select_n3A_47 : vector<256x4096xi1>, vector<256x4096xf32>
    %reduce_max3A_64 = arith.constant dense<0xFF800000> : vector<256xf32>
    %reduce_max3A_65 = vector.multi_reduction <maximumf>, %select_n3A_63, %reduce_max3A_64 [1] : vector<256x4096xf32> to vector<256xf32>
    %broadcast_in_dim3A_66 = vector.shape_cast %reduce_max3A_65 : vector<256xf32> to vector<256x1xf32>
    %eq3A_67 = vector.broadcast %broadcast_in_dim3A_66 : vector<256x1xf32> to vector<256x4096xf32>
    %eq3A_68 = arith.cmpf oeq, %select_n3A_63, %eq3A_67 : vector<256x4096xf32>
    %jit3A_69 = arith.constant 4096 : i32
    %broadcast_in_dim3A_70 = vector.broadcast %jit3A_69 : i32 to vector<256x4096xi32>
    %select_n3A_71 = arith.select %eq3A_68, %iota3A, %broadcast_in_dim3A_70 : vector<256x4096xi1>, vector<256x4096xi32>
    %reduce_min3A_72 = arith.constant dense<2147483647> : vector<256xi32>
    %reduce_min3A_73 = vector.multi_reduction <minsi>, %select_n3A_71, %reduce_min3A_72 [1] : vector<256x4096xi32> to vector<256xi32>
    %broadcast_in_dim3A_74 = vector.shape_cast %reduce_min3A_73 : vector<256xi32> to vector<256x1xi32>
    %eq3A_75 = vector.broadcast %broadcast_in_dim3A_74 : vector<256x1xi32> to vector<256x4096xi32>
    %eq3A_76 = arith.cmpi eq, %iota3A, %eq3A_75 : vector<256x4096xi32>
    %jit3A_77 = arith.constant 0xFF800000 : f32
    %broadcast_in_dim3A_78 = vector.broadcast %jit3A_77 : f32 to vector<256x4096xf32>
    %select_n3A_79 = arith.select %eq3A_76, %broadcast_in_dim3A_78, %select_n3A_63 : vector<256x4096xi1>, vector<256x4096xf32>
    %reduce_max3A_80 = arith.constant dense<0xFF800000> : vector<256xf32>
    %reduce_max3A_81 = vector.multi_reduction <maximumf>, %select_n3A_79, %reduce_max3A_80 [1] : vector<256x4096xf32> to vector<256xf32>
    %broadcast_in_dim3A_82 = vector.shape_cast %reduce_max3A_81 : vector<256xf32> to vector<256x1xf32>
    %eq3A_83 = vector.broadcast %broadcast_in_dim3A_82 : vector<256x1xf32> to vector<256x4096xf32>
    %eq3A_84 = arith.cmpf oeq, %select_n3A_79, %eq3A_83 : vector<256x4096xf32>
    %jit3A_85 = arith.constant 4096 : i32
    %broadcast_in_dim3A_86 = vector.broadcast %jit3A_85 : i32 to vector<256x4096xi32>
    %select_n3A_87 = arith.select %eq3A_84, %iota3A, %broadcast_in_dim3A_86 : vector<256x4096xi1>, vector<256x4096xi32>
    %reduce_min3A_88 = arith.constant dense<2147483647> : vector<256xi32>
    %reduce_min3A_89 = vector.multi_reduction <minsi>, %select_n3A_87, %reduce_min3A_88 [1] : vector<256x4096xi32> to vector<256xi32>
    %broadcast_in_dim3A_90 = vector.shape_cast %reduce_min3A_89 : vector<256xi32> to vector<256x1xi32>
    %eq3A_91 = vector.broadcast %broadcast_in_dim3A_90 : vector<256x1xi32> to vector<256x4096xi32>
    %eq3A_92 = arith.cmpi eq, %iota3A, %eq3A_91 : vector<256x4096xi32>
    %jit3A_93 = arith.constant 0xFF800000 : f32
    %broadcast_in_dim3A_94 = vector.broadcast %jit3A_93 : f32 to vector<256x4096xf32>
    %select_n3A_95 = arith.select %eq3A_92, %broadcast_in_dim3A_94, %select_n3A_79 : vector<256x4096xi1>, vector<256x4096xf32>
    %reduce_max3A_96 = arith.constant dense<0xFF800000> : vector<256xf32>
    %reduce_max3A_97 = vector.multi_reduction <maximumf>, %select_n3A_95, %reduce_max3A_96 [1] : vector<256x4096xf32> to vector<256xf32>
    %broadcast_in_dim3A_98 = vector.shape_cast %reduce_max3A_97 : vector<256xf32> to vector<256x1xf32>
    %eq3A_99 = vector.broadcast %broadcast_in_dim3A_98 : vector<256x1xf32> to vector<256x4096xf32>
    %eq3A_100 = arith.cmpf oeq, %select_n3A_95, %eq3A_99 : vector<256x4096xf32>
    %jit3A_101 = arith.constant 4096 : i32
    %broadcast_in_dim3A_102 = vector.broadcast %jit3A_101 : i32 to vector<256x4096xi32>
    %select_n3A_103 = arith.select %eq3A_100, %iota3A, %broadcast_in_dim3A_102 : vector<256x4096xi1>, vector<256x4096xi32>
    %reduce_min3A_104 = arith.constant dense<2147483647> : vector<256xi32>
    %reduce_min3A_105 = vector.multi_reduction <minsi>, %select_n3A_103, %reduce_min3A_104 [1] : vector<256x4096xi32> to vector<256xi32>
    %broadcast_in_dim3A_106 = vector.shape_cast %reduce_min3A_105 : vector<256xi32> to vector<256x1xi32>
    %eq3A_107 = vector.broadcast %broadcast_in_dim3A_106 : vector<256x1xi32> to vector<256x4096xi32>
    %eq3A_108 = arith.cmpi eq, %iota3A, %eq3A_107 : vector<256x4096xi32>
    %jit3A_109 = arith.constant 0xFF800000 : f32
    %broadcast_in_dim3A_110 = vector.broadcast %jit3A_109 : f32 to vector<256x4096xf32>
    %select_n3A_111 = arith.select %eq3A_108, %broadcast_in_dim3A_110, %select_n3A_95 : vector<256x4096xi1>, vector<256x4096xf32>
    %reduce_max3A_112 = arith.constant dense<0xFF800000> : vector<256xf32>
    %reduce_max3A_113 = vector.multi_reduction <maximumf>, %select_n3A_111, %reduce_max3A_112 [1] : vector<256x4096xf32> to vector<256xf32>
    %broadcast_in_dim3A_114 = vector.shape_cast %reduce_max3A_113 : vector<256xf32> to vector<256x1xf32>
    %eq3A_115 = vector.broadcast %broadcast_in_dim3A_114 : vector<256x1xf32> to vector<256x4096xf32>
    %eq3A_116 = arith.cmpf oeq, %select_n3A_111, %eq3A_115 : vector<256x4096xf32>
    %jit3A_117 = arith.constant 4096 : i32
    %broadcast_in_dim3A_118 = vector.broadcast %jit3A_117 : i32 to vector<256x4096xi32>
    %select_n3A_119 = arith.select %eq3A_116, %iota3A, %broadcast_in_dim3A_118 : vector<256x4096xi1>, vector<256x4096xi32>
    %reduce_min3A_120 = arith.constant dense<2147483647> : vector<256xi32>
    %reduce_min3A_121 = vector.multi_reduction <minsi>, %select_n3A_119, %reduce_min3A_120 [1] : vector<256x4096xi32> to vector<256xi32>
    %broadcast_in_dim3A_122 = vector.shape_cast %reduce_min3A_121 : vector<256xi32> to vector<256x1xi32>
    %eq3A_123 = vector.broadcast %broadcast_in_dim3A_122 : vector<256x1xi32> to vector<256x4096xi32>
    %eq3A_124 = arith.cmpi eq, %iota3A, %eq3A_123 : vector<256x4096xi32>
    %jit3A_125 = arith.constant 0xFF800000 : f32
    %broadcast_in_dim3A_126 = vector.broadcast %jit3A_125 : f32 to vector<256x4096xf32>
    %select_n3A_127 = arith.select %eq3A_124, %broadcast_in_dim3A_126, %select_n3A_111 : vector<256x4096xi1>, vector<256x4096xf32>
    %reduce_max3A_128 = arith.constant dense<0xFF800000> : vector<256xf32>
    %reduce_max3A_129 = vector.multi_reduction <maximumf>, %select_n3A_127, %reduce_max3A_128 [1] : vector<256x4096xf32> to vector<256xf32>
    %broadcast_in_dim3A_130 = vector.shape_cast %reduce_max3A_129 : vector<256xf32> to vector<256x1xf32>
    %eq3A_131 = vector.broadcast %broadcast_in_dim3A_130 : vector<256x1xf32> to vector<256x4096xf32>
    %eq3A_132 = arith.cmpf oeq, %select_n3A_127, %eq3A_131 : vector<256x4096xf32>
    %jit3A_133 = arith.constant 4096 : i32
    %broadcast_in_dim3A_134 = vector.broadcast %jit3A_133 : i32 to vector<256x4096xi32>
    %select_n3A_135 = arith.select %eq3A_132, %iota3A, %broadcast_in_dim3A_134 : vector<256x4096xi1>, vector<256x4096xi32>
    %reduce_min3A_136 = arith.constant dense<2147483647> : vector<256xi32>
    %reduce_min3A_137 = vector.multi_reduction <minsi>, %select_n3A_135, %reduce_min3A_136 [1] : vector<256x4096xi32> to vector<256xi32>
    %broadcast_in_dim3A_138 = vector.shape_cast %reduce_min3A_137 : vector<256xi32> to vector<256x1xi32>
    %eq3A_139 = vector.broadcast %broadcast_in_dim3A_138 : vector<256x1xi32> to vector<256x4096xi32>
    %eq3A_140 = arith.cmpi eq, %iota3A, %eq3A_139 : vector<256x4096xi32>
    %jit3A_141 = arith.constant 0xFF800000 : f32
    %broadcast_in_dim3A_142 = vector.broadcast %jit3A_141 : f32 to vector<256x4096xf32>
    %select_n3A_143 = arith.select %eq3A_140, %broadcast_in_dim3A_142, %select_n3A_127 : vector<256x4096xi1>, vector<256x4096xf32>
    %reduce_max3A_144 = arith.constant dense<0xFF800000> : vector<256xf32>
    %reduce_max3A_145 = vector.multi_reduction <maximumf>, %select_n3A_143, %reduce_max3A_144 [1] : vector<256x4096xf32> to vector<256xf32>
    %broadcast_in_dim3A_146 = vector.shape_cast %reduce_max3A_145 : vector<256xf32> to vector<256x1xf32>
    %eq3A_147 = vector.broadcast %broadcast_in_dim3A_146 : vector<256x1xf32> to vector<256x4096xf32>
    %eq3A_148 = arith.cmpf oeq, %select_n3A_143, %eq3A_147 : vector<256x4096xf32>
    %jit3A_149 = arith.constant 4096 : i32
    %broadcast_in_dim3A_150 = vector.broadcast %jit3A_149 : i32 to vector<256x4096xi32>
    %select_n3A_151 = arith.select %eq3A_148, %iota3A, %broadcast_in_dim3A_150 : vector<256x4096xi1>, vector<256x4096xi32>
    %reduce_min3A_152 = arith.constant dense<2147483647> : vector<256xi32>
    %reduce_min3A_153 = vector.multi_reduction <minsi>, %select_n3A_151, %reduce_min3A_152 [1] : vector<256x4096xi32> to vector<256xi32>
    %broadcast_in_dim3A_154 = vector.shape_cast %reduce_min3A_153 : vector<256xi32> to vector<256x1xi32>
    %eq3A_155 = vector.broadcast %broadcast_in_dim3A_154 : vector<256x1xi32> to vector<256x4096xi32>
    %eq3A_156 = arith.cmpi eq, %iota3A, %eq3A_155 : vector<256x4096xi32>
    %jit3A_157 = arith.constant 0xFF800000 : f32
    %broadcast_in_dim3A_158 = vector.broadcast %jit3A_157 : f32 to vector<256x4096xf32>
    %select_n3A_159 = arith.select %eq3A_156, %broadcast_in_dim3A_158, %select_n3A_143 : vector<256x4096xi1>, vector<256x4096xf32>
    %reduce_max3A_160 = arith.constant dense<0xFF800000> : vector<256xf32>
    %reduce_max3A_161 = vector.multi_reduction <maximumf>, %select_n3A_159, %reduce_max3A_160 [1] : vector<256x4096xf32> to vector<256xf32>
    %broadcast_in_dim3A_162 = vector.shape_cast %reduce_max3A_161 : vector<256xf32> to vector<256x1xf32>
    %eq3A_163 = vector.broadcast %broadcast_in_dim3A_162 : vector<256x1xf32> to vector<256x4096xf32>
    %eq3A_164 = arith.cmpf oeq, %select_n3A_159, %eq3A_163 : vector<256x4096xf32>
    %jit3A_165 = arith.constant 4096 : i32
    %broadcast_in_dim3A_166 = vector.broadcast %jit3A_165 : i32 to vector<256x4096xi32>
    %select_n3A_167 = arith.select %eq3A_164, %iota3A, %broadcast_in_dim3A_166 : vector<256x4096xi1>, vector<256x4096xi32>
    %reduce_min3A_168 = arith.constant dense<2147483647> : vector<256xi32>
    %reduce_min3A_169 = vector.multi_reduction <minsi>, %select_n3A_167, %reduce_min3A_168 [1] : vector<256x4096xi32> to vector<256xi32>
    %broadcast_in_dim3A_170 = vector.shape_cast %reduce_min3A_169 : vector<256xi32> to vector<256x1xi32>
    %eq3A_171 = vector.broadcast %broadcast_in_dim3A_170 : vector<256x1xi32> to vector<256x4096xi32>
    %eq3A_172 = arith.cmpi eq, %iota3A, %eq3A_171 : vector<256x4096xi32>
    %jit3A_173 = arith.constant 0xFF800000 : f32
    %broadcast_in_dim3A_174 = vector.broadcast %jit3A_173 : f32 to vector<256x4096xf32>
    %select_n3A_175 = arith.select %eq3A_172, %broadcast_in_dim3A_174, %select_n3A_159 : vector<256x4096xi1>, vector<256x4096xf32>
    %reduce_max3A_176 = arith.constant dense<0xFF800000> : vector<256xf32>
    %reduce_max3A_177 = vector.multi_reduction <maximumf>, %select_n3A_175, %reduce_max3A_176 [1] : vector<256x4096xf32> to vector<256xf32>
    %broadcast_in_dim3A_178 = vector.shape_cast %reduce_max3A_177 : vector<256xf32> to vector<256x1xf32>
    %eq3A_179 = vector.broadcast %broadcast_in_dim3A_178 : vector<256x1xf32> to vector<256x4096xf32>
    %eq3A_180 = arith.cmpf oeq, %select_n3A_175, %eq3A_179 : vector<256x4096xf32>
    %jit3A_181 = arith.constant 4096 : i32
    %broadcast_in_dim3A_182 = vector.broadcast %jit3A_181 : i32 to vector<256x4096xi32>
    %select_n3A_183 = arith.select %eq3A_180, %iota3A, %broadcast_in_dim3A_182 : vector<256x4096xi1>, vector<256x4096xi32>
    %reduce_min3A_184 = arith.constant dense<2147483647> : vector<256xi32>
    %reduce_min3A_185 = vector.multi_reduction <minsi>, %select_n3A_183, %reduce_min3A_184 [1] : vector<256x4096xi32> to vector<256xi32>
    %broadcast_in_dim3A_186 = vector.shape_cast %reduce_min3A_185 : vector<256xi32> to vector<256x1xi32>
    %eq3A_187 = vector.broadcast %broadcast_in_dim3A_186 : vector<256x1xi32> to vector<256x4096xi32>
    %eq3A_188 = arith.cmpi eq, %iota3A, %eq3A_187 : vector<256x4096xi32>
    %jit3A_189 = arith.constant 0xFF800000 : f32
    %broadcast_in_dim3A_190 = vector.broadcast %jit3A_189 : f32 to vector<256x4096xf32>
    %select_n3A_191 = arith.select %eq3A_188, %broadcast_in_dim3A_190, %select_n3A_175 : vector<256x4096xi1>, vector<256x4096xf32>
    %reduce_max3A_192 = arith.constant dense<0xFF800000> : vector<256xf32>
    %reduce_max3A_193 = vector.multi_reduction <maximumf>, %select_n3A_191, %reduce_max3A_192 [1] : vector<256x4096xf32> to vector<256xf32>
    %broadcast_in_dim3A_194 = vector.shape_cast %reduce_max3A_193 : vector<256xf32> to vector<256x1xf32>
    %eq3A_195 = vector.broadcast %broadcast_in_dim3A_194 : vector<256x1xf32> to vector<256x4096xf32>
    %eq3A_196 = arith.cmpf oeq, %select_n3A_191, %eq3A_195 : vector<256x4096xf32>
    %jit3A_197 = arith.constant 4096 : i32
    %broadcast_in_dim3A_198 = vector.broadcast %jit3A_197 : i32 to vector<256x4096xi32>
    %select_n3A_199 = arith.select %eq3A_196, %iota3A, %broadcast_in_dim3A_198 : vector<256x4096xi1>, vector<256x4096xi32>
    %reduce_min3A_200 = arith.constant dense<2147483647> : vector<256xi32>
    %reduce_min3A_201 = vector.multi_reduction <minsi>, %select_n3A_199, %reduce_min3A_200 [1] : vector<256x4096xi32> to vector<256xi32>
    %broadcast_in_dim3A_202 = vector.shape_cast %reduce_min3A_201 : vector<256xi32> to vector<256x1xi32>
    %eq3A_203 = vector.broadcast %broadcast_in_dim3A_202 : vector<256x1xi32> to vector<256x4096xi32>
    %eq3A_204 = arith.cmpi eq, %iota3A, %eq3A_203 : vector<256x4096xi32>
    %jit3A_205 = arith.constant 0xFF800000 : f32
    %broadcast_in_dim3A_206 = vector.broadcast %jit3A_205 : f32 to vector<256x4096xf32>
    %select_n3A_207 = arith.select %eq3A_204, %broadcast_in_dim3A_206, %select_n3A_191 : vector<256x4096xi1>, vector<256x4096xf32>
    %reduce_max3A_208 = arith.constant dense<0xFF800000> : vector<256xf32>
    %reduce_max3A_209 = vector.multi_reduction <maximumf>, %select_n3A_207, %reduce_max3A_208 [1] : vector<256x4096xf32> to vector<256xf32>
    %broadcast_in_dim3A_210 = vector.shape_cast %reduce_max3A_209 : vector<256xf32> to vector<256x1xf32>
    %eq3A_211 = vector.broadcast %broadcast_in_dim3A_210 : vector<256x1xf32> to vector<256x4096xf32>
    %eq3A_212 = arith.cmpf oeq, %select_n3A_207, %eq3A_211 : vector<256x4096xf32>
    %jit3A_213 = arith.constant 4096 : i32
    %broadcast_in_dim3A_214 = vector.broadcast %jit3A_213 : i32 to vector<256x4096xi32>
    %select_n3A_215 = arith.select %eq3A_212, %iota3A, %broadcast_in_dim3A_214 : vector<256x4096xi1>, vector<256x4096xi32>
    %reduce_min3A_216 = arith.constant dense<2147483647> : vector<256xi32>
    %reduce_min3A_217 = vector.multi_reduction <minsi>, %select_n3A_215, %reduce_min3A_216 [1] : vector<256x4096xi32> to vector<256xi32>
    %broadcast_in_dim3A_218 = vector.shape_cast %reduce_min3A_217 : vector<256xi32> to vector<256x1xi32>
    %eq3A_219 = vector.broadcast %broadcast_in_dim3A_218 : vector<256x1xi32> to vector<256x4096xi32>
    %eq3A_220 = arith.cmpi eq, %iota3A, %eq3A_219 : vector<256x4096xi32>
    %jit3A_221 = arith.constant 0xFF800000 : f32
    %broadcast_in_dim3A_222 = vector.broadcast %jit3A_221 : f32 to vector<256x4096xf32>
    %select_n3A_223 = arith.select %eq3A_220, %broadcast_in_dim3A_222, %select_n3A_207 : vector<256x4096xi1>, vector<256x4096xf32>
    %reduce_max3A_224 = arith.constant dense<0xFF800000> : vector<256xf32>
    %reduce_max3A_225 = vector.multi_reduction <maximumf>, %select_n3A_223, %reduce_max3A_224 [1] : vector<256x4096xf32> to vector<256xf32>
    %broadcast_in_dim3A_226 = vector.shape_cast %reduce_max3A_225 : vector<256xf32> to vector<256x1xf32>
    %eq3A_227 = vector.broadcast %broadcast_in_dim3A_226 : vector<256x1xf32> to vector<256x4096xf32>
    %eq3A_228 = arith.cmpf oeq, %select_n3A_223, %eq3A_227 : vector<256x4096xf32>
    %jit3A_229 = arith.constant 4096 : i32
    %broadcast_in_dim3A_230 = vector.broadcast %jit3A_229 : i32 to vector<256x4096xi32>
    %select_n3A_231 = arith.select %eq3A_228, %iota3A, %broadcast_in_dim3A_230 : vector<256x4096xi1>, vector<256x4096xi32>
    %reduce_min3A_232 = arith.constant dense<2147483647> : vector<256xi32>
    %reduce_min3A_233 = vector.multi_reduction <minsi>, %select_n3A_231, %reduce_min3A_232 [1] : vector<256x4096xi32> to vector<256xi32>
    %broadcast_in_dim3A_234 = vector.shape_cast %reduce_min3A_233 : vector<256xi32> to vector<256x1xi32>
    %eq3A_235 = vector.broadcast %broadcast_in_dim3A_234 : vector<256x1xi32> to vector<256x4096xi32>
    %eq3A_236 = arith.cmpi eq, %iota3A, %eq3A_235 : vector<256x4096xi32>
    %jit3A_237 = arith.constant 0xFF800000 : f32
    %broadcast_in_dim3A_238 = vector.broadcast %jit3A_237 : f32 to vector<256x4096xf32>
    %select_n3A_239 = arith.select %eq3A_236, %broadcast_in_dim3A_238, %select_n3A_223 : vector<256x4096xi1>, vector<256x4096xf32>
    %reduce_max3A_240 = arith.constant dense<0xFF800000> : vector<256xf32>
    %reduce_max3A_241 = vector.multi_reduction <maximumf>, %select_n3A_239, %reduce_max3A_240 [1] : vector<256x4096xf32> to vector<256xf32>
    %broadcast_in_dim3A_242 = vector.shape_cast %reduce_max3A_241 : vector<256xf32> to vector<256x1xf32>
    %eq3A_243 = vector.broadcast %broadcast_in_dim3A_242 : vector<256x1xf32> to vector<256x4096xf32>
    %eq3A_244 = arith.cmpf oeq, %select_n3A_239, %eq3A_243 : vector<256x4096xf32>
    %jit3A_245 = arith.constant 4096 : i32
    %broadcast_in_dim3A_246 = vector.broadcast %jit3A_245 : i32 to vector<256x4096xi32>
    %select_n3A_247 = arith.select %eq3A_244, %iota3A, %broadcast_in_dim3A_246 : vector<256x4096xi1>, vector<256x4096xi32>
    %reduce_min3A_248 = arith.constant dense<2147483647> : vector<256xi32>
    %reduce_min3A_249 = vector.multi_reduction <minsi>, %select_n3A_247, %reduce_min3A_248 [1] : vector<256x4096xi32> to vector<256xi32>
    %broadcast_in_dim3A_250 = vector.shape_cast %reduce_min3A_249 : vector<256xi32> to vector<256x1xi32>
    %concatenate3A = tpu.concatenate %broadcast_in_dim3A, %broadcast_in_dim3A_18, %broadcast_in_dim3A_34, %broadcast_in_dim3A_50, %broadcast_in_dim3A_66, %broadcast_in_dim3A_82, %broadcast_in_dim3A_98, %broadcast_in_dim3A_114, %broadcast_in_dim3A_130, %broadcast_in_dim3A_146, %broadcast_in_dim3A_162, %broadcast_in_dim3A_178, %broadcast_in_dim3A_194, %broadcast_in_dim3A_210, %broadcast_in_dim3A_226, %broadcast_in_dim3A_242 in 1 : vector<256x1xf32>, vector<256x1xf32>, vector<256x1xf32>, vector<256x1xf32>, vector<256x1xf32>, vector<256x1xf32>, vector<256x1xf32>, vector<256x1xf32>, vector<256x1xf32>, vector<256x1xf32>, vector<256x1xf32>, vector<256x1xf32>, vector<256x1xf32>, vector<256x1xf32>, vector<256x1xf32>, vector<256x1xf32> -> vector<256x16xf32>
    %concatenate3A_251 = tpu.concatenate %broadcast_in_dim3A_10, %broadcast_in_dim3A_26, %broadcast_in_dim3A_42, %broadcast_in_dim3A_58, %broadcast_in_dim3A_74, %broadcast_in_dim3A_90, %broadcast_in_dim3A_106, %broadcast_in_dim3A_122, %broadcast_in_dim3A_138, %broadcast_in_dim3A_154, %broadcast_in_dim3A_170, %broadcast_in_dim3A_186, %broadcast_in_dim3A_202, %broadcast_in_dim3A_218, %broadcast_in_dim3A_234, %broadcast_in_dim3A_250 in 1 : vector<256x1xi32>, vector<256x1xi32>, vector<256x1xi32>, vector<256x1xi32>, vector<256x1xi32>, vector<256x1xi32>, vector<256x1xi32>, vector<256x1xi32>, vector<256x1xi32>, vector<256x1xi32>, vector<256x1xi32>, vector<256x1xi32>, vector<256x1xi32>, vector<256x1xi32>, vector<256x1xi32>, vector<256x1xi32> -> vector<256x16xi32>
    %swap3A = arith.constant 0 : index
    %swap3A_252 = arith.constant 0 : index
    %swap3A_253 = vector.load %arg3[%swap3A, %swap3A_252] : memref<256x16xi32, #tpu.memory_space<vmem>>, vector<256x16xi32>
    tpu.vector_store %arg3[%swap3A, %swap3A_252], %concatenate3A_251 {strides = array<i32>} : memref<256x16xi32, #tpu.memory_space<vmem>>, vector<256x16xi32>,
    %slice3A = vector.extract_strided_slice %concatenate3A {offsets = [0, 0], sizes = [256, 8], strides = [1, 1]} : vector<256x16xf32> to vector<256x8xf32>
    %slice3A_254 = vector.extract_strided_slice %concatenate3A {offsets = [0, 8], sizes = [256, 8], strides = [1, 1]} : vector<256x16xf32> to vector<256x8xf32>
    %add3A = arith.addf %slice3A, %slice3A_254 : vector<256x8xf32>
    %slice3A_255 = vector.extract_strided_slice %add3A {offsets = [0, 0], sizes = [256, 4], strides = [1, 1]} : vector<256x8xf32> to vector<256x4xf32>
    %slice3A_256 = vector.extract_strided_slice %add3A {offsets = [0, 4], sizes = [256, 4], strides = [1, 1]} : vector<256x8xf32> to vector<256x4xf32>
    %add3A_257 = arith.addf %slice3A_255, %slice3A_256 : vector<256x4xf32>
    %slice3A_258 = vector.extract_strided_slice %add3A_257 {offsets = [0, 0], sizes = [256, 2], strides = [1, 1]} : vector<256x4xf32> to vector<256x2xf32>
    %slice3A_259 = vector.extract_strided_slice %add3A_257 {offsets = [0, 2], sizes = [256, 2], strides = [1, 1]} : vector<256x4xf32> to vector<256x2xf32>
    %add3A_260 = arith.addf %slice3A_258, %slice3A_259 : vector<256x2xf32>
    %slice3A_261 = vector.extract_strided_slice %add3A_260 {offsets = [0, 0], sizes = [256, 1], strides = [1, 1]} : vector<256x2xf32> to vector<256x1xf32>
    %slice3A_262 = vector.extract_strided_slice %add3A_260 {offsets = [0, 1], sizes = [256, 1], strides = [1, 1]} : vector<256x2xf32> to vector<256x1xf32>
    %add3A_263 = arith.addf %slice3A_261, %slice3A_262 : vector<256x1xf32>
    %div3A_264 = vector.broadcast %add3A_263 : vector<256x1xf32> to vector<256x16xf32>
    %div3A_265 = arith.divf %concatenate3A, %div3A_264 : vector<256x16xf32>
    %swap3A_266 = arith.constant 0 : index
    %swap3A_267 = arith.constant 0 : index
    %swap3A_268 = vector.load %arg4[%swap3A_266, %swap3A_267] : memref<256x16xf32, #tpu.memory_space<vmem>>, vector<256x16xf32>
    tpu.vector_store %arg4[%swap3A_266, %swap3A_267], %div3A_265 {strides = array<i32>} : memref<256x16xf32, #tpu.memory_space<vmem>>, vector<256x16xf32>,
    return
  }
  func.func @transform_0(%arg0: i32) -> (i32, i32) {
    %c0_i32 = arith.constant 0 : i32
    %c0_i32_0 = arith.constant 0 : i32
    return %arg0, %c0_i32 : i32, i32
  }
  func.func @transform_1(%arg0: i32) -> (i32, i32) {
    %c0_i32 = arith.constant 0 : i32
    %c0_i32_0 = arith.constant 0 : i32
    return %arg0, %c0_i32 : i32, i32
  }
  func.func @transform_2(%arg0: i32) -> (i32, i32) {
    %c0_i32 = arith.constant 0 : i32
    %c0_i32_0 = arith.constant 0 : i32
    return %arg0, %c0_i32 : i32, i32
  }
  func.func @transform_3(%arg0: i32) -> (i32, i32) {
    %c0_i32 = arith.constant 0 : i32
    %c0_i32_0 = arith.constant 0 : i32
    return %arg0, %c0_i32 : i32, i32
  }
}

module attributes {stable_mosaic.version = 14 : i64} {
  func.func @_p4_body(%arg0: i32, %arg1: memref<256x256xf32, #tpu.memory_space<vmem>>, %arg2: memref<256x16xf32, #tpu.memory_space<vmem>>, %arg3: memref<256x16xf32, #tpu.memory_space<vmem>>, %arg4: memref<256x16xi32, #tpu.memory_space<vmem>>) attributes {dimension_semantics = [#tpu.dimension_semantics<arbitrary>], iteration_bounds = array<i64: 8>, scalar_prefetch = 0 : i64, scratch_operands = 0 : i64, tpu.core_type = #tpu.core_type<tc>, window_params = [{transform_indices = @transform_0, window_bounds = array<i64: 256, 256>}, {transform_indices = @transform_1, window_bounds = array<i64: 256, 16>}, {transform_indices = @transform_2, window_bounds = array<i64: 256, 16>}, {transform_indices = @transform_3, window_bounds = array<i64: 256, 16>}]} {
    %get3A = arith.constant 0 : index
    %get3A_0 = arith.constant 0 : index
    %get3A_1 = vector.load %arg1[%get3A, %get3A_0] : memref<256x256xf32, #tpu.memory_space<vmem>>, vector<256x256xf32>
    %sqrt3A = arith.constant 1.280000e+02 : f32
    %sqrt3A_2 = math.sqrt %sqrt3A : f32
    %div3A = vector.broadcast %sqrt3A_2 : f32 to vector<256x256xf32>
    %div3A_3 = arith.divf %get3A_1, %div3A : vector<256x256xf32>
    %reshape3A = vector.shape_cast %div3A_3 : vector<256x256xf32> to vector<256x16x16xf32>
    %reduce_max3A = arith.constant dense<0xFF800000> : vector<256x16xf32>
    %reduce_max3A_4 = vector.multi_reduction <maximumf>, %reshape3A, %reduce_max3A [2] : vector<256x16x16xf32> to vector<256x16xf32>
    %broadcast_in_dim3A = vector.shape_cast %reduce_max3A_4 : vector<256x16xf32> to vector<256x16x1xf32>
    %sub3A = vector.broadcast %broadcast_in_dim3A : vector<256x16x1xf32> to vector<256x16x16xf32>
    %sub3A_5 = arith.subf %reshape3A, %sub3A : vector<256x16x16xf32>
    %exp3A = math.exp %sub3A_5 : vector<256x16x16xf32>
    %slice3A = vector.extract_strided_slice %exp3A {offsets = [0, 0, 0], sizes = [256, 16, 8], strides = [1, 1, 1]} : vector<256x16x16xf32> to vector<256x16x8xf32>
    %slice3A_6 = vector.extract_strided_slice %exp3A {offsets = [0, 0, 8], sizes = [256, 16, 8], strides = [1, 1, 1]} : vector<256x16x16xf32> to vector<256x16x8xf32>
    %add3A = arith.addf %slice3A, %slice3A_6 : vector<256x16x8xf32>
    %slice3A_7 = vector.extract_strided_slice %add3A {offsets = [0, 0, 0], sizes = [256, 16, 4], strides = [1, 1, 1]} : vector<256x16x8xf32> to vector<256x16x4xf32>
    %slice3A_8 = vector.extract_strided_slice %add3A {offsets = [0, 0, 4], sizes = [256, 16, 4], strides = [1, 1, 1]} : vector<256x16x8xf32> to vector<256x16x4xf32>
    %add3A_9 = arith.addf %slice3A_7, %slice3A_8 : vector<256x16x4xf32>
    %slice3A_10 = vector.extract_strided_slice %add3A_9 {offsets = [0, 0, 0], sizes = [256, 16, 2], strides = [1, 1, 1]} : vector<256x16x4xf32> to vector<256x16x2xf32>
    %slice3A_11 = vector.extract_strided_slice %add3A_9 {offsets = [0, 0, 2], sizes = [256, 16, 2], strides = [1, 1, 1]} : vector<256x16x4xf32> to vector<256x16x2xf32>
    %add3A_12 = arith.addf %slice3A_10, %slice3A_11 : vector<256x16x2xf32>
    %slice3A_13 = vector.extract_strided_slice %add3A_12 {offsets = [0, 0, 0], sizes = [256, 16, 1], strides = [1, 1, 1]} : vector<256x16x2xf32> to vector<256x16x1xf32>
    %slice3A_14 = vector.extract_strided_slice %add3A_12 {offsets = [0, 0, 1], sizes = [256, 16, 1], strides = [1, 1, 1]} : vector<256x16x2xf32> to vector<256x16x1xf32>
    %add3A_15 = arith.addf %slice3A_13, %slice3A_14 : vector<256x16x1xf32>
    %div3A_16 = vector.broadcast %add3A_15 : vector<256x16x1xf32> to vector<256x16x16xf32>
    %div3A_17 = arith.divf %exp3A, %div3A_16 : vector<256x16x16xf32>
    %get3A_18 = arith.constant 0 : index
    %get3A_19 = arith.constant 0 : index
    %get3A_20 = vector.load %arg2[%get3A_18, %get3A_19] : memref<256x16xf32, #tpu.memory_space<vmem>>, vector<256x16xf32>
    %broadcast_in_dim3A_21 = vector.shape_cast %get3A_20 : vector<256x16xf32> to vector<256x16x1xf32>
    %mul3A = vector.broadcast %broadcast_in_dim3A_21 : vector<256x16x1xf32> to vector<256x16x16xf32>
    %mul3A_22 = arith.mulf %mul3A, %div3A_17 : vector<256x16x16xf32>
    %reshape3A_23 = vector.shape_cast %mul3A_22 : vector<256x16x16xf32> to vector<256x256xf32>
    %iota3A = tpu.iota {dimensions = array<i32: 1>} : vector<256x256xi32>
    %reduce_max3A_24 = arith.constant dense<0xFF800000> : vector<256xf32>
    %reduce_max3A_25 = vector.multi_reduction <maximumf>, %reshape3A_23, %reduce_max3A_24 [1] : vector<256x256xf32> to vector<256xf32>
    %broadcast_in_dim3A_26 = vector.shape_cast %reduce_max3A_25 : vector<256xf32> to vector<256x1xf32>
    %eq3A = vector.broadcast %broadcast_in_dim3A_26 : vector<256x1xf32> to vector<256x256xf32>
    %eq3A_27 = arith.cmpf oeq, %reshape3A_23, %eq3A : vector<256x256xf32>
    %jit3A = arith.constant 256 : i32
    %broadcast_in_dim3A_28 = vector.broadcast %jit3A : i32 to vector<256x256xi32>
    %select_n3A = arith.select %eq3A_27, %iota3A, %broadcast_in_dim3A_28 : vector<256x256xi1>, vector<256x256xi32>
    %reduce_min3A = arith.constant dense<2147483647> : vector<256xi32>
    %reduce_min3A_29 = vector.multi_reduction <minsi>, %select_n3A, %reduce_min3A [1] : vector<256x256xi32> to vector<256xi32>
    %broadcast_in_dim3A_30 = vector.shape_cast %reduce_min3A_29 : vector<256xi32> to vector<256x1xi32>
    %eq3A_31 = vector.broadcast %broadcast_in_dim3A_30 : vector<256x1xi32> to vector<256x256xi32>
    %eq3A_32 = arith.cmpi eq, %iota3A, %eq3A_31 : vector<256x256xi32>
    %jit3A_33 = arith.constant 0xFF800000 : f32
    %broadcast_in_dim3A_34 = vector.broadcast %jit3A_33 : f32 to vector<256x256xf32>
    %select_n3A_35 = arith.select %eq3A_32, %broadcast_in_dim3A_34, %reshape3A_23 : vector<256x256xi1>, vector<256x256xf32>
    %reduce_max3A_36 = arith.constant dense<0xFF800000> : vector<256xf32>
    %reduce_max3A_37 = vector.multi_reduction <maximumf>, %select_n3A_35, %reduce_max3A_36 [1] : vector<256x256xf32> to vector<256xf32>
    %broadcast_in_dim3A_38 = vector.shape_cast %reduce_max3A_37 : vector<256xf32> to vector<256x1xf32>
    %eq3A_39 = vector.broadcast %broadcast_in_dim3A_38 : vector<256x1xf32> to vector<256x256xf32>
    %eq3A_40 = arith.cmpf oeq, %select_n3A_35, %eq3A_39 : vector<256x256xf32>
    %jit3A_41 = arith.constant 256 : i32
    %broadcast_in_dim3A_42 = vector.broadcast %jit3A_41 : i32 to vector<256x256xi32>
    %select_n3A_43 = arith.select %eq3A_40, %iota3A, %broadcast_in_dim3A_42 : vector<256x256xi1>, vector<256x256xi32>
    %reduce_min3A_44 = arith.constant dense<2147483647> : vector<256xi32>
    %reduce_min3A_45 = vector.multi_reduction <minsi>, %select_n3A_43, %reduce_min3A_44 [1] : vector<256x256xi32> to vector<256xi32>
    %broadcast_in_dim3A_46 = vector.shape_cast %reduce_min3A_45 : vector<256xi32> to vector<256x1xi32>
    %eq3A_47 = vector.broadcast %broadcast_in_dim3A_46 : vector<256x1xi32> to vector<256x256xi32>
    %eq3A_48 = arith.cmpi eq, %iota3A, %eq3A_47 : vector<256x256xi32>
    %jit3A_49 = arith.constant 0xFF800000 : f32
    %broadcast_in_dim3A_50 = vector.broadcast %jit3A_49 : f32 to vector<256x256xf32>
    %select_n3A_51 = arith.select %eq3A_48, %broadcast_in_dim3A_50, %select_n3A_35 : vector<256x256xi1>, vector<256x256xf32>
    %reduce_max3A_52 = arith.constant dense<0xFF800000> : vector<256xf32>
    %reduce_max3A_53 = vector.multi_reduction <maximumf>, %select_n3A_51, %reduce_max3A_52 [1] : vector<256x256xf32> to vector<256xf32>
    %broadcast_in_dim3A_54 = vector.shape_cast %reduce_max3A_53 : vector<256xf32> to vector<256x1xf32>
    %eq3A_55 = vector.broadcast %broadcast_in_dim3A_54 : vector<256x1xf32> to vector<256x256xf32>
    %eq3A_56 = arith.cmpf oeq, %select_n3A_51, %eq3A_55 : vector<256x256xf32>
    %jit3A_57 = arith.constant 256 : i32
    %broadcast_in_dim3A_58 = vector.broadcast %jit3A_57 : i32 to vector<256x256xi32>
    %select_n3A_59 = arith.select %eq3A_56, %iota3A, %broadcast_in_dim3A_58 : vector<256x256xi1>, vector<256x256xi32>
    %reduce_min3A_60 = arith.constant dense<2147483647> : vector<256xi32>
    %reduce_min3A_61 = vector.multi_reduction <minsi>, %select_n3A_59, %reduce_min3A_60 [1] : vector<256x256xi32> to vector<256xi32>
    %broadcast_in_dim3A_62 = vector.shape_cast %reduce_min3A_61 : vector<256xi32> to vector<256x1xi32>
    %eq3A_63 = vector.broadcast %broadcast_in_dim3A_62 : vector<256x1xi32> to vector<256x256xi32>
    %eq3A_64 = arith.cmpi eq, %iota3A, %eq3A_63 : vector<256x256xi32>
    %jit3A_65 = arith.constant 0xFF800000 : f32
    %broadcast_in_dim3A_66 = vector.broadcast %jit3A_65 : f32 to vector<256x256xf32>
    %select_n3A_67 = arith.select %eq3A_64, %broadcast_in_dim3A_66, %select_n3A_51 : vector<256x256xi1>, vector<256x256xf32>
    %reduce_max3A_68 = arith.constant dense<0xFF800000> : vector<256xf32>
    %reduce_max3A_69 = vector.multi_reduction <maximumf>, %select_n3A_67, %reduce_max3A_68 [1] : vector<256x256xf32> to vector<256xf32>
    %broadcast_in_dim3A_70 = vector.shape_cast %reduce_max3A_69 : vector<256xf32> to vector<256x1xf32>
    %eq3A_71 = vector.broadcast %broadcast_in_dim3A_70 : vector<256x1xf32> to vector<256x256xf32>
    %eq3A_72 = arith.cmpf oeq, %select_n3A_67, %eq3A_71 : vector<256x256xf32>
    %jit3A_73 = arith.constant 256 : i32
    %broadcast_in_dim3A_74 = vector.broadcast %jit3A_73 : i32 to vector<256x256xi32>
    %select_n3A_75 = arith.select %eq3A_72, %iota3A, %broadcast_in_dim3A_74 : vector<256x256xi1>, vector<256x256xi32>
    %reduce_min3A_76 = arith.constant dense<2147483647> : vector<256xi32>
    %reduce_min3A_77 = vector.multi_reduction <minsi>, %select_n3A_75, %reduce_min3A_76 [1] : vector<256x256xi32> to vector<256xi32>
    %broadcast_in_dim3A_78 = vector.shape_cast %reduce_min3A_77 : vector<256xi32> to vector<256x1xi32>
    %eq3A_79 = vector.broadcast %broadcast_in_dim3A_78 : vector<256x1xi32> to vector<256x256xi32>
    %eq3A_80 = arith.cmpi eq, %iota3A, %eq3A_79 : vector<256x256xi32>
    %jit3A_81 = arith.constant 0xFF800000 : f32
    %broadcast_in_dim3A_82 = vector.broadcast %jit3A_81 : f32 to vector<256x256xf32>
    %select_n3A_83 = arith.select %eq3A_80, %broadcast_in_dim3A_82, %select_n3A_67 : vector<256x256xi1>, vector<256x256xf32>
    %reduce_max3A_84 = arith.constant dense<0xFF800000> : vector<256xf32>
    %reduce_max3A_85 = vector.multi_reduction <maximumf>, %select_n3A_83, %reduce_max3A_84 [1] : vector<256x256xf32> to vector<256xf32>
    %broadcast_in_dim3A_86 = vector.shape_cast %reduce_max3A_85 : vector<256xf32> to vector<256x1xf32>
    %eq3A_87 = vector.broadcast %broadcast_in_dim3A_86 : vector<256x1xf32> to vector<256x256xf32>
    %eq3A_88 = arith.cmpf oeq, %select_n3A_83, %eq3A_87 : vector<256x256xf32>
    %jit3A_89 = arith.constant 256 : i32
    %broadcast_in_dim3A_90 = vector.broadcast %jit3A_89 : i32 to vector<256x256xi32>
    %select_n3A_91 = arith.select %eq3A_88, %iota3A, %broadcast_in_dim3A_90 : vector<256x256xi1>, vector<256x256xi32>
    %reduce_min3A_92 = arith.constant dense<2147483647> : vector<256xi32>
    %reduce_min3A_93 = vector.multi_reduction <minsi>, %select_n3A_91, %reduce_min3A_92 [1] : vector<256x256xi32> to vector<256xi32>
    %broadcast_in_dim3A_94 = vector.shape_cast %reduce_min3A_93 : vector<256xi32> to vector<256x1xi32>
    %eq3A_95 = vector.broadcast %broadcast_in_dim3A_94 : vector<256x1xi32> to vector<256x256xi32>
    %eq3A_96 = arith.cmpi eq, %iota3A, %eq3A_95 : vector<256x256xi32>
    %jit3A_97 = arith.constant 0xFF800000 : f32
    %broadcast_in_dim3A_98 = vector.broadcast %jit3A_97 : f32 to vector<256x256xf32>
    %select_n3A_99 = arith.select %eq3A_96, %broadcast_in_dim3A_98, %select_n3A_83 : vector<256x256xi1>, vector<256x256xf32>
    %reduce_max3A_100 = arith.constant dense<0xFF800000> : vector<256xf32>
    %reduce_max3A_101 = vector.multi_reduction <maximumf>, %select_n3A_99, %reduce_max3A_100 [1] : vector<256x256xf32> to vector<256xf32>
    %broadcast_in_dim3A_102 = vector.shape_cast %reduce_max3A_101 : vector<256xf32> to vector<256x1xf32>
    %eq3A_103 = vector.broadcast %broadcast_in_dim3A_102 : vector<256x1xf32> to vector<256x256xf32>
    %eq3A_104 = arith.cmpf oeq, %select_n3A_99, %eq3A_103 : vector<256x256xf32>
    %jit3A_105 = arith.constant 256 : i32
    %broadcast_in_dim3A_106 = vector.broadcast %jit3A_105 : i32 to vector<256x256xi32>
    %select_n3A_107 = arith.select %eq3A_104, %iota3A, %broadcast_in_dim3A_106 : vector<256x256xi1>, vector<256x256xi32>
    %reduce_min3A_108 = arith.constant dense<2147483647> : vector<256xi32>
    %reduce_min3A_109 = vector.multi_reduction <minsi>, %select_n3A_107, %reduce_min3A_108 [1] : vector<256x256xi32> to vector<256xi32>
    %broadcast_in_dim3A_110 = vector.shape_cast %reduce_min3A_109 : vector<256xi32> to vector<256x1xi32>
    %eq3A_111 = vector.broadcast %broadcast_in_dim3A_110 : vector<256x1xi32> to vector<256x256xi32>
    %eq3A_112 = arith.cmpi eq, %iota3A, %eq3A_111 : vector<256x256xi32>
    %jit3A_113 = arith.constant 0xFF800000 : f32
    %broadcast_in_dim3A_114 = vector.broadcast %jit3A_113 : f32 to vector<256x256xf32>
    %select_n3A_115 = arith.select %eq3A_112, %broadcast_in_dim3A_114, %select_n3A_99 : vector<256x256xi1>, vector<256x256xf32>
    %reduce_max3A_116 = arith.constant dense<0xFF800000> : vector<256xf32>
    %reduce_max3A_117 = vector.multi_reduction <maximumf>, %select_n3A_115, %reduce_max3A_116 [1] : vector<256x256xf32> to vector<256xf32>
    %broadcast_in_dim3A_118 = vector.shape_cast %reduce_max3A_117 : vector<256xf32> to vector<256x1xf32>
    %eq3A_119 = vector.broadcast %broadcast_in_dim3A_118 : vector<256x1xf32> to vector<256x256xf32>
    %eq3A_120 = arith.cmpf oeq, %select_n3A_115, %eq3A_119 : vector<256x256xf32>
    %jit3A_121 = arith.constant 256 : i32
    %broadcast_in_dim3A_122 = vector.broadcast %jit3A_121 : i32 to vector<256x256xi32>
    %select_n3A_123 = arith.select %eq3A_120, %iota3A, %broadcast_in_dim3A_122 : vector<256x256xi1>, vector<256x256xi32>
    %reduce_min3A_124 = arith.constant dense<2147483647> : vector<256xi32>
    %reduce_min3A_125 = vector.multi_reduction <minsi>, %select_n3A_123, %reduce_min3A_124 [1] : vector<256x256xi32> to vector<256xi32>
    %broadcast_in_dim3A_126 = vector.shape_cast %reduce_min3A_125 : vector<256xi32> to vector<256x1xi32>
    %eq3A_127 = vector.broadcast %broadcast_in_dim3A_126 : vector<256x1xi32> to vector<256x256xi32>
    %eq3A_128 = arith.cmpi eq, %iota3A, %eq3A_127 : vector<256x256xi32>
    %jit3A_129 = arith.constant 0xFF800000 : f32
    %broadcast_in_dim3A_130 = vector.broadcast %jit3A_129 : f32 to vector<256x256xf32>
    %select_n3A_131 = arith.select %eq3A_128, %broadcast_in_dim3A_130, %select_n3A_115 : vector<256x256xi1>, vector<256x256xf32>
    %reduce_max3A_132 = arith.constant dense<0xFF800000> : vector<256xf32>
    %reduce_max3A_133 = vector.multi_reduction <maximumf>, %select_n3A_131, %reduce_max3A_132 [1] : vector<256x256xf32> to vector<256xf32>
    %broadcast_in_dim3A_134 = vector.shape_cast %reduce_max3A_133 : vector<256xf32> to vector<256x1xf32>
    %eq3A_135 = vector.broadcast %broadcast_in_dim3A_134 : vector<256x1xf32> to vector<256x256xf32>
    %eq3A_136 = arith.cmpf oeq, %select_n3A_131, %eq3A_135 : vector<256x256xf32>
    %jit3A_137 = arith.constant 256 : i32
    %broadcast_in_dim3A_138 = vector.broadcast %jit3A_137 : i32 to vector<256x256xi32>
    %select_n3A_139 = arith.select %eq3A_136, %iota3A, %broadcast_in_dim3A_138 : vector<256x256xi1>, vector<256x256xi32>
    %reduce_min3A_140 = arith.constant dense<2147483647> : vector<256xi32>
    %reduce_min3A_141 = vector.multi_reduction <minsi>, %select_n3A_139, %reduce_min3A_140 [1] : vector<256x256xi32> to vector<256xi32>
    %broadcast_in_dim3A_142 = vector.shape_cast %reduce_min3A_141 : vector<256xi32> to vector<256x1xi32>
    %eq3A_143 = vector.broadcast %broadcast_in_dim3A_142 : vector<256x1xi32> to vector<256x256xi32>
    %eq3A_144 = arith.cmpi eq, %iota3A, %eq3A_143 : vector<256x256xi32>
    %jit3A_145 = arith.constant 0xFF800000 : f32
    %broadcast_in_dim3A_146 = vector.broadcast %jit3A_145 : f32 to vector<256x256xf32>
    %select_n3A_147 = arith.select %eq3A_144, %broadcast_in_dim3A_146, %select_n3A_131 : vector<256x256xi1>, vector<256x256xf32>
    %reduce_max3A_148 = arith.constant dense<0xFF800000> : vector<256xf32>
    %reduce_max3A_149 = vector.multi_reduction <maximumf>, %select_n3A_147, %reduce_max3A_148 [1] : vector<256x256xf32> to vector<256xf32>
    %broadcast_in_dim3A_150 = vector.shape_cast %reduce_max3A_149 : vector<256xf32> to vector<256x1xf32>
    %eq3A_151 = vector.broadcast %broadcast_in_dim3A_150 : vector<256x1xf32> to vector<256x256xf32>
    %eq3A_152 = arith.cmpf oeq, %select_n3A_147, %eq3A_151 : vector<256x256xf32>
    %jit3A_153 = arith.constant 256 : i32
    %broadcast_in_dim3A_154 = vector.broadcast %jit3A_153 : i32 to vector<256x256xi32>
    %select_n3A_155 = arith.select %eq3A_152, %iota3A, %broadcast_in_dim3A_154 : vector<256x256xi1>, vector<256x256xi32>
    %reduce_min3A_156 = arith.constant dense<2147483647> : vector<256xi32>
    %reduce_min3A_157 = vector.multi_reduction <minsi>, %select_n3A_155, %reduce_min3A_156 [1] : vector<256x256xi32> to vector<256xi32>
    %broadcast_in_dim3A_158 = vector.shape_cast %reduce_min3A_157 : vector<256xi32> to vector<256x1xi32>
    %eq3A_159 = vector.broadcast %broadcast_in_dim3A_158 : vector<256x1xi32> to vector<256x256xi32>
    %eq3A_160 = arith.cmpi eq, %iota3A, %eq3A_159 : vector<256x256xi32>
    %jit3A_161 = arith.constant 0xFF800000 : f32
    %broadcast_in_dim3A_162 = vector.broadcast %jit3A_161 : f32 to vector<256x256xf32>
    %select_n3A_163 = arith.select %eq3A_160, %broadcast_in_dim3A_162, %select_n3A_147 : vector<256x256xi1>, vector<256x256xf32>
    %reduce_max3A_164 = arith.constant dense<0xFF800000> : vector<256xf32>
    %reduce_max3A_165 = vector.multi_reduction <maximumf>, %select_n3A_163, %reduce_max3A_164 [1] : vector<256x256xf32> to vector<256xf32>
    %broadcast_in_dim3A_166 = vector.shape_cast %reduce_max3A_165 : vector<256xf32> to vector<256x1xf32>
    %eq3A_167 = vector.broadcast %broadcast_in_dim3A_166 : vector<256x1xf32> to vector<256x256xf32>
    %eq3A_168 = arith.cmpf oeq, %select_n3A_163, %eq3A_167 : vector<256x256xf32>
    %jit3A_169 = arith.constant 256 : i32
    %broadcast_in_dim3A_170 = vector.broadcast %jit3A_169 : i32 to vector<256x256xi32>
    %select_n3A_171 = arith.select %eq3A_168, %iota3A, %broadcast_in_dim3A_170 : vector<256x256xi1>, vector<256x256xi32>
    %reduce_min3A_172 = arith.constant dense<2147483647> : vector<256xi32>
    %reduce_min3A_173 = vector.multi_reduction <minsi>, %select_n3A_171, %reduce_min3A_172 [1] : vector<256x256xi32> to vector<256xi32>
    %broadcast_in_dim3A_174 = vector.shape_cast %reduce_min3A_173 : vector<256xi32> to vector<256x1xi32>
    %eq3A_175 = vector.broadcast %broadcast_in_dim3A_174 : vector<256x1xi32> to vector<256x256xi32>
    %eq3A_176 = arith.cmpi eq, %iota3A, %eq3A_175 : vector<256x256xi32>
    %jit3A_177 = arith.constant 0xFF800000 : f32
    %broadcast_in_dim3A_178 = vector.broadcast %jit3A_177 : f32 to vector<256x256xf32>
    %select_n3A_179 = arith.select %eq3A_176, %broadcast_in_dim3A_178, %select_n3A_163 : vector<256x256xi1>, vector<256x256xf32>
    %reduce_max3A_180 = arith.constant dense<0xFF800000> : vector<256xf32>
    %reduce_max3A_181 = vector.multi_reduction <maximumf>, %select_n3A_179, %reduce_max3A_180 [1] : vector<256x256xf32> to vector<256xf32>
    %broadcast_in_dim3A_182 = vector.shape_cast %reduce_max3A_181 : vector<256xf32> to vector<256x1xf32>
    %eq3A_183 = vector.broadcast %broadcast_in_dim3A_182 : vector<256x1xf32> to vector<256x256xf32>
    %eq3A_184 = arith.cmpf oeq, %select_n3A_179, %eq3A_183 : vector<256x256xf32>
    %jit3A_185 = arith.constant 256 : i32
    %broadcast_in_dim3A_186 = vector.broadcast %jit3A_185 : i32 to vector<256x256xi32>
    %select_n3A_187 = arith.select %eq3A_184, %iota3A, %broadcast_in_dim3A_186 : vector<256x256xi1>, vector<256x256xi32>
    %reduce_min3A_188 = arith.constant dense<2147483647> : vector<256xi32>
    %reduce_min3A_189 = vector.multi_reduction <minsi>, %select_n3A_187, %reduce_min3A_188 [1] : vector<256x256xi32> to vector<256xi32>
    %broadcast_in_dim3A_190 = vector.shape_cast %reduce_min3A_189 : vector<256xi32> to vector<256x1xi32>
    %eq3A_191 = vector.broadcast %broadcast_in_dim3A_190 : vector<256x1xi32> to vector<256x256xi32>
    %eq3A_192 = arith.cmpi eq, %iota3A, %eq3A_191 : vector<256x256xi32>
    %jit3A_193 = arith.constant 0xFF800000 : f32
    %broadcast_in_dim3A_194 = vector.broadcast %jit3A_193 : f32 to vector<256x256xf32>
    %select_n3A_195 = arith.select %eq3A_192, %broadcast_in_dim3A_194, %select_n3A_179 : vector<256x256xi1>, vector<256x256xf32>
    %reduce_max3A_196 = arith.constant dense<0xFF800000> : vector<256xf32>
    %reduce_max3A_197 = vector.multi_reduction <maximumf>, %select_n3A_195, %reduce_max3A_196 [1] : vector<256x256xf32> to vector<256xf32>
    %broadcast_in_dim3A_198 = vector.shape_cast %reduce_max3A_197 : vector<256xf32> to vector<256x1xf32>
    %eq3A_199 = vector.broadcast %broadcast_in_dim3A_198 : vector<256x1xf32> to vector<256x256xf32>
    %eq3A_200 = arith.cmpf oeq, %select_n3A_195, %eq3A_199 : vector<256x256xf32>
    %jit3A_201 = arith.constant 256 : i32
    %broadcast_in_dim3A_202 = vector.broadcast %jit3A_201 : i32 to vector<256x256xi32>
    %select_n3A_203 = arith.select %eq3A_200, %iota3A, %broadcast_in_dim3A_202 : vector<256x256xi1>, vector<256x256xi32>
    %reduce_min3A_204 = arith.constant dense<2147483647> : vector<256xi32>
    %reduce_min3A_205 = vector.multi_reduction <minsi>, %select_n3A_203, %reduce_min3A_204 [1] : vector<256x256xi32> to vector<256xi32>
    %broadcast_in_dim3A_206 = vector.shape_cast %reduce_min3A_205 : vector<256xi32> to vector<256x1xi32>
    %eq3A_207 = vector.broadcast %broadcast_in_dim3A_206 : vector<256x1xi32> to vector<256x256xi32>
    %eq3A_208 = arith.cmpi eq, %iota3A, %eq3A_207 : vector<256x256xi32>
    %jit3A_209 = arith.constant 0xFF800000 : f32
    %broadcast_in_dim3A_210 = vector.broadcast %jit3A_209 : f32 to vector<256x256xf32>
    %select_n3A_211 = arith.select %eq3A_208, %broadcast_in_dim3A_210, %select_n3A_195 : vector<256x256xi1>, vector<256x256xf32>
    %reduce_max3A_212 = arith.constant dense<0xFF800000> : vector<256xf32>
    %reduce_max3A_213 = vector.multi_reduction <maximumf>, %select_n3A_211, %reduce_max3A_212 [1] : vector<256x256xf32> to vector<256xf32>
    %broadcast_in_dim3A_214 = vector.shape_cast %reduce_max3A_213 : vector<256xf32> to vector<256x1xf32>
    %eq3A_215 = vector.broadcast %broadcast_in_dim3A_214 : vector<256x1xf32> to vector<256x256xf32>
    %eq3A_216 = arith.cmpf oeq, %select_n3A_211, %eq3A_215 : vector<256x256xf32>
    %jit3A_217 = arith.constant 256 : i32
    %broadcast_in_dim3A_218 = vector.broadcast %jit3A_217 : i32 to vector<256x256xi32>
    %select_n3A_219 = arith.select %eq3A_216, %iota3A, %broadcast_in_dim3A_218 : vector<256x256xi1>, vector<256x256xi32>
    %reduce_min3A_220 = arith.constant dense<2147483647> : vector<256xi32>
    %reduce_min3A_221 = vector.multi_reduction <minsi>, %select_n3A_219, %reduce_min3A_220 [1] : vector<256x256xi32> to vector<256xi32>
    %broadcast_in_dim3A_222 = vector.shape_cast %reduce_min3A_221 : vector<256xi32> to vector<256x1xi32>
    %eq3A_223 = vector.broadcast %broadcast_in_dim3A_222 : vector<256x1xi32> to vector<256x256xi32>
    %eq3A_224 = arith.cmpi eq, %iota3A, %eq3A_223 : vector<256x256xi32>
    %jit3A_225 = arith.constant 0xFF800000 : f32
    %broadcast_in_dim3A_226 = vector.broadcast %jit3A_225 : f32 to vector<256x256xf32>
    %select_n3A_227 = arith.select %eq3A_224, %broadcast_in_dim3A_226, %select_n3A_211 : vector<256x256xi1>, vector<256x256xf32>
    %reduce_max3A_228 = arith.constant dense<0xFF800000> : vector<256xf32>
    %reduce_max3A_229 = vector.multi_reduction <maximumf>, %select_n3A_227, %reduce_max3A_228 [1] : vector<256x256xf32> to vector<256xf32>
    %broadcast_in_dim3A_230 = vector.shape_cast %reduce_max3A_229 : vector<256xf32> to vector<256x1xf32>
    %eq3A_231 = vector.broadcast %broadcast_in_dim3A_230 : vector<256x1xf32> to vector<256x256xf32>
    %eq3A_232 = arith.cmpf oeq, %select_n3A_227, %eq3A_231 : vector<256x256xf32>
    %jit3A_233 = arith.constant 256 : i32
    %broadcast_in_dim3A_234 = vector.broadcast %jit3A_233 : i32 to vector<256x256xi32>
    %select_n3A_235 = arith.select %eq3A_232, %iota3A, %broadcast_in_dim3A_234 : vector<256x256xi1>, vector<256x256xi32>
    %reduce_min3A_236 = arith.constant dense<2147483647> : vector<256xi32>
    %reduce_min3A_237 = vector.multi_reduction <minsi>, %select_n3A_235, %reduce_min3A_236 [1] : vector<256x256xi32> to vector<256xi32>
    %broadcast_in_dim3A_238 = vector.shape_cast %reduce_min3A_237 : vector<256xi32> to vector<256x1xi32>
    %eq3A_239 = vector.broadcast %broadcast_in_dim3A_238 : vector<256x1xi32> to vector<256x256xi32>
    %eq3A_240 = arith.cmpi eq, %iota3A, %eq3A_239 : vector<256x256xi32>
    %jit3A_241 = arith.constant 0xFF800000 : f32
    %broadcast_in_dim3A_242 = vector.broadcast %jit3A_241 : f32 to vector<256x256xf32>
    %select_n3A_243 = arith.select %eq3A_240, %broadcast_in_dim3A_242, %select_n3A_227 : vector<256x256xi1>, vector<256x256xf32>
    %reduce_max3A_244 = arith.constant dense<0xFF800000> : vector<256xf32>
    %reduce_max3A_245 = vector.multi_reduction <maximumf>, %select_n3A_243, %reduce_max3A_244 [1] : vector<256x256xf32> to vector<256xf32>
    %broadcast_in_dim3A_246 = vector.shape_cast %reduce_max3A_245 : vector<256xf32> to vector<256x1xf32>
    %eq3A_247 = vector.broadcast %broadcast_in_dim3A_246 : vector<256x1xf32> to vector<256x256xf32>
    %eq3A_248 = arith.cmpf oeq, %select_n3A_243, %eq3A_247 : vector<256x256xf32>
    %jit3A_249 = arith.constant 256 : i32
    %broadcast_in_dim3A_250 = vector.broadcast %jit3A_249 : i32 to vector<256x256xi32>
    %select_n3A_251 = arith.select %eq3A_248, %iota3A, %broadcast_in_dim3A_250 : vector<256x256xi1>, vector<256x256xi32>
    %reduce_min3A_252 = arith.constant dense<2147483647> : vector<256xi32>
    %reduce_min3A_253 = vector.multi_reduction <minsi>, %select_n3A_251, %reduce_min3A_252 [1] : vector<256x256xi32> to vector<256xi32>
    %broadcast_in_dim3A_254 = vector.shape_cast %reduce_min3A_253 : vector<256xi32> to vector<256x1xi32>
    %eq3A_255 = vector.broadcast %broadcast_in_dim3A_254 : vector<256x1xi32> to vector<256x256xi32>
    %eq3A_256 = arith.cmpi eq, %iota3A, %eq3A_255 : vector<256x256xi32>
    %jit3A_257 = arith.constant 0xFF800000 : f32
    %broadcast_in_dim3A_258 = vector.broadcast %jit3A_257 : f32 to vector<256x256xf32>
    %select_n3A_259 = arith.select %eq3A_256, %broadcast_in_dim3A_258, %select_n3A_243 : vector<256x256xi1>, vector<256x256xf32>
    %reduce_max3A_260 = arith.constant dense<0xFF800000> : vector<256xf32>
    %reduce_max3A_261 = vector.multi_reduction <maximumf>, %select_n3A_259, %reduce_max3A_260 [1] : vector<256x256xf32> to vector<256xf32>
    %broadcast_in_dim3A_262 = vector.shape_cast %reduce_max3A_261 : vector<256xf32> to vector<256x1xf32>
    %eq3A_263 = vector.broadcast %broadcast_in_dim3A_262 : vector<256x1xf32> to vector<256x256xf32>
    %eq3A_264 = arith.cmpf oeq, %select_n3A_259, %eq3A_263 : vector<256x256xf32>
    %jit3A_265 = arith.constant 256 : i32
    %broadcast_in_dim3A_266 = vector.broadcast %jit3A_265 : i32 to vector<256x256xi32>
    %select_n3A_267 = arith.select %eq3A_264, %iota3A, %broadcast_in_dim3A_266 : vector<256x256xi1>, vector<256x256xi32>
    %reduce_min3A_268 = arith.constant dense<2147483647> : vector<256xi32>
    %reduce_min3A_269 = vector.multi_reduction <minsi>, %select_n3A_267, %reduce_min3A_268 [1] : vector<256x256xi32> to vector<256xi32>
    %broadcast_in_dim3A_270 = vector.shape_cast %reduce_min3A_269 : vector<256xi32> to vector<256x1xi32>
    %concatenate3A = tpu.concatenate %broadcast_in_dim3A_26, %broadcast_in_dim3A_38, %broadcast_in_dim3A_54, %broadcast_in_dim3A_70, %broadcast_in_dim3A_86, %broadcast_in_dim3A_102, %broadcast_in_dim3A_118, %broadcast_in_dim3A_134, %broadcast_in_dim3A_150, %broadcast_in_dim3A_166, %broadcast_in_dim3A_182, %broadcast_in_dim3A_198, %broadcast_in_dim3A_214, %broadcast_in_dim3A_230, %broadcast_in_dim3A_246, %broadcast_in_dim3A_262 in 1 : vector<256x1xf32>, vector<256x1xf32>, vector<256x1xf32>, vector<256x1xf32>, vector<256x1xf32>, vector<256x1xf32>, vector<256x1xf32>, vector<256x1xf32>, vector<256x1xf32>, vector<256x1xf32>, vector<256x1xf32>, vector<256x1xf32>, vector<256x1xf32>, vector<256x1xf32>, vector<256x1xf32>, vector<256x1xf32> -> vector<256x16xf32>
    %concatenate3A_271 = tpu.concatenate %broadcast_in_dim3A_30, %broadcast_in_dim3A_46, %broadcast_in_dim3A_62, %broadcast_in_dim3A_78, %broadcast_in_dim3A_94, %broadcast_in_dim3A_110, %broadcast_in_dim3A_126, %broadcast_in_dim3A_142, %broadcast_in_dim3A_158, %broadcast_in_dim3A_174, %broadcast_in_dim3A_190, %broadcast_in_dim3A_206, %broadcast_in_dim3A_222, %broadcast_in_dim3A_238, %broadcast_in_dim3A_254, %broadcast_in_dim3A_270 in 1 : vector<256x1xi32>, vector<256x1xi32>, vector<256x1xi32>, vector<256x1xi32>, vector<256x1xi32>, vector<256x1xi32>, vector<256x1xi32>, vector<256x1xi32>, vector<256x1xi32>, vector<256x1xi32>, vector<256x1xi32>, vector<256x1xi32>, vector<256x1xi32>, vector<256x1xi32>, vector<256x1xi32>, vector<256x1xi32> -> vector<256x16xi32>
    %swap3A = arith.constant 0 : index
    %swap3A_272 = arith.constant 0 : index
    %swap3A_273 = vector.load %arg4[%swap3A, %swap3A_272] : memref<256x16xi32, #tpu.memory_space<vmem>>, vector<256x16xi32>
    tpu.vector_store %arg4[%swap3A, %swap3A_272], %concatenate3A_271 {strides = array<i32>} : memref<256x16xi32, #tpu.memory_space<vmem>>, vector<256x16xi32>,
    %slice3A_274 = vector.extract_strided_slice %concatenate3A {offsets = [0, 0], sizes = [256, 8], strides = [1, 1]} : vector<256x16xf32> to vector<256x8xf32>
    %slice3A_275 = vector.extract_strided_slice %concatenate3A {offsets = [0, 8], sizes = [256, 8], strides = [1, 1]} : vector<256x16xf32> to vector<256x8xf32>
    %add3A_276 = arith.addf %slice3A_274, %slice3A_275 : vector<256x8xf32>
    %slice3A_277 = vector.extract_strided_slice %add3A_276 {offsets = [0, 0], sizes = [256, 4], strides = [1, 1]} : vector<256x8xf32> to vector<256x4xf32>
    %slice3A_278 = vector.extract_strided_slice %add3A_276 {offsets = [0, 4], sizes = [256, 4], strides = [1, 1]} : vector<256x8xf32> to vector<256x4xf32>
    %add3A_279 = arith.addf %slice3A_277, %slice3A_278 : vector<256x4xf32>
    %slice3A_280 = vector.extract_strided_slice %add3A_279 {offsets = [0, 0], sizes = [256, 2], strides = [1, 1]} : vector<256x4xf32> to vector<256x2xf32>
    %slice3A_281 = vector.extract_strided_slice %add3A_279 {offsets = [0, 2], sizes = [256, 2], strides = [1, 1]} : vector<256x4xf32> to vector<256x2xf32>
    %add3A_282 = arith.addf %slice3A_280, %slice3A_281 : vector<256x2xf32>
    %slice3A_283 = vector.extract_strided_slice %add3A_282 {offsets = [0, 0], sizes = [256, 1], strides = [1, 1]} : vector<256x2xf32> to vector<256x1xf32>
    %slice3A_284 = vector.extract_strided_slice %add3A_282 {offsets = [0, 1], sizes = [256, 1], strides = [1, 1]} : vector<256x2xf32> to vector<256x1xf32>
    %add3A_285 = arith.addf %slice3A_283, %slice3A_284 : vector<256x1xf32>
    %div3A_286 = vector.broadcast %add3A_285 : vector<256x1xf32> to vector<256x16xf32>
    %div3A_287 = arith.divf %concatenate3A, %div3A_286 : vector<256x16xf32>
    %swap3A_288 = arith.constant 0 : index
    %swap3A_289 = arith.constant 0 : index
    %swap3A_290 = vector.load %arg3[%swap3A_288, %swap3A_289] : memref<256x16xf32, #tpu.memory_space<vmem>>, vector<256x16xf32>
    tpu.vector_store %arg3[%swap3A_288, %swap3A_289], %div3A_287 {strides = array<i32>} : memref<256x16xf32, #tpu.memory_space<vmem>>, vector<256x16xf32>,
    return
  }
  func.func @transform_0(%arg0: i32) -> (i32, i32) {
    %c0_i32 = arith.constant 0 : i32
    %c0_i32_0 = arith.constant 0 : i32
    return %arg0, %c0_i32 : i32, i32
  }
  func.func @transform_1(%arg0: i32) -> (i32, i32) {
    %c0_i32 = arith.constant 0 : i32
    %c0_i32_0 = arith.constant 0 : i32
    return %arg0, %c0_i32 : i32, i32
  }
  func.func @transform_2(%arg0: i32) -> (i32, i32) {
    %c0_i32 = arith.constant 0 : i32
    %c0_i32_0 = arith.constant 0 : i32
    return %arg0, %c0_i32 : i32, i32
  }
  func.func @transform_3(%arg0: i32) -> (i32, i32) {
    %c0_i32 = arith.constant 0 : i32
    %c0_i32_0 = arith.constant 0 : i32
    return %arg0, %c0_i32 : i32, i32
  }
}

</mosaic_0001>

<sc_bundles>
// kernel: kernel.6.cloned.1.call-start
scs
__scs_entry_jumppad:
0x0: {  	(pc) =	sbr.rel $0x88, $3  }
0x1: {  	(tag) =	ssettag $0x0;
	lr =	simm.s32 $0x1  }
0x2: {  	[smem:$0x3F9C] =	sst lr;
	_ =	strace $0xD0000000  }
0x3: {  	_ = 	snop  }
0x4: {  	_ = 	snop  }
0x5: {  	_ = 	snop  }
0x6: {  	_ = 	snop  }
0x7: {  	_ = 	snop  }
__scs_overlays_trampoline_lowered:
0x8: {  	[smem:$0x3FAB] =	sst s0  }
0x9: {  	[smem:$0x3FAC] =	sst s1  }
0xa: {  	[smem:$0x3FAD] =	sst s2  }
0xb: {  	[smem:$0x3FAE] =	sst s3  }
0xc: {  	[smem:$0x3FAF] =	sst s4  }
0xd: {  	[smem:$0x3FB0] =	sst s5  }
0xe: {  	[smem:$0x3FB1] =	sst s6  }
0xf: {  	[smem:$0x3FB2] =	sst s7  }
0x10: {  	[smem:$0x3FB3] =	sst s8  }
0x11: {  	[smem:$0x3FB4] =	sst s9;
	s0 =	simm.s32 @!p0 $0x0  }
0x12: {  	s1 =	sld [smem:$0x3F9A];
	s0 =	simm.s32 @p0 $0x1  }
0x13: {  	[smem:$0x3FB5] =	sst s0;
	s0 =	simm.s32 @!p1 $0x0  }
0x14: {  	s2 =	sld [smem:$0x3F99];
	s0 =	simm.s32 @p1 $0x1  }
0x15: {  	[smem:$0x3FB6] =	sst s0;
	s0 =	simm.s32 @!p2 $0x0  }
0x16: {  	s3 =	sld [smem:$0x3FDB];
	s0 =	simm.s32 @p2 $0x1  }
0x17: {  	s4 =	simm.s32 $0x1BF5;
	[smem:$0x3FB8] =	sst s0  }
0x18: {  	s0 =	sld [smem:$0x3F9B];
	_ =	swait.ge [sflag:s4], $0x0  }
0x19: {  	s7 =	sld [smem:$0x3F9C]  }
0x1a: {  	s8 =	sadd.s32 $0xFFFFE003, lr  }
0x1b: {  	s9 =	sadd.s32 $0xFFFFFEF7, lr;
	s5 =	simm.s32 $0xFFFFFFFF;
	p2 =	slt.u32 s8, $0xFFFFF086  }
0x1c: {  	p1 =	slt.u32 s9, $0xF7A;
	s5 =	simm.s32 @!p2 $0x0  }
0x1d: {  	s5 =	simm.s32 @p1 $0x1;
	p0 =	seq.s32 s7, s2  }
0x1e: {  	s7 =	smul.u32 @!p0 $0xF7A, s2;
	p2 =	seq.s32 @!p0 s5, $0x0  }
0x1f: {  	s9 =	smul.u32 $0xF7A, s1;
	s8 =	simm.s32 @!p0 $0x1BF5;
	p2 =	por !p2, p0  }
0x20: {  	[sflag:s8] =	ssyncset.s32 @!p0 $0xFFFFF086;
	s6 =	sadd.s32 @!p0 s3, s7;
	s7 =	simm.s32 @!p0 $0x108  }
0x21: {  	s3 =	sadd.s32 s3, s9;
	s6 =	sadd.s32 @!p0 $0x88, s6;
	s7 =	simm.s32 @p2 $0x1082  }
0x22: {  	[simem:s7], [sflag:s8] =	dma.local @!p0 [hbm:s6], $0xF7A  }
0x23: {  	s9 =	sor.u32 $0xD0000000, s2;
	s6 =	simm.s32 $0x108;
	_ =	swait.ge @!p0 [sflag:s8], $0x0  }
0x24: {  	s3 =	sadd.s32 $0x88, s3;
	s6 =	simm.s32 @!p1 $0x1082;
	[sflag:s4] =	ssyncset.s32 $0xFFFFF086  }
0x25: {  	[simem:s6], [sflag:s4] =	dma.local [hbm:s3], $0xF7A  }
0x26: {  	[smem:$0x3F9C] =	sst s1;
	(tag) =	ssettag s2;
	_ =	strace s9  }
0x27: {  	s1 =	sld [smem:$0x3FAC]  }
0x28: {  	s2 =	sld [smem:$0x3FAD]  }
0x29: {  	s4 =	sld [smem:$0x3FAF]  }
0x2a: {  	p0 =	seq.s32 s5, $0x0;
	s5 =	sld [smem:$0x3FB0]  }
0x2b: {  	s6 =	sld [smem:$0x3FB1]  }
0x2c: {  	s7 =	sld [smem:$0x3FB2]  }
0x2d: {  	s3 =	simm.s32 $0x108;
	s8 =	sld [smem:$0x3FB3]  }
0x2e: {  	s3 =	simm.s32 @!p0 $0x1082;
	s9 =	sld [smem:$0x3FB4]  }
0x2f: {  	lr =	sadd.s32 s0, s3;
	s0 =	sld [smem:$0x3FAB]  }
0x30: {  	s3 =	sld [smem:$0x3FAE]  }
0x31: {  	[smem:$0x3FB7] =	sst s10  }
0x32: {  	s10 =	sld [smem:$0x3FB5];
	_ =	sdelay $0x3  }
0x33: {  	p0 =	seq.s32 s10, $0x1;
	s10 =	sld [smem:$0x3FB7];
	_ =	sdelay $0x3  }
0x34: {  	[smem:$0x3FB7] =	sst s10  }
0x35: {  	s10 =	sld [smem:$0x3FB6];
	_ =	sdelay $0x3  }
0x36: {  	p1 =	seq.s32 s10, $0x1;
	s10 =	sld [smem:$0x3FB7];
	_ =	sdelay $0x3  }
0x37: {  	[smem:$0x3FB7] =	sst s10  }
0x38: {  	s10 =	sld [smem:$0x3FB8]  }
0x39: {  	_ = 	snop;
	(pc) =	sbr.ind lr, $3  }
0x3a: {  	_ = 	snop  }
0x3b: {  	_ = 	snop  }
0x3c: {  	p2 =	seq.s32 s10, $0x1;
	s10 =	sld [smem:$0x3FB7]  }
0x3d: {  	_ =	shalt  }
0x3e: {  	_ =	shalt  }
0x3f: {  	_ =	shalt  }
0x40: {  	_ =	shalt  }
0x41: {  	_ =	shalt  }
0x42: {  	_ =	shalt  }
0x43: {  	_ =	shalt  }
0x44: {  	_ =	shalt  }
0x45: {  	_ =	shalt  }
0x46: {  	_ =	shalt  }
0x47: {  	_ =	shalt  }
0x48: {  	_ =	shalt  }
0x49: {  	_ =	shalt  }
0x4a: {  	_ =	shalt  }
0x4b: {  	_ =	shalt  }
0x4c: {  	_ =	shalt  }
0x4d: {  	_ =	shalt  }
0x4e: {  	_ =	shalt  }
0x4f: {  	_ =	shalt  }
0x50: {  	_ =	shalt  }
0x51: {  	_ =	shalt  }
0x52: {  	_ =	shalt  }
0x53: {  	_ =	shalt  }
0x54: {  	_ =	shalt  }
0x55: {  	_ =	shalt  }
0x56: {  	_ =	shalt  }
0x57: {  	_ =	shalt  }
0x58: {  	_ =	shalt  }
0x59: {  	_ =	shalt  }
0x5a: {  	_ =	shalt  }
0x5b: {  	_ =	shalt  }
0x5c: {  	_ =	shalt  }
0x5d: {  	_ =	shalt  }
0x5e: {  	_ =	shalt  }
0x5f: {  	_ =	shalt  }
0x60: {  	_ =	shalt  }
0x61: {  	_ =	shalt  }
0x62: {  	_ =	shalt  }
0x63: {  	_ =	shalt  }
0x64: {  	_ =	shalt  }
0x65: {  	_ =	shalt  }
0x66: {  	_ =	shalt  }
0x67: {  	_ =	shalt  }
0x68: {  	_ =	shalt  }
0x69: {  	_ =	shalt  }
0x6a: {  	_ =	shalt  }
0x6b: {  	_ =	shalt  }
0x6c: {  	_ =	shalt  }
0x6d: {  	_ =	shalt  }
0x6e: {  	_ =	shalt  }
0x6f: {  	_ =	shalt  }
0x70: {  	_ =	shalt  }
0x71: {  	_ =	shalt  }
0x72: {  	_ =	shalt  }
0x73: {  	_ =	shalt  }
0x74: {  	_ =	shalt  }
0x75: {  	_ =	shalt  }
0x76: {  	_ =	shalt  }
0x77: {  	_ =	shalt  }
0x78: {  	_ =	shalt  }
0x79: {  	_ =	shalt  }
0x7a: {  	_ =	shalt  }
0x7b: {  	_ =	shalt  }
0x7c: {  	_ =	shalt  }
0x7d: {  	_ =	shalt  }
0x7e: {  	_ =	shalt  }
0x7f: {  	_ =	shalt  }
0x80: {  	_ =	shalt  }
0x81: {  	_ =	shalt  }
0x82: {  	_ =	shalt  }
0x83: {  	_ =	shalt  }
0x84: {  	_ =	shalt  }
0x85: {  	_ =	shalt  }
0x86: {  	_ =	shalt  }
0x87: {  	_ =	shalt  }
.Lfunc_end0:
.L_simem_size_0:
called_computation_lowered:
.L_overlay_start_0:
0x88: {  	s2 =	sld [smem:$0x3FD9]  }
0x89: {  	s3 =	sld [smem:$0x3FFE];
	_ =	sdelay $0x1  }
0x8a: {  	s1 =	srdreg.scid  }
0x8b: {  	s0 =	sand.u32 $0x1, s1  }
0x8c: {  	s16 =	sshll.u32 s0, $0xA;
	s2 =	sadd.s32 s3, s2  }
0x8d: {  	s2 =	sadd.s32 s2, s16  }
0x8e: {  	[smem:$0x3FC3] =	sst s2  }
0x8f: {  	_ = 	snop  }
0x90: {  	(tm) =	ssettm $0x1  }
0x91: {  	s17 =	sld [smem:$0x3FFB];
	_ =	sdelay $0x3  }
0x92: {  	_ =	strace s17  }
0x93: {  	s2 =	sld [smem:$0x3FFC];
	_ =	sdelay $0x3  }
0x94: {  	_ =	strace s2  }
0x95: {  	s2 =	sld [smem:$0x3FFD];
	_ =	sdelay $0x3  }
0x96: {  	_ =	strace s2  }
0x97: {  	_ =	strace $0x8FFFFFFF  }
0x98: {  	s18 =	sld [smem:$0x3FDB];
	_ =	sdelay $0x1  }
0x99: {  	s19 =	simm.s32 $_scs_section_size  }
0x9a: {  	s4 =	simm.s32 $_size__tile_overlayer_lowered;
	s5 =	simm.s32 $_tile_overlayer_lowered  }
0x9b: {  	s22 =	simm.s32 $0x1BFF;
	s21 =	sshll.u32 s5, $0x1;
	s2 =	sadd.s32 s19, s18  }
0x9c: {  	s6 =	simm.s32 $0x0;
	s20 =	sshll.u32 s4, $0x1;
	s4 =	sadd.s32 s21, s2  }
0x9d: {  	[timem:s6], [sflag:s22] =	dma.local [hbm:s4], s20  }
0x9e: {  	_ =	swait.ge [sflag:s22], s20  }
0x9f: {  	s3 =	ssub.s32 $0x0, s20;
	[sflag:s22] =	ssyncset.done $0x0  }
0xa0: {  	[sflag:s22] =	ssyncadd.s32 s3;
	_ =	sdelay $0x1  }
0xa1: {  	s23 =	simm.s32 $0x1B8B  }
0xa2: {  	_ =	swait.ge [sflag:s23], $0x1  }
0xa3: {  	[sflag:s23] =	ssyncset.done $0x0  }
0xa4: {  	s25 =	simm.s32 $0x1B8E;
	s24 =	sld [smem:$0x3FFE];
	[sflag:s23] =	ssyncadd.s32 $0xFFFFFFFF  }
0xa5: {  	s26 =	simm.s32 $execute0_lowered;
	[smem:$0x3FD2] =	sst s25  }
0xa6: {  	s4 =	sshll.u32 s26, $0x1;
	_ =	strace $0x80000046;
	[dreg:$0x1] =	wrdreg $0xFFFFFFFF  }
0xa7: {  	s28 =	simm.s32 $_size_execute0_lowered;
	s2 =	sadd.s32 s2, s4;
	[dreg:$0x0] =	wrdreg $0x0  }
0xa8: {  	s4 =	sshll.u32 s28, $0x1;
	[dreg:$0x2] =	wrdreg s2  }
0xa9: {  	[dreg:$0x3] =	wrdreg s4  }
0xaa: {  	[dreg:$0x4] =	wrdreg $0xC0  }
0xab: {  	_ =	task [dreg:s6], $0x5FFFF  }
0xac: {  	[dreg:$0x1] =	wrdreg $0xFFFFFFFF  }
0xad: {  	[dreg:$0x0] =	wrdreg $0x60  }
0xae: {  	[dreg:$0x2] =	wrdreg s24  }
0xaf: {  	[dreg:$0x3] =	wrdreg $0x9  }
0xb0: {  	_ =	task.clear_ibuf [dreg:s6], $0x4FFFF;
	_ =	strace $0x90000046  }
0xb1: {  	s29 =	simm.s32 $0x9;
	_ =	strace $0x80000048  }
0xb2: {  	_ =	swait.ge [sflag:s29], $0x1  }
0xb3: {  	[sflag:s29] =	ssyncadd.s32 $0xFFFFFFFF  }
0xb4: {  	_ =	strace $0x90000048  }
0xb5: {  	_ =	sfence  }
0xb6: {  	s30 =	sld [smem:$0x0];
	_ =	sdelay $0x2  }
0xb7: {  	s31 =	sshll.u32 s1, $0xD;
	s1 =	sshrl.u32 s1, $0x2  }
0xb8: {  	s3 =	sand.u32 $0x4000, s31;
	s1 =	sadd.s32 s1, s30  }
0xb9: {  	s0 =	sor.u32 s3, s0;
	s1 =	sshll.u32 s1, $0x11  }
0xba: {  	s0 =	sor.u32 s1, s0  }
0xbb: {  	s0 =	sadd.s32 $0x8F2B, s0  }
0xbc: {  	[sflag:s0] =	ssyncadd.remote.s32 $0x1  }
0xbd: {  	_ =	sfence.sel $0xFFFF  }
0xbe: {  	[dreg:$0x0] =	wrdreg $0xFFFFFFFF;
	(pc) =	sbr.abs _section_cstart, $3  }
0xbf: {  	[dreg:$0x1] =	wrdreg $0xFFFFFFFF  }
0xc0: {  	_ =	task.clear_ibuf [dreg:s6], $0x2FFFF;
	_ =	strace $0x9FFFFFFF  }
0xc1: {  	(tm) =	ssettm $0x7FFFFFFF  }
tec
execute0_lowered:
.L_overlay_start_1:
0x0: {  	(tag) =	ssettag $0x1  }
0x1: {  	s0 =	srdreg.scid;
	s2 =	stileid.u32  }
0x2: {  	s1 =	rddreg [dreg:$0x0];
	s11 =	simm.s32 $0x0;
	s13 =	simm.s32 $0x3  }
0x3: {  	s25 =	simm.s32 $0x10800;
	s28 =	simm.s32 $0x11800;
	s29 =	simm.s32 $0x12000  }
0x4: {  	s30 =	simm.s32 $0x12800;
	s31 =	simm.s32 $0x13000;
	s14 =	simm.s32 $0x0  }
0x5: {  	s0 =	sand.u32 $0x1, s0;
	[smem:$0x7FF] =	sst s11;
	s6 =	sadd.s32 $0x209600, s1  }
0x6: {  	s2 =	sshll.u32 s2, $0x7;
	s7 =	sadd.s32 $0x209700, s1;
	s8 =	sadd.s32 $0x209800, s1  }
0x7: {  	s10 =	sadd.s32 $0x209A00, s1;
	s3 =	sshll.u32 s0, $0x6;
	s0 =	ssub.s32 $0x2, s0  }
0x8: {  	s12 =	sadd.s32 $0x209B00, s1;
	s2 =	sor.u32 s3, s2;
	s9 =	sshrl.u32 s0, $0x1  }
0x9: {  	_ =	strace $0x80000047;
	s3 =	sshll.u32 s2, $0x4;
	s0 =	ssub.s32 s0, s9  }
0xa: {  	s2 =	sshll.u32 s2, $0x5;
	s4 =	sadd.s32 s3, s1;
	s0 =	smax.u32 s0, $0x1  }
0xb: {  	v0 =	vlaneseq.u32;
	s9 =	sadd.s32 $0x209900, s1;
	s5 =	sadd.s32 $0x101400, s4;
	[dreg:$0x7] =	wrdreg s0  }
0xc: {  	v1 =	vand.u32 $0x7, v0;
	v63 =	vshrl.u32 v0, $0x3;
	s2 =	sadd.s32 s2, s1;
	s4 =	sadd.s32 $0x1400, s4;
	[dreg:$0x4] =	wrdreg s5  }
0xd: {  	v0 =	vor.u32 $0x8, v0;
	[tilespmem:$0x1FFD0] =	vst v1;
	v1 =	vmul.u32 $0x8, v63;
	s3 =	sadd.s32 $0x209400, s1;
	s26 =	sadd.s32 $0x9400, s2;
	[dreg:$0x5] =	wrdreg s4  }
0xe: {  	[tilespmem:$0x1FFF0] =	vst v0;
	s0 =	simm.s32 $0x1;
	s5 =	sadd.s32 $0x209500, s1;
	[dreg:$0x6] =	wrdreg s26  }
0xf: {  	vm0 =	vmmov $0xffff;
	[tilespmem:$0x1FFE0] =	vst v1;
	s26 =	simm.s32 $0x11000;
	s1 =	simm.s32 $0x13800;
	s4 =	simm.s32 $0x2  }
.LBB2_1:
0x10: {  	[dreg:$0x8] =	wrdreg s14  }
0x11: {  	s2 =	rddreg [dreg:$0x5]  }
0x12: {  	[tilespmem:s11], [sflag:$0x3] =	stream.linear.gather [hbm4b:s2+s11], $0x2000, $0x38;
	[tilespmem:$0x18000] =	vst v63  }
0x13: {  	_ =	swait.ge [sflag:s13], $0x2000  }
0x14: {  	[sflag:s13] =	ssyncset.done $0x0  }
0x15: {  	s20 =	simm.s32 $0x2000;
	s19 =	rddreg [dreg:$0x4];
	[sflag:s13] =	ssyncadd.s32 $0xFFFFE000  }
0x16: {  	[tilespmem:s20], [sflag:$0x3] =	stream.linear.gather [hbm4b:s19+s11], $0x2000, $0x38;
	[tilespmem:$0x18000] =	vst v63  }
0x17: {  	_ =	swait.ge [sflag:s13], $0x2000  }
0x18: {  	[sflag:s13] =	ssyncset.done $0x0  }
0x19: {  	[sflag:s13] =	ssyncadd.s32 $0xFFFFE000  }
0x1a: {  	v0 =	vld [tilespmem:$0x0];
	_ =	sdelay $0x2  }
0x1b: {  	v63 =	vld [tilespmem:$0x1FFD0];
	_ =	sdelay $0x1  }
0x1c: {  	v2 =	vld [tilespmem:$0x1FFE0];
	v1 =	vshll.u32 v0, $0x4  }
0x1d: {  	v0 =	vand.u32 $0x7, v0;
	v1 =	vand.u32 $0xFFFFFF80, v1  }
0x1e: {  	v0 =	vor.u32 v0, v1  }
0x1f: {  	v1 =	vperm.xlane v0, v63;
	_ =	sdelay $0x1  }
0x20: {  	v1 =	vadd.s32 v2, v1;
	_ =	sdelay $0x3  }
0x21: {  	s21 =	simm.s32 $0x4000  }
0x22: {  	[tilespmem:s21], [sflag:$0x1] =	stream.indirect_vreg.gather [hbm4b:s3+s11], $0x80, v1, vm0, $0xb8;
	[tilespmem:$0x18000] =	vst v63  }
0x23: {  	s22 =	simm.s32 $0x4800  }
0x24: {  	[tilespmem:s22], [sflag:$0x1] =	stream.indirect_vreg.gather [hbm4b:s5+s11], $0x80, v1, vm0, $0xb8;
	[tilespmem:$0x18000] =	vst v63  }
0x25: {  	s23 =	simm.s32 $0x5000  }
0x26: {  	v3 =	vld [tilespmem:$0x1FFF0];
	[tilespmem:s23], [sflag:$0x1] =	stream.indirect_vreg.gather [hbm4b:s6+s11], $0x80, v1, vm0, $0xb8  }
0x27: {  	s24 =	simm.s32 $0x5800  }
0x28: {  	[tilespmem:s24], [sflag:$0x1] =	stream.indirect_vreg.gather [hbm4b:s7+s11], $0x80, v1, vm0, $0xb8;
	[tilespmem:$0x18000] =	vst v63  }
0x29: {  	s13 =	simm.s32 $0x6000  }
0x2a: {  	[tilespmem:s13], [sflag:$0x1] =	stream.indirect_vreg.gather [hbm4b:s8+s11], $0x80, v1, vm0, $0xb8;
	[tilespmem:$0x18000] =	vst v63  }
0x2b: {  	s14 =	simm.s32 $0x6800;
	v0 =	vperm.xlane v0, v3  }
0x2c: {  	[tilespmem:s14], [sflag:$0x1] =	stream.indirect_vreg.gather [hbm4b:s9+s11], $0x80, v1, vm0, $0xb8;
	[tilespmem:$0x18000] =	vst v63  }
0x2d: {  	s15 =	simm.s32 $0x7000;
	v0 =	vadd.s32 v2, v0  }
0x2e: {  	[tilespmem:s15], [sflag:$0x1] =	stream.indirect_vreg.gather [hbm4b:s10+s11], $0x80, v1, vm0, $0xb8;
	[tilespmem:$0x18000] =	vst v63  }
0x2f: {  	s16 =	simm.s32 $0x7800  }
0x30: {  	[tilespmem:s16], [sflag:$0x1] =	stream.indirect_vreg.gather [hbm4b:s12+s11], $0x80, v1, vm0, $0xb8;
	[tilespmem:$0x18000] =	vst v63  }
0x31: {  	s17 =	simm.s32 $0x8000  }
0x32: {  	[tilespmem:s17], [sflag:$0x1] =	stream.indirect_vreg.gather [hbm4b:s3+s11], $0x80, v0, vm0, $0xb8;
	[tilespmem:$0x18000] =	vst v63  }
0x33: {  	s18 =	simm.s32 $0x8800  }
0x34: {  	[tilespmem:s18], [sflag:$0x1] =	stream.indirect_vreg.gather [hbm4b:s5+s11], $0x80, v0, vm0, $0xb8;
	[tilespmem:$0x18000] =	vst v63  }
0x35: {  	s19 =	simm.s32 $0x9000  }
0x36: {  	[tilespmem:s19], [sflag:$0x1] =	stream.indirect_vreg.gather [hbm4b:s6+s11], $0x80, v0, vm0, $0xb8;
	[tilespmem:$0x18000] =	vst v63  }
0x37: {  	s20 =	simm.s32 $0x9800  }
0x38: {  	[tilespmem:s20], [sflag:$0x1] =	stream.indirect_vreg.gather [hbm4b:s7+s11], $0x80, v0, vm0, $0xb8;
	[tilespmem:$0x18000] =	vst v63  }
0x39: {  	s21 =	simm.s32 $0xA000  }
0x3a: {  	[tilespmem:s21], [sflag:$0x1] =	stream.indirect_vreg.gather [hbm4b:s8+s11], $0x80, v0, vm0, $0xb8;
	[tilespmem:$0x18000] =	vst v63  }
0x3b: {  	s22 =	simm.s32 $0xA800  }
0x3c: {  	[tilespmem:s22], [sflag:$0x1] =	stream.indirect_vreg.gather [hbm4b:s9+s11], $0x80, v0, vm0, $0xb8;
	[tilespmem:$0x18000] =	vst v63  }
0x3d: {  	s23 =	simm.s32 $0xB000  }
0x3e: {  	[tilespmem:s23], [sflag:$0x1] =	stream.indirect_vreg.gather [hbm4b:s10+s11], $0x80, v0, vm0, $0xb8;
	[tilespmem:$0x18000] =	vst v63  }
0x3f: {  	s24 =	simm.s32 $0xB800;
	s13 =	simm.s32 $0x0  }
0x40: {  	[tilespmem:s24], [sflag:$0x1] =	stream.indirect_vreg.gather [hbm4b:s12+s11], $0x80, v0, vm0, $0xb8;
	[tilespmem:$0x18000] =	vst v63  }
.LBB2_2:
0x41: {  	s2 =	sshll.u32 s13, $0x8  }
0x42: {  	v0 =	vld [tilespmem:s2+$0x80];
	_ =	sdelay $0x4  }
0x43: {  	v1 =	vshll.u32 v0, $0x4  }
0x44: {  	v0 =	vand.u32 $0x7, v0;
	v1 =	vand.u32 $0xFFFFFF80, v1  }
0x45: {  	v0 =	vor.u32 v0, v1;
	v1 =	vld [tilespmem:$0x1FFD0];
	_ =	sdelay $0x1  }
0x46: {  	v2 =	vld [tilespmem:$0x1FFE0];
	_ =	sdelay $0x2  }
0x47: {  	v1 =	vperm.xlane v0, v1;
	_ =	sdelay $0x1  }
0x48: {  	v1 =	vadd.s32 v2, v1;
	_ =	sdelay $0x3  }
0x49: {  	s11 =	simm.s32 $0x0;
	s14 =	simm.s32 $0xC000  }
0x4a: {  	[tilespmem:s14], [sflag:$0x2] =	stream.indirect_vreg.gather [hbm4b:s3+s11], $0x80, v1, vm0, $0xb8;
	[tilespmem:$0x18000] =	vst v63  }
0x4b: {  	s21 =	simm.s32 $0xC800  }
0x4c: {  	[tilespmem:s21], [sflag:$0x2] =	stream.indirect_vreg.gather [hbm4b:s5+s11], $0x80, v1, vm0, $0xb8;
	[tilespmem:$0x18000] =	vst v63  }
0x4d: {  	s22 =	simm.s32 $0xD000  }
0x4e: {  	v3 =	vld [tilespmem:$0x1FFF0];
	[tilespmem:s22], [sflag:$0x2] =	stream.indirect_vreg.gather [hbm4b:s6+s11], $0x80, v1, vm0, $0xb8  }
0x4f: {  	s23 =	simm.s32 $0xD800  }
0x50: {  	[tilespmem:s23], [sflag:$0x2] =	stream.indirect_vreg.gather [hbm4b:s7+s11], $0x80, v1, vm0, $0xb8;
	[tilespmem:$0x18000] =	vst v63  }
0x51: {  	s24 =	simm.s32 $0xE000  }
0x52: {  	[tilespmem:s24], [sflag:$0x2] =	stream.indirect_vreg.gather [hbm4b:s8+s11], $0x80, v1, vm0, $0xb8;
	[tilespmem:$0x18000] =	vst v63  }
0x53: {  	s15 =	simm.s32 $0xE800;
	v0 =	vperm.xlane v0, v3  }
0x54: {  	[tilespmem:s15], [sflag:$0x2] =	stream.indirect_vreg.gather [hbm4b:s9+s11], $0x80, v1, vm0, $0xb8;
	[tilespmem:$0x18000] =	vst v63  }
0x55: {  	s16 =	simm.s32 $0xF000;
	v0 =	vadd.s32 v2, v0  }
0x56: {  	[tilespmem:s16], [sflag:$0x2] =	stream.indirect_vreg.gather [hbm4b:s10+s11], $0x80, v1, vm0, $0xb8;
	[tilespmem:$0x18000] =	vst v63  }
0x57: {  	s17 =	simm.s32 $0xF800  }
0x58: {  	[tilespmem:s17], [sflag:$0x2] =	stream.indirect_vreg.gather [hbm4b:s12+s11], $0x80, v1, vm0, $0xb8;
	[tilespmem:$0x18000] =	vst v63  }
0x59: {  	s18 =	simm.s32 $0x10000  }
0x5a: {  	[tilespmem:s18], [sflag:$0x2] =	stream.indirect_vreg.gather [hbm4b:s3+s11], $0x80, v0, vm0, $0xb8;
	[tilespmem:$0x18000] =	vst v63  }
0x5b: {  	_ = 	snop  }
0x5c: {  	[tilespmem:s25], [sflag:$0x2] =	stream.indirect_vreg.gather [hbm4b:s5+s11], $0x80, v0, vm0, $0xb8;
	[tilespmem:$0x18000] =	vst v63  }
0x5d: {  	_ = 	snop  }
0x5e: {  	[tilespmem:s26], [sflag:$0x2] =	stream.indirect_vreg.gather [hbm4b:s6+s11], $0x80, v0, vm0, $0xb8;
	[tilespmem:$0x18000] =	vst v63  }
0x5f: {  	_ = 	snop  }
0x60: {  	[tilespmem:s28], [sflag:$0x2] =	stream.indirect_vreg.gather [hbm4b:s7+s11], $0x80, v0, vm0, $0xb8;
	[tilespmem:$0x18000] =	vst v63  }
0x61: {  	_ = 	snop  }
0x62: {  	[tilespmem:s29], [sflag:$0x2] =	stream.indirect_vreg.gather [hbm4b:s8+s11], $0x80, v0, vm0, $0xb8;
	[tilespmem:$0x18000] =	vst v63  }
0x63: {  	_ = 	snop  }
0x64: {  	[tilespmem:s30], [sflag:$0x2] =	stream.indirect_vreg.gather [hbm4b:s9+s11], $0x80, v0, vm0, $0xb8;
	[tilespmem:$0x18000] =	vst v63  }
0x65: {  	_ = 	snop  }
0x66: {  	[tilespmem:s31], [sflag:$0x2] =	stream.indirect_vreg.gather [hbm4b:s10+s11], $0x80, v0, vm0, $0xb8;
	[tilespmem:$0x18000] =	vst v63  }
0x67: {  	_ = 	snop  }
0x68: {  	[tilespmem:s1], [sflag:$0x2] =	stream.indirect_vreg.gather [hbm4b:s12+s11], $0x80, v0, vm0, $0xb8;
	[tilespmem:$0x18000] =	vst v63  }
0x69: {  	_ =	swait.ge [sflag:s0], $0x8000  }
0x6a: {  	s19 =	sand.u32 $0x7, s11;
	[sflag:s0] =	ssyncset.done $0x0  }
0x6b: {  	s14 =	sshll.u32 s19, $0x7;
	[sflag:s0] =	ssyncadd.s32 $0xFFFF8000  }
0x6c: {  	s14 =	sadd.s32 $0x0, s14;
	v7 =	vld [tilespmem:s2+$0x2070]  }
0x6d: {  	s15 =	sor.u32 $0x3C00, s14  }
0x6e: {  	v0 =	vld [tilespmem:s15+$0x4000]  }
0x6f: {  	s20 =	sor.u32 $0x3C10, s14  }
0x70: {  	v1 =	vld [tilespmem:s20+$0x4000]  }
0x71: {  	s21 =	sor.u32 $0x3C20, s14;
	v11 =	vbroadcast v7, $0x8  }
0x72: {  	v2 =	vld [tilespmem:s21+$0x4000]  }
0x73: {  	s22 =	sor.u32 $0x3C30, s14;
	v12 =	vbroadcast v7, $0x9;
	v0 =	vmul.f32 v0, v11  }
0x74: {  	v3 =	vld [tilespmem:s22+$0x4000]  }
0x75: {  	s23 =	sor.u32 $0x3C40, s14;
	v16 =	vbroadcast v7, $0xA;
	[tilespmem:$0x1F8D0] =	vst v0;
	v0 =	vmul.f32 v1, v12  }
0x76: {  	v4 =	vld [tilespmem:s23+$0x4000]  }
0x77: {  	s24 =	sor.u32 $0x3C50, s14;
	v17 =	vbroadcast v7, $0xB;
	[tilespmem:$0x1F8E0] =	vst v0;
	v0 =	vmul.f32 v2, v16  }
0x78: {  	v5 =	vld [tilespmem:s24+$0x4000]  }
0x79: {  	s17 =	sor.u32 $0x3C70, s14;
	v20 =	vbroadcast v7, $0xC;
	[tilespmem:$0x1F8F0] =	vst v0;
	v0 =	vmul.f32 v3, v17  }
0x7a: {  	s16 =	sor.u32 $0x3C60, s14;
	v8 =	vld [tilespmem:s17+$0x4000]  }
0x7b: {  	v6 =	vld [tilespmem:s16+$0x4000];
	s16 =	sor.u32 $0x3800, s14;
	v21 =	vbroadcast v7, $0xD;
	[tilespmem:$0x1F900] =	vst v0;
	v0 =	vmul.f32 v4, v20  }
0x7c: {  	v9 =	vld [tilespmem:s16+$0x4000]  }
0x7d: {  	s18 =	sor.u32 $0x3810, s14;
	v24 =	vbroadcast v7, $0xF;
	[tilespmem:$0x1F910] =	vst v0;
	v0 =	vmul.f32 v5, v21  }
0x7e: {  	v10 =	vld [tilespmem:s18+$0x4000]  }
0x7f: {  	s19 =	sor.u32 $0x3820, s14;
	v25 =	vbroadcast v7, $0x0;
	[tilespmem:$0x1F920] =	vst v0;
	v0 =	vmul.f32 v8, v24  }
0x80: {  	v13 =	vld [tilespmem:s19+$0x4000]  }
0x81: {  	s20 =	sor.u32 $0x3830, s14;
	v27 =	vbroadcast v7, $0x1;
	[tilespmem:$0x1F930] =	vst v0;
	v0 =	vmul.f32 v25, v9  }
0x82: {  	s21 =	sor.u32 $0x3840, s14;
	v14 =	vld [tilespmem:s20+$0x4000]  }
0x83: {  	s22 =	sor.u32 $0x3850, s14;
	v15 =	vld [tilespmem:s21+$0x4000];
	v29 =	vbroadcast v7, $0x2;
	[tilespmem:$0x1F940] =	vst v0;
	v0 =	vmul.f32 v10, v27  }
0x84: {  	s18 =	sor.u32 $0x3870, s14;
	v19 =	vld [tilespmem:s22+$0x4000]  }
0x85: {  	s23 =	simm.s32 $0x0;
	v26 =	vld [tilespmem:s18+$0x4000];
	v30 =	vbroadcast v7, $0x3;
	[tilespmem:$0x1F950] =	vst v0;
	v0 =	vmul.f32 v13, v29  }
0x86: {  	s24 =	sor.u32 $0x3860, s14;
	s17 =	sand.u32 $0x380, s11;
	s16 =	sand.u32 $0x4000, s23;
	v23 =	vbroadcast v7, $0xE;
	v4 =	vld [tilespmem:s2+$0x2060]  }
0x87: {  	v22 =	vld [tilespmem:s24+$0x4000];
	s19 =	sor.u32 s17, s16;
	v33 =	vbroadcast v7, $0x5;
	[tilespmem:$0x1F960] =	vst v0;
	v0 =	vmul.f32 v14, v30  }
0x88: {  	v34 =	vld [tilespmem:s19+$0x7420];
	v32 =	vbroadcast v7, $0x4;
	v35 =	vbroadcast v7, $0x6  }
0x89: {  	v7 =	vbroadcast v7, $0x7;
	[tilespmem:$0x1F970] =	vst v0;
	v0 =	vmul.f32 v19, v33  }
0x8a: {  	v18 =	vmul.f32 v15, v32;
	v5 =	vld [tilespmem:s19+$0x7460]  }
0x8b: {  	v15 =	vbroadcast v4, $0xA;
	[tilespmem:$0x1F980] =	vst v0;
	v0 =	vmul.f32 v26, v7  }
0x8c: {  	v23 =	vmul.f32 v6, v23;
	v6 =	vld [tilespmem:s19+$0x7470];
	v17 =	vmul.f32 v22, v35  }
0x8d: {  	v28 =	vld [tilespmem:s19+$0x7400];
	v22 =	vbroadcast v4, $0xE;
	[tilespmem:$0x1F990] =	vst v0;
	v0 =	vmul.f32 v34, v15  }
0x8e: {  	v8 =	vld [tilespmem:s19+$0x7000]  }
0x8f: {  	v31 =	vld [tilespmem:s19+$0x7410];
	v24 =	vbroadcast v4, $0xF;
	[tilespmem:$0x1F9A0] =	vst v0;
	v0 =	vmul.f32 v5, v22  }
0x90: {  	v9 =	vld [tilespmem:s19+$0x7010]  }
0x91: {  	v36 =	vld [tilespmem:s19+$0x7430];
	v61 =	vbroadcast v4, $0x0;
	[tilespmem:$0x1F9B0] =	vst v0;
	v0 =	vmul.f32 v6, v24  }
0x92: {  	v7 =	vld [tilespmem:s19+$0x7020]  }
0x93: {  	v37 =	vld [tilespmem:s19+$0x7440];
	v38 =	vbroadcast v4, $0x1;
	[tilespmem:$0x1F9C0] =	vst v0;
	v0 =	vmul.f32 v61, v8  }
0x94: {  	v14 =	vld [tilespmem:s19+$0x7030]  }
0x95: {  	v2 =	vld [tilespmem:s19+$0x7450];
	v39 =	vbroadcast v4, $0x2;
	[tilespmem:$0x1F9D0] =	vst v0;
	v0 =	vmul.f32 v9, v38  }
0x96: {  	v16 =	vbroadcast v4, $0xB;
	v20 =	vbroadcast v4, $0xC;
	v19 =	vld [tilespmem:s19+$0x7040]  }
0x97: {  	v60 =	vld [tilespmem:s19+$0x7050];
	v41 =	vbroadcast v4, $0x3;
	[tilespmem:$0x1F9E0] =	vst v0;
	v0 =	vmul.f32 v7, v39  }
0x98: {  	v62 =	vld [tilespmem:s19+$0x7060];
	v21 =	vbroadcast v4, $0xD;
	v10 =	vbroadcast v4, $0x8  }
0x99: {  	v40 =	vld [tilespmem:s19+$0x7070];
	v43 =	vbroadcast v4, $0x4;
	[tilespmem:$0x1F9F0] =	vst v0;
	v0 =	vmul.f32 v14, v41  }
0x9a: {  	v42 =	vld [tilespmem:s19+$0x6C00];
	v44 =	vbroadcast v4, $0x5;
	v29 =	vmul.f32 v28, v10  }
0x9b: {  	v28 =	vmul.f32 v2, v21;
	v2 =	vld [tilespmem:s2+$0x2050];
	[tilespmem:$0x1FA00] =	vst v0;
	v0 =	vmul.f32 v19, v43  }
0x9c: {  	v45 =	vld [tilespmem:s19+$0x6C10];
	v46 =	vbroadcast v4, $0x6;
	v13 =	vbroadcast v4, $0x9  }
0x9d: {  	v48 =	vld [tilespmem:s19+$0x6C20];
	v4 =	vbroadcast v4, $0x7;
	[tilespmem:$0x1FA10] =	vst v0;
	v0 =	vmul.f32 v60, v44  }
0x9e: {  	v27 =	vmul.f32 v31, v13;
	v30 =	vmul.f32 v36, v16;
	v6 =	vld [tilespmem:s19+$0x6C60]  }
0x9f: {  	v51 =	vld [tilespmem:s19+$0x6850];
	v16 =	vmul.f32 v37, v20;
	[tilespmem:$0x1FA20] =	vst v0;
	v0 =	vmul.f32 v62, v46  }
0xa0: {  	v63 =	vbroadcast v2, $0xA;
	v35 =	vbroadcast v2, $0xB;
	v8 =	vld [tilespmem:s19+$0x6800]  }
0xa1: {  	v54 =	vld [tilespmem:s19+$0x6860];
	[tilespmem:$0x1FA30] =	vst v0;
	v0 =	vmul.f32 v40, v4;
	v40 =	vbroadcast v2, $0xE  }
0xa2: {  	v32 =	vld [tilespmem:s19+$0x6820];
	v37 =	vbroadcast v2, $0xC;
	v31 =	vbroadcast v2, $0xF  }
0xa3: {  	v50 =	vbroadcast v2, $0x0;
	v5 =	vld [tilespmem:s19+$0x6C50];
	[tilespmem:$0x1FA40] =	vst v0;
	v0 =	vmul.f32 v6, v40  }
0xa4: {  	v52 =	vbroadcast v2, $0x1;
	v53 =	vbroadcast v2, $0x2;
	v46 =	vld [tilespmem:s19+$0x6840]  }
0xa5: {  	v57 =	vld [tilespmem:s19+$0x6870];
	v9 =	vbroadcast v2, $0x8;
	[tilespmem:$0x1FA50] =	vst v0;
	v0 =	vmul.f32 v50, v8  }
0xa6: {  	v59 =	vld [tilespmem:s19+$0x6400];
	v56 =	vbroadcast v2, $0x4;
	v38 =	vbroadcast v2, $0xD  }
0xa7: {  	v34 =	vld [tilespmem:s19+$0x6C40];
	v39 =	vmul.f32 v42, v9;
	[tilespmem:$0x1FA60] =	vst v0;
	v0 =	vmul.f32 v32, v53  }
0xa8: {  	v42 =	vmul.f32 v48, v63;
	v48 =	vmul.f32 v5, v38;
	v5 =	vld [tilespmem:s2+$0x2040]  }
0xa9: {  	v3 =	vld [tilespmem:s19+$0x6070];
	v58 =	vbroadcast v2, $0x5;
	[tilespmem:$0x1FA70] =	vst v0;
	v0 =	vmul.f32 v46, v56  }
0xaa: {  	v13 =	vld [tilespmem:s19+$0x6C30];
	v55 =	vbroadcast v2, $0x3;
	v14 =	vbroadcast v2, $0x9  }
0xab: {  	v9 =	vbroadcast v2, $0x6;
	v4 =	vld [tilespmem:s19+$0x6810];
	[tilespmem:$0x1FA80] =	vst v0;
	v0 =	vmul.f32 v51, v58  }
0xac: {  	v33 =	vmul.f32 v34, v37;
	v47 =	vmul.f32 v45, v14;
	v6 =	vld [tilespmem:s19+$0x6440]  }
0xad: {  	v14 =	vld [tilespmem:s19+$0x6410];
	[tilespmem:$0x1FA90] =	vst v0;
	v0 =	vmul.f32 v54, v9;
	v9 =	vbroadcast v5, $0x8  }
0xae: {  	v34 =	vbroadcast v5, $0x9;
	v2 =	vbroadcast v2, $0x7;
	v8 =	vld [tilespmem:s19+$0x6470]  }
0xaf: {  	v36 =	vld [tilespmem:s19+$0x6830];
	v45 =	vmul.f32 v59, v9;
	v9 =	vbroadcast v5, $0xC  }
0xb0: {  	v37 =	vmul.f32 v4, v52;
	[tilespmem:$0x1FAA0] =	vst v0;
	v0 =	vmul.f32 v57, v2;
	v2 =	vld [tilespmem:s19+$0x6000]  }
0xb1: {  	v7 =	vld [tilespmem:s19+$0x6C70];
	v52 =	vmul.f32 v6, v9;
	v6 =	vbroadcast v5, $0xF  }
0xb2: {  	v50 =	vmul.f32 v14, v34;
	v14 =	vld [tilespmem:s19+$0x6030]  }
0xb3: {  	v60 =	vld [tilespmem:s19+$0x6420];
	v54 =	vmul.f32 v8, v6;
	v6 =	vbroadcast v5, $0x0  }
0xb4: {  	v49 =	vmul.f32 v13, v35;
	v41 =	vld [tilespmem:s19+$0x6040];
	v38 =	vbroadcast v5, $0xB  }
0xb5: {  	v13 =	vld [tilespmem:s19+$0x6430];
	v56 =	vmul.f32 v6, v2;
	v2 =	vbroadcast v5, $0x3  }
0xb6: {  	v32 =	vmul.f32 v36, v55;
	v36 =	vbroadcast v5, $0xA;
	[tilespmem:$0x1FAB0] =	vst v0;
	v0 =	vld [tilespmem:s2+$0x2030]  }
0xb7: {  	v4 =	vld [tilespmem:s19+$0x6450];
	v58 =	vmul.f32 v14, v2;
	v2 =	vbroadcast v5, $0x4  }
0xb8: {  	v11 =	vld [tilespmem:s19+$0x5C00];
	v44 =	vmul.f32 v7, v31;
	v46 =	vmul.f32 v60, v36  }
0xb9: {  	v40 =	vld [tilespmem:s19+$0x6020];
	v60 =	vmul.f32 v41, v2;
	v2 =	vbroadcast v5, $0x7  }
0xba: {  	v1 =	vld [tilespmem:s19+$0x5C30];
	v51 =	vmul.f32 v13, v38;
	v13 =	vbroadcast v5, $0xD  }
0xbb: {  	v35 =	vld [tilespmem:s19+$0x6010];
	v62 =	vmul.f32 v3, v2;
	v2 =	vbroadcast v0, $0x8  }
0xbc: {  	v55 =	vmul.f32 v4, v13;
	v13 =	vbroadcast v5, $0x2;
	v6 =	vld [tilespmem:s19+$0x5C40]  }
0xbd: {  	v4 =	vld [tilespmem:s19+$0x5C60];
	v41 =	vmul.f32 v11, v2;
	v2 =	vbroadcast v0, $0xB  }
0xbe: {  	v57 =	vmul.f32 v40, v13;
	v8 =	vbroadcast v5, $0x1;
	v3 =	vld [tilespmem:s19+$0x5C70]  }
0xbf: {  	v10 =	vld [tilespmem:s19+$0x5C10];
	v40 =	vmul.f32 v1, v2;
	v1 =	vbroadcast v0, $0xC  }
0xc0: {  	v61 =	vld [tilespmem:s19+$0x6050];
	v59 =	vmul.f32 v35, v8;
	v2 =	vbroadcast v0, $0xE  }
0xc1: {  	v7 =	vld [tilespmem:s19+$0x6460];
	v35 =	vmul.f32 v6, v1;
	v1 =	vbroadcast v0, $0xF  }
0xc2: {  	v36 =	vmul.f32 v4, v2;
	v2 =	vld [tilespmem:$0x1F8D0]  }
0xc3: {  	v8 =	vbroadcast v5, $0x5;
	v34 =	vmul.f32 v3, v1;
	v3 =	vld [tilespmem:$0x1F8E0]  }
0xc4: {  	v9 =	vld [tilespmem:s19+$0x6060]  }
0xc5: {  	v63 =	vmul.f32 v61, v8;
	v8 =	vbroadcast v0, $0x9  }
0xc6: {  	v43 =	vbroadcast v5, $0xE  }
0xc7: {  	v13 =	vbroadcast v5, $0x6;
	v38 =	vmul.f32 v10, v8;
	v10 =	vld [tilespmem:s19+$0x5820]  }
0xc8: {  	v53 =	vmul.f32 v7, v43;
	v7 =	vld [tilespmem:s19+$0x5C20];
	v2 =	vadd.f32 v3, v2  }
0xc9: {  	v61 =	vmul.f32 v9, v13;
	v9 =	vld [tilespmem:s19+$0x5800]  }
0xca: {  	v5 =	vld [tilespmem:s19+$0x5C50];
	[tilespmem:$0x1FBA0] =	vst v2;
	v2 =	vbroadcast v0, $0x2  }
0xcb: {  	v8 =	vld [tilespmem:s19+$0x5830]  }
0xcc: {  	v13 =	vbroadcast v0, $0xA;
	v25 =	vmul.f32 v10, v2;
	v2 =	vld [tilespmem:$0x1F930]  }
0xcd: {  	v1 =	vbroadcast v0, $0x0  }
0xce: {  	v12 =	vld [tilespmem:s19+$0x5840];
	v43 =	vmul.f32 v7, v13;
	v7 =	vbroadcast v0, $0xD  }
0xcf: {  	v26 =	vmul.f32 v1, v9;
	v1 =	vbroadcast v0, $0x3  }
0xd0: {  	v31 =	vmul.f32 v5, v7;
	v5 =	vld [tilespmem:$0x1F900]  }
0xd1: {  	v3 =	vld [tilespmem:$0x1F8F0];
	v2 =	vadd.f32 v2, v23;
	v23 =	vmul.f32 v8, v1;
	v1 =	vbroadcast v0, $0x4;
	_ =	sdelay $0x1  }
0xd2: {  	v22 =	vmul.f32 v12, v1;
	v1 =	vld [tilespmem:$0x1F980];
	_ =	sdelay $0x2  }
0xd3: {  	v3 =	vadd.f32 v5, v3  }
0xd4: {  	v5 =	vld [tilespmem:$0x1F920]  }
0xd5: {  	[tilespmem:$0x1FBB0] =	vst v3;
	v3 =	vld [tilespmem:$0x1F910];
	v1 =	vadd.f32 v1, v18;
	_ =	sdelay $0x1  }
0xd6: {  	[tilespmem:$0x1FB80] =	vst v1;
	v1 =	vld [tilespmem:$0x1F990];
	_ =	sdelay $0x1  }
0xd7: {  	v13 =	vld [tilespmem:s19+$0x5850]  }
0xd8: {  	v11 =	vld [tilespmem:s19+$0x5810];
	v3 =	vadd.f32 v5, v3  }
0xd9: {  	[tilespmem:$0x1FBD0] =	vst v2;
	v2 =	vld [tilespmem:$0x1F940]  }
0xda: {  	[tilespmem:$0x1FBC0] =	vst v3;
	v3 =	vld [tilespmem:$0x1F950];
	v1 =	vadd.f32 v1, v17  }
0xdb: {  	v7 =	vld [tilespmem:s19+$0x5860]  }
0xdc: {  	v6 =	vld [tilespmem:s19+$0x5870];
	[tilespmem:$0x1FB90] =	vst v1;
	v1 =	vadd.f32 v27, v29  }
0xdd: {  	v10 =	vld [tilespmem:s2+$0x2020]  }
0xde: {  	v4 =	vbroadcast v0, $0x1;
	[tilespmem:$0x1FB20] =	vst v1;
	v1 =	vld [tilespmem:$0x1F9A0]  }
0xdf: {  	v14 =	vld [tilespmem:s19+$0x5400];
	v12 =	vbroadcast v0, $0x7;
	v2 =	vadd.f32 v3, v2  }
0xe0: {  	v15 =	vld [tilespmem:s19+$0x5410];
	v24 =	vmul.f32 v11, v4;
	v3 =	vbroadcast v0, $0x6  }
0xe1: {  	v4 =	vld [tilespmem:s19+$0x5430];
	v20 =	vmul.f32 v6, v12;
	[tilespmem:$0x1FB60] =	vst v2;
	v2 =	vbroadcast v0, $0x5  }
0xe2: {  	v21 =	vmul.f32 v7, v3;
	v3 =	vbroadcast v10, $0x8  }
0xe3: {  	v6 =	vbroadcast v10, $0x9;
	v19 =	vmul.f32 v13, v2;
	v1 =	vadd.f32 v30, v1  }
0xe4: {  	v18 =	vmul.f32 v14, v3;
	v14 =	vbroadcast v10, $0xB;
	v2 =	vld [tilespmem:$0x1F9C0]  }
0xe5: {  	v3 =	vld [tilespmem:$0x1F9F0];
	[tilespmem:$0x1FB30] =	vst v1;
	v1 =	vadd.f32 v28, v16  }
0xe6: {  	v17 =	vmul.f32 v15, v6;
	v15 =	vmul.f32 v4, v14;
	v4 =	vld [tilespmem:$0x1FA00]  }
0xe7: {  	[tilespmem:$0x1FB40] =	vst v1;
	v1 =	vld [tilespmem:$0x1F9B0];
	_ =	sdelay $0x2  }
0xe8: {  	v9 =	vld [tilespmem:$0x1F970]  }
0xe9: {  	v5 =	vld [tilespmem:$0x1F960]  }
0xea: {  	v3 =	vadd.f32 v4, v3;
	v4 =	vld [tilespmem:$0x1FA20];
	v1 =	vadd.f32 v2, v1  }
0xeb: {  	v2 =	vld [tilespmem:$0x1F9E0]  }
0xec: {  	[tilespmem:$0x1FB50] =	vst v1;
	v1 =	vld [tilespmem:$0x1F9D0]  }
0xed: {  	[tilespmem:$0x1FAF0] =	vst v3;
	v3 =	vld [tilespmem:$0x1FA10];
	_ =	sdelay $0x1  }
0xee: {  	v53 =	vadd.f32 v54, v53;
	v54 =	vld [tilespmem:s19+$0x4810]  }
0xef: {  	v5 =	vadd.f32 v9, v5;
	v7 =	vld [tilespmem:s19+$0x5460]  }
0xf0: {  	v8 =	vld [tilespmem:s19+$0x5420];
	v1 =	vadd.f32 v2, v1  }
0xf1: {  	[tilespmem:$0x1FB70] =	vst v5;
	v5 =	vld [tilespmem:s19+$0x5470];
	v3 =	vadd.f32 v4, v3  }
0xf2: {  	v0 =	vld [tilespmem:s19+$0x5440];
	[tilespmem:$0x1FAE0] =	vst v1;
	v1 =	vbroadcast v10, $0xE  }
0xf3: {  	[tilespmem:$0x1FB00] =	vst v3;
	v3 =	vld [tilespmem:$0x1FA40]  }
0xf4: {  	v12 =	vmul.f32 v7, v1;
	v1 =	vld [tilespmem:$0x1FA30]  }
0xf5: {  	v9 =	vld [tilespmem:s19+$0x5450];
	v6 =	vbroadcast v10, $0xC  }
0xf6: {  	v27 =	vld [tilespmem:s19+$0x5000]  }
0xf7: {  	v13 =	vmul.f32 v0, v6;
	v0 =	vbroadcast v10, $0xF;
	v6 =	vld [tilespmem:s19+$0x5040]  }
0xf8: {  	v29 =	vbroadcast v10, $0xA;
	v28 =	vld [tilespmem:s19+$0x5010]  }
0xf9: {  	v11 =	vmul.f32 v5, v0;
	v2 =	vld [tilespmem:s19+$0x5030];
	v1 =	vadd.f32 v3, v1;
	v3 =	vadd.f32 v49, v42  }
0xfa: {  	v0 =	vbroadcast v10, $0x0;
	v16 =	vmul.f32 v8, v29;
	v8 =	vld [tilespmem:$0x1FA70]  }
0xfb: {  	v30 =	vbroadcast v10, $0xD;
	[tilespmem:$0x1FAD0] =	vst v3;
	v3 =	vld [tilespmem:$0x1FA50]  }
0xfc: {  	v14 =	vld [tilespmem:s19+$0x5020];
	v42 =	vmul.f32 v0, v27;
	v0 =	vbroadcast v10, $0x3  }
0xfd: {  	v5 =	vld [tilespmem:s19+$0x5060];
	v30 =	vmul.f32 v9, v30;
	[tilespmem:$0x1FB10] =	vst v1;
	v1 =	vadd.f32 v47, v39;
	v47 =	vbroadcast v10, $0x1  }
0xfe: {  	v9 =	vmul.f32 v2, v0;
	v0 =	vbroadcast v10, $0x4;
	v2 =	vld [tilespmem:$0x1FA60]  }
0xff: {  	v49 =	vadd.f32 v48, v33;
	v39 =	vmul.f32 v28, v47;
	v28 =	vld [tilespmem:$0x1FA90]  }
0x100: {  	v48 =	vadd.f32 v44, v3;
	v44 =	vadd.f32 v32, v8;
	v8 =	vmul.f32 v6, v0;
	v6 =	vld [tilespmem:$0x1FA80]  }
0x101: {  	v60 =	vadd.f32 v63, v60;
	v63 =	vld [tilespmem:s19+$0x4860]  }
0x102: {  	v4 =	vld [tilespmem:s19+$0x5070];
	[tilespmem:$0x1FAC0] =	vst v1;
	v1 =	vbroadcast v10, $0x2  }
0x103: {  	v7 =	vld [tilespmem:s19+$0x5050];
	v47 =	vadd.f32 v37, v2;
	v2 =	vbroadcast v10, $0x6  }
0x104: {  	v14 =	vmul.f32 v14, v1;
	v1 =	vld [tilespmem:s2+$0x2010]  }
0x105: {  	v29 =	vadd.f32 v28, v6;
	v6 =	vmul.f32 v5, v2;
	v2 =	vld [tilespmem:$0x1FAA0]  }
0x106: {  	v5 =	vld [tilespmem:$0x1FAB0]  }
0x107: {  	v27 =	vld [tilespmem:s19+$0x4C00];
	v37 =	vbroadcast v10, $0x5  }
0x108: {  	v33 =	vld [tilespmem:s19+$0x4C10]  }
0x109: {  	v45 =	vadd.f32 v50, v45;
	v3 =	vld [tilespmem:s19+$0x4C20];
	v0 =	vbroadcast v10, $0x7;
	v7 =	vmul.f32 v7, v37  }
0x10a: {  	v38 =	vadd.f32 v38, v41;
	v10 =	vld [tilespmem:s19+$0x4C30];
	v50 =	vbroadcast v1, $0x9;
	v41 =	vbroadcast v1, $0x1  }
0x10b: {  	v32 =	vld [tilespmem:s19+$0x4C40];
	v28 =	vadd.f32 v5, v2;
	v5 =	vmul.f32 v4, v0;
	v0 =	vbroadcast v1, $0x8  }
0x10c: {  	v24 =	vadd.f32 v24, v26;
	v37 =	vld [tilespmem:s19+$0x4C50];
	v26 =	vbroadcast v1, $0x5;
	v2 =	vbroadcast v1, $0xA  }
0x10d: {  	v46 =	vadd.f32 v51, v46;
	v4 =	vld [tilespmem:s19+$0x4C60];
	v51 =	vmul.f32 v27, v0;
	v0 =	vbroadcast v1, $0xB  }
0x10e: {  	v52 =	vadd.f32 v55, v52;
	v50 =	vmul.f32 v33, v50;
	v33 =	vbroadcast v1, $0xC;
	v27 =	vld [tilespmem:s19+$0x4C70]  }
0x10f: {  	v40 =	vadd.f32 v40, v43;
	v43 =	vld [tilespmem:s19+$0x4870];
	v55 =	vmul.f32 v3, v2;
	v0 =	vmul.f32 v10, v0  }
0x110: {  	v2 =	vld [tilespmem:s19+$0x4800];
	v10 =	vadd.f32 v59, v56;
	v56 =	vbroadcast v1, $0xD;
	v59 =	vbroadcast v1, $0xE  }
0x111: {  	v57 =	vadd.f32 v58, v57;
	v58 =	vmul.f32 v32, v33;
	v32 =	vbroadcast v1, $0xF;
	v3 =	vld [tilespmem:s19+$0x4820]  }
0x112: {  	v31 =	vadd.f32 v31, v35;
	v33 =	vld [tilespmem:s19+$0x4830];
	v37 =	vmul.f32 v37, v56;
	v56 =	vmul.f32 v4, v59  }
0x113: {  	v4 =	vadd.f32 v62, v61;
	v61 =	vld [tilespmem:s19+$0x4850];
	v27 =	vmul.f32 v27, v32;
	v32 =	vbroadcast v1, $0x0  }
0x114: {  	v34 =	vadd.f32 v34, v36;
	v35 =	vmul.f32 v54, v41;
	v41 =	vld [tilespmem:s2+$0x2000];
	v62 =	vbroadcast v1, $0x2  }
0x115: {  	v23 =	vadd.f32 v23, v25;
	v59 =	vld [tilespmem:s19+$0x4840];
	v2 =	vmul.f32 v32, v2;
	v32 =	vbroadcast v1, $0x3  }
0x116: {  	v20 =	vadd.f32 v20, v21;
	v21 =	vld [tilespmem:s19+$0x4030];
	v36 =	vbroadcast v1, $0x6;
	v3 =	vmul.f32 v3, v62  }
0x117: {  	v19 =	vadd.f32 v19, v22;
	v62 =	vld [tilespmem:s19+$0x4000];
	v32 =	vmul.f32 v33, v32;
	v33 =	vbroadcast v1, $0x4  }
0x118: {  	v17 =	vadd.f32 v17, v18;
	v22 =	vmul.f32 v61, v26;
	v26 =	vmul.f32 v63, v36;
	v36 =	vld [tilespmem:s19+$0x4020]  }
0x119: {  	v18 =	vld [tilespmem:s19+$0x4040];
	v15 =	vadd.f32 v15, v16;
	v16 =	vbroadcast v41, $0x1;
	v1 =	vbroadcast v1, $0x7  }
0x11a: {  	v13 =	vadd.f32 v30, v13;
	v25 =	vmul.f32 v59, v33;
	v33 =	vld [tilespmem:s19+$0x4010];
	v59 =	vbroadcast v41, $0x0  }
0x11b: {  	v11 =	vadd.f32 v11, v12;
	v61 =	vbroadcast v41, $0x2;
	v63 =	vld [tilespmem:s19+$0x4060];
	v1 =	vmul.f32 v43, v1  }
0x11c: {  	v39 =	vadd.f32 v39, v42;
	v42 =	vld [tilespmem:s19+$0x4410];
	v30 =	vmul.f32 v59, v62;
	v59 =	vbroadcast v41, $0x4  }
0x11d: {  	v54 =	vld [tilespmem:s19+$0x4420];
	v1 =	vadd.f32 v1, v26;
	v26 =	vbroadcast v41, $0xF;
	v36 =	vmul.f32 v36, v61  }
0x11e: {  	v7 =	vadd.f32 v7, v8;
	v62 =	vld [tilespmem:s19+$0x4050];
	v8 =	vmul.f32 v18, v59;
	v18 =	vbroadcast v41, $0x6  }
0x11f: {  	v0 =	vadd.f32 v0, v55;
	v55 =	vld [tilespmem:s19+$0x4440];
	v12 =	vmul.f32 v33, v16;
	v16 =	vbroadcast v41, $0x3  }
0x120: {  	v9 =	vadd.f32 v9, v14;
	v61 =	vld [tilespmem:s19+$0x4070];
	v18 =	vmul.f32 v63, v18;
	v63 =	vbroadcast v41, $0x9  }
0x121: {  	v5 =	vadd.f32 v5, v6;
	v14 =	vmul.f32 v21, v16;
	v16 =	vbroadcast v41, $0x5;
	v21 =	vld [tilespmem:s19+$0x4400]  }
0x122: {  	v50 =	vadd.f32 v50, v51;
	v51 =	vld [tilespmem:s19+$0x4430];
	v42 =	vmul.f32 v42, v63;
	v63 =	vbroadcast v41, $0xC  }
0x123: {  	v37 =	vadd.f32 v37, v58;
	v58 =	vld [tilespmem:s19+$0x4450];
	v6 =	vmul.f32 v62, v16;
	v16 =	vbroadcast v41, $0x7  }
0x124: {  	v22 =	vadd.f32 v22, v25;
	v59 =	vld [tilespmem:s19+$0x4470];
	v62 =	vbroadcast v41, $0x8;
	v25 =	vmul.f32 v55, v63  }
0x125: {  	v27 =	vadd.f32 v27, v56;
	v56 =	vld [tilespmem:s19+$0x4460];
	v16 =	vmul.f32 v61, v16;
	v61 =	vbroadcast v41, $0xA  }
0x126: {  	v2 =	vadd.f32 v35, v2;
	v21 =	vmul.f32 v21, v62;
	v62 =	vbroadcast v41, $0xB  }
0x127: {  	v3 =	vadd.f32 v32, v3;
	v63 =	vbroadcast v41, $0xE;
	v33 =	vmul.f32 v54, v61  }
0x128: {  	v12 =	vadd.f32 v12, v30;
	v61 =	vmul.f32 v51, v62;
	v62 =	vbroadcast v41, $0xD  }
0x129: {  	v6 =	vadd.f32 v6, v8;
	v8 =	vadd.f32 v16, v18;
	v16 =	vmul.f32 v59, v26  }
0x12a: {  	v14 =	vadd.f32 v14, v36;
	v41 =	vmul.f32 v56, v63;
	v43 =	vmul.f32 v58, v62  }
0x12b: {  	v18 =	vadd.f32 v42, v21;
	v21 =	vadd.f32 v61, v33  }
0x12c: {  	v16 =	vadd.f32 v16, v41;
	v25 =	vadd.f32 v43, v25  }
0x12d: {  	v12 =	vadd.f32 v14, v12;
	v6 =	vadd.f32 v8, v6  }
0x12e: {  	v8 =	vadd.f32 v21, v18;
	v14 =	vadd.f32 v16, v25  }
0x12f: {  	v2 =	vadd.f32 v3, v2;
	v1 =	vadd.f32 v1, v22  }
0x130: {  	v3 =	vadd.f32 v6, v12;
	v6 =	vadd.f32 v14, v8  }
0x131: {  	v0 =	vadd.f32 v0, v50;
	v1 =	vadd.f32 v1, v2  }
0x132: {  	v8 =	vadd.f32 v27, v37;
	v3 =	vadd.f32 v6, v3  }
0x133: {  	v5 =	vadd.f32 v5, v7;
	v2 =	vadd.f32 v9, v39  }
0x134: {  	v0 =	vadd.f32 v8, v0;
	v1 =	vadd.f32 v1, v3  }
0x135: {  	v6 =	vadd.f32 v11, v13;
	v3 =	vadd.f32 v15, v17  }
0x136: {  	v0 =	vadd.f32 v0, v1;
	v1 =	vadd.f32 v5, v2  }
0x137: {  	v2 =	vadd.f32 v23, v24;
	v5 =	vadd.f32 v20, v19  }
0x138: {  	v0 =	vadd.f32 v1, v0;
	v1 =	vadd.f32 v6, v3  }
0x139: {  	v3 =	vadd.f32 v40, v38;
	v6 =	vadd.f32 v34, v31  }
0x13a: {  	v0 =	vadd.f32 v1, v0;
	v1 =	vadd.f32 v5, v2  }
0x13b: {  	v4 =	vadd.f32 v4, v60;
	v2 =	vadd.f32 v57, v10  }
0x13c: {  	v0 =	vadd.f32 v1, v0;
	v1 =	vadd.f32 v6, v3  }
0x13d: {  	v5 =	vadd.f32 v53, v52;
	v3 =	vadd.f32 v46, v45  }
0x13e: {  	v0 =	vadd.f32 v1, v0;
	v1 =	vadd.f32 v4, v2;
	_ =	sdelay $0x1  }
0x13f: {  	v0 =	vadd.f32 v1, v0;
	v1 =	vadd.f32 v5, v3;
	v3 =	vld [tilespmem:$0x1FAC0]  }
0x140: {  	v5 =	vld [tilespmem:$0x1FAD0]  }
0x141: {  	v2 =	vadd.f32 v44, v47;
	v4 =	vadd.f32 v28, v29;
	_ =	sdelay $0x1  }
0x142: {  	v0 =	vadd.f32 v1, v0;
	v1 =	vadd.f32 v4, v2;
	v2 =	vld [tilespmem:$0x1FAE0]  }
0x143: {  	v4 =	vld [tilespmem:$0x1FAF0]  }
0x144: {  	v3 =	vadd.f32 v5, v3;
	v5 =	vadd.f32 v48, v49  }
0x145: {  	v6 =	vld [tilespmem:$0x1FB10]  }
0x146: {  	v0 =	vadd.f32 v1, v0;
	v1 =	vadd.f32 v5, v3;
	v3 =	vld [tilespmem:$0x1FB20]  }
0x147: {  	v5 =	vld [tilespmem:$0x1FB30]  }
0x148: {  	v2 =	vadd.f32 v4, v2;
	v4 =	vld [tilespmem:$0x1FB00];
	_ =	sdelay $0x3  }
0x149: {  	v3 =	vadd.f32 v5, v3;
	v5 =	vld [tilespmem:$0x1FB40]  }
0x14a: {  	v4 =	vadd.f32 v6, v4;
	v6 =	vld [tilespmem:$0x1FB50];
	_ =	sdelay $0x2  }
0x14b: {  	v0 =	vadd.f32 v1, v0;
	v1 =	vadd.f32 v4, v2;
	v2 =	vld [tilespmem:$0x1FB60]  }
0x14c: {  	v4 =	vld [tilespmem:$0x1FB70]  }
0x14d: {  	v5 =	vadd.f32 v6, v5  }
0x14e: {  	v6 =	vld [tilespmem:$0x1FB90]  }
0x14f: {  	v0 =	vadd.f32 v1, v0;
	v1 =	vadd.f32 v5, v3;
	v3 =	vld [tilespmem:$0x1FBA0]  }
0x150: {  	v5 =	vld [tilespmem:$0x1FBB0]  }
0x151: {  	v2 =	vadd.f32 v4, v2;
	v4 =	vld [tilespmem:$0x1FB80];
	_ =	sdelay $0x3  }
0x152: {  	v3 =	vadd.f32 v5, v3;
	v5 =	vld [tilespmem:$0x1FBC0]  }
0x153: {  	v4 =	vadd.f32 v6, v4;
	v6 =	vld [tilespmem:$0x1FBD0];
	_ =	sdelay $0x2  }
0x154: {  	s20 =	sshll.u32 s13, $0x9  }
0x155: {  	s14 =	sand.u32 $0x3800, s20;
	v0 =	vadd.f32 v1, v0  }
0x156: {  	s21 =	sand.u32 $0x300, s2;
	s15 =	sor.u32 $0x14000, s14;
	v1 =	vadd.f32 v4, v2;
	v5 =	vadd.f32 v6, v5  }
0x157: {  	s14 =	sor.u32 s21, s15  }
0x158: {  	s17 =	simm.s32 $0x1;
	[dreg:$0x2] =	wrdreg s14;
	v0 =	vadd.f32 v1, v0;
	v1 =	vadd.f32 v5, v3  }
0x159: {  	s18 =	sand.u32 $0x400, s11;
	s22 =	sand.u32 $0x7, s17;
	s14 =	rddreg [dreg:$0x2]  }
0x15a: {  	s16 =	sshll.u32 s22, $0x7;
	s14 =	sadd.s32 s18, s14;
	s19 =	sand.u32 $0x70, s11;
	v0 =	vadd.f32 v1, v0  }
0x15b: {  	s18 =	sadd.s32 $0x800, s16;
	s14 =	sadd.s32 s19, s14  }
0x15c: {  	s16 =	sor.u32 $0x3C00, s18;
	[tilespmem:s14+$0x0] =	vst v0  }
0x15d: {  	s23 =	sor.u32 $0x3C10, s18;
	v0 =	vld [tilespmem:s16+$0x4000]  }
0x15e: {  	s24 =	sor.u32 $0x3C20, s18;
	v1 =	vld [tilespmem:s23+$0x4000]  }
0x15f: {  	v2 =	vld [tilespmem:s24+$0x4000]  }
0x160: {  	s19 =	sor.u32 $0x3C40, s18;
	v7 =	vld [tilespmem:s2+$0x2070]  }
0x161: {  	s20 =	sor.u32 $0x3C50, s18;
	v4 =	vld [tilespmem:s19+$0x4000]  }
0x162: {  	s21 =	sor.u32 $0x3C60, s18;
	v5 =	vld [tilespmem:s20+$0x4000]  }
0x163: {  	s22 =	sor.u32 $0x3C70, s18;
	v6 =	vld [tilespmem:s21+$0x4000]  }
0x164: {  	s16 =	sor.u32 $0x3C30, s18;
	v8 =	vld [tilespmem:s22+$0x4000]  }
0x165: {  	s23 =	sor.u32 $0x3800, s18;
	v3 =	vld [tilespmem:s16+$0x4000];
	v10 =	vbroadcast v7, $0x8  }
0x166: {  	s24 =	sor.u32 $0x3810, s18;
	v9 =	vld [tilespmem:s23+$0x4000];
	v11 =	vbroadcast v7, $0x9;
	v12 =	vbroadcast v7, $0xA  }
0x167: {  	s19 =	sor.u32 $0x3830, s18;
	v14 =	vld [tilespmem:s24+$0x4000];
	v13 =	vbroadcast v7, $0xB;
	v15 =	vbroadcast v7, $0xC  }
0x168: {  	s20 =	sor.u32 $0x3840, s18;
	v20 =	vld [tilespmem:s19+$0x4000];
	v16 =	vbroadcast v7, $0xD;
	v24 =	vbroadcast v7, $0xE  }
0x169: {  	s21 =	sor.u32 $0x3850, s18;
	v21 =	vld [tilespmem:s20+$0x4000];
	v25 =	vbroadcast v7, $0xF;
	v26 =	vbroadcast v7, $0x0  }
0x16a: {  	s16 =	sor.u32 $0x3820, s18;
	v22 =	vld [tilespmem:s21+$0x4000];
	v28 =	vbroadcast v7, $0x1;
	v43 =	vbroadcast v7, $0x2  }
0x16b: {  	s22 =	simm.s32 $0x800;
	s23 =	sor.u32 $0x3860, s18;
	v19 =	vld [tilespmem:s16+$0x4000];
	s16 =	simm.s32 $0x80;
	v44 =	vbroadcast v7, $0x3;
	v45 =	vbroadcast v7, $0x4  }
0x16c: {  	s19 =	sand.u32 $0x4000, s22;
	s24 =	sor.u32 $0x3870, s18;
	v23 =	vld [tilespmem:s23+$0x4000];
	s20 =	sand.u32 $0x380, s16;
	v46 =	vbroadcast v7, $0x5;
	v47 =	vbroadcast v7, $0x6  }
0x16d: {  	v27 =	vld [tilespmem:s24+$0x4000];
	s18 =	sor.u32 s20, s19;
	v0 =	vmul.f32 v0, v10;
	v18 =	vmul.f32 v1, v11  }
0x16e: {  	v29 =	vld [tilespmem:s18+$0x7400];
	v1 =	vmul.f32 v2, v12;
	v2 =	vmul.f32 v4, v15  }
0x16f: {  	v32 =	vld [tilespmem:s18+$0x7410];
	v7 =	vbroadcast v7, $0x7;
	v16 =	vmul.f32 v5, v16;
	[tilespmem:$0x1FBE0] =	vst v0  }
0x170: {  	v15 =	vmul.f32 v8, v25;
	v4 =	vmul.f32 v26, v9;
	[tilespmem:$0x1FC30] =	vst v2;
	v2 =	vld [tilespmem:s2+$0x2060]  }
0x171: {  	v35 =	vld [tilespmem:s18+$0x7420];
	v5 =	vmul.f32 v19, v43;
	v51 =	vmul.f32 v21, v45;
	[tilespmem:$0x1FC00] =	vst v1  }
0x172: {  	v25 =	vmul.f32 v23, v47;
	v0 =	vld [tilespmem:s18+$0x7440];
	v1 =	vmul.f32 v3, v13;
	[tilespmem:$0x1FC70] =	vst v4  }
0x173: {  	v37 =	vld [tilespmem:s18+$0x7430];
	v7 =	vmul.f32 v27, v7;
	v3 =	vmul.f32 v6, v24;
	[tilespmem:$0x1FCA0] =	vst v5  }
0x174: {  	v4 =	vmul.f32 v14, v28;
	v5 =	vmul.f32 v20, v44;
	[tilespmem:$0x1FC10] =	vst v1;
	v1 =	vld [tilespmem:s18+$0x7450]  }
0x175: {  	v52 =	vld [tilespmem:s18+$0x7040];
	v6 =	vmul.f32 v22, v46;
	v22 =	vbroadcast v2, $0xC  }
0x176: {  	[tilespmem:$0x1FC50] =	vst v3;
	v3 =	vld [tilespmem:s18+$0x7460];
	v8 =	vbroadcast v2, $0x8;
	v9 =	vbroadcast v2, $0x9  }
0x177: {  	v53 =	vld [tilespmem:s18+$0x7050];
	v23 =	vbroadcast v2, $0xD;
	v0 =	vmul.f32 v0, v22  }
0x178: {  	[tilespmem:$0x1FC80] =	vst v4;
	v4 =	vld [tilespmem:s18+$0x7470];
	v20 =	vbroadcast v2, $0xA;
	v21 =	vbroadcast v2, $0xB  }
0x179: {  	v55 =	vld [tilespmem:s18+$0x7060];
	v24 =	vbroadcast v2, $0xE;
	[tilespmem:$0x1FD40] =	vst v0;
	v0 =	vmul.f32 v1, v23  }
0x17a: {  	[tilespmem:$0x1FCB0] =	vst v5;
	v5 =	vld [tilespmem:s18+$0x7000];
	v26 =	vbroadcast v2, $0xF;
	v54 =	vbroadcast v2, $0x0  }
0x17b: {  	v58 =	vld [tilespmem:s18+$0x7070];
	v56 =	vbroadcast v2, $0x1;
	[tilespmem:$0x1FD50] =	vst v0;
	v0 =	vmul.f32 v3, v24  }
0x17c: {  	[tilespmem:$0x1FCD0] =	vst v6;
	v6 =	vld [tilespmem:s18+$0x7010];
	v57 =	vbroadcast v2, $0x2;
	v59 =	vbroadcast v2, $0x3  }
0x17d: {  	v49 =	vld [tilespmem:s18+$0x6C20];
	v60 =	vbroadcast v2, $0x4;
	[tilespmem:$0x1FD70] =	vst v0;
	v0 =	vmul.f32 v4, v26  }
0x17e: {  	[tilespmem:$0x1FCF0] =	vst v7;
	v7 =	vld [tilespmem:s18+$0x7020];
	v61 =	vbroadcast v2, $0x5;
	v62 =	vbroadcast v2, $0x6  }
0x17f: {  	v30 =	vmul.f32 v32, v9;
	v32 =	vld [tilespmem:s2+$0x2050];
	[tilespmem:$0x1FD80] =	vst v0;
	v0 =	vmul.f32 v54, v5  }
0x180: {  	v19 =	vld [tilespmem:s18+$0x7030];
	v63 =	vbroadcast v2, $0x7;
	v27 =	vmul.f32 v29, v8  }
0x181: {  	v38 =	vld [tilespmem:s18+$0x6830];
	v2 =	vmul.f32 v35, v20;
	[tilespmem:$0x1FDA0] =	vst v0;
	v0 =	vmul.f32 v6, v56  }
0x182: {  	v42 =	vld [tilespmem:s18+$0x6840];
	v29 =	vmul.f32 v37, v21;
	v21 =	vmul.f32 v55, v62  }
0x183: {  	v43 =	vld [tilespmem:s18+$0x6C00];
	v23 =	vmul.f32 v52, v60;
	[tilespmem:$0x1FDB0] =	vst v0;
	v0 =	vmul.f32 v7, v57  }
0x184: {  	v46 =	vld [tilespmem:s18+$0x6C10];
	v31 =	vbroadcast v32, $0x8;
	v34 =	vbroadcast v32, $0x9  }
0x185: {  	v8 =	vld [tilespmem:s18+$0x6C30];
	v36 =	vbroadcast v32, $0xA;
	[tilespmem:$0x1FDD0] =	vst v0;
	v0 =	vmul.f32 v19, v59  }
0x186: {  	v37 =	vbroadcast v32, $0xB;
	v40 =	vbroadcast v32, $0xC;
	v4 =	vld [tilespmem:s18+$0x6C60]  }
0x187: {  	v3 =	vld [tilespmem:s18+$0x6C50];
	v41 =	vbroadcast v32, $0xD;
	[tilespmem:$0x1FDE0] =	vst v0;
	v0 =	vmul.f32 v53, v61  }
0x188: {  	v45 =	vbroadcast v32, $0xE;
	v50 =	vbroadcast v32, $0xF;
	v6 =	vld [tilespmem:s18+$0x6800]  }
0x189: {  	v9 =	vld [tilespmem:s18+$0x6C40];
	v52 =	vbroadcast v32, $0x0;
	[tilespmem:$0x1FE00] =	vst v0;
	v0 =	vmul.f32 v58, v63  }
0x18a: {  	v55 =	vbroadcast v32, $0x2;
	v39 =	vbroadcast v32, $0x5;
	v7 =	vld [tilespmem:s18+$0x6810]  }
0x18b: {  	v48 =	vbroadcast v32, $0x7;
	v5 =	vld [tilespmem:s18+$0x6C70];
	[tilespmem:$0x1FE20] =	vst v0;
	v0 =	vmul.f32 v4, v45  }
0x18c: {  	v35 =	vld [tilespmem:s18+$0x6820];
	v28 =	vmul.f32 v43, v31;
	v54 =	vbroadcast v32, $0x1  }
0x18d: {  	v20 =	vmul.f32 v3, v41;
	v3 =	vld [tilespmem:s2+$0x2040];
	[tilespmem:$0x1FE70] =	vst v0;
	v0 =	vmul.f32 v52, v6  }
0x18e: {  	v43 =	vbroadcast v32, $0x6;
	v47 =	vmul.f32 v46, v34;
	v46 =	vld [tilespmem:s18+$0x6410]  }
0x18f: {  	v31 =	vmul.f32 v49, v36;
	v56 =	vld [tilespmem:s18+$0x6860];
	[tilespmem:$0x1FE90] =	vst v0;
	v0 =	vmul.f32 v7, v54  }
0x190: {  	v41 =	vld [tilespmem:s18+$0x6020];
	v57 =	vbroadcast v32, $0x3;
	v33 =	vmul.f32 v5, v50  }
0x191: {  	v59 =	vld [tilespmem:s18+$0x6870];
	v19 =	vmul.f32 v8, v37;
	[tilespmem:$0x1FEA0] =	vst v0;
	v0 =	vmul.f32 v35, v55  }
0x192: {  	v36 =	vbroadcast v3, $0x8;
	v37 =	vbroadcast v3, $0x9;
	v53 =	vld [tilespmem:s18+$0x6850]  }
0x193: {  	v8 =	vld [tilespmem:s18+$0x6430];
	v58 =	vbroadcast v32, $0x4;
	[tilespmem:$0x1FEC0] =	vst v0;
	v0 =	vmul.f32 v38, v57  }
0x194: {  	v44 =	vbroadcast v3, $0xD;
	v1 =	vmul.f32 v56, v43;
	v61 =	vld [tilespmem:s18+$0x6400]  }
0x195: {  	v49 =	vmul.f32 v46, v37;
	v6 =	vld [tilespmem:s18+$0x6460];
	[tilespmem:$0x1FED0] =	vst v0;
	v0 =	vmul.f32 v42, v58  }
0x196: {  	v5 =	vld [tilespmem:s18+$0x6450];
	[tilespmem:$0x1FF20] =	vst v1;
	v32 =	vmul.f32 v9, v40;
	v40 =	vbroadcast v3, $0xB  }
0x197: {  	v9 =	vld [tilespmem:s18+$0x6000];
	v1 =	vmul.f32 v59, v48;
	[tilespmem:$0x1FEF0] =	vst v0;
	v0 =	vmul.f32 v53, v39  }
0x198: {  	v4 =	vld [tilespmem:s18+$0x6440];
	v22 =	vmul.f32 v8, v40;
	v8 =	vbroadcast v3, $0xE  }
0x199: {  	v34 =	vmul.f32 v61, v36;
	v61 =	vbroadcast v3, $0x1;
	[tilespmem:$0x1FF00] =	vst v0;
	v0 =	vld [tilespmem:s18+$0x6470]  }
0x19a: {  	v46 =	vld [tilespmem:s18+$0x6050];
	v50 =	vmul.f32 v6, v8;
	v8 =	vbroadcast v3, $0x0  }
0x19b: {  	v43 =	vld [tilespmem:s18+$0x6030];
	v54 =	vmul.f32 v5, v44;
	v42 =	vbroadcast v3, $0xC  }
0x19c: {  	v5 =	vbroadcast v3, $0xF;
	v38 =	vld [tilespmem:s18+$0x6010];
	v56 =	vmul.f32 v8, v9  }
0x19d: {  	v63 =	vld [tilespmem:s18+$0x6420];
	v9 =	vbroadcast v3, $0x5;
	v24 =	vmul.f32 v4, v42  }
0x19e: {  	v4 =	vld [tilespmem:s18+$0x6060];
	v57 =	vmul.f32 v0, v5;
	v5 =	vbroadcast v3, $0x2  }
0x19f: {  	v8 =	vbroadcast v3, $0x4;
	v62 =	vmul.f32 v46, v9;
	v0 =	vld [tilespmem:s2+$0x2030]  }
0x1a0: {  	v12 =	vld [tilespmem:s18+$0x6070];
	v55 =	vmul.f32 v41, v5;
	v5 =	vbroadcast v3, $0x3  }
0x1a1: {  	v13 =	vld [tilespmem:s18+$0x5C00];
	v39 =	vbroadcast v3, $0xA;
	v58 =	vmul.f32 v38, v61  }
0x1a2: {  	v7 =	vld [tilespmem:s18+$0x5C20];
	v61 =	vmul.f32 v43, v5;
	v5 =	vbroadcast v3, $0x6  }
0x1a3: {  	v11 =	vld [tilespmem:s18+$0x5C10];
	[tilespmem:$0x1FF30] =	vst v1;
	v1 =	vmul.f32 v63, v39;
	v3 =	vbroadcast v3, $0x7  }
0x1a4: {  	[tilespmem:$0x1FD20] =	vst v2;
	v2 =	vld [tilespmem:s18+$0x5C50];
	v59 =	vmul.f32 v4, v5;
	v4 =	vbroadcast v0, $0x8  }
0x1a5: {  	v6 =	vld [tilespmem:s18+$0x5C40];
	v63 =	vmul.f32 v12, v3;
	v3 =	vbroadcast v0, $0xA  }
0x1a6: {  	v5 =	vbroadcast v0, $0x9;
	v48 =	vmul.f32 v13, v4;
	v13 =	vld [tilespmem:s18+$0x5810]  }
0x1a7: {  	v46 =	vmul.f32 v7, v3;
	v7 =	vbroadcast v0, $0xD  }
0x1a8: {  	v35 =	vmul.f32 v11, v5;
	v5 =	vbroadcast v0, $0xC  }
0x1a9: {  	v37 =	vmul.f32 v2, v7;
	v2 =	vbroadcast v0, $0x1  }
0x1aa: {  	v43 =	vmul.f32 v6, v5;
	v5 =	vld [tilespmem:$0x1FBE0]  }
0x1ab: {  	v39 =	vmul.f32 v13, v2;
	v2 =	vld [tilespmem:$0x1FC30];
	_ =	sdelay $0x3  }
0x1ac: {  	v45 =	vld [tilespmem:s18+$0x6040];
	v5 =	vadd.f32 v18, v5  }
0x1ad: {  	v6 =	vld [tilespmem:$0x1FC10];
	v2 =	vadd.f32 v16, v2  }
0x1ae: {  	[tilespmem:$0x1FBF0] =	vst v5;
	v5 =	vld [tilespmem:$0x1FC00]  }
0x1af: {  	[tilespmem:$0x1FC40] =	vst v2;
	v2 =	vld [tilespmem:$0x1FC50];
	_ =	sdelay $0x1  }
0x1b0: {  	v10 =	vld [tilespmem:s18+$0x5C30];
	_ =	sdelay $0x1  }
0x1b1: {  	[tilespmem:$0x1FF60] =	vst v1;
	v1 =	vld [tilespmem:s18+$0x5C60];
	v5 =	vadd.f32 v6, v5  }
0x1b2: {  	v60 =	vmul.f32 v45, v8;
	v8 =	vld [tilespmem:s18+$0x5C70];
	v3 =	vbroadcast v0, $0xB;
	v2 =	vadd.f32 v15, v2  }
0x1b3: {  	[tilespmem:$0x1FC20] =	vst v5;
	v5 =	vld [tilespmem:$0x1FC80]  }
0x1b4: {  	v36 =	vmul.f32 v10, v3;
	v10 =	vbroadcast v0, $0xE;
	[tilespmem:$0x1FC60] =	vst v2;
	v2 =	vld [tilespmem:$0x1FC70]  }
0x1b5: {  	v4 =	vld [tilespmem:s18+$0x5820]  }
0x1b6: {  	v45 =	vmul.f32 v1, v10;
	v1 =	vbroadcast v0, $0xF  }
0x1b7: {  	v9 =	vld [tilespmem:s18+$0x5830]  }
0x1b8: {  	v38 =	vmul.f32 v8, v1;
	v1 =	vbroadcast v0, $0x2  }
0x1b9: {  	v10 =	vld [tilespmem:s18+$0x5860];
	v2 =	vadd.f32 v5, v2  }
0x1ba: {  	v40 =	vmul.f32 v4, v1;
	v1 =	vbroadcast v0, $0x3;
	v6 =	vld [tilespmem:$0x1FCB0]  }
0x1bb: {  	[tilespmem:$0x1FC90] =	vst v2;
	v2 =	vld [tilespmem:$0x1FCA0]  }
0x1bc: {  	v9 =	vmul.f32 v9, v1;
	v1 =	vbroadcast v0, $0x6;
	_ =	sdelay $0x1  }
0x1bd: {  	v26 =	vmul.f32 v10, v1;
	v1 =	vld [tilespmem:$0x1FCF0]  }
0x1be: {  	v4 =	vld [tilespmem:s2+$0x2020]  }
0x1bf: {  	v7 =	vld [tilespmem:s18+$0x5410];
	v2 =	vadd.f32 v6, v2  }
0x1c0: {  	v8 =	vld [tilespmem:s18+$0x5400]  }
0x1c1: {  	[tilespmem:$0x1FCC0] =	vst v2;
	v2 =	vld [tilespmem:$0x1FCD0]  }
0x1c2: {  	v1 =	vadd.f32 v1, v25  }
0x1c3: {  	v10 =	vbroadcast v4, $0x8  }
0x1c4: {  	[tilespmem:$0x1FD00] =	vst v1;
	v1 =	vbroadcast v4, $0x9  }
0x1c5: {  	v53 =	vmul.f32 v8, v10;
	v8 =	vld [tilespmem:$0x1FD50]  }
0x1c6: {  	v2 =	vadd.f32 v2, v51;
	v51 =	vmul.f32 v7, v1;
	v7 =	vld [tilespmem:$0x1FD40]  }
0x1c7: {  	v12 =	vld [tilespmem:s18+$0x5800];
	_ =	sdelay $0x2  }
0x1c8: {  	v11 =	vbroadcast v0, $0x0;
	v10 =	vld [tilespmem:$0x1FD80]  }
0x1c9: {  	v7 =	vadd.f32 v8, v7;
	v8 =	vld [tilespmem:$0x1FD70]  }
0x1ca: {  	v42 =	vmul.f32 v11, v12;
	v11 =	vld [tilespmem:$0x1FD20]  }
0x1cb: {  	v6 =	vld [tilespmem:s18+$0x5440];
	_ =	sdelay $0x2  }
0x1cc: {  	v8 =	vadd.f32 v10, v8;
	v10 =	vbroadcast v4, $0xC  }
0x1cd: {  	v17 =	vld [tilespmem:s18+$0x5870];
	v11 =	vadd.f32 v29, v11  }
0x1ce: {  	v18 =	vmul.f32 v6, v10;
	v6 =	vld [tilespmem:$0x1FE00]  }
0x1cf: {  	[tilespmem:$0x1FD30] =	vst v11;
	v11 =	vld [tilespmem:$0x1FDB0]  }
0x1d0: {  	[tilespmem:$0x1FD90] =	vst v8;
	v8 =	vld [tilespmem:$0x1FDA0]  }
0x1d1: {  	v14 =	vld [tilespmem:s18+$0x5840]  }
0x1d2: {  	v3 =	vld [tilespmem:s18+$0x5850]  }
0x1d3: {  	v12 =	vld [tilespmem:$0x1FF60];
	v6 =	vadd.f32 v6, v23  }
0x1d4: {  	v13 =	vld [tilespmem:s18+$0x5420]  }
0x1d5: {  	v8 =	vadd.f32 v11, v8;
	[tilespmem:$0x1FE10] =	vst v6;
	v6 =	vld [tilespmem:$0x1FE20]  }
0x1d6: {  	v16 =	vbroadcast v0, $0x5;
	v15 =	vbroadcast v0, $0x4;
	v11 =	vld [tilespmem:$0x1FDE0]  }
0x1d7: {  	v0 =	vbroadcast v0, $0x7;
	[tilespmem:$0x1FDC0] =	vst v8;
	v8 =	vld [tilespmem:$0x1FDD0]  }
0x1d8: {  	v41 =	vmul.f32 v14, v15;
	v14 =	vmul.f32 v3, v16;
	v3 =	vld [tilespmem:s18+$0x5450]  }
0x1d9: {  	v1 =	vld [tilespmem:s18+$0x5000]  }
0x1da: {  	v15 =	vmul.f32 v17, v0;
	v0 =	vadd.f32 v30, v27;
	v27 =	vld [tilespmem:s18+$0x5470];
	v6 =	vadd.f32 v6, v21  }
0x1db: {  	v30 =	vld [tilespmem:s18+$0x5020]  }
0x1dc: {  	v41 =	vadd.f32 v14, v41;
	v14 =	vld [tilespmem:s18+$0x4020];
	v8 =	vadd.f32 v11, v8;
	[tilespmem:$0x1FE30] =	vst v6;
	v6 =	vbroadcast v4, $0x0  }
0x1dd: {  	v39 =	vadd.f32 v39, v42;
	v29 =	vbroadcast v4, $0xD;
	v42 =	vadd.f32 v15, v26;
	v15 =	vld [tilespmem:s18+$0x4030]  }
0x1de: {  	v5 =	vld [tilespmem:s18+$0x5430];
	[tilespmem:$0x1FDF0] =	vst v8;
	v8 =	vadd.f32 v47, v28;
	v47 =	vmul.f32 v6, v1;
	v6 =	vadd.f32 v20, v32  }
0x1df: {  	[tilespmem:$0x1FD10] =	vst v0;
	v17 =	vmul.f32 v3, v29;
	v3 =	vld [tilespmem:s18+$0x5040]  }
0x1e0: {  	v0 =	vbroadcast v4, $0xA;
	[tilespmem:$0x1FE60] =	vst v6;
	v6 =	vld [tilespmem:$0x1FE70]  }
0x1e1: {  	[tilespmem:$0x1FCE0] =	vst v2;
	v2 =	vld [tilespmem:s18+$0x5460]  }
0x1e2: {  	v44 =	vmul.f32 v13, v0;
	v0 =	vbroadcast v4, $0xB;
	[tilespmem:$0x1FD60] =	vst v7;
	v7 =	vld [tilespmem:s18+$0x5010]  }
0x1e3: {  	v29 =	vld [tilespmem:s18+$0x5060]  }
0x1e4: {  	v16 =	vmul.f32 v5, v0;
	v0 =	vbroadcast v4, $0xE;
	v5 =	vld [tilespmem:s18+$0x5030];
	[tilespmem:$0x1FE40] =	vst v8;
	v8 =	vadd.f32 v19, v31  }
0x1e5: {  	v10 =	vbroadcast v4, $0x1;
	v11 =	vld [tilespmem:$0x1FEA0];
	v6 =	vadd.f32 v33, v6  }
0x1e6: {  	v52 =	vmul.f32 v2, v0;
	v0 =	vbroadcast v4, $0xF;
	[tilespmem:$0x1FE50] =	vst v8;
	v8 =	vld [tilespmem:$0x1FE90]  }
0x1e7: {  	v21 =	vmul.f32 v7, v10;
	v10 =	vld [tilespmem:s2+$0x2010];
	[tilespmem:$0x1FE80] =	vst v6;
	v6 =	vbroadcast v4, $0x4  }
0x1e8: {  	v27 =	vmul.f32 v27, v0;
	v0 =	vbroadcast v4, $0x2;
	v28 =	vld [tilespmem:s18+$0x5070]  }
0x1e9: {  	v19 =	vmul.f32 v3, v6;
	v3 =	vld [tilespmem:$0x1FEF0]  }
0x1ea: {  	v25 =	vmul.f32 v30, v0;
	v0 =	vbroadcast v4, $0x3;
	v6 =	vld [tilespmem:$0x1FF00]  }
0x1eb: {  	v8 =	vadd.f32 v11, v8;
	v11 =	vld [tilespmem:$0x1FED0]  }
0x1ec: {  	v20 =	vmul.f32 v5, v0;
	v0 =	vbroadcast v4, $0x6;
	v33 =	vld [tilespmem:s2+$0x2000]  }
0x1ed: {  	v7 =	vbroadcast v4, $0x5;
	[tilespmem:$0x1FEB0] =	vst v8;
	v8 =	vld [tilespmem:$0x1FEC0]  }
0x1ee: {  	v23 =	vmul.f32 v29, v0;
	v0 =	vbroadcast v4, $0x7;
	v4 =	vld [tilespmem:$0x1FF20]  }
0x1ef: {  	v3 =	vadd.f32 v6, v3;
	v6 =	vld [tilespmem:$0x1FF30]  }
0x1f0: {  	v38 =	vadd.f32 v38, v45;
	v13 =	vadd.f32 v58, v56;
	v2 =	vld [tilespmem:s18+$0x5050]  }
0x1f1: {  	v44 =	vadd.f32 v16, v44;
	v16 =	vld [tilespmem:s18+$0x4040];
	v58 =	vbroadcast v10, $0xE;
	v45 =	vbroadcast v10, $0x5  }
0x1f2: {  	v12 =	vadd.f32 v22, v12;
	v30 =	vld [tilespmem:s18+$0x4C10];
	v26 =	vbroadcast v33, $0x0;
	v56 =	vbroadcast v33, $0x3  }
0x1f3: {  	v1 =	vld [tilespmem:s18+$0x4C00];
	v8 =	vadd.f32 v11, v8;
	v11 =	vmul.f32 v28, v0;
	v0 =	vadd.f32 v49, v34  }
0x1f4: {  	[tilespmem:$0x1FF70] =	vst v12;
	v5 =	vld [tilespmem:s18+$0x4C20];
	v34 =	vadd.f32 v63, v59;
	v63 =	vbroadcast v10, $0x1;
	v4 =	vadd.f32 v6, v4  }
0x1f5: {  	v37 =	vadd.f32 v37, v43;
	[tilespmem:$0x1FEE0] =	vst v8;
	v8 =	vmul.f32 v2, v7;
	v2 =	vld [tilespmem:s18+$0x4C30];
	v6 =	vbroadcast v10, $0x9  }
0x1f6: {  	v40 =	vadd.f32 v9, v40;
	v59 =	vbroadcast v33, $0x6;
	v7 =	vld [tilespmem:s18+$0x4C50];
	[tilespmem:$0x1FF40] =	vst v4;
	v4 =	vbroadcast v10, $0x8  }
0x1f7: {  	v43 =	vadd.f32 v51, v53;
	v51 =	vld [tilespmem:s18+$0x4050];
	[tilespmem:$0x1FF50] =	vst v0;
	v0 =	vbroadcast v10, $0xA;
	v12 =	vmul.f32 v30, v6  }
0x1f8: {  	v11 =	vadd.f32 v11, v23;
	v6 =	vbroadcast v10, $0xD;
	v30 =	vld [tilespmem:s18+$0x4850];
	v22 =	vmul.f32 v1, v4  }
0x1f9: {  	[tilespmem:$0x1FFA0] =	vst v13;
	v31 =	vld [tilespmem:s18+$0x4C60];
	v1 =	vadd.f32 v54, v24;
	v24 =	vmul.f32 v5, v0;
	v0 =	vbroadcast v10, $0xB  }
0x1fa: {  	v23 =	vbroadcast v33, $0xD;
	[tilespmem:$0x1FF10] =	vst v3;
	v8 =	vadd.f32 v8, v19;
	v19 =	vbroadcast v33, $0xA;
	v5 =	vld [tilespmem:s18+$0x4800]  }
0x1fb: {  	v3 =	vld [tilespmem:s18+$0x4C40];
	[tilespmem:$0x1FF80] =	vst v1;
	v1 =	vadd.f32 v57, v50;
	v13 =	vmul.f32 v2, v0;
	v2 =	vmul.f32 v7, v6  }
0x1fc: {  	v0 =	vadd.f32 v61, v55;
	v55 =	vld [tilespmem:s18+$0x4840];
	v7 =	vbroadcast v10, $0x0;
	v57 =	vbroadcast v33, $0x4  }
0x1fd: {  	v4 =	vld [tilespmem:s18+$0x4C70];
	v12 =	vadd.f32 v12, v22;
	v22 =	vbroadcast v33, $0xC;
	v9 =	vmul.f32 v30, v45  }
0x1fe: {  	v50 =	vld [tilespmem:s18+$0x4810];
	[tilespmem:$0x1FF90] =	vst v1;
	v1 =	vbroadcast v10, $0xC;
	v13 =	vadd.f32 v13, v24;
	v24 =	vbroadcast v33, $0xE  }
0x1ff: {  	v35 =	vadd.f32 v35, v48;
	v61 =	vld [tilespmem:s18+$0x4010];
	v48 =	vmul.f32 v7, v5;
	v5 =	vbroadcast v10, $0x4  }
0x200: {  	v54 =	vld [tilespmem:s18+$0x4820];
	[tilespmem:$0x1FFB0] =	vst v0;
	v0 =	vmul.f32 v3, v1;
	v1 =	vadd.f32 v62, v60;
	v3 =	vbroadcast v10, $0xF  }
0x201: {  	v53 =	vld [tilespmem:s18+$0x4070];
	v62 =	vbroadcast v33, $0x1;
	v5 =	vmul.f32 v55, v5  }
0x202: {  	v36 =	vadd.f32 v36, v46;
	v6 =	vld [tilespmem:s18+$0x4830];
	v55 =	vbroadcast v33, $0x2;
	[tilespmem:$0x1FFC0] =	vst v1;
	v1 =	vmul.f32 v31, v58  }
0x203: {  	v46 =	vadd.f32 v27, v52;
	v52 =	vld [tilespmem:s18+$0x4060];
	v49 =	vmul.f32 v4, v3;
	v4 =	vbroadcast v10, $0x2  }
0x204: {  	v45 =	vadd.f32 v17, v18;
	v31 =	vld [tilespmem:s18+$0x4860];
	v3 =	vmul.f32 v50, v63;
	v18 =	vmul.f32 v61, v62  }
0x205: {  	v60 =	vld [tilespmem:s18+$0x4000];
	v50 =	vmul.f32 v54, v4;
	v4 =	vbroadcast v10, $0x3  }
0x206: {  	v32 =	vld [tilespmem:s18+$0x4870];
	v58 =	vbroadcast v33, $0x5;
	v61 =	vbroadcast v33, $0x8  }
0x207: {  	v27 =	vld [tilespmem:s18+$0x4440];
	v7 =	vmul.f32 v6, v4;
	v4 =	vbroadcast v10, $0x6  }
0x208: {  	v47 =	vadd.f32 v21, v47;
	v21 =	vld [tilespmem:s18+$0x4410];
	v62 =	vbroadcast v33, $0x9;
	v63 =	vbroadcast v33, $0xF  }
0x209: {  	v54 =	vld [tilespmem:s18+$0x4400];
	v6 =	vmul.f32 v31, v4;
	v4 =	vbroadcast v10, $0x7  }
0x20a: {  	s14 =	sor.u32 $0x80, s2;
	v17 =	vmul.f32 v26, v60;
	v60 =	vbroadcast v33, $0x7;
	v26 =	vld [tilespmem:s18+$0x4430]  }
0x20b: {  	s21 =	simm.s32 $0x100;
	s19 =	simm.s32 $0x800;
	s20 =	simm.s32 $0xFFFF8800;
	v10 =	vmul.f32 v32, v4;
	v4 =	vadd.f32 v20, v25;
	v20 =	vbroadcast v33, $0xB;
	v25 =	vld [tilespmem:s18+$0x4420]  }
.LBB2_3:
0x20c: {  	v32 =	vld [tilespmem:s18+$0x4470];
	v0 =	vadd.f32 v2, v0;
	v1 =	vadd.f32 v49, v1;
	v14 =	vmul.f32 v14, v55  }
0x20d: {  	v3 =	vadd.f32 v3, v48;
	v15 =	vmul.f32 v15, v56;
	v55 =	vld [tilespmem:s18+$0x4450];
	v2 =	vmul.f32 v16, v57  }
0x20e: {  	v7 =	vadd.f32 v7, v50;
	v16 =	vmul.f32 v51, v58;
	v58 =	vld [tilespmem:s18+$0x4460];
	v30 =	vmul.f32 v52, v59  }
0x20f: {  	v5 =	vadd.f32 v9, v5;
	v31 =	vmul.f32 v53, v60;
	v33 =	vmul.f32 v54, v61  }
0x210: {  	v6 =	vadd.f32 v10, v6;
	v21 =	vmul.f32 v21, v62;
	v19 =	vmul.f32 v25, v19  }
0x211: {  	v10 =	vadd.f32 v18, v17;
	v20 =	vmul.f32 v26, v20;
	v9 =	vmul.f32 v27, v22  }
0x212: {  	v17 =	vmul.f32 v32, v63;
	v14 =	vadd.f32 v15, v14;
	v2 =	vadd.f32 v16, v2  }
0x213: {  	v16 =	vadd.f32 v31, v30;
	v22 =	vmul.f32 v55, v23;
	v15 =	vmul.f32 v58, v24  }
0x214: {  	v18 =	vadd.f32 v21, v33;
	v19 =	vadd.f32 v20, v19  }
0x215: {  	v9 =	vadd.f32 v22, v9;
	v15 =	vadd.f32 v17, v15  }
0x216: {  	v10 =	vadd.f32 v14, v10;
	v2 =	vadd.f32 v16, v2  }
0x217: {  	v14 =	vadd.f32 v19, v18;
	v9 =	vadd.f32 v15, v9  }
0x218: {  	v3 =	vadd.f32 v7, v3;
	v5 =	vadd.f32 v6, v5  }
0x219: {  	v2 =	vadd.f32 v2, v10;
	v6 =	vadd.f32 v9, v14  }
0x21a: {  	v7 =	vadd.f32 v13, v12;
	v0 =	vadd.f32 v1, v0  }
0x21b: {  	v1 =	vadd.f32 v6, v2;
	v2 =	vadd.f32 v5, v3  }
0x21c: {  	v0 =	vadd.f32 v0, v7;
	v3 =	vadd.f32 v4, v47  }
0x21d: {  	v4 =	vadd.f32 v11, v8;
	v1 =	vadd.f32 v2, v1  }
0x21e: {  	v5 =	vadd.f32 v46, v45;
	v2 =	vadd.f32 v44, v43  }
0x21f: {  	v0 =	vadd.f32 v0, v1;
	v1 =	vadd.f32 v4, v3  }
0x220: {  	v3 =	vadd.f32 v40, v39;
	v4 =	vadd.f32 v42, v41  }
0x221: {  	v0 =	vadd.f32 v1, v0;
	v1 =	vadd.f32 v5, v2;
	_ =	sdelay $0x1  }
0x222: {  	v0 =	vadd.f32 v1, v0;
	v1 =	vadd.f32 v4, v3;
	v3 =	vld [tilespmem:$0x1FFA0]  }
0x223: {  	v4 =	vld [tilespmem:$0x1FFB0]  }
0x224: {  	v2 =	vadd.f32 v36, v35;
	v5 =	vadd.f32 v38, v37;
	_ =	sdelay $0x1  }
0x225: {  	v0 =	vadd.f32 v1, v0;
	v1 =	vadd.f32 v5, v2;
	v2 =	vld [tilespmem:$0x1FF50]  }
0x226: {  	v5 =	vld [tilespmem:$0x1FF70]  }
0x227: {  	v3 =	vadd.f32 v4, v3;
	v4 =	vld [tilespmem:$0x1FFC0];
	_ =	sdelay $0x2  }
0x228: {  	v6 =	vld [tilespmem:$0x1FF90]  }
0x229: {  	v2 =	vadd.f32 v5, v2;
	v5 =	vld [tilespmem:$0x1FF80]  }
0x22a: {  	v4 =	vadd.f32 v34, v4;
	_ =	sdelay $0x1  }
0x22b: {  	v0 =	vadd.f32 v1, v0;
	v1 =	vadd.f32 v4, v3;
	v3 =	vld [tilespmem:$0x1FEB0]  }
0x22c: {  	v4 =	vld [tilespmem:$0x1FEE0]  }
0x22d: {  	v5 =	vadd.f32 v6, v5  }
0x22e: {  	v6 =	vld [tilespmem:$0x1FF40]  }
0x22f: {  	v0 =	vadd.f32 v1, v0;
	v1 =	vadd.f32 v5, v2;
	v2 =	vld [tilespmem:$0x1FE40]  }
0x230: {  	v5 =	vld [tilespmem:$0x1FE50]  }
0x231: {  	v3 =	vadd.f32 v4, v3;
	v4 =	vld [tilespmem:$0x1FF10];
	_ =	sdelay $0x3  }
0x232: {  	v2 =	vadd.f32 v5, v2;
	v5 =	vld [tilespmem:$0x1FE60]  }
0x233: {  	v4 =	vadd.f32 v6, v4;
	v6 =	vld [tilespmem:$0x1FE80];
	_ =	sdelay $0x2  }
0x234: {  	v0 =	vadd.f32 v1, v0;
	v1 =	vadd.f32 v4, v3;
	v3 =	vld [tilespmem:$0x1FDC0]  }
0x235: {  	v4 =	vld [tilespmem:$0x1FDF0]  }
0x236: {  	v5 =	vadd.f32 v6, v5  }
0x237: {  	v6 =	vld [tilespmem:$0x1FE30]  }
0x238: {  	v0 =	vadd.f32 v1, v0;
	v1 =	vadd.f32 v5, v2;
	v2 =	vld [tilespmem:$0x1FD10]  }
0x239: {  	v5 =	vld [tilespmem:$0x1FD30]  }
0x23a: {  	v3 =	vadd.f32 v4, v3;
	v4 =	vld [tilespmem:$0x1FE10];
	_ =	sdelay $0x3  }
0x23b: {  	v2 =	vadd.f32 v5, v2;
	v5 =	vld [tilespmem:$0x1FD60]  }
0x23c: {  	v4 =	vadd.f32 v6, v4;
	v6 =	vld [tilespmem:$0x1FD90];
	_ =	sdelay $0x2  }
0x23d: {  	v0 =	vadd.f32 v1, v0;
	v1 =	vadd.f32 v4, v3;
	v3 =	vld [tilespmem:$0x1FC90]  }
0x23e: {  	v4 =	vld [tilespmem:$0x1FCC0]  }
0x23f: {  	v5 =	vadd.f32 v6, v5  }
0x240: {  	v6 =	vld [tilespmem:$0x1FD00]  }
0x241: {  	v0 =	vadd.f32 v1, v0;
	v1 =	vadd.f32 v5, v2;
	v2 =	vld [tilespmem:$0x1FBF0]  }
0x242: {  	v5 =	vld [tilespmem:$0x1FC20]  }
0x243: {  	v3 =	vadd.f32 v4, v3;
	v4 =	vld [tilespmem:$0x1FCE0];
	_ =	sdelay $0x3  }
0x244: {  	v2 =	vadd.f32 v5, v2;
	v5 =	vld [tilespmem:$0x1FC40]  }
0x245: {  	v4 =	vadd.f32 v6, v4;
	v6 =	vld [tilespmem:$0x1FC60];
	_ =	sdelay $0x3  }
0x246: {  	v0 =	vadd.f32 v1, v0  }
0x247: {  	v1 =	vadd.f32 v4, v3;
	v5 =	vadd.f32 v6, v5;
	_ =	sdelay $0x1  }
0x248: {  	v0 =	vadd.f32 v1, v0;
	v1 =	vadd.f32 v5, v2  }
0x249: {  	s24 =	rddreg [dreg:$0x2];
	s11 =	sadd.s32 $0x10, s11;
	s16 =	sand.u32 $0x400, s16  }
0x24a: {  	s23 =	sand.u32 $0x70, s11;
	s16 =	sadd.s32 s16, s24;
	v0 =	vadd.f32 v1, v0  }
0x24b: {  	s23 =	sadd.s32 s23, s16  }
0x24c: {  	s17 =	sadd.s32 $0x1, s17;
	[tilespmem:s23+$0x0] =	vst v0  }
0x24d: {  	s22 =	sand.u32 $0x7, s17;
	v3 =	vld [tilespmem:s2+$0x2070]  }
0x24e: {  	s19 =	sadd.s32 $0x800, s19;
	s22 =	sshll.u32 s22, $0x7  }
0x24f: {  	s18 =	sadd.s32 s22, s19  }
0x250: {  	s24 =	sor.u32 $0x3C00, s18  }
0x251: {  	s23 =	sor.u32 $0x3C10, s18;
	v0 =	vld [tilespmem:s24+$0x4000]  }
0x252: {  	v1 =	vld [tilespmem:s23+$0x4000];
	s24 =	sor.u32 $0x3C20, s18;
	v4 =	vbroadcast v3, $0x8  }
0x253: {  	s23 =	sor.u32 $0x3C30, s18;
	v2 =	vld [tilespmem:s24+$0x4000];
	v14 =	vbroadcast v3, $0x9;
	v15 =	vbroadcast v3, $0xA  }
0x254: {  	v5 =	vld [tilespmem:s23+$0x4000];
	s24 =	sor.u32 $0x3C40, s18;
	v16 =	vbroadcast v3, $0xB;
	v21 =	vbroadcast v3, $0xC  }
0x255: {  	v6 =	vld [tilespmem:s24+$0x4000];
	s24 =	sor.u32 $0x3C60, s18;
	v22 =	vbroadcast v3, $0xD;
	v24 =	vbroadcast v3, $0xE  }
0x256: {  	s23 =	sor.u32 $0x3C50, s18;
	v8 =	vld [tilespmem:s24+$0x4000];
	v25 =	vbroadcast v3, $0xF;
	v26 =	vbroadcast v3, $0x0  }
0x257: {  	v7 =	vld [tilespmem:s23+$0x4000];
	s23 =	sor.u32 $0x3C70, s18;
	v27 =	vbroadcast v3, $0x1;
	v30 =	vbroadcast v3, $0x2  }
0x258: {  	v9 =	vld [tilespmem:s23+$0x4000];
	v31 =	vbroadcast v3, $0x3;
	v32 =	vbroadcast v3, $0x4  }
0x259: {  	s24 =	sor.u32 $0x3800, s18;
	v53 =	vbroadcast v3, $0x5;
	v0 =	vmul.f32 v0, v4  }
0x25a: {  	s22 =	sor.u32 $0x3860, s18;
	v10 =	vld [tilespmem:s24+$0x4000];
	v54 =	vbroadcast v3, $0x6;
	v55 =	vbroadcast v3, $0x7  }
0x25b: {  	v23 =	vld [tilespmem:s22+$0x4000];
	s23 =	sor.u32 $0x3810, s18;
	v3 =	vmul.f32 v8, v24;
	[tilespmem:$0x1F5D0] =	vst v0;
	v0 =	vmul.f32 v1, v14  }
0x25c: {  	v11 =	vld [tilespmem:s23+$0x4000];
	s24 =	sor.u32 $0x3820, s18;
	v1 =	vmul.f32 v2, v15;
	v2 =	vmul.f32 v6, v21  }
0x25d: {  	s23 =	sor.u32 $0x3830, s18;
	v12 =	vld [tilespmem:s24+$0x4000];
	[tilespmem:$0x1F630] =	vst v3;
	v3 =	vmul.f32 v9, v25  }
0x25e: {  	v13 =	vld [tilespmem:s23+$0x4000];
	s24 =	sor.u32 $0x3840, s18;
	[tilespmem:$0x1F610] =	vst v2;
	v2 =	vmul.f32 v7, v22  }
0x25f: {  	s20 =	sadd.s32 $0x800, s20;
	s23 =	sor.u32 $0x3850, s18;
	v19 =	vld [tilespmem:s24+$0x4000];
	[tilespmem:$0x1F640] =	vst v3;
	v3 =	vmul.f32 v26, v10  }
0x260: {  	s24 =	sadd.s32 $0x8000, s20;
	v20 =	vld [tilespmem:s23+$0x4000];
	[tilespmem:$0x1F620] =	vst v2  }
0x261: {  	s22 =	sor.u32 $0x3870, s18;
	s23 =	sand.u32 $0x4000, s24;
	s24 =	sand.u32 $0x380, s21;
	v2 =	vld [tilespmem:s2+$0x2060];
	[tilespmem:$0x1F650] =	vst v3;
	v3 =	vmul.f32 v11, v27  }
0x262: {  	v28 =	vld [tilespmem:s22+$0x4000];
	s18 =	sor.u32 s24, s23;
	[tilespmem:$0x1F5E0] =	vst v0  }
0x263: {  	v29 =	vld [tilespmem:s18+$0x7400];
	[tilespmem:$0x1F660] =	vst v3;
	v3 =	vmul.f32 v12, v30  }
0x264: {  	v33 =	vld [tilespmem:s18+$0x7410];
	[tilespmem:$0x1F5F0] =	vst v1  }
0x265: {  	v0 =	vld [tilespmem:s18+$0x7440];
	v1 =	vmul.f32 v5, v16;
	[tilespmem:$0x1F670] =	vst v3;
	v3 =	vmul.f32 v13, v31  }
0x266: {  	v7 =	vld [tilespmem:s18+$0x7460];
	v21 =	vbroadcast v2, $0x8;
	v22 =	vbroadcast v2, $0x9  }
0x267: {  	[tilespmem:$0x1F600] =	vst v1;
	v1 =	vld [tilespmem:s18+$0x7450];
	v24 =	vbroadcast v2, $0xA;
	v25 =	vbroadcast v2, $0xB  }
0x268: {  	v35 =	vld [tilespmem:s18+$0x7420];
	v26 =	vbroadcast v2, $0xC;
	v27 =	vbroadcast v2, $0xD  }
0x269: {  	v8 =	vld [tilespmem:s18+$0x7470];
	v39 =	vbroadcast v2, $0xE;
	[tilespmem:$0x1F680] =	vst v3;
	v3 =	vmul.f32 v19, v32  }
0x26a: {  	v38 =	vld [tilespmem:s18+$0x7430];
	v56 =	vbroadcast v2, $0xF;
	v0 =	vmul.f32 v0, v26  }
0x26b: {  	v9 =	vld [tilespmem:s18+$0x7000];
	v57 =	vbroadcast v2, $0x0;
	[tilespmem:$0x1F690] =	vst v3;
	v3 =	vmul.f32 v20, v53  }
0x26c: {  	v59 =	vld [tilespmem:s18+$0x7060];
	[tilespmem:$0x1F710] =	vst v0;
	v0 =	vmul.f32 v1, v27;
	v1 =	vmul.f32 v7, v39  }
0x26d: {  	v58 =	vbroadcast v2, $0x1;
	v60 =	vbroadcast v2, $0x2;
	v19 =	vld [tilespmem:s18+$0x7010];
	[tilespmem:$0x1F6A0] =	vst v3  }
0x26e: {  	v61 =	vbroadcast v2, $0x3;
	v20 =	vld [tilespmem:s18+$0x7020];
	[tilespmem:$0x1F730] =	vst v1;
	v1 =	vmul.f32 v8, v56  }
0x26f: {  	v63 =	vbroadcast v2, $0x4;
	v3 =	vmul.f32 v23, v54;
	[tilespmem:$0x1F720] =	vst v0;
	v0 =	vld [tilespmem:s2+$0x2050]  }
0x270: {  	v36 =	vld [tilespmem:s18+$0x7040];
	v30 =	vbroadcast v2, $0x5;
	[tilespmem:$0x1F740] =	vst v1;
	v1 =	vmul.f32 v57, v9  }
0x271: {  	v31 =	vbroadcast v2, $0x6;
	v23 =	vld [tilespmem:s18+$0x7030];
	[tilespmem:$0x1F6B0] =	vst v3;
	v3 =	vmul.f32 v28, v55  }
0x272: {  	v37 =	vld [tilespmem:s18+$0x7050];
	v2 =	vbroadcast v2, $0x7;
	[tilespmem:$0x1F750] =	vst v1;
	v1 =	vmul.f32 v19, v58  }
0x273: {  	v62 =	vld [tilespmem:s18+$0x7070];
	v44 =	vmul.f32 v59, v31;
	[tilespmem:$0x1F6C0] =	vst v3;
	v3 =	vmul.f32 v29, v21  }
0x274: {  	v47 =	vld [tilespmem:s18+$0x6C00];
	v39 =	vbroadcast v0, $0xA;
	[tilespmem:$0x1F760] =	vst v1;
	v1 =	vmul.f32 v20, v60  }
0x275: {  	v50 =	vld [tilespmem:s18+$0x6C10];
	v40 =	vbroadcast v0, $0xB;
	[tilespmem:$0x1F6D0] =	vst v3;
	v3 =	vmul.f32 v33, v22  }
0x276: {  	v52 =	vld [tilespmem:s18+$0x6C20];
	v42 =	vbroadcast v0, $0xC;
	[tilespmem:$0x1F770] =	vst v1;
	v1 =	vmul.f32 v23, v61  }
0x277: {  	v41 =	vld [tilespmem:s18+$0x6830];
	v43 =	vbroadcast v0, $0xD;
	[tilespmem:$0x1F6E0] =	vst v3;
	v3 =	vmul.f32 v35, v24  }
0x278: {  	v34 =	vld [tilespmem:s18+$0x6870];
	v45 =	vbroadcast v0, $0xE;
	[tilespmem:$0x1F780] =	vst v1;
	v1 =	vmul.f32 v36, v63  }
0x279: {  	v53 =	vld [tilespmem:s18+$0x6C30];
	[tilespmem:$0x1F6F0] =	vst v3;
	v3 =	vmul.f32 v38, v25;
	v36 =	vbroadcast v0, $0x8  }
0x27a: {  	v54 =	vbroadcast v0, $0xF;
	v35 =	vld [tilespmem:s18+$0x6C40];
	[tilespmem:$0x1F790] =	vst v1;
	v1 =	vmul.f32 v37, v30  }
0x27b: {  	v55 =	vbroadcast v0, $0x0;
	[tilespmem:$0x1F700] =	vst v3;
	v3 =	vld [tilespmem:s18+$0x6C50];
	v4 =	vmul.f32 v47, v36  }
0x27c: {  	v7 =	vld [tilespmem:s18+$0x6C60];
	v56 =	vbroadcast v0, $0x1;
	v46 =	vbroadcast v0, $0x2;
	[tilespmem:$0x1F7A0] =	vst v1  }
0x27d: {  	v1 =	vmul.f32 v62, v2;
	v2 =	vld [tilespmem:s18+$0x6810];
	[tilespmem:$0x1F7C0] =	vst v4;
	v4 =	vmul.f32 v52, v39  }
0x27e: {  	v8 =	vld [tilespmem:s18+$0x6C70];
	v32 =	vbroadcast v0, $0x4;
	v33 =	vbroadcast v0, $0x5  }
0x27f: {  	v38 =	vld [tilespmem:s18+$0x6820];
	v37 =	vbroadcast v0, $0x9;
	[tilespmem:$0x1F7D0] =	vst v4;
	v4 =	vmul.f32 v35, v42  }
0x280: {  	v31 =	vld [tilespmem:s18+$0x6860];
	v30 =	vbroadcast v0, $0x3;
	[tilespmem:$0x1F7B0] =	vst v1;
	v3 =	vmul.f32 v3, v43  }
0x281: {  	v9 =	vld [tilespmem:s18+$0x6800];
	v50 =	vmul.f32 v50, v37;
	[tilespmem:$0x1F7E0] =	vst v4;
	v4 =	vmul.f32 v7, v45  }
0x282: {  	v1 =	vbroadcast v0, $0x6;
	[tilespmem:$0x1F7F0] =	vst v3;
	v3 =	vld [tilespmem:s2+$0x2040];
	v2 =	vmul.f32 v2, v56  }
0x283: {  	v0 =	vbroadcast v0, $0x7;
	[tilespmem:$0x1F800] =	vst v4;
	v4 =	vmul.f32 v8, v54  }
0x284: {  	v37 =	vmul.f32 v53, v40;
	[tilespmem:$0x1F830] =	vst v2;
	v2 =	vmul.f32 v38, v46  }
0x285: {  	v0 =	vmul.f32 v34, v0;
	v38 =	vmul.f32 v31, v1;
	[tilespmem:$0x1F810] =	vst v4  }
0x286: {  	v51 =	vld [tilespmem:s18+$0x6840];
	v4 =	vmul.f32 v55, v9;
	[tilespmem:$0x1F840] =	vst v2;
	v2 =	vmul.f32 v41, v30  }
0x287: {  	v18 =	vld [tilespmem:s18+$0x6410];
	v1 =	vbroadcast v3, $0x8;
	v7 =	vbroadcast v3, $0x9  }
0x288: {  	v13 =	vld [tilespmem:s18+$0x6070];
	v8 =	vbroadcast v3, $0xA;
	v39 =	vbroadcast v3, $0xB  }
0x289: {  	v57 =	vld [tilespmem:s18+$0x6850];
	[tilespmem:$0x1F880] =	vst v0;
	v41 =	vbroadcast v3, $0xC;
	v42 =	vbroadcast v3, $0xD  }
0x28a: {  	v53 =	vld [tilespmem:s18+$0x6440];
	[tilespmem:$0x1F820] =	vst v4;
	v0 =	vbroadcast v3, $0xE;
	v4 =	vbroadcast v3, $0x0  }
0x28b: {  	v54 =	vld [tilespmem:s18+$0x6460];
	v5 =	vbroadcast v3, $0x1;
	v12 =	vbroadcast v3, $0x2  }
0x28c: {  	[tilespmem:$0x1F850] =	vst v2;
	v2 =	vmul.f32 v51, v32;
	v32 =	vmul.f32 v18, v7;
	v18 =	vld [tilespmem:s2+$0x2030]  }
0x28d: {  	v43 =	vld [tilespmem:s18+$0x6030];
	v6 =	vbroadcast v3, $0x3;
	v9 =	vbroadcast v3, $0x4  }
0x28e: {  	v46 =	vld [tilespmem:s18+$0x5C00];
	v10 =	vbroadcast v3, $0x5;
	[tilespmem:$0x1F860] =	vst v2;
	v2 =	vmul.f32 v57, v33  }
0x28f: {  	v47 =	vld [tilespmem:s18+$0x5C10];
	v11 =	vbroadcast v3, $0x6;
	v60 =	vmul.f32 v53, v41  }
0x290: {  	[tilespmem:$0x1F870] =	vst v2;
	v2 =	vbroadcast v3, $0xF;
	v3 =	vbroadcast v3, $0x7  }
0x291: {  	v59 =	vmul.f32 v54, v0;
	v0 =	vbroadcast v18, $0x8  }
0x292: {  	v53 =	vmul.f32 v13, v3;
	v3 =	vbroadcast v18, $0x9  }
0x293: {  	v57 =	vmul.f32 v43, v6;
	v43 =	vmul.f32 v46, v0;
	v0 =	vld [tilespmem:$0x1F5F0]  }
0x294: {  	v35 =	vmul.f32 v47, v3;
	v3 =	vld [tilespmem:$0x1F600];
	_ =	sdelay $0x4  }
0x295: {  	v0 =	vadd.f32 v3, v0  }
0x296: {  	v3 =	vld [tilespmem:$0x1F620]  }
0x297: {  	[tilespmem:$0x1FC20] =	vst v0;
	v0 =	vld [tilespmem:$0x1F610];
	_ =	sdelay $0x4  }
0x298: {  	v19 =	vld [tilespmem:s18+$0x6400];
	v0 =	vadd.f32 v3, v0  }
0x299: {  	v3 =	vld [tilespmem:$0x1F640]  }
0x29a: {  	[tilespmem:$0x1FC40] =	vst v0;
	v0 =	vld [tilespmem:$0x1F630]  }
0x29b: {  	v23 =	vld [tilespmem:s18+$0x5C70];
	_ =	sdelay $0x2  }
0x29c: {  	v49 =	vmul.f32 v19, v1;
	v1 =	vbroadcast v18, $0xF  }
0x29d: {  	v55 =	vld [tilespmem:s18+$0x6010];
	v0 =	vadd.f32 v3, v0  }
0x29e: {  	v33 =	vmul.f32 v23, v1;
	v1 =	vld [tilespmem:$0x1F660]  }
0x29f: {  	[tilespmem:$0x1FC60] =	vst v0;
	v0 =	vld [tilespmem:$0x1F650];
	_ =	sdelay $0x1  }
0x2a0: {  	v24 =	vld [tilespmem:s18+$0x5800];
	_ =	sdelay $0x2  }
0x2a1: {  	v58 =	vmul.f32 v55, v5;
	v5 =	vbroadcast v18, $0x0;
	v0 =	vadd.f32 v1, v0;
	_ =	sdelay $0x1  }
0x2a2: {  	v20 =	vld [tilespmem:s18+$0x6450];
	[tilespmem:$0x1FC90] =	vst v0;
	v0 =	vmul.f32 v5, v24  }
0x2a3: {  	v1 =	vld [tilespmem:$0x1F680]  }
0x2a4: {  	[tilespmem:$0x1F890] =	vst v0;
	v0 =	vld [tilespmem:$0x1F670];
	_ =	sdelay $0x1  }
0x2a5: {  	v63 =	vld [tilespmem:s18+$0x5820];
	_ =	sdelay $0x2  }
0x2a6: {  	v48 =	vmul.f32 v20, v42;
	v20 =	vbroadcast v18, $0x2;
	v0 =	vadd.f32 v1, v0;
	_ =	sdelay $0x1  }
0x2a7: {  	[tilespmem:$0x1FCC0] =	vst v0;
	v0 =	vmul.f32 v63, v20  }
0x2a8: {  	v1 =	vld [tilespmem:$0x1F6A0]  }
0x2a9: {  	[tilespmem:$0x1F8A0] =	vst v0;
	v0 =	vld [tilespmem:$0x1F690];
	_ =	sdelay $0x2  }
0x2aa: {  	v17 =	vld [tilespmem:s18+$0x6420]  }
0x2ab: {  	v52 =	vld [tilespmem:s18+$0x6430]  }
0x2ac: {  	v45 =	vld [tilespmem:s18+$0x6040];
	v0 =	vadd.f32 v1, v0  }
0x2ad: {  	v1 =	vld [tilespmem:$0x1F6C0]  }
0x2ae: {  	[tilespmem:$0x1FCE0] =	vst v0;
	v0 =	vld [tilespmem:$0x1F6B0];
	_ =	sdelay $0x1  }
0x2af: {  	v62 =	vmul.f32 v17, v8;
	v17 =	vld [tilespmem:s18+$0x5860];
	_ =	sdelay $0x1  }
0x2b0: {  	v36 =	vmul.f32 v52, v39  }
0x2b1: {  	v52 =	vmul.f32 v45, v9;
	v9 =	vbroadcast v18, $0x6;
	v0 =	vadd.f32 v1, v0;
	_ =	sdelay $0x1  }
0x2b2: {  	[tilespmem:$0x1FD00] =	vst v0;
	v0 =	vmul.f32 v17, v9  }
0x2b3: {  	v1 =	vld [tilespmem:$0x1F6E0]  }
0x2b4: {  	[tilespmem:$0x1F8B0] =	vst v0;
	v0 =	vld [tilespmem:$0x1F6D0];
	_ =	sdelay $0x2  }
0x2b5: {  	v15 =	vld [tilespmem:s18+$0x6050]  }
0x2b6: {  	v14 =	vld [tilespmem:s18+$0x6060]  }
0x2b7: {  	v16 =	vld [tilespmem:s18+$0x6000];
	v0 =	vadd.f32 v1, v0  }
0x2b8: {  	v1 =	vld [tilespmem:$0x1F700]  }
0x2b9: {  	[tilespmem:$0x1FD10] =	vst v0;
	v0 =	vld [tilespmem:$0x1F6F0]  }
0x2ba: {  	v26 =	vld [tilespmem:s18+$0x5C60]  }
0x2bb: {  	v27 =	vld [tilespmem:s18+$0x5C30]  }
0x2bc: {  	v28 =	vld [tilespmem:s18+$0x5C40]  }
0x2bd: {  	v29 =	vld [tilespmem:s18+$0x5C20]  }
0x2be: {  	v40 =	vld [tilespmem:s18+$0x6020];
	v0 =	vadd.f32 v1, v0  }
0x2bf: {  	v1 =	vld [tilespmem:$0x1F720]  }
0x2c0: {  	[tilespmem:$0x1FD30] =	vst v0;
	v0 =	vld [tilespmem:$0x1F710]  }
0x2c1: {  	v61 =	vld [tilespmem:s18+$0x6470]  }
0x2c2: {  	v21 =	vld [tilespmem:s18+$0x5830]  }
0x2c3: {  	v22 =	vld [tilespmem:s18+$0x5810]  }
0x2c4: {  	v25 =	vld [tilespmem:s18+$0x5C50];
	v56 =	vmul.f32 v4, v16  }
0x2c5: {  	v31 =	vld [tilespmem:s18+$0x5400];
	v54 =	vmul.f32 v40, v12;
	v51 =	vmul.f32 v14, v11;
	v0 =	vadd.f32 v1, v0  }
0x2c6: {  	v55 =	vmul.f32 v15, v10;
	v61 =	vmul.f32 v61, v2;
	v1 =	vld [tilespmem:$0x1F740]  }
0x2c7: {  	v11 =	vbroadcast v18, $0xA;
	v12 =	vbroadcast v18, $0xB;
	[tilespmem:$0x1FD60] =	vst v0;
	v0 =	vld [tilespmem:$0x1F730]  }
0x2c8: {  	v19 =	vld [tilespmem:s18+$0x5840];
	v14 =	vbroadcast v18, $0xC;
	v15 =	vbroadcast v18, $0xD  }
0x2c9: {  	v16 =	vbroadcast v18, $0xE;
	v4 =	vbroadcast v18, $0x1;
	v13 =	vld [tilespmem:s18+$0x5850]  }
0x2ca: {  	v7 =	vbroadcast v18, $0x3;
	v8 =	vbroadcast v18, $0x4;
	v2 =	vld [tilespmem:$0x1F5D0]  }
0x2cb: {  	v6 =	vbroadcast v18, $0x5;
	v10 =	vbroadcast v18, $0x7;
	v18 =	vld [tilespmem:$0x1F5E0]  }
0x2cc: {  	v30 =	vmul.f32 v27, v12;
	v27 =	vld [tilespmem:s18+$0x5410];
	v0 =	vadd.f32 v1, v0  }
0x2cd: {  	v1 =	vld [tilespmem:$0x1F760]  }
0x2ce: {  	[tilespmem:$0x1FD90] =	vst v0;
	v0 =	vld [tilespmem:$0x1F750]  }
0x2cf: {  	v34 =	vmul.f32 v28, v14;
	v28 =	vld [tilespmem:s2+$0x2020]  }
0x2d0: {  	v39 =	vmul.f32 v22, v4;
	v22 =	vld [tilespmem:s18+$0x5430]  }
0x2d1: {  	v45 =	vmul.f32 v26, v16;
	v16 =	vld [tilespmem:s18+$0x5450]  }
0x2d2: {  	v25 =	vmul.f32 v25, v15;
	v15 =	vld [tilespmem:s18+$0x5460]  }
0x2d3: {  	v46 =	vmul.f32 v19, v8;
	v19 =	vld [tilespmem:s18+$0x5470];
	v0 =	vadd.f32 v1, v0  }
0x2d4: {  	v2 =	vadd.f32 v18, v2;
	v1 =	vld [tilespmem:$0x1F780]  }
0x2d5: {  	[tilespmem:$0x1FDC0] =	vst v0;
	v0 =	vld [tilespmem:$0x1F770]  }
0x2d6: {  	[tilespmem:$0x1FBF0] =	vst v2;
	v2 =	vld [tilespmem:s18+$0x5870]  }
0x2d7: {  	v40 =	vmul.f32 v21, v7;
	v21 =	vld [tilespmem:s18+$0x5000]  }
0x2d8: {  	v26 =	vld [tilespmem:s18+$0x5010]  }
0x2d9: {  	v47 =	vmul.f32 v29, v11;
	v29 =	vld [tilespmem:$0x1F7C0]  }
0x2da: {  	v14 =	vld [tilespmem:s18+$0x5020];
	v0 =	vadd.f32 v1, v0  }
0x2db: {  	v42 =	vmul.f32 v2, v10;
	v2 =	vld [tilespmem:$0x1F7A0]  }
0x2dc: {  	[tilespmem:$0x1FDF0] =	vst v0;
	v0 =	vld [tilespmem:$0x1F790]  }
0x2dd: {  	v12 =	vld [tilespmem:s18+$0x5030]  }
0x2de: {  	v7 =	vld [tilespmem:s18+$0x5040];
	v41 =	vmul.f32 v13, v6;
	v29 =	vadd.f32 v50, v29  }
0x2df: {  	v18 =	vld [tilespmem:s18+$0x5420];
	v4 =	vbroadcast v28, $0xF;
	v6 =	vbroadcast v28, $0x0  }
0x2e0: {  	v50 =	vld [tilespmem:s18+$0x5060];
	[tilespmem:$0x1FE40] =	vst v29;
	v29 =	vadd.f32 v61, v59;
	v10 =	vbroadcast v28, $0x1  }
0x2e1: {  	v4 =	vmul.f32 v19, v4;
	v19 =	vmul.f32 v6, v21;
	v6 =	vld [tilespmem:$0x1F840];
	v0 =	vadd.f32 v2, v0  }
0x2e2: {  	[tilespmem:$0x1FF90] =	vst v29;
	v29 =	vadd.f32 v58, v56;
	v21 =	vmul.f32 v26, v10;
	v10 =	vld [tilespmem:$0x1F850]  }
0x2e3: {  	[tilespmem:$0x1FE10] =	vst v0;
	v0 =	vld [tilespmem:$0x1F7B0]  }
0x2e4: {  	v58 =	vld [tilespmem:s18+$0x4810];
	[tilespmem:$0x1FFA0] =	vst v29;
	v29 =	vadd.f32 v57, v54  }
0x2e5: {  	v54 =	vld [tilespmem:s18+$0x4820]  }
0x2e6: {  	v13 =	vbroadcast v28, $0xA;
	[tilespmem:$0x1FFB0] =	vst v29;
	v29 =	vadd.f32 v55, v52;
	v52 =	vld [tilespmem:s18+$0x4830]  }
0x2e7: {  	v11 =	vbroadcast v28, $0x2;
	v20 =	vld [tilespmem:s18+$0x5440]  }
0x2e8: {  	v6 =	vadd.f32 v10, v6;
	v0 =	vadd.f32 v0, v44;
	v44 =	vmul.f32 v18, v13;
	v13 =	vld [tilespmem:$0x1F7E0]  }
0x2e9: {  	v10 =	vmul.f32 v14, v11;
	v18 =	vld [tilespmem:$0x1F7F0]  }
0x2ea: {  	v23 =	vbroadcast v28, $0xC;
	[tilespmem:$0x1FEE0] =	vst v6;
	v6 =	vld [tilespmem:s18+$0x4C20];
	v9 =	vbroadcast v28, $0x9  }
0x2eb: {  	[tilespmem:$0x1F8C0] =	vst v10;
	v10 =	vld [tilespmem:$0x1F870];
	v24 =	vbroadcast v28, $0xD;
	v17 =	vbroadcast v28, $0xB  }
0x2ec: {  	v63 =	vbroadcast v28, $0xE;
	v27 =	vmul.f32 v27, v9;
	v9 =	vld [tilespmem:$0x1F7D0]  }
0x2ed: {  	v17 =	vmul.f32 v22, v17;
	v22 =	vmul.f32 v16, v24;
	v16 =	vld [tilespmem:$0x1F810]  }
0x2ee: {  	v5 =	vbroadcast v28, $0x6;
	v20 =	vmul.f32 v20, v23;
	v18 =	vadd.f32 v18, v13;
	v13 =	vld [tilespmem:$0x1F800]  }
0x2ef: {  	v23 =	vmul.f32 v15, v63;
	v15 =	vld [tilespmem:$0x1F830];
	v1 =	vbroadcast v28, $0x3  }
0x2f0: {  	v63 =	vmul.f32 v50, v5;
	v5 =	vld [tilespmem:s18+$0x4C50]  }
0x2f1: {  	v12 =	vmul.f32 v12, v1;
	v1 =	vld [tilespmem:$0x1F860]  }
0x2f2: {  	v9 =	vadd.f32 v37, v9;
	[tilespmem:$0x1FE30] =	vst v0;
	v0 =	vld [tilespmem:s18+$0x5050]  }
0x2f3: {  	v50 =	vld [tilespmem:s18+$0x4800];
	v16 =	vadd.f32 v16, v13  }
0x2f4: {  	[tilespmem:$0x1FE50] =	vst v9;
	v9 =	vld [tilespmem:s18+$0x5070]  }
0x2f5: {  	v8 =	vbroadcast v28, $0x8;
	v3 =	vbroadcast v28, $0x5;
	[tilespmem:$0x1FE80] =	vst v16;
	v16 =	vld [tilespmem:s2+$0x2010]  }
0x2f6: {  	v41 =	vadd.f32 v41, v46;
	v46 =	vadd.f32 v4, v23;
	v4 =	vld [tilespmem:$0x1F8C0];
	v2 =	vbroadcast v28, $0x4  }
0x2f7: {  	v37 =	vadd.f32 v25, v34;
	v1 =	vadd.f32 v10, v1;
	v26 =	vmul.f32 v0, v3;
	v0 =	vld [tilespmem:$0x1F880]  }
0x2f8: {  	v25 =	vld [tilespmem:s18+$0x4870];
	v28 =	vbroadcast v28, $0x7;
	v24 =	vmul.f32 v7, v2;
	v2 =	vadd.f32 v32, v49  }
0x2f9: {  	v8 =	vmul.f32 v31, v8;
	v34 =	vld [tilespmem:s18+$0x4000];
	[tilespmem:$0x1FF10] =	vst v1;
	v7 =	vadd.f32 v36, v62  }
0x2fa: {  	v14 =	vadd.f32 v48, v60;
	v10 =	vld [tilespmem:s18+$0x4C60];
	v11 =	vmul.f32 v9, v28;
	[tilespmem:$0x1FF50] =	vst v2;
	v2 =	vbroadcast v16, $0x8  }
0x2fb: {  	v1 =	vld [tilespmem:s18+$0x4C30];
	[tilespmem:$0x1FF70] =	vst v7;
	v3 =	vbroadcast v16, $0x9;
	v7 =	vbroadcast v16, $0xA  }
0x2fc: {  	[tilespmem:$0x1FF80] =	vst v14;
	v13 =	vld [tilespmem:$0x1F820];
	v0 =	vadd.f32 v0, v38;
	v9 =	vbroadcast v16, $0xB;
	v14 =	vbroadcast v16, $0xC  }
0x2fd: {  	v38 =	vadd.f32 v33, v45;
	v33 =	vld [tilespmem:s2+$0x2000];
	v48 =	vbroadcast v16, $0xD;
	v59 =	vbroadcast v16, $0xE  }
0x2fe: {  	v49 =	vld [tilespmem:s18+$0x4C70];
	v60 =	vbroadcast v16, $0xF;
	v56 =	vbroadcast v16, $0x0  }
0x2ff: {  	v28 =	vadd.f32 v53, v51;
	[tilespmem:$0x1FE60] =	vst v18;
	v18 =	vld [tilespmem:s18+$0x4C00];
	v61 =	vbroadcast v16, $0x1;
	v57 =	vbroadcast v16, $0x2  }
0x300: {  	v51 =	vld [tilespmem:s18+$0x4840];
	v36 =	vadd.f32 v30, v47;
	v62 =	vbroadcast v16, $0x3;
	v55 =	vbroadcast v16, $0x4  }
0x301: {  	v45 =	vadd.f32 v22, v20;
	[tilespmem:$0x1FF40] =	vst v0;
	v0 =	vld [tilespmem:s18+$0x4C40];
	v31 =	vbroadcast v16, $0x5;
	v53 =	vbroadcast v16, $0x6  }
0x302: {  	v47 =	vld [tilespmem:s18+$0x4860];
	v15 =	vadd.f32 v15, v13;
	v16 =	vbroadcast v16, $0x7;
	v20 =	vbroadcast v33, $0xB  }
0x303: {  	v13 =	vadd.f32 v35, v43;
	v43 =	vld [tilespmem:s18+$0x4850];
	v22 =	vbroadcast v33, $0xC;
	v23 =	vbroadcast v33, $0xD  }
0x304: {  	[tilespmem:$0x1FFC0] =	vst v29;
	v11 =	vadd.f32 v11, v63;
	v35 =	vld [tilespmem:s18+$0x4010];
	v63 =	vbroadcast v33, $0xF;
	v18 =	vmul.f32 v18, v2  }
0x305: {  	[tilespmem:$0x1FEB0] =	vst v15;
	v15 =	vld [tilespmem:s18+$0x4C10];
	v29 =	vmul.f32 v6, v7;
	v30 =	vmul.f32 v1, v9  }
0x306: {  	v0 =	vmul.f32 v0, v14;
	v2 =	vmul.f32 v5, v48;
	v5 =	vld [tilespmem:$0x1F8A0]  }
0x307: {  	v1 =	vmul.f32 v10, v59;
	v49 =	vmul.f32 v49, v60;
	v14 =	vld [tilespmem:s18+$0x4020]  }
0x308: {  	v48 =	vmul.f32 v56, v50;
	v50 =	vmul.f32 v54, v57;
	v6 =	vld [tilespmem:$0x1F8B0]  }
0x309: {  	v7 =	vmul.f32 v52, v62;
	v10 =	vmul.f32 v25, v16;
	v16 =	vld [tilespmem:s18+$0x4040]  }
0x30a: {  	v56 =	vbroadcast v33, $0x3;
	v57 =	vbroadcast v33, $0x4;
	v52 =	vld [tilespmem:s18+$0x4060]  }
0x30b: {  	v4 =	vadd.f32 v12, v4;
	v59 =	vbroadcast v33, $0x6;
	v60 =	vbroadcast v33, $0x7;
	v54 =	vld [tilespmem:s18+$0x4400]  }
0x30c: {  	v44 =	vadd.f32 v17, v44;
	v62 =	vbroadcast v33, $0x9;
	v25 =	vld [tilespmem:s18+$0x4420];
	v9 =	vmul.f32 v43, v31  }
0x30d: {  	v43 =	vadd.f32 v27, v8;
	v27 =	vbroadcast v33, $0x0;
	v32 =	vmul.f32 v15, v3;
	v3 =	vld [tilespmem:$0x1F890]  }
0x30e: {  	p0 =	sne.s32 s21, $0x780;
	v31 =	vbroadcast v33, $0x1;
	v8 =	vadd.f32 v26, v24;
	v26 =	vld [tilespmem:s18+$0x4430];
	v24 =	vbroadcast v33, $0xE  }
.Ltmp0:
0x30f: {  	v15 =	vld [tilespmem:s18+$0x4030];
	v17 =	vmul.f32 v27, v34;
	v40 =	vadd.f32 v40, v5;
	v5 =	vmul.f32 v51, v55;
	(pc) =	sbr.rel @p0 .LBB2_3-.Ltmp0, $4  }
0x310: {  	v27 =	vld [tilespmem:s18+$0x4440];
	v42 =	vadd.f32 v42, v6;
	v6 =	vmul.f32 v47, v53;
	v55 =	vbroadcast v33, $0x2  }
0x311: {  	v51 =	vld [tilespmem:s18+$0x4050];
	v47 =	vadd.f32 v21, v19;
	v19 =	vbroadcast v33, $0xA;
	v12 =	vadd.f32 v32, v18  }
0x312: {  	v53 =	vld [tilespmem:s18+$0x4070];
	v18 =	vmul.f32 v35, v31;
	v39 =	vadd.f32 v39, v3;
	v3 =	vmul.f32 v58, v61  }
0x313: {  	s16 =	smov.u32 s21;
	s21 =	sadd.s32 $0x80, s21;
	v34 =	vmovc v28;
	v21 =	vld [tilespmem:s18+$0x4410];
	v35 =	vmovc v13;
	v13 =	vadd.f32 v30, v29;
	v58 =	vbroadcast v33, $0x5;
	v61 =	vbroadcast v33, $0x8  }
0x314: {  	v14 =	vmul.f32 v14, v55;
	v15 =	vmul.f32 v15, v56;
	v0 =	vadd.f32 v2, v0;
	v2 =	vld [tilespmem:s18+$0x4450]  }
0x315: {  	v16 =	vmul.f32 v16, v57;
	v1 =	vadd.f32 v49, v1;
	v29 =	vld [tilespmem:s18+$0x4460];
	v30 =	vmul.f32 v52, v59  }
0x316: {  	v3 =	vadd.f32 v3, v48;
	v32 =	vld [tilespmem:s18+$0x4470];
	v7 =	vadd.f32 v7, v50;
	v19 =	vmul.f32 v25, v19  }
0x317: {  	v20 =	vmul.f32 v26, v20;
	v5 =	vadd.f32 v9, v5;
	v6 =	vadd.f32 v10, v6  }
0x318: {  	v10 =	vadd.f32 v18, v17;
	v33 =	vmul.f32 v54, v61;
	v9 =	vmul.f32 v27, v22  }
0x319: {  	v28 =	vmul.f32 v51, v58;
	v14 =	vadd.f32 v15, v14;
	v31 =	vmul.f32 v53, v60  }
0x31a: {  	v19 =	vadd.f32 v20, v19;
	v21 =	vmul.f32 v21, v62;
	v2 =	vmul.f32 v2, v23  }
0x31b: {  	v16 =	vadd.f32 v28, v16;
	v15 =	vmul.f32 v29, v24;
	v18 =	vmul.f32 v32, v63  }
0x31c: {  	v17 =	vadd.f32 v31, v30;
	v21 =	vadd.f32 v21, v33  }
0x31d: {  	v2 =	vadd.f32 v2, v9;
	v9 =	vadd.f32 v18, v15  }
0x31e: {  	v10 =	vadd.f32 v14, v10;
	v14 =	vadd.f32 v17, v16  }
0x31f: {  	v15 =	vadd.f32 v19, v21;
	v2 =	vadd.f32 v9, v2  }
0x320: {  	v3 =	vadd.f32 v7, v3;
	v5 =	vadd.f32 v6, v5  }
0x321: {  	v6 =	vadd.f32 v14, v10;
	v2 =	vadd.f32 v2, v15  }
0x322: {  	v7 =	vadd.f32 v13, v12;
	v0 =	vadd.f32 v1, v0  }
0x323: {  	v1 =	vadd.f32 v2, v6;
	v2 =	vadd.f32 v5, v3  }
0x324: {  	v0 =	vadd.f32 v0, v7;
	v3 =	vadd.f32 v4, v47  }
0x325: {  	v4 =	vadd.f32 v11, v8;
	v1 =	vadd.f32 v2, v1  }
0x326: {  	v5 =	vadd.f32 v46, v45;
	v2 =	vadd.f32 v44, v43  }
0x327: {  	v0 =	vadd.f32 v0, v1;
	v1 =	vadd.f32 v4, v3  }
0x328: {  	v3 =	vadd.f32 v40, v39;
	v4 =	vadd.f32 v42, v41  }
0x329: {  	v0 =	vadd.f32 v1, v0;
	v1 =	vadd.f32 v5, v2;
	_ =	sdelay $0x1  }
0x32a: {  	v0 =	vadd.f32 v1, v0;
	v1 =	vadd.f32 v4, v3;
	v3 =	vld [tilespmem:$0x1FFA0]  }
0x32b: {  	v4 =	vld [tilespmem:$0x1FFB0]  }
0x32c: {  	v2 =	vadd.f32 v36, v35;
	v5 =	vadd.f32 v38, v37;
	_ =	sdelay $0x1  }
0x32d: {  	v0 =	vadd.f32 v1, v0;
	v1 =	vadd.f32 v5, v2;
	v2 =	vld [tilespmem:$0x1FF50]  }
0x32e: {  	v5 =	vld [tilespmem:$0x1FF70]  }
0x32f: {  	v3 =	vadd.f32 v4, v3;
	v4 =	vld [tilespmem:$0x1FFC0];
	_ =	sdelay $0x2  }
0x330: {  	v6 =	vld [tilespmem:$0x1FF90]  }
0x331: {  	v2 =	vadd.f32 v5, v2;
	v5 =	vld [tilespmem:$0x1FF80]  }
0x332: {  	v4 =	vadd.f32 v34, v4;
	_ =	sdelay $0x1  }
0x333: {  	v0 =	vadd.f32 v1, v0;
	v1 =	vadd.f32 v4, v3;
	v3 =	vld [tilespmem:$0x1FEB0]  }
0x334: {  	v4 =	vld [tilespmem:$0x1FEE0]  }
0x335: {  	v5 =	vadd.f32 v6, v5  }
0x336: {  	v6 =	vld [tilespmem:$0x1FF40]  }
0x337: {  	v0 =	vadd.f32 v1, v0;
	v1 =	vadd.f32 v5, v2;
	v2 =	vld [tilespmem:$0x1FE40]  }
0x338: {  	v5 =	vld [tilespmem:$0x1FE50]  }
0x339: {  	v3 =	vadd.f32 v4, v3;
	v4 =	vld [tilespmem:$0x1FF10];
	_ =	sdelay $0x4  }
0x33a: {  	v2 =	vadd.f32 v5, v2;
	v5 =	vld [tilespmem:$0x1FE60];
	v4 =	vadd.f32 v6, v4  }
0x33b: {  	v6 =	vld [tilespmem:$0x1FE80]  }
0x33c: {  	v0 =	vadd.f32 v1, v0;
	v1 =	vadd.f32 v4, v3;
	v3 =	vld [tilespmem:$0x1FDC0]  }
0x33d: {  	v4 =	vld [tilespmem:$0x1FDF0];
	_ =	sdelay $0x4  }
0x33e: {  	v5 =	vadd.f32 v6, v5;
	v3 =	vadd.f32 v4, v3;
	v4 =	vld [tilespmem:$0x1FE10]  }
0x33f: {  	v6 =	vld [tilespmem:$0x1FE30]  }
0x340: {  	v0 =	vadd.f32 v1, v0;
	v1 =	vadd.f32 v5, v2;
	v2 =	vld [tilespmem:$0x1FD10]  }
0x341: {  	v5 =	vld [tilespmem:$0x1FD30];
	_ =	sdelay $0x4  }
0x342: {  	v2 =	vadd.f32 v5, v2;
	v5 =	vld [tilespmem:$0x1FD60]  }
0x343: {  	v4 =	vadd.f32 v6, v4;
	v6 =	vld [tilespmem:$0x1FD90];
	_ =	sdelay $0x2  }
0x344: {  	v0 =	vadd.f32 v1, v0;
	v1 =	vadd.f32 v4, v3;
	v3 =	vld [tilespmem:$0x1FC90]  }
0x345: {  	v4 =	vld [tilespmem:$0x1FCC0]  }
0x346: {  	v5 =	vadd.f32 v6, v5  }
0x347: {  	v6 =	vld [tilespmem:$0x1FD00]  }
0x348: {  	v0 =	vadd.f32 v1, v0;
	v1 =	vadd.f32 v5, v2;
	v2 =	vld [tilespmem:$0x1FBF0]  }
0x349: {  	v5 =	vld [tilespmem:$0x1FC20]  }
0x34a: {  	v3 =	vadd.f32 v4, v3;
	v4 =	vld [tilespmem:$0x1FCE0];
	_ =	sdelay $0x3  }
0x34b: {  	v2 =	vadd.f32 v5, v2;
	v5 =	vld [tilespmem:$0x1FC40]  }
0x34c: {  	v4 =	vadd.f32 v6, v4;
	v6 =	vld [tilespmem:$0x1FC60];
	_ =	sdelay $0x3  }
0x34d: {  	v0 =	vadd.f32 v1, v0  }
0x34e: {  	v1 =	vadd.f32 v4, v3;
	v5 =	vadd.f32 v6, v5;
	_ =	sdelay $0x1  }
0x34f: {  	v0 =	vadd.f32 v1, v0;
	v1 =	vadd.f32 v5, v2  }
0x350: {  	s11 =	sadd.s32 $0x10, s11;
	s16 =	sand.u32 $0x400, s16;
	s2 =	rddreg [dreg:$0x2]  }
0x351: {  	p0 =	seq.s32 s13, $0x1F;
	s11 =	sand.u32 $0x70, s11;
	s2 =	sadd.s32 s16, s2;
	v0 =	vadd.f32 v1, v0  }
0x352: {  	s2 =	sadd.s32 s11, s2;
	s11 =	sshll.u32 @!p0 s13, $0x8  }
0x353: {  	[tilespmem:s2+$0x0] =	vst v0;
	s2 =	sand.u32 @!p0 $0x3FFFFF00, s11  }
0x354: {  	v0 =	vld @!p0 [tilespmem:s2+$0x100];
	_ =	sdelay $0x4  }
0x355: {  	v1 =	vshll.u32 @!p0 v0, $0x4  }
0x356: {  	v2 =	vlaneseq.u32 @!p0;
	v0 =	vand.u32 @!p0 $0x7, v0;
	v1 =	vand.u32 @!p0 $0xFFFFFF80, v1  }
0x357: {  	v3 =	vshrl.u32 @!p0 v2, $0x3;
	v0 =	vor.u32 @!p0 v0, v1;
	v1 =	vand.u32 @!p0 $0x7, v2  }
0x358: {  	v3 =	vmul.u32 @!p0 $0x8, v3;
	v1 =	vperm.xlane @!p0 v0, v1;
	_ =	sdelay $0x1  }
0x359: {  	v1 =	vadd.s32 @!p0 v3, v1;
	_ =	sdelay $0x3  }
0x35a: {  	vm1 =	vmmov @!p0 $0xffff;
	s11 =	simm.s32 @!p0 $0x4000;
	s2 =	simm.s32 @!p0 $0x0  }
0x35b: {  	[tilespmem:s11], [sflag:$0x1] =	stream.indirect_vreg.gather @!p0 [hbm4b:s3+s2], $0x80, v1, vm1, $0xb8;
	[tilespmem:$0x18000] =	vst v63  }
0x35c: {  	s11 =	simm.s32 @!p0 $0x4800  }
0x35d: {  	[tilespmem:s11], [sflag:$0x1] =	stream.indirect_vreg.gather @!p0 [hbm4b:s5+s2], $0x80, v1, vm1, $0xb8;
	[tilespmem:$0x18000] =	vst v63  }
0x35e: {  	s11 =	simm.s32 @!p0 $0x5000  }
0x35f: {  	[tilespmem:s11], [sflag:$0x1] =	stream.indirect_vreg.gather @!p0 [hbm4b:s6+s2], $0x80, v1, vm1, $0xb8;
	[tilespmem:$0x18000] =	vst v63  }
0x360: {  	s11 =	simm.s32 @!p0 $0x5800  }
0x361: {  	[tilespmem:s11], [sflag:$0x1] =	stream.indirect_vreg.gather @!p0 [hbm4b:s7+s2], $0x80, v1, vm1, $0xb8;
	[tilespmem:$0x18000] =	vst v63  }
0x362: {  	s11 =	simm.s32 @!p0 $0x6000  }
0x363: {  	v2 =	vor.u32 @!p0 $0x8, v2;
	[tilespmem:s11], [sflag:$0x1] =	stream.indirect_vreg.gather @!p0 [hbm4b:s8+s2], $0x80, v1, vm1, $0xb8;
	[tilespmem:$0x18000] =	vst v63  }
0x364: {  	v0 =	vperm.xlane @!p0 v0, v2;
	s11 =	simm.s32 @!p0 $0x6800  }
0x365: {  	[tilespmem:s11], [sflag:$0x1] =	stream.indirect_vreg.gather @!p0 [hbm4b:s9+s2], $0x80, v1, vm1, $0xb8;
	[tilespmem:$0x18000] =	vst v63  }
0x366: {  	v0 =	vadd.s32 @!p0 v3, v0;
	s11 =	simm.s32 @!p0 $0x7000  }
0x367: {  	[tilespmem:s11], [sflag:$0x1] =	stream.indirect_vreg.gather @!p0 [hbm4b:s10+s2], $0x80, v1, vm1, $0xb8;
	[tilespmem:$0x18000] =	vst v63  }
0x368: {  	s11 =	simm.s32 @!p0 $0x7800  }
0x369: {  	[tilespmem:s11], [sflag:$0x1] =	stream.indirect_vreg.gather @!p0 [hbm4b:s12+s2], $0x80, v1, vm1, $0xb8;
	[tilespmem:$0x18000] =	vst v63  }
0x36a: {  	s11 =	simm.s32 @!p0 $0x8000  }
0x36b: {  	[tilespmem:s11], [sflag:$0x1] =	stream.indirect_vreg.gather @!p0 [hbm4b:s3+s2], $0x80, v0, vm1, $0xb8;
	[tilespmem:$0x18000] =	vst v63  }
0x36c: {  	s11 =	simm.s32 @!p0 $0x8800  }
0x36d: {  	[tilespmem:s11], [sflag:$0x1] =	stream.indirect_vreg.gather @!p0 [hbm4b:s5+s2], $0x80, v0, vm1, $0xb8;
	[tilespmem:$0x18000] =	vst v63  }
0x36e: {  	s11 =	simm.s32 @!p0 $0x9000  }
0x36f: {  	[tilespmem:s11], [sflag:$0x1] =	stream.indirect_vreg.gather @!p0 [hbm4b:s6+s2], $0x80, v0, vm1, $0xb8;
	[tilespmem:$0x18000] =	vst v63  }
0x370: {  	s11 =	simm.s32 @!p0 $0x9800  }
0x371: {  	[tilespmem:s11], [sflag:$0x1] =	stream.indirect_vreg.gather @!p0 [hbm4b:s7+s2], $0x80, v0, vm1, $0xb8;
	[tilespmem:$0x18000] =	vst v63  }
0x372: {  	s11 =	simm.s32 @!p0 $0xA000  }
0x373: {  	[tilespmem:s11], [sflag:$0x1] =	stream.indirect_vreg.gather @!p0 [hbm4b:s8+s2], $0x80, v0, vm1, $0xb8;
	[tilespmem:$0x18000] =	vst v63  }
0x374: {  	s11 =	simm.s32 @!p0 $0xA800  }
0x375: {  	[tilespmem:s11], [sflag:$0x1] =	stream.indirect_vreg.gather @!p0 [hbm4b:s9+s2], $0x80, v0, vm1, $0xb8;
	[tilespmem:$0x18000] =	vst v63  }
0x376: {  	s11 =	simm.s32 @!p0 $0xB000  }
0x377: {  	[tilespmem:s11], [sflag:$0x1] =	stream.indirect_vreg.gather @!p0 [hbm4b:s10+s2], $0x80, v0, vm1, $0xb8;
	[tilespmem:$0x18000] =	vst v63  }
0x378: {  	s11 =	simm.s32 @!p0 $0xB800  }
0x379: {  	[tilespmem:s11], [sflag:$0x1] =	stream.indirect_vreg.gather @!p0 [hbm4b:s12+s2], $0x80, v0, vm1, $0xb8;
	[tilespmem:$0x18000] =	vst v63  }
0x37a: {  	s11 =	simm.s32 $0x0;
	_ =	swait.ge [sflag:s4], $0x8000  }
0x37b: {  	s16 =	sand.u32 $0x7, s11;
	[sflag:s4] =	ssyncset.done $0x0  }
0x37c: {  	s2 =	sshll.u32 s16, $0x7;
	[sflag:s4] =	ssyncadd.s32 $0xFFFF8000  }
0x37d: {  	s2 =	sadd.s32 $0x0, s2;
	v7 =	vld [tilespmem:s14+$0x2070]  }
0x37e: {  	s17 =	sor.u32 $0x3C00, s2  }
0x37f: {  	v0 =	vld [tilespmem:s17+$0xC000]  }
0x380: {  	s18 =	sor.u32 $0x3C10, s2  }
0x381: {  	v1 =	vld [tilespmem:s18+$0xC000]  }
0x382: {  	s19 =	sor.u32 $0x3C20, s2;
	v11 =	vbroadcast v7, $0x8  }
0x383: {  	v2 =	vld [tilespmem:s19+$0xC000]  }
0x384: {  	s20 =	sor.u32 $0x3C30, s2;
	v12 =	vbroadcast v7, $0x9;
	v0 =	vmul.f32 v0, v11  }
0x385: {  	v3 =	vld [tilespmem:s20+$0xC000]  }
0x386: {  	s21 =	sor.u32 $0x3C40, s2;
	v16 =	vbroadcast v7, $0xA;
	[tilespmem:$0x1EED0] =	vst v0;
	v0 =	vmul.f32 v1, v12  }
0x387: {  	v4 =	vld [tilespmem:s21+$0xC000]  }
0x388: {  	s22 =	sor.u32 $0x3C50, s2;
	v17 =	vbroadcast v7, $0xB;
	[tilespmem:$0x1EEE0] =	vst v0;
	v0 =	vmul.f32 v2, v16  }
0x389: {  	v5 =	vld [tilespmem:s22+$0xC000]  }
0x38a: {  	s24 =	sor.u32 $0x3C70, s2;
	v20 =	vbroadcast v7, $0xC;
	[tilespmem:$0x1EEF0] =	vst v0;
	v0 =	vmul.f32 v3, v17  }
0x38b: {  	v8 =	vld [tilespmem:s24+$0xC000]  }
0x38c: {  	s17 =	sor.u32 $0x3800, s2;
	v21 =	vbroadcast v7, $0xD;
	[tilespmem:$0x1EF00] =	vst v0;
	v0 =	vmul.f32 v4, v20  }
0x38d: {  	v9 =	vld [tilespmem:s17+$0xC000]  }
0x38e: {  	s17 =	sor.u32 $0x3810, s2;
	v24 =	vbroadcast v7, $0xF;
	[tilespmem:$0x1EF10] =	vst v0;
	v0 =	vmul.f32 v5, v21  }
0x38f: {  	v10 =	vld [tilespmem:s17+$0xC000]  }
0x390: {  	s18 =	sor.u32 $0x3820, s2;
	v25 =	vbroadcast v7, $0x0;
	[tilespmem:$0x1EF20] =	vst v0;
	v0 =	vmul.f32 v8, v24  }
0x391: {  	s23 =	sor.u32 $0x3C60, s2;
	v13 =	vld [tilespmem:s18+$0xC000]  }
0x392: {  	v6 =	vld [tilespmem:s23+$0xC000];
	s19 =	sor.u32 $0x3830, s2;
	v27 =	vbroadcast v7, $0x1;
	[tilespmem:$0x1EF30] =	vst v0;
	v0 =	vmul.f32 v25, v9  }
0x393: {  	s20 =	sor.u32 $0x3840, s2;
	v14 =	vld [tilespmem:s19+$0xC000]  }
0x394: {  	s21 =	sor.u32 $0x3850, s2;
	v15 =	vld [tilespmem:s20+$0xC000];
	v29 =	vbroadcast v7, $0x2;
	[tilespmem:$0x1EF40] =	vst v0;
	v0 =	vmul.f32 v10, v27  }
0x395: {  	s23 =	sor.u32 $0x3860, s2;
	v19 =	vld [tilespmem:s21+$0xC000];
	s2 =	sor.u32 $0x3870, s2  }
0x396: {  	s22 =	simm.s32 $0x0;
	v26 =	vld [tilespmem:s2+$0xC000];
	v59 =	vbroadcast v7, $0x3;
	[tilespmem:$0x1EF50] =	vst v0;
	v0 =	vmul.f32 v13, v29  }
0x397: {  	s24 =	sand.u32 $0x380, s11;
	s17 =	sand.u32 $0x4000, s22;
	v23 =	vbroadcast v7, $0xE;
	v4 =	vld [tilespmem:s14+$0x2060]  }
0x398: {  	v22 =	vld [tilespmem:s23+$0xC000];
	s19 =	sor.u32 s24, s17;
	v61 =	vbroadcast v7, $0x5;
	[tilespmem:$0x1EF60] =	vst v0;
	v0 =	vmul.f32 v14, v59  }
0x399: {  	v60 =	vbroadcast v7, $0x4;
	v34 =	vld [tilespmem:s19+$0xF420];
	v62 =	vbroadcast v7, $0x6  }
0x39a: {  	v7 =	vbroadcast v7, $0x7;
	[tilespmem:$0x1EF70] =	vst v0;
	v0 =	vmul.f32 v19, v61  }
0x39b: {  	v18 =	vmul.f32 v15, v60;
	v5 =	vld [tilespmem:s19+$0xF460]  }
0x39c: {  	v28 =	vld [tilespmem:s19+$0xF400];
	v15 =	vbroadcast v4, $0xA;
	[tilespmem:$0x1EF80] =	vst v0;
	v0 =	vmul.f32 v26, v7  }
0x39d: {  	v23 =	vmul.f32 v6, v23;
	v6 =	vld [tilespmem:s19+$0xF470];
	v17 =	vmul.f32 v22, v62  }
0x39e: {  	v31 =	vld [tilespmem:s19+$0xF410];
	v22 =	vbroadcast v4, $0xE;
	[tilespmem:$0x1EF90] =	vst v0;
	v0 =	vmul.f32 v34, v15  }
0x39f: {  	v8 =	vld [tilespmem:s19+$0xF000]  }
0x3a0: {  	v36 =	vld [tilespmem:s19+$0xF430];
	v24 =	vbroadcast v4, $0xF;
	[tilespmem:$0x1EFA0] =	vst v0;
	v0 =	vmul.f32 v5, v22  }
0x3a1: {  	v9 =	vld [tilespmem:s19+$0xF010]  }
0x3a2: {  	v37 =	vld [tilespmem:s19+$0xF440];
	v52 =	vbroadcast v4, $0x0;
	[tilespmem:$0x1EFB0] =	vst v0;
	v0 =	vmul.f32 v6, v24  }
0x3a3: {  	v7 =	vld [tilespmem:s19+$0xF020]  }
0x3a4: {  	v63 =	vld [tilespmem:s19+$0xF050];
	v54 =	vbroadcast v4, $0x1;
	[tilespmem:$0x1EFC0] =	vst v0;
	v0 =	vmul.f32 v52, v8  }
0x3a5: {  	v16 =	vbroadcast v4, $0xB;
	v14 =	vld [tilespmem:s19+$0xF030]  }
0x3a6: {  	v2 =	vld [tilespmem:s19+$0xF450];
	v55 =	vbroadcast v4, $0x2;
	[tilespmem:$0x1EFD0] =	vst v0;
	v0 =	vmul.f32 v9, v54  }
0x3a7: {  	v20 =	vbroadcast v4, $0xC;
	v21 =	vbroadcast v4, $0xD;
	v19 =	vld [tilespmem:s19+$0xF040]  }
0x3a8: {  	v53 =	vld [tilespmem:s19+$0xF060];
	v57 =	vbroadcast v4, $0x3;
	[tilespmem:$0x1EFE0] =	vst v0;
	v0 =	vmul.f32 v7, v55  }
0x3a9: {  	v56 =	vld [tilespmem:s19+$0xF070];
	v58 =	vbroadcast v4, $0x4;
	v10 =	vbroadcast v4, $0x8  }
0x3aa: {  	v42 =	vld [tilespmem:s19+$0xEC00];
	v13 =	vbroadcast v4, $0x9;
	[tilespmem:$0x1EFF0] =	vst v0;
	v0 =	vmul.f32 v14, v57  }
0x3ab: {  	v29 =	vmul.f32 v28, v10;
	v28 =	vmul.f32 v2, v21;
	v2 =	vld [tilespmem:s14+$0x2050]  }
0x3ac: {  	v32 =	vld [tilespmem:s19+$0xE820];
	v59 =	vbroadcast v4, $0x5;
	[tilespmem:$0x1F000] =	vst v0;
	v0 =	vmul.f32 v19, v58  }
0x3ad: {  	v46 =	vld [tilespmem:s19+$0xE840];
	v30 =	vmul.f32 v36, v16;
	v27 =	vmul.f32 v31, v13  }
0x3ae: {  	v13 =	vld [tilespmem:s19+$0xEC30];
	v61 =	vbroadcast v4, $0x6;
	[tilespmem:$0x1F010] =	vst v0;
	v0 =	vmul.f32 v63, v59  }
0x3af: {  	v16 =	vmul.f32 v37, v20;
	v4 =	vbroadcast v4, $0x7;
	v6 =	vld [tilespmem:s19+$0xEC60]  }
0x3b0: {  	v35 =	vbroadcast v2, $0xB;
	v34 =	vld [tilespmem:s19+$0xEC40];
	[tilespmem:$0x1F020] =	vst v0;
	v0 =	vmul.f32 v53, v61  }
0x3b1: {  	v37 =	vbroadcast v2, $0xC;
	v38 =	vbroadcast v2, $0xD;
	v8 =	vld [tilespmem:s19+$0xE800]  }
0x3b2: {  	v40 =	vbroadcast v2, $0xE;
	v5 =	vld [tilespmem:s19+$0xEC50];
	[tilespmem:$0x1F030] =	vst v0;
	v0 =	vmul.f32 v56, v4  }
0x3b3: {  	v51 =	vld [tilespmem:s19+$0xE850];
	v41 =	vbroadcast v2, $0xF;
	v50 =	vbroadcast v2, $0x0  }
0x3b4: {  	v60 =	vld [tilespmem:s19+$0xEC10];
	v31 =	vbroadcast v2, $0x3;
	[tilespmem:$0x1F040] =	vst v0;
	v0 =	vmul.f32 v6, v40  }
0x3b5: {  	v62 =	vld [tilespmem:s19+$0xEC20];
	v49 =	vmul.f32 v13, v35;
	v33 =	vmul.f32 v34, v37  }
0x3b6: {  	v3 =	vld [tilespmem:s19+$0xE070];
	v53 =	vbroadcast v2, $0x2;
	[tilespmem:$0x1F050] =	vst v0;
	v0 =	vmul.f32 v50, v8  }
0x3b7: {  	v36 =	vld [tilespmem:s19+$0xE830];
	v52 =	vbroadcast v2, $0x1;
	v48 =	vmul.f32 v5, v38  }
0x3b8: {  	v5 =	vld [tilespmem:s14+$0x2040];
	v56 =	vbroadcast v2, $0x4;
	[tilespmem:$0x1F060] =	vst v0;
	v0 =	vmul.f32 v32, v53  }
0x3b9: {  	v9 =	vbroadcast v2, $0x8;
	v54 =	vld [tilespmem:s19+$0xE860];
	v14 =	vbroadcast v2, $0x9  }
0x3ba: {  	v58 =	vbroadcast v2, $0x5;
	v4 =	vld [tilespmem:s19+$0xE810];
	[tilespmem:$0x1F070] =	vst v0;
	v0 =	vmul.f32 v46, v56  }
0x3bb: {  	v39 =	vmul.f32 v42, v9;
	v9 =	vbroadcast v2, $0x6;
	v59 =	vld [tilespmem:s19+$0xE400]  }
0x3bc: {  	v57 =	vld [tilespmem:s19+$0xE870];
	v47 =	vmul.f32 v60, v14;
	[tilespmem:$0x1F080] =	vst v0;
	v0 =	vmul.f32 v51, v58  }
0x3bd: {  	v63 =	vbroadcast v2, $0xA;
	v2 =	vbroadcast v2, $0x7;
	v6 =	vld [tilespmem:s19+$0xE440]  }
0x3be: {  	v14 =	vld [tilespmem:s19+$0xE410];
	[tilespmem:$0x1F090] =	vst v0;
	v0 =	vmul.f32 v54, v9;
	v9 =	vbroadcast v5, $0x8  }
0x3bf: {  	v8 =	vld [tilespmem:s19+$0xE470];
	v37 =	vmul.f32 v4, v52;
	v32 =	vmul.f32 v36, v31  }
0x3c0: {  	v7 =	vld [tilespmem:s19+$0xEC70];
	v45 =	vmul.f32 v59, v9;
	v9 =	vbroadcast v5, $0xC  }
0x3c1: {  	v31 =	vbroadcast v5, $0x9;
	[tilespmem:$0x1F0A0] =	vst v0;
	v0 =	vmul.f32 v57, v2;
	v2 =	vld [tilespmem:s19+$0xE000]  }
0x3c2: {  	v13 =	vld [tilespmem:s19+$0xE430];
	v52 =	vmul.f32 v6, v9;
	v6 =	vbroadcast v5, $0xF  }
0x3c3: {  	v50 =	vmul.f32 v14, v31;
	v14 =	vld [tilespmem:s19+$0xE030]  }
0x3c4: {  	v60 =	vld [tilespmem:s19+$0xE420];
	v54 =	vmul.f32 v8, v6;
	v6 =	vbroadcast v5, $0x0  }
0x3c5: {  	v35 =	vbroadcast v5, $0xA;
	v44 =	vmul.f32 v7, v41;
	v40 =	vld [tilespmem:s19+$0xE040]  }
0x3c6: {  	v7 =	vld [tilespmem:s19+$0xE460];
	v56 =	vmul.f32 v6, v2;
	v2 =	vbroadcast v5, $0x3  }
0x3c7: {  	v41 =	vbroadcast v5, $0xE;
	v42 =	vmul.f32 v62, v63;
	[tilespmem:$0x1F0B0] =	vst v0;
	v0 =	vld [tilespmem:s14+$0x2030]  }
0x3c8: {  	v4 =	vld [tilespmem:s19+$0xE450];
	v58 =	vmul.f32 v14, v2;
	v2 =	vbroadcast v5, $0x4  }
0x3c9: {  	v11 =	vld [tilespmem:s19+$0xDC00];
	v36 =	vbroadcast v5, $0xB;
	v46 =	vmul.f32 v60, v35  }
0x3ca: {  	v60 =	vmul.f32 v40, v2;
	v2 =	vbroadcast v5, $0x7  }
0x3cb: {  	v1 =	vld [tilespmem:s19+$0xDC30];
	v51 =	vmul.f32 v13, v36;
	v13 =	vbroadcast v5, $0xD  }
0x3cc: {  	v34 =	vld [tilespmem:s19+$0xE010];
	v62 =	vmul.f32 v3, v2;
	v2 =	vbroadcast v0, $0x8  }
0x3cd: {  	v53 =	vmul.f32 v7, v41;
	v55 =	vmul.f32 v4, v13;
	v6 =	vld [tilespmem:s19+$0xDC40]  }
0x3ce: {  	v4 =	vld [tilespmem:s19+$0xDC60];
	v41 =	vmul.f32 v11, v2;
	v2 =	vbroadcast v0, $0xB  }
0x3cf: {  	v3 =	vld [tilespmem:s19+$0xDC70]  }
0x3d0: {  	v43 =	vld [tilespmem:s19+$0xE050];
	v40 =	vmul.f32 v1, v2;
	v1 =	vbroadcast v0, $0xC  }
0x3d1: {  	v10 =	vld [tilespmem:s19+$0xDC10];
	v8 =	vbroadcast v5, $0x1;
	v2 =	vbroadcast v0, $0xE  }
0x3d2: {  	v38 =	vld [tilespmem:s19+$0xE020];
	v35 =	vmul.f32 v6, v1;
	v1 =	vbroadcast v0, $0xF  }
0x3d3: {  	v59 =	vmul.f32 v34, v8;
	v36 =	vmul.f32 v4, v2;
	v2 =	vld [tilespmem:$0x1EED0]  }
0x3d4: {  	v8 =	vbroadcast v5, $0x5;
	v34 =	vmul.f32 v3, v1;
	v3 =	vld [tilespmem:$0x1EEE0]  }
0x3d5: {  	v13 =	vbroadcast v5, $0x2;
	v9 =	vld [tilespmem:s19+$0xE060]  }
0x3d6: {  	v63 =	vmul.f32 v43, v8;
	v8 =	vbroadcast v0, $0x9  }
0x3d7: {  	v57 =	vmul.f32 v38, v13  }
0x3d8: {  	v13 =	vbroadcast v5, $0x6;
	v38 =	vmul.f32 v10, v8;
	v10 =	vld [tilespmem:s19+$0xD820]  }
0x3d9: {  	v7 =	vld [tilespmem:s19+$0xDC20];
	v2 =	vadd.f32 v3, v2  }
0x3da: {  	v61 =	vmul.f32 v9, v13;
	v9 =	vld [tilespmem:s19+$0xD800]  }
0x3db: {  	v5 =	vld [tilespmem:s19+$0xDC50];
	[tilespmem:$0x1F1A0] =	vst v2;
	v2 =	vbroadcast v0, $0x2  }
0x3dc: {  	v8 =	vld [tilespmem:s19+$0xD830]  }
0x3dd: {  	v13 =	vbroadcast v0, $0xA;
	v25 =	vmul.f32 v10, v2;
	v2 =	vld [tilespmem:$0x1EF30]  }
0x3de: {  	v1 =	vbroadcast v0, $0x0  }
0x3df: {  	v12 =	vld [tilespmem:s19+$0xD840];
	v43 =	vmul.f32 v7, v13;
	v7 =	vbroadcast v0, $0xD  }
0x3e0: {  	v26 =	vmul.f32 v1, v9;
	v1 =	vbroadcast v0, $0x3  }
0x3e1: {  	v31 =	vmul.f32 v5, v7;
	v5 =	vld [tilespmem:$0x1EF00]  }
0x3e2: {  	v3 =	vld [tilespmem:$0x1EEF0];
	v2 =	vadd.f32 v2, v23;
	v23 =	vmul.f32 v8, v1;
	v1 =	vbroadcast v0, $0x4;
	_ =	sdelay $0x1  }
0x3e3: {  	v22 =	vmul.f32 v12, v1;
	v1 =	vld [tilespmem:$0x1EF80];
	_ =	sdelay $0x2  }
0x3e4: {  	v3 =	vadd.f32 v5, v3  }
0x3e5: {  	v5 =	vld [tilespmem:$0x1EF20]  }
0x3e6: {  	[tilespmem:$0x1F1B0] =	vst v3;
	v3 =	vld [tilespmem:$0x1EF10];
	v1 =	vadd.f32 v1, v18;
	_ =	sdelay $0x1  }
0x3e7: {  	[tilespmem:$0x1F180] =	vst v1;
	v1 =	vld [tilespmem:$0x1EF90];
	_ =	sdelay $0x1  }
0x3e8: {  	v13 =	vld [tilespmem:s19+$0xD850]  }
0x3e9: {  	v11 =	vld [tilespmem:s19+$0xD810];
	v3 =	vadd.f32 v5, v3  }
0x3ea: {  	[tilespmem:$0x1F1D0] =	vst v2;
	v2 =	vld [tilespmem:$0x1EF40]  }
0x3eb: {  	[tilespmem:$0x1F1C0] =	vst v3;
	v3 =	vld [tilespmem:$0x1EF50];
	v1 =	vadd.f32 v1, v17  }
0x3ec: {  	v7 =	vld [tilespmem:s19+$0xD860]  }
0x3ed: {  	v6 =	vld [tilespmem:s19+$0xD870];
	[tilespmem:$0x1F190] =	vst v1;
	v1 =	vadd.f32 v27, v29  }
0x3ee: {  	v10 =	vld [tilespmem:s14+$0x2020]  }
0x3ef: {  	v4 =	vbroadcast v0, $0x1;
	[tilespmem:$0x1F120] =	vst v1;
	v1 =	vld [tilespmem:$0x1EFA0]  }
0x3f0: {  	v14 =	vld [tilespmem:s19+$0xD400];
	v12 =	vbroadcast v0, $0x7;
	v2 =	vadd.f32 v3, v2  }
0x3f1: {  	v15 =	vld [tilespmem:s19+$0xD410];
	v24 =	vmul.f32 v11, v4;
	v3 =	vbroadcast v0, $0x6  }
0x3f2: {  	v4 =	vld [tilespmem:s19+$0xD430];
	v20 =	vmul.f32 v6, v12;
	[tilespmem:$0x1F160] =	vst v2;
	v2 =	vbroadcast v0, $0x5  }
0x3f3: {  	v21 =	vmul.f32 v7, v3;
	v3 =	vbroadcast v10, $0x8  }
0x3f4: {  	v6 =	vbroadcast v10, $0x9;
	v19 =	vmul.f32 v13, v2;
	v1 =	vadd.f32 v30, v1  }
0x3f5: {  	v18 =	vmul.f32 v14, v3;
	v14 =	vbroadcast v10, $0xB;
	v2 =	vld [tilespmem:$0x1EFC0]  }
0x3f6: {  	v3 =	vld [tilespmem:$0x1EFF0];
	[tilespmem:$0x1F130] =	vst v1;
	v1 =	vadd.f32 v28, v16  }
0x3f7: {  	v17 =	vmul.f32 v15, v6;
	v15 =	vmul.f32 v4, v14;
	v4 =	vld [tilespmem:$0x1F000]  }
0x3f8: {  	[tilespmem:$0x1F140] =	vst v1;
	v1 =	vld [tilespmem:$0x1EFB0];
	_ =	sdelay $0x2  }
0x3f9: {  	v9 =	vld [tilespmem:$0x1EF70]  }
0x3fa: {  	v5 =	vld [tilespmem:$0x1EF60]  }
0x3fb: {  	v3 =	vadd.f32 v4, v3;
	v4 =	vld [tilespmem:$0x1F020];
	v1 =	vadd.f32 v2, v1  }
0x3fc: {  	v2 =	vld [tilespmem:$0x1EFE0]  }
0x3fd: {  	[tilespmem:$0x1F150] =	vst v1;
	v1 =	vld [tilespmem:$0x1EFD0]  }
0x3fe: {  	[tilespmem:$0x1F0F0] =	vst v3;
	v3 =	vld [tilespmem:$0x1F010];
	_ =	sdelay $0x1  }
0x3ff: {  	v53 =	vadd.f32 v54, v53;
	v54 =	vld [tilespmem:s19+$0xC810]  }
0x400: {  	v5 =	vadd.f32 v9, v5;
	v7 =	vld [tilespmem:s19+$0xD460]  }
0x401: {  	v8 =	vld [tilespmem:s19+$0xD420];
	v1 =	vadd.f32 v2, v1  }
0x402: {  	[tilespmem:$0x1F170] =	vst v5;
	v5 =	vld [tilespmem:s19+$0xD470];
	v3 =	vadd.f32 v4, v3  }
0x403: {  	v0 =	vld [tilespmem:s19+$0xD440];
	[tilespmem:$0x1F0E0] =	vst v1;
	v1 =	vbroadcast v10, $0xE  }
0x404: {  	[tilespmem:$0x1F100] =	vst v3;
	v3 =	vld [tilespmem:$0x1F040]  }
0x405: {  	v12 =	vmul.f32 v7, v1;
	v1 =	vld [tilespmem:$0x1F030]  }
0x406: {  	v9 =	vld [tilespmem:s19+$0xD450];
	v6 =	vbroadcast v10, $0xC  }
0x407: {  	v27 =	vld [tilespmem:s19+$0xD000]  }
0x408: {  	v13 =	vmul.f32 v0, v6;
	v0 =	vbroadcast v10, $0xF;
	v6 =	vld [tilespmem:s19+$0xD040]  }
0x409: {  	v29 =	vbroadcast v10, $0xA;
	v28 =	vld [tilespmem:s19+$0xD010]  }
0x40a: {  	v11 =	vmul.f32 v5, v0;
	v2 =	vld [tilespmem:s19+$0xD030];
	v1 =	vadd.f32 v3, v1;
	v3 =	vadd.f32 v49, v42  }
0x40b: {  	v0 =	vbroadcast v10, $0x0;
	v16 =	vmul.f32 v8, v29;
	v8 =	vld [tilespmem:$0x1F070]  }
0x40c: {  	v30 =	vbroadcast v10, $0xD;
	[tilespmem:$0x1F0D0] =	vst v3;
	v3 =	vld [tilespmem:$0x1F050]  }
0x40d: {  	v14 =	vld [tilespmem:s19+$0xD020];
	v42 =	vmul.f32 v0, v27;
	v0 =	vbroadcast v10, $0x3  }
0x40e: {  	v5 =	vld [tilespmem:s19+$0xD060];
	v30 =	vmul.f32 v9, v30;
	[tilespmem:$0x1F110] =	vst v1;
	v1 =	vadd.f32 v47, v39;
	v47 =	vbroadcast v10, $0x1  }
0x40f: {  	v9 =	vmul.f32 v2, v0;
	v0 =	vbroadcast v10, $0x4;
	v2 =	vld [tilespmem:$0x1F060]  }
0x410: {  	v49 =	vadd.f32 v48, v33;
	v39 =	vmul.f32 v28, v47;
	v28 =	vld [tilespmem:$0x1F090]  }
0x411: {  	v48 =	vadd.f32 v44, v3;
	v44 =	vadd.f32 v32, v8;
	v8 =	vmul.f32 v6, v0;
	v6 =	vld [tilespmem:$0x1F080]  }
0x412: {  	v60 =	vadd.f32 v63, v60;
	v63 =	vld [tilespmem:s19+$0xC860]  }
0x413: {  	v4 =	vld [tilespmem:s19+$0xD070];
	[tilespmem:$0x1F0C0] =	vst v1;
	v1 =	vbroadcast v10, $0x2  }
0x414: {  	v7 =	vld [tilespmem:s19+$0xD050];
	v47 =	vadd.f32 v37, v2;
	v2 =	vbroadcast v10, $0x6  }
0x415: {  	v14 =	vmul.f32 v14, v1;
	v1 =	vld [tilespmem:s14+$0x2010]  }
0x416: {  	v29 =	vadd.f32 v28, v6;
	v6 =	vmul.f32 v5, v2;
	v2 =	vld [tilespmem:$0x1F0A0]  }
0x417: {  	v5 =	vld [tilespmem:$0x1F0B0]  }
0x418: {  	v27 =	vld [tilespmem:s19+$0xCC00];
	v37 =	vbroadcast v10, $0x5  }
0x419: {  	v33 =	vld [tilespmem:s19+$0xCC10]  }
0x41a: {  	v45 =	vadd.f32 v50, v45;
	v3 =	vld [tilespmem:s19+$0xCC20];
	v0 =	vbroadcast v10, $0x7;
	v7 =	vmul.f32 v7, v37  }
0x41b: {  	v38 =	vadd.f32 v38, v41;
	v10 =	vld [tilespmem:s19+$0xCC30];
	v50 =	vbroadcast v1, $0x9;
	v41 =	vbroadcast v1, $0x1  }
0x41c: {  	v32 =	vld [tilespmem:s19+$0xCC40];
	v28 =	vadd.f32 v5, v2;
	v5 =	vmul.f32 v4, v0;
	v0 =	vbroadcast v1, $0x8  }
0x41d: {  	v24 =	vadd.f32 v24, v26;
	v37 =	vld [tilespmem:s19+$0xCC50];
	v26 =	vbroadcast v1, $0x5;
	v2 =	vbroadcast v1, $0xA  }
0x41e: {  	v46 =	vadd.f32 v51, v46;
	v4 =	vld [tilespmem:s19+$0xCC60];
	v51 =	vmul.f32 v27, v0;
	v0 =	vbroadcast v1, $0xB  }
0x41f: {  	v52 =	vadd.f32 v55, v52;
	v50 =	vmul.f32 v33, v50;
	v33 =	vbroadcast v1, $0xC;
	v27 =	vld [tilespmem:s19+$0xCC70]  }
0x420: {  	v40 =	vadd.f32 v40, v43;
	v43 =	vld [tilespmem:s19+$0xC870];
	v55 =	vmul.f32 v3, v2;
	v0 =	vmul.f32 v10, v0  }
0x421: {  	v2 =	vld [tilespmem:s19+$0xC800];
	v10 =	vadd.f32 v59, v56;
	v56 =	vbroadcast v1, $0xD;
	v59 =	vbroadcast v1, $0xE  }
0x422: {  	v57 =	vadd.f32 v58, v57;
	v58 =	vmul.f32 v32, v33;
	v32 =	vbroadcast v1, $0xF;
	v3 =	vld [tilespmem:s19+$0xC820]  }
0x423: {  	v31 =	vadd.f32 v31, v35;
	v33 =	vld [tilespmem:s19+$0xC830];
	v37 =	vmul.f32 v37, v56;
	v56 =	vmul.f32 v4, v59  }
0x424: {  	v4 =	vadd.f32 v62, v61;
	v61 =	vld [tilespmem:s19+$0xC850];
	v27 =	vmul.f32 v27, v32;
	v32 =	vbroadcast v1, $0x0  }
0x425: {  	v34 =	vadd.f32 v34, v36;
	v35 =	vmul.f32 v54, v41;
	v41 =	vld [tilespmem:s14+$0x2000];
	v62 =	vbroadcast v1, $0x2  }
0x426: {  	v23 =	vadd.f32 v23, v25;
	v59 =	vld [tilespmem:s19+$0xC840];
	v2 =	vmul.f32 v32, v2;
	v32 =	vbroadcast v1, $0x3  }
0x427: {  	v20 =	vadd.f32 v20, v21;
	v21 =	vld [tilespmem:s19+$0xC030];
	v36 =	vbroadcast v1, $0x6;
	v3 =	vmul.f32 v3, v62  }
0x428: {  	v19 =	vadd.f32 v19, v22;
	v62 =	vld [tilespmem:s19+$0xC000];
	v32 =	vmul.f32 v33, v32;
	v33 =	vbroadcast v1, $0x4  }
0x429: {  	v17 =	vadd.f32 v17, v18;
	v22 =	vmul.f32 v61, v26;
	v26 =	vmul.f32 v63, v36;
	v36 =	vld [tilespmem:s19+$0xC020]  }
0x42a: {  	v18 =	vld [tilespmem:s19+$0xC040];
	v15 =	vadd.f32 v15, v16;
	v16 =	vbroadcast v41, $0x1;
	v1 =	vbroadcast v1, $0x7  }
0x42b: {  	v13 =	vadd.f32 v30, v13;
	v25 =	vmul.f32 v59, v33;
	v33 =	vld [tilespmem:s19+$0xC010];
	v59 =	vbroadcast v41, $0x0  }
0x42c: {  	v11 =	vadd.f32 v11, v12;
	v61 =	vbroadcast v41, $0x2;
	v63 =	vld [tilespmem:s19+$0xC060];
	v1 =	vmul.f32 v43, v1  }
0x42d: {  	v39 =	vadd.f32 v39, v42;
	v42 =	vld [tilespmem:s19+$0xC410];
	v30 =	vmul.f32 v59, v62;
	v59 =	vbroadcast v41, $0x4  }
0x42e: {  	v54 =	vld [tilespmem:s19+$0xC420];
	v1 =	vadd.f32 v1, v26;
	v26 =	vbroadcast v41, $0xF;
	v36 =	vmul.f32 v36, v61  }
0x42f: {  	v7 =	vadd.f32 v7, v8;
	v62 =	vld [tilespmem:s19+$0xC050];
	v8 =	vmul.f32 v18, v59;
	v18 =	vbroadcast v41, $0x6  }
0x430: {  	v0 =	vadd.f32 v0, v55;
	v55 =	vld [tilespmem:s19+$0xC440];
	v12 =	vmul.f32 v33, v16;
	v16 =	vbroadcast v41, $0x3  }
0x431: {  	v9 =	vadd.f32 v9, v14;
	v61 =	vld [tilespmem:s19+$0xC070];
	v18 =	vmul.f32 v63, v18;
	v63 =	vbroadcast v41, $0x9  }
0x432: {  	v5 =	vadd.f32 v5, v6;
	v14 =	vmul.f32 v21, v16;
	v16 =	vbroadcast v41, $0x5;
	v21 =	vld [tilespmem:s19+$0xC400]  }
0x433: {  	v50 =	vadd.f32 v50, v51;
	v51 =	vld [tilespmem:s19+$0xC430];
	v42 =	vmul.f32 v42, v63;
	v63 =	vbroadcast v41, $0xC  }
0x434: {  	v37 =	vadd.f32 v37, v58;
	v58 =	vld [tilespmem:s19+$0xC450];
	v6 =	vmul.f32 v62, v16;
	v16 =	vbroadcast v41, $0x7  }
0x435: {  	v22 =	vadd.f32 v22, v25;
	v59 =	vld [tilespmem:s19+$0xC470];
	v62 =	vbroadcast v41, $0x8;
	v25 =	vmul.f32 v55, v63  }
0x436: {  	v27 =	vadd.f32 v27, v56;
	v56 =	vld [tilespmem:s19+$0xC460];
	v16 =	vmul.f32 v61, v16;
	v61 =	vbroadcast v41, $0xA  }
0x437: {  	v2 =	vadd.f32 v35, v2;
	v21 =	vmul.f32 v21, v62;
	v62 =	vbroadcast v41, $0xB  }
0x438: {  	v3 =	vadd.f32 v32, v3;
	v63 =	vbroadcast v41, $0xE;
	v33 =	vmul.f32 v54, v61  }
0x439: {  	v12 =	vadd.f32 v12, v30;
	v61 =	vmul.f32 v51, v62;
	v62 =	vbroadcast v41, $0xD  }
0x43a: {  	v6 =	vadd.f32 v6, v8;
	v8 =	vadd.f32 v16, v18;
	v16 =	vmul.f32 v59, v26  }
0x43b: {  	v14 =	vadd.f32 v14, v36;
	v41 =	vmul.f32 v56, v63;
	v43 =	vmul.f32 v58, v62  }
0x43c: {  	v18 =	vadd.f32 v42, v21;
	v21 =	vadd.f32 v61, v33  }
0x43d: {  	v16 =	vadd.f32 v16, v41;
	v25 =	vadd.f32 v43, v25  }
0x43e: {  	v12 =	vadd.f32 v14, v12;
	v6 =	vadd.f32 v8, v6  }
0x43f: {  	v8 =	vadd.f32 v21, v18;
	v14 =	vadd.f32 v16, v25  }
0x440: {  	v2 =	vadd.f32 v3, v2;
	v1 =	vadd.f32 v1, v22  }
0x441: {  	v3 =	vadd.f32 v6, v12;
	v6 =	vadd.f32 v14, v8  }
0x442: {  	v0 =	vadd.f32 v0, v50;
	v1 =	vadd.f32 v1, v2  }
0x443: {  	v8 =	vadd.f32 v27, v37;
	v3 =	vadd.f32 v6, v3  }
0x444: {  	v5 =	vadd.f32 v5, v7;
	v2 =	vadd.f32 v9, v39  }
0x445: {  	v0 =	vadd.f32 v8, v0;
	v1 =	vadd.f32 v1, v3  }
0x446: {  	v6 =	vadd.f32 v11, v13;
	v3 =	vadd.f32 v15, v17  }
0x447: {  	v0 =	vadd.f32 v0, v1;
	v1 =	vadd.f32 v5, v2  }
0x448: {  	v2 =	vadd.f32 v23, v24;
	v5 =	vadd.f32 v20, v19  }
0x449: {  	v0 =	vadd.f32 v1, v0;
	v1 =	vadd.f32 v6, v3  }
0x44a: {  	v3 =	vadd.f32 v40, v38;
	v6 =	vadd.f32 v34, v31  }
0x44b: {  	v0 =	vadd.f32 v1, v0;
	v1 =	vadd.f32 v5, v2  }
0x44c: {  	v4 =	vadd.f32 v4, v60;
	v2 =	vadd.f32 v57, v10  }
0x44d: {  	v0 =	vadd.f32 v1, v0;
	v1 =	vadd.f32 v6, v3  }
0x44e: {  	v5 =	vadd.f32 v53, v52;
	v3 =	vadd.f32 v46, v45  }
0x44f: {  	v0 =	vadd.f32 v1, v0;
	v1 =	vadd.f32 v4, v2;
	_ =	sdelay $0x1  }
0x450: {  	v0 =	vadd.f32 v1, v0;
	v1 =	vadd.f32 v5, v3;
	v3 =	vld [tilespmem:$0x1F0C0]  }
0x451: {  	v5 =	vld [tilespmem:$0x1F0D0]  }
0x452: {  	v2 =	vadd.f32 v44, v47;
	v4 =	vadd.f32 v28, v29;
	_ =	sdelay $0x1  }
0x453: {  	v0 =	vadd.f32 v1, v0;
	v1 =	vadd.f32 v4, v2;
	v2 =	vld [tilespmem:$0x1F0E0]  }
0x454: {  	v4 =	vld [tilespmem:$0x1F0F0]  }
0x455: {  	v3 =	vadd.f32 v5, v3;
	v5 =	vadd.f32 v48, v49  }
0x456: {  	v6 =	vld [tilespmem:$0x1F110]  }
0x457: {  	v0 =	vadd.f32 v1, v0;
	v1 =	vadd.f32 v5, v3;
	v3 =	vld [tilespmem:$0x1F120]  }
0x458: {  	v5 =	vld [tilespmem:$0x1F130]  }
0x459: {  	v2 =	vadd.f32 v4, v2;
	v4 =	vld [tilespmem:$0x1F100];
	_ =	sdelay $0x3  }
0x45a: {  	v3 =	vadd.f32 v5, v3;
	v5 =	vld [tilespmem:$0x1F140]  }
0x45b: {  	v4 =	vadd.f32 v6, v4;
	v6 =	vld [tilespmem:$0x1F150];
	_ =	sdelay $0x2  }
0x45c: {  	v0 =	vadd.f32 v1, v0;
	v1 =	vadd.f32 v4, v2;
	v2 =	vld [tilespmem:$0x1F160]  }
0x45d: {  	v4 =	vld [tilespmem:$0x1F170]  }
0x45e: {  	v5 =	vadd.f32 v6, v5  }
0x45f: {  	v6 =	vld [tilespmem:$0x1F190]  }
0x460: {  	v0 =	vadd.f32 v1, v0;
	v1 =	vadd.f32 v5, v3;
	v3 =	vld [tilespmem:$0x1F1A0]  }
0x461: {  	v5 =	vld [tilespmem:$0x1F1B0]  }
0x462: {  	v2 =	vadd.f32 v4, v2;
	v4 =	vld [tilespmem:$0x1F180];
	_ =	sdelay $0x3  }
0x463: {  	v3 =	vadd.f32 v5, v3;
	v5 =	vld [tilespmem:$0x1F1C0]  }
0x464: {  	v4 =	vadd.f32 v6, v4;
	v6 =	vld [tilespmem:$0x1F1D0];
	_ =	sdelay $0x3  }
0x465: {  	v0 =	vadd.f32 v1, v0  }
0x466: {  	s20 =	sand.u32 $0x380, s14;
	v1 =	vadd.f32 v4, v2;
	v5 =	vadd.f32 v6, v5  }
0x467: {  	s2 =	sadd.s32 s20, s15  }
0x468: {  	s15 =	simm.s32 $0x1;
	[dreg:$0x3] =	wrdreg s2;
	v0 =	vadd.f32 v1, v0;
	v1 =	vadd.f32 v5, v3  }
0x469: {  	s22 =	sand.u32 $0x400, s11;
	s21 =	sand.u32 $0x7, s15;
	s2 =	rddreg [dreg:$0x3]  }
0x46a: {  	s23 =	sand.u32 $0x70, s11;
	s16 =	sshll.u32 s21, $0x7;
	s2 =	sadd.s32 s22, s2;
	v0 =	vadd.f32 v1, v0  }
0x46b: {  	s16 =	sadd.s32 $0x800, s16;
	s2 =	sadd.s32 s23, s2  }
0x46c: {  	s24 =	sor.u32 $0x3C00, s16;
	[tilespmem:s2+$0x0] =	vst v0  }
0x46d: {  	s17 =	sor.u32 $0x3C10, s16;
	v0 =	vld [tilespmem:s24+$0xC000]  }
0x46e: {  	v1 =	vld [tilespmem:s17+$0xC000]  }
0x46f: {  	s18 =	sor.u32 $0x3C20, s16;
	v7 =	vld [tilespmem:s14+$0x2070]  }
0x470: {  	s19 =	sor.u32 $0x3C30, s16;
	v2 =	vld [tilespmem:s18+$0xC000]  }
0x471: {  	s20 =	sor.u32 $0x3C40, s16;
	v3 =	vld [tilespmem:s19+$0xC000]  }
0x472: {  	s21 =	sor.u32 $0x3C50, s16;
	v4 =	vld [tilespmem:s20+$0xC000]  }
0x473: {  	s22 =	sor.u32 $0x3C60, s16;
	v5 =	vld [tilespmem:s21+$0xC000]  }
0x474: {  	s23 =	sor.u32 $0x3C70, s16;
	v6 =	vld [tilespmem:s22+$0xC000];
	v10 =	vbroadcast v7, $0x8;
	v11 =	vbroadcast v7, $0x9  }
0x475: {  	s24 =	sor.u32 $0x3800, s16;
	v8 =	vld [tilespmem:s23+$0xC000];
	v12 =	vbroadcast v7, $0xA;
	v13 =	vbroadcast v7, $0xB  }
0x476: {  	s17 =	sor.u32 $0x3810, s16;
	v9 =	vld [tilespmem:s24+$0xC000];
	v15 =	vbroadcast v7, $0xC;
	v16 =	vbroadcast v7, $0xD  }
0x477: {  	s18 =	sor.u32 $0x3820, s16;
	v14 =	vld [tilespmem:s17+$0xC000];
	v24 =	vbroadcast v7, $0xE;
	v25 =	vbroadcast v7, $0xF  }
0x478: {  	s19 =	sor.u32 $0x3830, s16;
	v19 =	vld [tilespmem:s18+$0xC000];
	v26 =	vbroadcast v7, $0x0;
	v28 =	vbroadcast v7, $0x1  }
0x479: {  	s20 =	sor.u32 $0x3840, s16;
	v20 =	vld [tilespmem:s19+$0xC000];
	v43 =	vbroadcast v7, $0x2;
	v44 =	vbroadcast v7, $0x3  }
0x47a: {  	s21 =	sor.u32 $0x3850, s16;
	v21 =	vld [tilespmem:s20+$0xC000];
	v45 =	vbroadcast v7, $0x4;
	v46 =	vbroadcast v7, $0x5  }
0x47b: {  	s2 =	simm.s32 $0x80;
	s22 =	simm.s32 $0x800;
	v22 =	vld [tilespmem:s21+$0xC000];
	s24 =	sor.u32 $0x3870, s16;
	v47 =	vbroadcast v7, $0x6;
	v7 =	vbroadcast v7, $0x7  }
0x47c: {  	s23 =	sor.u32 $0x3860, s16;
	s18 =	sand.u32 $0x4000, s22;
	s19 =	sand.u32 $0x380, s2;
	v27 =	vld [tilespmem:s24+$0xC000];
	v0 =	vmul.f32 v0, v10;
	v18 =	vmul.f32 v1, v11  }
0x47d: {  	v23 =	vld [tilespmem:s23+$0xC000];
	s16 =	sor.u32 s19, s18;
	v1 =	vmul.f32 v2, v12;
	v2 =	vmul.f32 v4, v15  }
0x47e: {  	v29 =	vld [tilespmem:s16+$0xF400];
	v17 =	vmul.f32 v3, v13;
	v16 =	vmul.f32 v5, v16  }
0x47f: {  	v3 =	vmul.f32 v6, v24;
	v4 =	vmul.f32 v26, v9;
	[tilespmem:$0x1F220] =	vst v2;
	v2 =	vld [tilespmem:s14+$0x2060]  }
0x480: {  	v32 =	vld [tilespmem:s16+$0xF410];
	v5 =	vmul.f32 v19, v43;
	v51 =	vmul.f32 v21, v45  }
0x481: {  	v35 =	vld [tilespmem:s16+$0xF420];
	v6 =	vmul.f32 v22, v46;
	v7 =	vmul.f32 v27, v7;
	[tilespmem:$0x1F240] =	vst v3  }
0x482: {  	v37 =	vld [tilespmem:s16+$0xF430];
	v3 =	vmul.f32 v8, v25;
	[tilespmem:$0x1F270] =	vst v4;
	v4 =	vmul.f32 v14, v28  }
0x483: {  	v52 =	vld [tilespmem:s16+$0xF040];
	[tilespmem:$0x1F2A0] =	vst v5;
	v5 =	vmul.f32 v20, v44;
	v25 =	vmul.f32 v23, v47  }
0x484: {  	v53 =	vld [tilespmem:s16+$0xF050];
	v8 =	vbroadcast v2, $0x8;
	v9 =	vbroadcast v2, $0x9  }
0x485: {  	v55 =	vld [tilespmem:s16+$0xF060];
	v20 =	vbroadcast v2, $0xA;
	v21 =	vbroadcast v2, $0xB  }
0x486: {  	[tilespmem:$0x1F1E0] =	vst v0;
	v0 =	vld [tilespmem:s16+$0xF440];
	v22 =	vbroadcast v2, $0xC;
	v23 =	vbroadcast v2, $0xD  }
0x487: {  	v58 =	vld [tilespmem:s16+$0xF070];
	v24 =	vbroadcast v2, $0xE;
	v26 =	vbroadcast v2, $0xF  }
0x488: {  	[tilespmem:$0x1F200] =	vst v1;
	v1 =	vld [tilespmem:s16+$0xF450];
	v54 =	vbroadcast v2, $0x0;
	v56 =	vbroadcast v2, $0x1  }
0x489: {  	v49 =	vld [tilespmem:s16+$0xEC20];
	[tilespmem:$0x1F2D0] =	vst v6;
	v57 =	vbroadcast v2, $0x2;
	v59 =	vbroadcast v2, $0x3  }
0x48a: {  	[tilespmem:$0x1F250] =	vst v3;
	v3 =	vld [tilespmem:s16+$0xF460];
	v60 =	vbroadcast v2, $0x4;
	v61 =	vbroadcast v2, $0x5  }
0x48b: {  	v38 =	vld [tilespmem:s16+$0xE830];
	[tilespmem:$0x1F280] =	vst v4;
	v62 =	vbroadcast v2, $0x6;
	v0 =	vmul.f32 v0, v22  }
0x48c: {  	v4 =	vld [tilespmem:s16+$0xF470];
	[tilespmem:$0x1F2B0] =	vst v5;
	v63 =	vbroadcast v2, $0x7;
	v2 =	vmul.f32 v29, v8  }
0x48d: {  	v27 =	vmul.f32 v32, v9;
	v32 =	vld [tilespmem:s14+$0x2050];
	[tilespmem:$0x1F360] =	vst v0;
	v0 =	vmul.f32 v1, v23  }
0x48e: {  	v5 =	vld [tilespmem:s16+$0xF000];
	[tilespmem:$0x1F310] =	vst v2;
	v2 =	vmul.f32 v35, v20  }
0x48f: {  	v42 =	vld [tilespmem:s16+$0xE840];
	[tilespmem:$0x1F370] =	vst v0;
	v0 =	vmul.f32 v3, v24  }
0x490: {  	v6 =	vld [tilespmem:s16+$0xF010];
	[tilespmem:$0x1F330] =	vst v2  }
0x491: {  	v19 =	vld [tilespmem:s16+$0xF030];
	v2 =	vmul.f32 v37, v21;
	[tilespmem:$0x1F390] =	vst v0;
	v0 =	vmul.f32 v4, v26  }
0x492: {  	[tilespmem:$0x1F2F0] =	vst v7;
	v7 =	vld [tilespmem:s16+$0xF020];
	v21 =	vmul.f32 v55, v62;
	v31 =	vbroadcast v32, $0x8  }
0x493: {  	v43 =	vld [tilespmem:s16+$0xEC00];
	v34 =	vbroadcast v32, $0x9;
	[tilespmem:$0x1F3A0] =	vst v0;
	v0 =	vmul.f32 v54, v5  }
0x494: {  	v46 =	vld [tilespmem:s16+$0xEC10];
	v36 =	vbroadcast v32, $0xA;
	v37 =	vbroadcast v32, $0xB  }
0x495: {  	v13 =	vld [tilespmem:s16+$0xE070];
	v40 =	vbroadcast v32, $0xC;
	[tilespmem:$0x1F3C0] =	vst v0;
	v0 =	vmul.f32 v6, v56  }
0x496: {  	v3 =	vld [tilespmem:s16+$0xEC50];
	v41 =	vbroadcast v32, $0xD;
	v45 =	vbroadcast v32, $0xE  }
0x497: {  	v8 =	vld [tilespmem:s16+$0xEC30];
	v50 =	vbroadcast v32, $0xF;
	[tilespmem:$0x1F3D0] =	vst v0;
	v0 =	vmul.f32 v7, v57  }
0x498: {  	v9 =	vld [tilespmem:s16+$0xEC40];
	v55 =	vbroadcast v32, $0x2;
	v39 =	vbroadcast v32, $0x6  }
0x499: {  	v35 =	vld [tilespmem:s16+$0xE820];
	v48 =	vbroadcast v32, $0x7;
	[tilespmem:$0x1F3F0] =	vst v0;
	v0 =	vmul.f32 v19, v59  }
0x49a: {  	v4 =	vld [tilespmem:s16+$0xEC60];
	v26 =	vmul.f32 v52, v60;
	v52 =	vbroadcast v32, $0x0  }
0x49b: {  	v20 =	vmul.f32 v3, v41;
	v3 =	vld [tilespmem:s14+$0x2040];
	[tilespmem:$0x1F400] =	vst v0;
	v0 =	vmul.f32 v53, v61  }
0x49c: {  	v60 =	vbroadcast v32, $0x5;
	v28 =	vmul.f32 v43, v31;
	v6 =	vld [tilespmem:s16+$0xE800]  }
0x49d: {  	v47 =	vmul.f32 v46, v34;
	v46 =	vld [tilespmem:s16+$0xE410];
	[tilespmem:$0x1F420] =	vst v0;
	v0 =	vmul.f32 v58, v63  }
0x49e: {  	v43 =	vmul.f32 v49, v36;
	v22 =	vmul.f32 v9, v40;
	v5 =	vld [tilespmem:s16+$0xEC70]  }
0x49f: {  	v54 =	vbroadcast v32, $0x1;
	v7 =	vld [tilespmem:s16+$0xE810];
	[tilespmem:$0x1F440] =	vst v0;
	v0 =	vmul.f32 v4, v45  }
0x4a0: {  	v41 =	vld [tilespmem:s16+$0xE020];
	v57 =	vbroadcast v32, $0x3;
	v19 =	vmul.f32 v8, v37  }
0x4a1: {  	v8 =	vld [tilespmem:s16+$0xE430];
	v36 =	vbroadcast v3, $0x8;
	[tilespmem:$0x1F490] =	vst v0;
	v0 =	vmul.f32 v52, v6  }
0x4a2: {  	v37 =	vbroadcast v3, $0x9;
	v53 =	vld [tilespmem:s16+$0xE850];
	v58 =	vbroadcast v32, $0x4  }
0x4a3: {  	v32 =	vmul.f32 v5, v50;
	v5 =	vld [tilespmem:s16+$0xE450];
	[tilespmem:$0x1F4B0] =	vst v0;
	v0 =	vmul.f32 v35, v55  }
0x4a4: {  	v40 =	vbroadcast v3, $0xB;
	v23 =	vmul.f32 v7, v54;
	v7 =	vld [tilespmem:s16+$0xE470]  }
0x4a5: {  	v44 =	vbroadcast v3, $0xC;
	v4 =	vld [tilespmem:s16+$0xE440];
	[tilespmem:$0x1F4D0] =	vst v0;
	v0 =	vmul.f32 v38, v57  }
0x4a6: {  	v56 =	vld [tilespmem:s16+$0xE860];
	v29 =	vmul.f32 v46, v37;
	v46 =	vbroadcast v3, $0xD  }
0x4a7: {  	v33 =	vmul.f32 v8, v40;
	v6 =	vld [tilespmem:s16+$0xE460];
	[tilespmem:$0x1F4E0] =	vst v0;
	v0 =	vmul.f32 v42, v58  }
0x4a8: {  	v59 =	vld [tilespmem:s16+$0xE870];
	v54 =	vmul.f32 v5, v46;
	v5 =	vbroadcast v3, $0xF  }
0x4a9: {  	v9 =	vld [tilespmem:s16+$0xE000];
	v8 =	vbroadcast v3, $0xE;
	[tilespmem:$0x1F500] =	vst v0;
	v0 =	vmul.f32 v53, v60  }
0x4aa: {  	v61 =	vld [tilespmem:s16+$0xE400];
	v24 =	vmul.f32 v4, v44;
	v57 =	vmul.f32 v7, v5  }
0x4ab: {  	v63 =	vld [tilespmem:s16+$0xE420];
	v5 =	vbroadcast v3, $0x2;
	[tilespmem:$0x1F510] =	vst v0;
	v0 =	vmul.f32 v56, v39  }
0x4ac: {  	v45 =	vld [tilespmem:s16+$0xE030];
	v30 =	vmul.f32 v6, v8;
	v8 =	vbroadcast v3, $0x0  }
0x4ad: {  	v38 =	vld [tilespmem:s16+$0xE010];
	v55 =	vmul.f32 v41, v5;
	[tilespmem:$0x1F530] =	vst v0;
	v0 =	vmul.f32 v59, v48  }
0x4ae: {  	v49 =	vld [tilespmem:s16+$0xE050];
	v5 =	vbroadcast v3, $0x3;
	v39 =	vbroadcast v3, $0xA  }
0x4af: {  	v56 =	vmul.f32 v8, v9;
	v48 =	vld [tilespmem:s16+$0xE040];
	[tilespmem:$0x1F540] =	vst v0;
	v0 =	vmul.f32 v61, v36  }
0x4b0: {  	v4 =	vld [tilespmem:s16+$0xE060];
	v8 =	vbroadcast v3, $0x4;
	v61 =	vbroadcast v3, $0x1  }
0x4b1: {  	v9 =	vbroadcast v3, $0x5;
	v31 =	vmul.f32 v63, v39;
	[tilespmem:$0x1F560] =	vst v0;
	v0 =	vld [tilespmem:s14+$0x2030]  }
0x4b2: {  	v12 =	vld [tilespmem:s16+$0xDC00];
	v58 =	vmul.f32 v38, v61;
	v61 =	vmul.f32 v45, v5  }
0x4b3: {  	v11 =	vld [tilespmem:s16+$0xDC10];
	v5 =	vbroadcast v3, $0x6;
	v3 =	vbroadcast v3, $0x7  }
0x4b4: {  	v7 =	vld [tilespmem:s16+$0xDC20];
	v62 =	vmul.f32 v49, v9;
	v60 =	vmul.f32 v48, v8  }
0x4b5: {  	[tilespmem:$0x1F340] =	vst v2;
	v2 =	vld [tilespmem:s16+$0xDC50];
	v59 =	vmul.f32 v4, v5;
	v34 =	vmul.f32 v13, v3  }
0x4b6: {  	v10 =	vld [tilespmem:s16+$0xDC30];
	v4 =	vbroadcast v0, $0x8;
	v5 =	vbroadcast v0, $0x9  }
0x4b7: {  	v6 =	vld [tilespmem:s16+$0xDC40];
	v3 =	vbroadcast v0, $0xA;
	v9 =	vbroadcast v0, $0xD  }
0x4b8: {  	v1 =	vld [tilespmem:s16+$0xDC60];
	v35 =	vmul.f32 v12, v4;
	v63 =	vmul.f32 v11, v5  }
0x4b9: {  	v12 =	vld [tilespmem:s16+$0xD810];
	v48 =	vmul.f32 v7, v3;
	v3 =	vbroadcast v0, $0xB  }
0x4ba: {  	v8 =	vld [tilespmem:s16+$0xDC70];
	v5 =	vbroadcast v0, $0xC;
	v37 =	vmul.f32 v2, v9  }
0x4bb: {  	v13 =	vld [tilespmem:s16+$0xD800];
	v36 =	vmul.f32 v10, v3;
	v10 =	vbroadcast v0, $0xE  }
0x4bc: {  	v4 =	vld [tilespmem:s16+$0xD820];
	v2 =	vbroadcast v0, $0x1;
	v50 =	vmul.f32 v6, v5  }
0x4bd: {  	v5 =	vld [tilespmem:$0x1F1E0];
	v53 =	vmul.f32 v1, v10;
	v1 =	vbroadcast v0, $0xF  }
0x4be: {  	v7 =	vld [tilespmem:s16+$0xD830];
	v39 =	vmul.f32 v12, v2  }
0x4bf: {  	v2 =	vld [tilespmem:$0x1F220];
	v38 =	vmul.f32 v8, v1;
	v1 =	vbroadcast v0, $0x2  }
0x4c0: {  	v10 =	vld [tilespmem:s16+$0xD860]  }
0x4c1: {  	v9 =	vld [tilespmem:s16+$0xD870];
	v49 =	vmul.f32 v4, v1;
	v1 =	vbroadcast v0, $0x3  }
0x4c2: {  	v11 =	vbroadcast v0, $0x0;
	v5 =	vadd.f32 v18, v5;
	v18 =	vbroadcast v0, $0x5  }
0x4c3: {  	v12 =	vld [tilespmem:$0x1F340];
	v40 =	vmul.f32 v7, v1;
	v1 =	vbroadcast v0, $0x6  }
0x4c4: {  	[tilespmem:$0x1F1F0] =	vst v5;
	v5 =	vld [tilespmem:$0x1F200];
	v2 =	vadd.f32 v16, v2;
	v16 =	vbroadcast v0, $0x4;
	v0 =	vbroadcast v0, $0x7  }
0x4c5: {  	v42 =	vmul.f32 v10, v1;
	v1 =	vld [tilespmem:$0x1F2F0]  }
0x4c6: {  	v41 =	vmul.f32 v11, v13;
	v11 =	vmul.f32 v9, v0;
	v9 =	vld [tilespmem:$0x1F330]  }
0x4c7: {  	v4 =	vld [tilespmem:s14+$0x2020];
	_ =	sdelay $0x1  }
0x4c8: {  	v8 =	vld [tilespmem:s16+$0xD410];
	v5 =	vadd.f32 v17, v5  }
0x4c9: {  	[tilespmem:$0x1F230] =	vst v2;
	v1 =	vadd.f32 v1, v25  }
0x4ca: {  	v2 =	vld [tilespmem:$0x1F240];
	[tilespmem:$0x1F210] =	vst v5;
	v9 =	vadd.f32 v12, v9  }
0x4cb: {  	v5 =	vld [tilespmem:$0x1F250];
	[tilespmem:$0x1F300] =	vst v1;
	v1 =	vbroadcast v4, $0x9  }
0x4cc: {  	[tilespmem:$0x1F350] =	vst v9;
	v9 =	vld [tilespmem:$0x1F370]  }
0x4cd: {  	v45 =	vmul.f32 v8, v1;
	v8 =	vld [tilespmem:$0x1F360];
	_ =	sdelay $0x1  }
0x4ce: {  	v6 =	vld [tilespmem:$0x1F280]  }
0x4cf: {  	v2 =	vadd.f32 v5, v2;
	v5 =	vld [tilespmem:$0x1F270];
	_ =	sdelay $0x1  }
0x4d0: {  	v8 =	vadd.f32 v9, v8  }
0x4d1: {  	v9 =	vld [tilespmem:$0x1F3A0]  }
0x4d2: {  	[tilespmem:$0x1F380] =	vst v8;
	v8 =	vld [tilespmem:$0x1F390]  }
0x4d3: {  	v5 =	vadd.f32 v6, v5  }
0x4d4: {  	v6 =	vld [tilespmem:$0x1F2B0]  }
0x4d5: {  	[tilespmem:$0x1F290] =	vst v5;
	v5 =	vld [tilespmem:$0x1F2A0]  }
0x4d6: {  	v12 =	vld [tilespmem:$0x1F3D0]  }
0x4d7: {  	v8 =	vadd.f32 v9, v8;
	v9 =	vld [tilespmem:$0x1F3C0];
	_ =	sdelay $0x1  }
0x4d8: {  	v14 =	vld [tilespmem:s16+$0xD840]  }
0x4d9: {  	v5 =	vadd.f32 v6, v5;
	v6 =	vld [tilespmem:s16+$0xD440]  }
0x4da: {  	v3 =	vld [tilespmem:s16+$0xD850]  }
0x4db: {  	v0 =	vld [tilespmem:$0x1F310];
	v9 =	vadd.f32 v12, v9  }
0x4dc: {  	[tilespmem:$0x1F3B0] =	vst v8;
	v8 =	vbroadcast v4, $0xC;
	v12 =	vld [tilespmem:$0x1F400]  }
0x4dd: {  	[tilespmem:$0x1F3E0] =	vst v9;
	v9 =	vld [tilespmem:$0x1F3F0]  }
0x4de: {  	v52 =	vmul.f32 v6, v8;
	v6 =	vld [tilespmem:$0x1F420]  }
0x4df: {  	[tilespmem:$0x1F260] =	vst v2;
	v2 =	vld [tilespmem:s16+$0xD420]  }
0x4e0: {  	v0 =	vadd.f32 v27, v0  }
0x4e1: {  	v15 =	vld [tilespmem:s16+$0xD400];
	v17 =	vmul.f32 v14, v16  }
0x4e2: {  	v16 =	vmul.f32 v3, v18;
	v3 =	vld [tilespmem:$0x1F2D0];
	[tilespmem:$0x1F320] =	vst v0;
	v0 =	vbroadcast v4, $0xA;
	v9 =	vadd.f32 v12, v9  }
0x4e3: {  	v7 =	vld [tilespmem:s16+$0xD430];
	v6 =	vadd.f32 v6, v26  }
0x4e4: {  	v10 =	vbroadcast v4, $0x8;
	v44 =	vmul.f32 v2, v0;
	v2 =	vld [tilespmem:s16+$0xD010];
	[tilespmem:$0x1F410] =	vst v9;
	v9 =	vadd.f32 v47, v28  }
0x4e5: {  	[tilespmem:$0x1F430] =	vst v6;
	v6 =	vld [tilespmem:$0x1F440]  }
0x4e6: {  	v46 =	vmul.f32 v15, v10;
	v15 =	vld [tilespmem:s16+$0xD020];
	[tilespmem:$0x1F460] =	vst v9;
	v9 =	vadd.f32 v19, v43  }
0x4e7: {  	v27 =	vld [tilespmem:s16+$0xD470];
	v3 =	vadd.f32 v3, v51  }
0x4e8: {  	v8 =	vbroadcast v4, $0x1;
	[tilespmem:$0x1F470] =	vst v9;
	v9 =	vld [tilespmem:$0x1F4B0]  }
0x4e9: {  	[tilespmem:$0x1F2E0] =	vst v3;
	v3 =	vld [tilespmem:s16+$0xD460];
	v0 =	vbroadcast v4, $0xB  }
0x4ea: {  	[tilespmem:$0x1F2C0] =	vst v5;
	v5 =	vld [tilespmem:s16+$0xD450];
	v6 =	vadd.f32 v6, v21;
	v21 =	vmul.f32 v2, v8;
	v2 =	vadd.f32 v20, v22  }
0x4eb: {  	v1 =	vld [tilespmem:s16+$0xD000]  }
0x4ec: {  	v18 =	vmul.f32 v7, v0;
	v0 =	vbroadcast v4, $0xE;
	[tilespmem:$0x1F480] =	vst v2;
	v2 =	vld [tilespmem:$0x1F490]  }
0x4ed: {  	v10 =	vbroadcast v4, $0xD;
	v7 =	vld [tilespmem:s16+$0xD030];
	v9 =	vadd.f32 v23, v9  }
0x4ee: {  	v26 =	vmul.f32 v3, v0;
	v0 =	vbroadcast v4, $0xF;
	v12 =	vld [tilespmem:$0x1F4E0]  }
0x4ef: {  	v51 =	vmul.f32 v5, v10;
	[tilespmem:$0x1F4C0] =	vst v9;
	v9 =	vld [tilespmem:$0x1F4D0]  }
0x4f0: {  	v5 =	vld [tilespmem:s16+$0xD040];
	v27 =	vmul.f32 v27, v0;
	v0 =	vbroadcast v4, $0x2  }
0x4f1: {  	v3 =	vld [tilespmem:s16+$0xD050];
	v2 =	vadd.f32 v32, v2  }
0x4f2: {  	v25 =	vmul.f32 v15, v0;
	[tilespmem:$0x1F450] =	vst v6;
	v6 =	vbroadcast v4, $0x0  }
0x4f3: {  	v10 =	vld [tilespmem:s16+$0xD060];
	v0 =	vbroadcast v4, $0x3;
	[tilespmem:$0x1F4A0] =	vst v2;
	v2 =	vbroadcast v4, $0x4  }
0x4f4: {  	v28 =	vld [tilespmem:s16+$0xD070];
	v47 =	vmul.f32 v6, v1;
	v6 =	vbroadcast v4, $0x5;
	v9 =	vadd.f32 v12, v9  }
0x4f5: {  	v20 =	vmul.f32 v7, v0;
	v19 =	vmul.f32 v5, v2;
	v5 =	vld [tilespmem:$0x1F510]  }
0x4f6: {  	v0 =	vbroadcast v4, $0x6;
	[tilespmem:$0x1F4F0] =	vst v9;
	v9 =	vmul.f32 v3, v6;
	v3 =	vld [tilespmem:$0x1F500];
	_ =	sdelay $0x1  }
0x4f7: {  	v23 =	vmul.f32 v10, v0;
	v0 =	vbroadcast v4, $0x7  }
0x4f8: {  	v4 =	vld [tilespmem:$0x1F530]  }
0x4f9: {  	v12 =	vmul.f32 v28, v0;
	v0 =	vld [tilespmem:$0x1F560]  }
0x4fa: {  	v3 =	vadd.f32 v5, v3;
	v5 =	vld [tilespmem:$0x1F540]  }
0x4fb: {  	v43 =	vld [tilespmem:s14+$0x2010]  }
0x4fc: {  	v8 =	vld [tilespmem:s16+$0xCC10]  }
0x4fd: {  	v7 =	vld [tilespmem:s16+$0xCC20]  }
0x4fe: {  	v1 =	vld [tilespmem:s16+$0xCC00];
	v0 =	vadd.f32 v29, v0  }
0x4ff: {  	v4 =	vadd.f32 v5, v4  }
0x500: {  	v2 =	vld [tilespmem:s16+$0xCC30];
	[tilespmem:$0x1F570] =	vst v0;
	v5 =	vbroadcast v43, $0x9  }
0x501: {  	v6 =	vld [tilespmem:s16+$0xCC50];
	v0 =	vbroadcast v43, $0xA;
	[tilespmem:$0x1F550] =	vst v4;
	v4 =	vbroadcast v43, $0x8  }
0x502: {  	v33 =	vadd.f32 v33, v31;
	v31 =	vld [tilespmem:s16+$0xC820];
	v13 =	vmul.f32 v8, v5  }
0x503: {  	[tilespmem:$0x1F520] =	vst v3;
	v3 =	vld [tilespmem:s16+$0xCC40];
	v22 =	vmul.f32 v1, v4;
	v1 =	vadd.f32 v54, v24;
	v24 =	vmul.f32 v7, v0  }
0x504: {  	v14 =	vadd.f32 v58, v56;
	v5 =	vld [tilespmem:s16+$0xC800];
	v0 =	vbroadcast v43, $0xB;
	v7 =	vbroadcast v43, $0xD  }
0x505: {  	v34 =	vadd.f32 v34, v59;
	v10 =	vld [tilespmem:s16+$0xCC60];
	[tilespmem:$0x1F580] =	vst v1;
	v1 =	vadd.f32 v57, v30  }
0x506: {  	v36 =	vadd.f32 v36, v48;
	[tilespmem:$0x1F5A0] =	vst v14;
	v8 =	vld [tilespmem:s16+$0xC810];
	v14 =	vmul.f32 v2, v0;
	v2 =	vmul.f32 v6, v7  }
0x507: {  	v4 =	vld [tilespmem:s16+$0xCC70];
	v0 =	vadd.f32 v61, v55;
	v7 =	vbroadcast v43, $0x0;
	[tilespmem:$0x1F590] =	vst v1;
	v1 =	vbroadcast v43, $0xC  }
0x508: {  	v38 =	vadd.f32 v38, v53;
	v15 =	vbroadcast v43, $0xE;
	v6 =	vld [tilespmem:s16+$0xC830];
	v30 =	vbroadcast v43, $0x4  }
0x509: {  	v53 =	vld [tilespmem:s16+$0xC070];
	[tilespmem:$0x1F5B0] =	vst v0;
	v48 =	vmul.f32 v7, v5;
	v0 =	vmul.f32 v3, v1;
	v1 =	vadd.f32 v62, v60  }
0x50a: {  	v35 =	vadd.f32 v63, v35;
	v5 =	vbroadcast v43, $0x3;
	v3 =	vbroadcast v43, $0xF;
	v60 =	vld [tilespmem:s14+$0x2000]  }
0x50b: {  	v39 =	vadd.f32 v39, v41;
	v56 =	vld [tilespmem:s16+$0xC850];
	v62 =	vbroadcast v43, $0x1;
	[tilespmem:$0x1F5C0] =	vst v1;
	v1 =	vmul.f32 v10, v15  }
0x50c: {  	v41 =	vadd.f32 v16, v17;
	v17 =	vld [tilespmem:s16+$0xC020];
	v15 =	vmul.f32 v4, v3;
	v3 =	vbroadcast v43, $0x2  }
0x50d: {  	v37 =	vadd.f32 v37, v50;
	v16 =	vld [tilespmem:s16+$0xC030];
	v7 =	vmul.f32 v8, v62;
	v8 =	vmul.f32 v6, v5  }
0x50e: {  	v44 =	vadd.f32 v18, v44;
	v32 =	vld [tilespmem:s16+$0xC000];
	v6 =	vbroadcast v43, $0x6;
	v3 =	vmul.f32 v31, v3  }
0x50f: {  	v47 =	vadd.f32 v21, v47;
	v10 =	vld [tilespmem:s16+$0xC840];
	v31 =	vbroadcast v43, $0x5;
	v62 =	vbroadcast v60, $0x0  }
0x510: {  	v12 =	vadd.f32 v12, v23;
	v4 =	vld [tilespmem:s16+$0xC860];
	v63 =	vbroadcast v60, $0x1;
	v57 =	vbroadcast v60, $0x4  }
0x511: {  	v9 =	vadd.f32 v9, v19;
	v61 =	vld [tilespmem:s16+$0xC010];
	v58 =	vbroadcast v60, $0x5;
	v59 =	vbroadcast v60, $0x6  }
0x512: {  	v18 =	vld [tilespmem:s16+$0xC040];
	v13 =	vadd.f32 v13, v22;
	v19 =	vbroadcast v60, $0xA;
	v22 =	vbroadcast v60, $0xC  }
0x513: {  	v21 =	vld [tilespmem:s16+$0xC410];
	v14 =	vadd.f32 v14, v24;
	v23 =	vbroadcast v60, $0xD;
	v24 =	vbroadcast v60, $0xE  }
0x514: {  	v40 =	vadd.f32 v40, v49;
	v55 =	vld [tilespmem:s16+$0xC870];
	v5 =	vmul.f32 v10, v30;
	v10 =	vmul.f32 v56, v31  }
0x515: {  	v54 =	vld [tilespmem:s16+$0xC400];
	v6 =	vmul.f32 v4, v6;
	v4 =	vbroadcast v43, $0x7;
	v43 =	vadd.f32 v45, v46  }
0x516: {  	v45 =	vadd.f32 v51, v52;
	v49 =	vmul.f32 v62, v32;
	v50 =	vmul.f32 v61, v63;
	v51 =	vld [tilespmem:s16+$0xC050]  }
0x517: {  	v56 =	vbroadcast v60, $0x3;
	v52 =	vld [tilespmem:s16+$0xC060];
	v61 =	vbroadcast v60, $0x7  }
0x518: {  	v46 =	vadd.f32 v27, v26;
	v62 =	vbroadcast v60, $0x8;
	v63 =	vbroadcast v60, $0x9;
	v26 =	vld [tilespmem:s16+$0xC430]  }
0x519: {  	v42 =	vadd.f32 v11, v42;
	v27 =	vld [tilespmem:s16+$0xC440];
	v11 =	vmul.f32 v55, v4;
	v55 =	vbroadcast v60, $0x2  }
0x51a: {  	s17 =	simm.s32 $0x800;
	s18 =	simm.s32 $0xFFFF8800;
	s19 =	simm.s32 $0x100;
	v4 =	vadd.f32 v20, v25;
	v20 =	vbroadcast v60, $0xB;
	v25 =	vld [tilespmem:s16+$0xC420];
	v60 =	vbroadcast v60, $0xF  }
.LBB2_5:
0x51b: {  	v0 =	vadd.f32 v2, v0;
	v1 =	vadd.f32 v15, v1;
	v31 =	vld [tilespmem:s16+$0xC470];
	v17 =	vmul.f32 v17, v55  }
0x51c: {  	v7 =	vadd.f32 v7, v48;
	v16 =	vmul.f32 v16, v56;
	v55 =	vld [tilespmem:s16+$0xC450];
	v2 =	vmul.f32 v18, v57  }
0x51d: {  	v3 =	vadd.f32 v8, v3;
	v18 =	vmul.f32 v51, v58;
	v58 =	vld [tilespmem:s16+$0xC460];
	v15 =	vmul.f32 v52, v59  }
0x51e: {  	v5 =	vadd.f32 v10, v5;
	v30 =	vmul.f32 v53, v61;
	v32 =	vmul.f32 v54, v62  }
0x51f: {  	v6 =	vadd.f32 v11, v6;
	v21 =	vmul.f32 v21, v63;
	v8 =	vmul.f32 v25, v19  }
0x520: {  	v11 =	vadd.f32 v50, v49;
	v19 =	vmul.f32 v26, v20;
	v10 =	vmul.f32 v27, v22  }
0x521: {  	v16 =	vadd.f32 v16, v17;
	v2 =	vadd.f32 v18, v2;
	v18 =	vmul.f32 v31, v60  }
0x522: {  	v15 =	vadd.f32 v30, v15;
	v20 =	vmul.f32 v55, v23;
	v17 =	vmul.f32 v58, v24  }
0x523: {  	v21 =	vadd.f32 v21, v32;
	v8 =	vadd.f32 v19, v8  }
0x524: {  	v10 =	vadd.f32 v20, v10;
	v17 =	vadd.f32 v18, v17  }
0x525: {  	v11 =	vadd.f32 v16, v11;
	v2 =	vadd.f32 v15, v2  }
0x526: {  	v8 =	vadd.f32 v8, v21;
	v10 =	vadd.f32 v17, v10  }
0x527: {  	v3 =	vadd.f32 v3, v7;
	v5 =	vadd.f32 v6, v5  }
0x528: {  	v2 =	vadd.f32 v2, v11;
	v6 =	vadd.f32 v10, v8  }
0x529: {  	v0 =	vadd.f32 v1, v0;
	v7 =	vadd.f32 v14, v13  }
0x52a: {  	v1 =	vadd.f32 v6, v2;
	v2 =	vadd.f32 v5, v3  }
0x52b: {  	v0 =	vadd.f32 v0, v7;
	v3 =	vadd.f32 v4, v47  }
0x52c: {  	v4 =	vadd.f32 v12, v9;
	v1 =	vadd.f32 v2, v1  }
0x52d: {  	v5 =	vadd.f32 v46, v45;
	v2 =	vadd.f32 v44, v43  }
0x52e: {  	v0 =	vadd.f32 v0, v1;
	v1 =	vadd.f32 v4, v3  }
0x52f: {  	v3 =	vadd.f32 v40, v39;
	v4 =	vadd.f32 v42, v41  }
0x530: {  	v0 =	vadd.f32 v1, v0;
	v1 =	vadd.f32 v5, v2;
	_ =	sdelay $0x1  }
0x531: {  	v0 =	vadd.f32 v1, v0;
	v1 =	vadd.f32 v4, v3;
	v3 =	vld [tilespmem:$0x1F5A0]  }
0x532: {  	v4 =	vld [tilespmem:$0x1F5B0];
	_ =	sdelay $0x4  }
0x533: {  	v3 =	vadd.f32 v4, v3;
	v4 =	vld [tilespmem:$0x1F5C0]  }
0x534: {  	v2 =	vadd.f32 v36, v35;
	v5 =	vadd.f32 v38, v37  }
0x535: {  	v6 =	vld [tilespmem:$0x1F590]  }
0x536: {  	v0 =	vadd.f32 v1, v0;
	v1 =	vadd.f32 v5, v2;
	v2 =	vld [tilespmem:$0x1F570]  }
0x537: {  	v5 =	vld [tilespmem:$0x1F580]  }
0x538: {  	v4 =	vadd.f32 v34, v4;
	_ =	sdelay $0x1  }
0x539: {  	v0 =	vadd.f32 v1, v0;
	v1 =	vadd.f32 v4, v3;
	v3 =	vld [tilespmem:$0x1F4C0]  }
0x53a: {  	v4 =	vld [tilespmem:$0x1F4F0]  }
0x53b: {  	v2 =	vadd.f32 v33, v2;
	v5 =	vadd.f32 v6, v5  }
0x53c: {  	v6 =	vld [tilespmem:$0x1F550]  }
0x53d: {  	v0 =	vadd.f32 v1, v0;
	v1 =	vadd.f32 v5, v2;
	v2 =	vld [tilespmem:$0x1F460]  }
0x53e: {  	v5 =	vld [tilespmem:$0x1F470]  }
0x53f: {  	v3 =	vadd.f32 v4, v3;
	v4 =	vld [tilespmem:$0x1F520];
	_ =	sdelay $0x3  }
0x540: {  	v2 =	vadd.f32 v5, v2;
	v5 =	vld [tilespmem:$0x1F480]  }
0x541: {  	v4 =	vadd.f32 v6, v4;
	v6 =	vld [tilespmem:$0x1F4A0];
	_ =	sdelay $0x2  }
0x542: {  	v0 =	vadd.f32 v1, v0;
	v1 =	vadd.f32 v4, v3;
	v3 =	vld [tilespmem:$0x1F3E0]  }
0x543: {  	v4 =	vld [tilespmem:$0x1F410]  }
0x544: {  	v5 =	vadd.f32 v6, v5  }
0x545: {  	v6 =	vld [tilespmem:$0x1F450]  }
0x546: {  	v0 =	vadd.f32 v1, v0;
	v1 =	vadd.f32 v5, v2;
	v2 =	vld [tilespmem:$0x1F320]  }
0x547: {  	v5 =	vld [tilespmem:$0x1F350]  }
0x548: {  	v3 =	vadd.f32 v4, v3;
	v4 =	vld [tilespmem:$0x1F430];
	_ =	sdelay $0x3  }
0x549: {  	v2 =	vadd.f32 v5, v2;
	v5 =	vld [tilespmem:$0x1F380]  }
0x54a: {  	v4 =	vadd.f32 v6, v4;
	v6 =	vld [tilespmem:$0x1F3B0];
	_ =	sdelay $0x2  }
0x54b: {  	v0 =	vadd.f32 v1, v0;
	v1 =	vadd.f32 v4, v3;
	v3 =	vld [tilespmem:$0x1F290]  }
0x54c: {  	v4 =	vld [tilespmem:$0x1F2C0]  }
0x54d: {  	v5 =	vadd.f32 v6, v5  }
0x54e: {  	v6 =	vld [tilespmem:$0x1F300]  }
0x54f: {  	v0 =	vadd.f32 v1, v0;
	v1 =	vadd.f32 v5, v2;
	v2 =	vld [tilespmem:$0x1F1F0]  }
0x550: {  	v5 =	vld [tilespmem:$0x1F210]  }
0x551: {  	v3 =	vadd.f32 v4, v3;
	v4 =	vld [tilespmem:$0x1F2E0];
	_ =	sdelay $0x3  }
0x552: {  	v2 =	vadd.f32 v5, v2;
	v5 =	vld [tilespmem:$0x1F230]  }
0x553: {  	v4 =	vadd.f32 v6, v4;
	v6 =	vld [tilespmem:$0x1F260];
	_ =	sdelay $0x3  }
0x554: {  	v0 =	vadd.f32 v1, v0  }
0x555: {  	v1 =	vadd.f32 v4, v3;
	v5 =	vadd.f32 v6, v5;
	_ =	sdelay $0x1  }
0x556: {  	v0 =	vadd.f32 v1, v0;
	v1 =	vadd.f32 v5, v2  }
0x557: {  	s22 =	rddreg [dreg:$0x3];
	s11 =	sadd.s32 $0x10, s11;
	s2 =	sand.u32 $0x400, s2  }
0x558: {  	s21 =	sand.u32 $0x70, s11;
	s2 =	sadd.s32 s2, s22;
	v0 =	vadd.f32 v1, v0  }
0x559: {  	s23 =	sadd.s32 s21, s2  }
0x55a: {  	[tilespmem:s23+$0x0] =	vst v0  }
0x55b: {  	s15 =	sadd.s32 $0x1, s15;
	v3 =	vld [tilespmem:s14+$0x2070]  }
0x55c: {  	s20 =	sand.u32 $0x7, s15  }
0x55d: {  	s17 =	sadd.s32 $0x800, s17;
	s20 =	sshll.u32 s20, $0x7  }
0x55e: {  	s16 =	sadd.s32 s20, s17  }
0x55f: {  	s24 =	sor.u32 $0x3C00, s16  }
0x560: {  	s21 =	sor.u32 $0x3C10, s16;
	v0 =	vld [tilespmem:s24+$0xC000];
	v4 =	vbroadcast v3, $0x8;
	v14 =	vbroadcast v3, $0x9  }
0x561: {  	s22 =	sor.u32 $0x3C20, s16;
	v1 =	vld [tilespmem:s21+$0xC000];
	v15 =	vbroadcast v3, $0xA;
	v16 =	vbroadcast v3, $0xB  }
0x562: {  	v2 =	vld [tilespmem:s22+$0xC000];
	s22 =	sor.u32 $0x3C60, s16;
	v21 =	vbroadcast v3, $0xC;
	v22 =	vbroadcast v3, $0xD  }
0x563: {  	s23 =	sor.u32 $0x3C30, s16;
	v8 =	vld [tilespmem:s22+$0xC000];
	v24 =	vbroadcast v3, $0xE;
	v25 =	vbroadcast v3, $0xF  }
0x564: {  	v5 =	vld [tilespmem:s23+$0xC000];
	s24 =	sor.u32 $0x3C40, s16;
	v26 =	vbroadcast v3, $0x0;
	v27 =	vbroadcast v3, $0x1  }
0x565: {  	s23 =	sor.u32 $0x3C70, s16;
	v6 =	vld [tilespmem:s24+$0xC000];
	v30 =	vbroadcast v3, $0x2;
	v31 =	vbroadcast v3, $0x3  }
0x566: {  	s21 =	sor.u32 $0x3C50, s16;
	v9 =	vld [tilespmem:s23+$0xC000];
	v32 =	vbroadcast v3, $0x4;
	v53 =	vbroadcast v3, $0x5  }
0x567: {  	v7 =	vld [tilespmem:s21+$0xC000];
	s24 =	sor.u32 $0x3800, s16;
	v54 =	vbroadcast v3, $0x6;
	v0 =	vmul.f32 v0, v4  }
0x568: {  	s21 =	sor.u32 $0x3810, s16;
	v10 =	vld [tilespmem:s24+$0xC000];
	v55 =	vbroadcast v3, $0x7;
	v3 =	vmul.f32 v8, v24  }
0x569: {  	s22 =	sor.u32 $0x3820, s16;
	v11 =	vld [tilespmem:s21+$0xC000];
	[tilespmem:$0x1EB90] =	vst v0;
	v0 =	vmul.f32 v1, v14  }
0x56a: {  	s23 =	sor.u32 $0x3830, s16;
	v12 =	vld [tilespmem:s22+$0xC000];
	v1 =	vmul.f32 v2, v15;
	v2 =	vmul.f32 v6, v21;
	[tilespmem:$0x1EBF0] =	vst v3  }
0x56b: {  	v13 =	vld [tilespmem:s23+$0xC000];
	s24 =	sor.u32 $0x3840, s16;
	v3 =	vmul.f32 v9, v25;
	[tilespmem:$0x1EBA0] =	vst v0  }
0x56c: {  	s21 =	sor.u32 $0x3850, s16;
	v19 =	vld [tilespmem:s24+$0xC000];
	[tilespmem:$0x1EBD0] =	vst v2;
	v2 =	vmul.f32 v7, v22  }
0x56d: {  	s18 =	sadd.s32 $0x800, s18;
	v20 =	vld [tilespmem:s21+$0xC000];
	[tilespmem:$0x1EC00] =	vst v3;
	v3 =	vmul.f32 v26, v10  }
0x56e: {  	s22 =	sadd.s32 $0x8000, s18;
	s23 =	sor.u32 $0x3860, s16;
	[tilespmem:$0x1EBE0] =	vst v2;
	v2 =	vld [tilespmem:s14+$0x2060]  }
0x56f: {  	s21 =	sand.u32 $0x4000, s22;
	s22 =	sand.u32 $0x380, s19;
	v23 =	vld [tilespmem:s23+$0xC000];
	s24 =	sor.u32 $0x3870, s16;
	[tilespmem:$0x1EC10] =	vst v3;
	v3 =	vmul.f32 v11, v27  }
0x570: {  	s16 =	sor.u32 s22, s21;
	v28 =	vld [tilespmem:s24+$0xC000];
	[tilespmem:$0x1EBB0] =	vst v1;
	v1 =	vmul.f32 v5, v16  }
0x571: {  	v0 =	vld [tilespmem:s16+$0xF440];
	[tilespmem:$0x1EC20] =	vst v3;
	v3 =	vmul.f32 v12, v30  }
0x572: {  	v29 =	vld [tilespmem:s16+$0xF400];
	[tilespmem:$0x1EBC0] =	vst v1  }
0x573: {  	v1 =	vld [tilespmem:s16+$0xF450];
	[tilespmem:$0x1EC30] =	vst v3;
	v3 =	vmul.f32 v13, v31;
	v21 =	vbroadcast v2, $0x8  }
0x574: {  	v7 =	vld [tilespmem:s16+$0xF460];
	v22 =	vbroadcast v2, $0x9;
	v26 =	vbroadcast v2, $0xC  }
0x575: {  	v33 =	vld [tilespmem:s16+$0xF410];
	v24 =	vbroadcast v2, $0xA;
	[tilespmem:$0x1EC40] =	vst v3;
	v3 =	vmul.f32 v19, v32  }
0x576: {  	v8 =	vld [tilespmem:s16+$0xF470];
	v27 =	vbroadcast v2, $0xD;
	v0 =	vmul.f32 v0, v26  }
0x577: {  	v35 =	vld [tilespmem:s16+$0xF420];
	v39 =	vbroadcast v2, $0xE;
	[tilespmem:$0x1EC50] =	vst v3;
	v3 =	vmul.f32 v20, v53  }
0x578: {  	v9 =	vld [tilespmem:s16+$0xF000];
	v25 =	vbroadcast v2, $0xB;
	[tilespmem:$0x1ECD0] =	vst v0;
	v0 =	vmul.f32 v1, v27  }
0x579: {  	v38 =	vld [tilespmem:s16+$0xF430];
	v56 =	vbroadcast v2, $0xF;
	v1 =	vmul.f32 v7, v39;
	[tilespmem:$0x1EC60] =	vst v3  }
0x57a: {  	v57 =	vbroadcast v2, $0x0;
	v19 =	vld [tilespmem:s16+$0xF010];
	v3 =	vmul.f32 v23, v54;
	[tilespmem:$0x1ECE0] =	vst v0  }
0x57b: {  	v36 =	vld [tilespmem:s16+$0xF040];
	v58 =	vbroadcast v2, $0x1;
	[tilespmem:$0x1ECF0] =	vst v1;
	v1 =	vmul.f32 v8, v56  }
0x57c: {  	v60 =	vbroadcast v2, $0x2;
	v20 =	vld [tilespmem:s16+$0xF020];
	[tilespmem:$0x1EC70] =	vst v3;
	v3 =	vmul.f32 v28, v55  }
0x57d: {  	v61 =	vbroadcast v2, $0x3;
	v0 =	vld [tilespmem:s14+$0x2050];
	[tilespmem:$0x1ED00] =	vst v1;
	v1 =	vmul.f32 v57, v9  }
0x57e: {  	v63 =	vbroadcast v2, $0x4;
	v23 =	vld [tilespmem:s16+$0xF030];
	[tilespmem:$0x1EC80] =	vst v3;
	v3 =	vmul.f32 v29, v21  }
0x57f: {  	v37 =	vld [tilespmem:s16+$0xF050];
	v30 =	vbroadcast v2, $0x5;
	[tilespmem:$0x1ED10] =	vst v1;
	v1 =	vmul.f32 v19, v58  }
0x580: {  	v59 =	vld [tilespmem:s16+$0xF060];
	v31 =	vbroadcast v2, $0x6;
	[tilespmem:$0x1EC90] =	vst v3;
	v3 =	vmul.f32 v33, v22  }
0x581: {  	v62 =	vld [tilespmem:s16+$0xF070];
	v2 =	vbroadcast v2, $0x7;
	[tilespmem:$0x1ED20] =	vst v1;
	v1 =	vmul.f32 v20, v60  }
0x582: {  	v47 =	vld [tilespmem:s16+$0xEC00];
	v39 =	vbroadcast v0, $0xA;
	[tilespmem:$0x1ECA0] =	vst v3;
	v3 =	vmul.f32 v35, v24  }
0x583: {  	v52 =	vld [tilespmem:s16+$0xEC20];
	v40 =	vbroadcast v0, $0xB;
	[tilespmem:$0x1ED30] =	vst v1;
	v1 =	vmul.f32 v23, v61  }
0x584: {  	v34 =	vld [tilespmem:s16+$0xE870];
	v42 =	vbroadcast v0, $0xC;
	[tilespmem:$0x1ECB0] =	vst v3;
	v3 =	vmul.f32 v38, v25  }
0x585: {  	v53 =	vld [tilespmem:s16+$0xEC30];
	[tilespmem:$0x1ED40] =	vst v1;
	v1 =	vmul.f32 v36, v63;
	v36 =	vbroadcast v0, $0x8  }
0x586: {  	v43 =	vbroadcast v0, $0xD;
	v45 =	vbroadcast v0, $0xE;
	v35 =	vld [tilespmem:s16+$0xEC40]  }
0x587: {  	v54 =	vbroadcast v0, $0xF;
	[tilespmem:$0x1ECC0] =	vst v3;
	v3 =	vld [tilespmem:s16+$0xEC50];
	v4 =	vmul.f32 v47, v36  }
0x588: {  	v7 =	vld [tilespmem:s16+$0xEC60];
	v55 =	vbroadcast v0, $0x0;
	[tilespmem:$0x1ED50] =	vst v1;
	v1 =	vmul.f32 v37, v30  }
0x589: {  	v8 =	vld [tilespmem:s16+$0xEC70];
	v56 =	vbroadcast v0, $0x1;
	[tilespmem:$0x1ED90] =	vst v4;
	v4 =	vmul.f32 v52, v39  }
0x58a: {  	v9 =	vld [tilespmem:s16+$0xE800];
	v46 =	vbroadcast v0, $0x2;
	[tilespmem:$0x1ED60] =	vst v1;
	v1 =	vmul.f32 v59, v31  }
0x58b: {  	v32 =	vbroadcast v0, $0x4;
	v31 =	vld [tilespmem:s16+$0xE860];
	[tilespmem:$0x1EDA0] =	vst v4;
	v4 =	vmul.f32 v35, v42  }
0x58c: {  	[tilespmem:$0x1ED70] =	vst v1;
	v1 =	vmul.f32 v62, v2;
	v2 =	vld [tilespmem:s16+$0xE810];
	v3 =	vmul.f32 v3, v43  }
0x58d: {  	v33 =	vbroadcast v0, $0x5;
	v49 =	vmul.f32 v53, v40;
	v38 =	vld [tilespmem:s16+$0xE820];
	[tilespmem:$0x1EDB0] =	vst v4  }
0x58e: {  	v37 =	vbroadcast v0, $0x9;
	[tilespmem:$0x1EDC0] =	vst v3;
	v3 =	vld [tilespmem:s14+$0x2040];
	v4 =	vmul.f32 v7, v45  }
0x58f: {  	v30 =	vbroadcast v0, $0x3;
	[tilespmem:$0x1ED80] =	vst v1;
	v1 =	vbroadcast v0, $0x6  }
0x590: {  	v0 =	vbroadcast v0, $0x7;
	[tilespmem:$0x1EDD0] =	vst v4;
	v4 =	vmul.f32 v8, v54  }
0x591: {  	v40 =	vmul.f32 v31, v1;
	v2 =	vmul.f32 v2, v56  }
0x592: {  	v41 =	vld [tilespmem:s16+$0xE830];
	v42 =	vmul.f32 v34, v0;
	[tilespmem:$0x1EDE0] =	vst v4;
	v4 =	vmul.f32 v55, v9  }
0x593: {  	v51 =	vld [tilespmem:s16+$0xE840];
	[tilespmem:$0x1EE00] =	vst v2;
	v2 =	vmul.f32 v38, v46;
	v1 =	vbroadcast v3, $0x8  }
0x594: {  	v18 =	vld [tilespmem:s16+$0xE410];
	v7 =	vbroadcast v3, $0x9;
	v8 =	vbroadcast v3, $0xA  }
0x595: {  	v39 =	vbroadcast v3, $0xB;
	v58 =	vbroadcast v3, $0xC  }
0x596: {  	v44 =	vld [tilespmem:s16+$0xE850];
	v43 =	vbroadcast v3, $0xD;
	v0 =	vbroadcast v3, $0xE  }
0x597: {  	v53 =	vld [tilespmem:s16+$0xE440];
	v5 =	vbroadcast v3, $0x1;
	v12 =	vbroadcast v3, $0x2  }
0x598: {  	v54 =	vld [tilespmem:s16+$0xE460];
	v6 =	vbroadcast v3, $0x3;
	[tilespmem:$0x1EE10] =	vst v2;
	v2 =	vmul.f32 v41, v30  }
0x599: {  	v41 =	vmul.f32 v51, v32;
	v32 =	vmul.f32 v18, v7;
	v18 =	vld [tilespmem:s14+$0x2030]  }
0x59a: {  	v13 =	vld [tilespmem:s16+$0xE070];
	v9 =	vbroadcast v3, $0x4;
	v10 =	vbroadcast v3, $0x5  }
0x59b: {  	v11 =	vbroadcast v3, $0x6;
	v46 =	vld [tilespmem:s16+$0xDC00];
	[tilespmem:$0x1EE20] =	vst v2;
	v2 =	vmul.f32 v44, v33  }
0x59c: {  	v47 =	vld [tilespmem:s16+$0xDC10];
	[tilespmem:$0x1EDF0] =	vst v4;
	v4 =	vbroadcast v3, $0x0;
	v60 =	vmul.f32 v53, v58  }
0x59d: {  	[tilespmem:$0x1EE30] =	vst v2;
	v2 =	vbroadcast v3, $0xF;
	v3 =	vbroadcast v3, $0x7  }
0x59e: {  	v59 =	vmul.f32 v54, v0;
	v0 =	vbroadcast v18, $0x8  }
0x59f: {  	v53 =	vmul.f32 v13, v3;
	v3 =	vbroadcast v18, $0x9  }
0x5a0: {  	v33 =	vmul.f32 v46, v0;
	v0 =	vld [tilespmem:$0x1EBB0]  }
0x5a1: {  	v30 =	vmul.f32 v47, v3;
	v3 =	vld [tilespmem:$0x1EBC0];
	_ =	sdelay $0x4  }
0x5a2: {  	v0 =	vadd.f32 v3, v0  }
0x5a3: {  	v3 =	vld [tilespmem:$0x1EBE0]  }
0x5a4: {  	[tilespmem:$0x1F210] =	vst v0;
	v0 =	vld [tilespmem:$0x1EBD0];
	_ =	sdelay $0x4  }
0x5a5: {  	v19 =	vld [tilespmem:s16+$0xE400];
	v0 =	vadd.f32 v3, v0  }
0x5a6: {  	v3 =	vld [tilespmem:$0x1EC00]  }
0x5a7: {  	[tilespmem:$0x1F230] =	vst v0;
	v0 =	vld [tilespmem:$0x1EBF0]  }
0x5a8: {  	v23 =	vld [tilespmem:s16+$0xDC70];
	_ =	sdelay $0x2  }
0x5a9: {  	v34 =	vmul.f32 v19, v1;
	v1 =	vbroadcast v18, $0xF  }
0x5aa: {  	v55 =	vld [tilespmem:s16+$0xE010];
	v0 =	vadd.f32 v3, v0  }
0x5ab: {  	v35 =	vmul.f32 v23, v1;
	v1 =	vld [tilespmem:$0x1EC20]  }
0x5ac: {  	[tilespmem:$0x1F260] =	vst v0;
	v0 =	vld [tilespmem:$0x1EC10];
	_ =	sdelay $0x1  }
0x5ad: {  	v24 =	vld [tilespmem:s16+$0xD800];
	_ =	sdelay $0x2  }
0x5ae: {  	v17 =	vld [tilespmem:s16+$0xE420];
	v58 =	vmul.f32 v55, v5;
	v5 =	vbroadcast v18, $0x0;
	v0 =	vadd.f32 v1, v0  }
0x5af: {  	v15 =	vld [tilespmem:s16+$0xE050]  }
0x5b0: {  	v20 =	vld [tilespmem:s16+$0xE450];
	[tilespmem:$0x1F290] =	vst v0;
	v0 =	vmul.f32 v5, v24  }
0x5b1: {  	v1 =	vld [tilespmem:$0x1EC40]  }
0x5b2: {  	[tilespmem:$0x1EE40] =	vst v0;
	v0 =	vld [tilespmem:$0x1EC30]  }
0x5b3: {  	v14 =	vld [tilespmem:s16+$0xE060]  }
0x5b4: {  	v63 =	vld [tilespmem:s16+$0xD820]  }
0x5b5: {  	v57 =	vld [tilespmem:s16+$0xE020]  }
0x5b6: {  	v45 =	vld [tilespmem:s16+$0xE040]  }
0x5b7: {  	v16 =	vld [tilespmem:s16+$0xE000];
	v48 =	vmul.f32 v20, v43;
	v20 =	vbroadcast v18, $0x2;
	v0 =	vadd.f32 v1, v0;
	_ =	sdelay $0x1  }
0x5b8: {  	v61 =	vld [tilespmem:s16+$0xE470];
	[tilespmem:$0x1F2C0] =	vst v0;
	v0 =	vmul.f32 v63, v20  }
0x5b9: {  	v62 =	vmul.f32 v17, v8;
	v54 =	vmul.f32 v57, v12;
	v1 =	vld [tilespmem:$0x1EC60]  }
0x5ba: {  	v52 =	vmul.f32 v45, v9;
	v51 =	vmul.f32 v14, v11;
	[tilespmem:$0x1EE50] =	vst v0;
	v0 =	vld [tilespmem:$0x1EC50]  }
0x5bb: {  	v56 =	vmul.f32 v4, v16;
	v44 =	vld [tilespmem:s16+$0xE030];
	v55 =	vmul.f32 v15, v10  }
0x5bc: {  	v19 =	vld [tilespmem:s16+$0xD840];
	v11 =	vbroadcast v18, $0xA;
	v12 =	vbroadcast v18, $0xB  }
0x5bd: {  	v14 =	vbroadcast v18, $0xC;
	v15 =	vbroadcast v18, $0xD  }
0x5be: {  	v16 =	vbroadcast v18, $0xE;
	v4 =	vbroadcast v18, $0x1;
	v13 =	vld [tilespmem:s16+$0xD850]  }
0x5bf: {  	v50 =	vld [tilespmem:s16+$0xEC10];
	v7 =	vbroadcast v18, $0x3;
	v8 =	vbroadcast v18, $0x4;
	v0 =	vadd.f32 v1, v0  }
0x5c0: {  	v26 =	vld [tilespmem:s16+$0xDC60];
	v61 =	vmul.f32 v61, v2;
	v57 =	vmul.f32 v44, v6  }
0x5c1: {  	v2 =	vld [tilespmem:$0x1EB90];
	v6 =	vbroadcast v18, $0x5;
	[tilespmem:$0x1F2E0] =	vst v0;
	v0 =	vmul.f32 v19, v8  }
0x5c2: {  	v9 =	vbroadcast v18, $0x6;
	v10 =	vbroadcast v18, $0x7;
	v18 =	vld [tilespmem:$0x1EBA0]  }
0x5c3: {  	v27 =	vld [tilespmem:s16+$0xDC30];
	[tilespmem:$0x1EE60] =	vst v0;
	v0 =	vmul.f32 v13, v6  }
0x5c4: {  	v1 =	vld [tilespmem:$0x1EC80]  }
0x5c5: {  	[tilespmem:$0x1EE70] =	vst v0;
	v0 =	vld [tilespmem:$0x1EC70]  }
0x5c6: {  	v28 =	vld [tilespmem:s16+$0xDC40]  }
0x5c7: {  	v17 =	vld [tilespmem:s16+$0xD860];
	v2 =	vadd.f32 v18, v2  }
0x5c8: {  	v29 =	vld [tilespmem:s16+$0xDC20]  }
0x5c9: {  	[tilespmem:$0x1F1F0] =	vst v2;
	v2 =	vld [tilespmem:s16+$0xD870]  }
0x5ca: {  	v21 =	vld [tilespmem:s16+$0xD830];
	v0 =	vadd.f32 v1, v0  }
0x5cb: {  	v22 =	vld [tilespmem:s16+$0xD810]  }
0x5cc: {  	v25 =	vld [tilespmem:s16+$0xDC50];
	[tilespmem:$0x1F300] =	vst v0;
	v0 =	vmul.f32 v17, v9  }
0x5cd: {  	v50 =	vmul.f32 v50, v37;
	v37 =	vld [tilespmem:s16+$0xE430]  }
0x5ce: {  	v31 =	vld [tilespmem:s16+$0xD400];
	[tilespmem:$0x1EE80] =	vst v0;
	v0 =	vmul.f32 v2, v10  }
0x5cf: {  	v1 =	vld [tilespmem:$0x1ECA0]  }
0x5d0: {  	[tilespmem:$0x1EE90] =	vst v0;
	v0 =	vld [tilespmem:$0x1EC90]  }
0x5d1: {  	v36 =	vmul.f32 v27, v12;
	v27 =	vld [tilespmem:s16+$0xD410]  }
0x5d2: {  	v38 =	vmul.f32 v37, v39;
	v37 =	vmul.f32 v25, v15;
	v25 =	vld [tilespmem:s16+$0xD420]  }
0x5d3: {  	v43 =	vmul.f32 v22, v4;
	v22 =	vld [tilespmem:s16+$0xD430]  }
0x5d4: {  	v39 =	vmul.f32 v26, v16;
	v16 =	vld [tilespmem:s16+$0xD450]  }
0x5d5: {  	v15 =	vld [tilespmem:s16+$0xD460];
	v0 =	vadd.f32 v1, v0  }
0x5d6: {  	v1 =	vld [tilespmem:$0x1ECC0]  }
0x5d7: {  	[tilespmem:$0x1F320] =	vst v0;
	v0 =	vld [tilespmem:$0x1ECB0]  }
0x5d8: {  	v44 =	vmul.f32 v21, v7;
	v21 =	vld [tilespmem:s16+$0xD000]  }
0x5d9: {  	v26 =	vld [tilespmem:s16+$0xD010]  }
0x5da: {  	v12 =	vld [tilespmem:s16+$0xD030]  }
0x5db: {  	v47 =	vmul.f32 v28, v14;
	v28 =	vld [tilespmem:s14+$0x2020]  }
0x5dc: {  	v7 =	vld [tilespmem:s16+$0xD040];
	v0 =	vadd.f32 v1, v0  }
0x5dd: {  	v1 =	vld [tilespmem:$0x1ECE0]  }
0x5de: {  	[tilespmem:$0x1F350] =	vst v0;
	v0 =	vld [tilespmem:$0x1ECD0]  }
0x5df: {  	v14 =	vld [tilespmem:s16+$0xD020]  }
0x5e0: {  	v18 =	vld [tilespmem:s16+$0xD440];
	v24 =	vbroadcast v28, $0xD  }
0x5e1: {  	v5 =	vld [tilespmem:$0x1ED80]  }
0x5e2: {  	v24 =	vmul.f32 v16, v24;
	v16 =	vld [tilespmem:$0x1EDE0]  }
0x5e3: {  	v20 =	vld [tilespmem:$0x1ED90];
	v0 =	vadd.f32 v1, v0  }
0x5e4: {  	v1 =	vld [tilespmem:$0x1ED00]  }
0x5e5: {  	v8 =	vbroadcast v28, $0x8;
	[tilespmem:$0x1F380] =	vst v0;
	v0 =	vld [tilespmem:$0x1ECF0]  }
0x5e6: {  	v19 =	vld [tilespmem:s16+$0xD470]  }
0x5e7: {  	v13 =	vbroadcast v28, $0xA;
	v31 =	vmul.f32 v31, v8;
	v8 =	vld [tilespmem:$0x1EDA0]  }
0x5e8: {  	v46 =	vmul.f32 v29, v11;
	v63 =	vbroadcast v28, $0xE;
	v29 =	vadd.f32 v50, v20;
	v50 =	vld [tilespmem:s16+$0xD060]  }
0x5e9: {  	v20 =	vmul.f32 v25, v13;
	v13 =	vld [tilespmem:$0x1EDB0]  }
0x5ea: {  	v4 =	vbroadcast v28, $0xF;
	v25 =	vmul.f32 v15, v63;
	v15 =	vld [tilespmem:$0x1EE00];
	v0 =	vadd.f32 v1, v0  }
0x5eb: {  	v6 =	vbroadcast v28, $0x0;
	v1 =	vld [tilespmem:$0x1ED20]  }
0x5ec: {  	v4 =	vmul.f32 v19, v4;
	v8 =	vadd.f32 v49, v8;
	[tilespmem:$0x1F3B0] =	vst v0;
	v0 =	vld [tilespmem:$0x1ED10]  }
0x5ed: {  	v19 =	vmul.f32 v6, v21;
	v6 =	vld [tilespmem:$0x1EE10];
	v17 =	vbroadcast v28, $0xB  }
0x5ee: {  	[tilespmem:$0x1F470] =	vst v8;
	v8 =	vld [tilespmem:s16+$0xD070]  }
0x5ef: {  	v10 =	vbroadcast v28, $0x1;
	v22 =	vmul.f32 v22, v17;
	v17 =	vld [tilespmem:$0x1EDC0]  }
0x5f0: {  	v2 =	vld [tilespmem:$0x1ED60]  }
0x5f1: {  	v21 =	vmul.f32 v26, v10;
	v10 =	vld [tilespmem:$0x1EE20];
	v0 =	vadd.f32 v1, v0  }
0x5f2: {  	v1 =	vld [tilespmem:$0x1ED40]  }
0x5f3: {  	v9 =	vbroadcast v28, $0x9;
	[tilespmem:$0x1F3E0] =	vst v0;
	v0 =	vld [tilespmem:$0x1ED30]  }
0x5f4: {  	v17 =	vadd.f32 v17, v13;
	v13 =	vld [tilespmem:$0x1EDD0]  }
0x5f5: {  	v9 =	vmul.f32 v27, v9;
	v27 =	vadd.f32 v36, v46;
	v46 =	vld [tilespmem:s16+$0xC860]  }
0x5f6: {  	v11 =	vbroadcast v28, $0x2;
	v36 =	vld [tilespmem:s16+$0xC000]  }
0x5f7: {  	[tilespmem:$0x1F480] =	vst v17;
	v17 =	vld [tilespmem:s16+$0xCC00];
	v6 =	vadd.f32 v10, v6  }
0x5f8: {  	v10 =	vmul.f32 v14, v11;
	v11 =	vadd.f32 v48, v60;
	v48 =	vld [tilespmem:s16+$0xCC70];
	v0 =	vadd.f32 v1, v0  }
0x5f9: {  	v16 =	vadd.f32 v16, v13;
	v13 =	vld [tilespmem:$0x1EDF0]  }
0x5fa: {  	[tilespmem:$0x1F410] =	vst v0;
	v0 =	vld [tilespmem:$0x1ED50]  }
0x5fb: {  	v14 =	vadd.f32 v37, v47;
	v47 =	vld [tilespmem:s16+$0xC870];
	v1 =	vbroadcast v28, $0x3  }
0x5fc: {  	v37 =	vld [tilespmem:s16+$0xC010]  }
0x5fd: {  	[tilespmem:$0x1F4F0] =	vst v6;
	v12 =	vmul.f32 v12, v1;
	v1 =	vld [tilespmem:$0x1EE30]  }
0x5fe: {  	[tilespmem:$0x1F4A0] =	vst v16;
	v16 =	vld [tilespmem:s14+$0x2010];
	v15 =	vadd.f32 v15, v13  }
0x5ff: {  	v6 =	vld [tilespmem:s16+$0xCC20];
	[tilespmem:$0x1EEA0] =	vst v10;
	v0 =	vadd.f32 v2, v0;
	v2 =	vbroadcast v28, $0x4  }
0x600: {  	v10 =	vld [tilespmem:s16+$0xCC60];
	v13 =	vadd.f32 v53, v51;
	[tilespmem:$0x1F4C0] =	vst v15  }
0x601: {  	[tilespmem:$0x1F430] =	vst v0;
	v0 =	vld [tilespmem:$0x1ED70];
	v26 =	vmul.f32 v7, v2;
	v7 =	vadd.f32 v38, v62  }
0x602: {  	v51 =	vld [tilespmem:s16+$0xC840];
	[tilespmem:$0x1EEB0] =	vst v13;
	v1 =	vadd.f32 v1, v41  }
0x603: {  	v15 =	vld [tilespmem:s16+$0xCC10];
	v2 =	vadd.f32 v32, v34;
	[tilespmem:$0x1EEC0] =	vst v7;
	v7 =	vbroadcast v16, $0xA  }
0x604: {  	v23 =	vbroadcast v28, $0xC;
	v3 =	vbroadcast v28, $0x5;
	v13 =	vadd.f32 v30, v33;
	[tilespmem:$0x1F520] =	vst v1;
	v1 =	vld [tilespmem:s16+$0xCC30]  }
0x605: {  	v38 =	vadd.f32 v35, v39;
	v35 =	vld [tilespmem:s14+$0x2000];
	[tilespmem:$0x1F570] =	vst v2;
	v2 =	vbroadcast v16, $0x8;
	v33 =	vmul.f32 v6, v7  }
0x606: {  	v6 =	vld [tilespmem:$0x1EE70];
	v0 =	vadd.f32 v5, v0;
	v5 =	vbroadcast v28, $0x6;
	v28 =	vbroadcast v28, $0x7  }
0x607: {  	v45 =	vmul.f32 v18, v23;
	v30 =	vmul.f32 v17, v2;
	v17 =	vld [tilespmem:s16+$0xC020]  }
0x608: {  	[tilespmem:$0x1F580] =	vst v11;
	v49 =	vmul.f32 v50, v5;
	v50 =	vmul.f32 v8, v28;
	v5 =	vld [tilespmem:s16+$0xCC50];
	v28 =	vadd.f32 v61, v59  }
0x609: {  	v11 =	vbroadcast v16, $0xC;
	v18 =	vbroadcast v16, $0xD;
	[tilespmem:$0x1F450] =	vst v0;
	v0 =	vld [tilespmem:s16+$0xD050]  }
0x60a: {  	v63 =	vbroadcast v16, $0x3;
	v53 =	vbroadcast v16, $0x6;
	v59 =	vld [tilespmem:s16+$0xC800];
	[tilespmem:$0x1F590] =	vst v28;
	v28 =	vadd.f32 v58, v56  }
0x60b: {  	v45 =	vadd.f32 v24, v45;
	v41 =	vbroadcast v16, $0xF;
	v32 =	vbroadcast v16, $0x7;
	v58 =	vld [tilespmem:s16+$0xC810]  }
0x60c: {  	v62 =	vbroadcast v35, $0x8;
	v24 =	vbroadcast v35, $0xE;
	[tilespmem:$0x1F5A0] =	vst v28;
	v28 =	vadd.f32 v57, v54;
	v54 =	vld [tilespmem:s16+$0xC820]  }
0x60d: {  	v60 =	vbroadcast v35, $0xF;
	v2 =	vmul.f32 v5, v18;
	v5 =	vld [tilespmem:$0x1EE60]  }
0x60e: {  	v8 =	vbroadcast v16, $0xB;
	v23 =	vmul.f32 v0, v3;
	v0 =	vadd.f32 v42, v40;
	v18 =	vld [tilespmem:s16+$0xC040]  }
0x60f: {  	v56 =	vbroadcast v16, $0x0;
	v3 =	vbroadcast v16, $0x9;
	[tilespmem:$0x1F5B0] =	vst v28;
	v28 =	vadd.f32 v55, v52;
	v52 =	vld [tilespmem:s16+$0xC830]  }
0x610: {  	v57 =	vbroadcast v16, $0x2;
	v40 =	vbroadcast v16, $0xE;
	[tilespmem:$0x1F550] =	vst v0;
	v0 =	vld [tilespmem:s16+$0xCC40]  }
0x611: {  	[tilespmem:$0x1F460] =	vst v29;
	v42 =	vbroadcast v16, $0x1;
	v29 =	vmul.f32 v15, v3;
	v3 =	vld [tilespmem:$0x1EE40]  }
0x612: {  	v55 =	vbroadcast v16, $0x4;
	[tilespmem:$0x1F5C0] =	vst v28;
	v28 =	vbroadcast v16, $0x5;
	v16 =	vld [tilespmem:s16+$0xC850]  }
0x613: {  	v61 =	vbroadcast v35, $0x7;
	v15 =	vmul.f32 v48, v41;
	v41 =	vadd.f32 v6, v5;
	v6 =	vld [tilespmem:$0x1EE80]  }
0x614: {  	v34 =	vmul.f32 v1, v8;
	v5 =	vmul.f32 v51, v55;
	v51 =	vld [tilespmem:s16+$0xC050]  }
0x615: {  	v1 =	vmul.f32 v10, v40;
	v0 =	vmul.f32 v0, v11;
	v11 =	vld [tilespmem:$0x1EE90]  }
0x616: {  	v48 =	vmul.f32 v56, v59;
	v8 =	vmul.f32 v52, v63;
	v52 =	vld [tilespmem:s16+$0xC060]  }
0x617: {  	v7 =	vmul.f32 v58, v42;
	v56 =	vbroadcast v35, $0x3;
	v39 =	vadd.f32 v43, v3;
	v3 =	vld [tilespmem:$0x1EE50]  }
0x618: {  	v58 =	vbroadcast v35, $0x5;
	v43 =	vadd.f32 v9, v31;
	v9 =	vadd.f32 v23, v26;
	v26 =	vld [tilespmem:s16+$0xC430]  }
0x619: {  	v59 =	vbroadcast v35, $0x6;
	v10 =	vmul.f32 v16, v28;
	v16 =	vld [tilespmem:s16+$0xC030]  }
0x61a: {  	v42 =	vadd.f32 v11, v6;
	v6 =	vmul.f32 v46, v53;
	v46 =	vadd.f32 v4, v25;
	v4 =	vld [tilespmem:$0x1EEA0]  }
0x61b: {  	v55 =	vbroadcast v35, $0x2;
	v63 =	vbroadcast v35, $0x9;
	v53 =	vld [tilespmem:s16+$0xC070]  }
0x61c: {  	p0 =	sne.s32 s19, $0x780;
	v31 =	vbroadcast v35, $0x1;
	v40 =	vadd.f32 v44, v3;
	v3 =	vmul.f32 v54, v57;
	v54 =	vld [tilespmem:s16+$0xC400]  }
.Ltmp1:
0x61d: {  	v28 =	vbroadcast v35, $0x0;
	v11 =	vmul.f32 v47, v32;
	v47 =	vadd.f32 v21, v19;
	v21 =	vld [tilespmem:s16+$0xC410];
	(pc) =	sbr.rel @p0 .LBB2_5-.Ltmp1, $4  }
0x61e: {  	v23 =	vbroadcast v35, $0xD;
	v44 =	vadd.f32 v22, v20;
	v57 =	vbroadcast v35, $0x4;
	v25 =	vld [tilespmem:s16+$0xC420]  }
0x61f: {  	v4 =	vadd.f32 v12, v4;
	v12 =	vadd.f32 v50, v49;
	v49 =	vmul.f32 v28, v36;
	v36 =	vmovc v27;
	v27 =	vld [tilespmem:s16+$0xC440]  }
0x620: {  	v19 =	vbroadcast v35, $0xA;
	v50 =	vmul.f32 v37, v31;
	v37 =	vmovc v14;
	v14 =	vadd.f32 v34, v33;
	v34 =	vld [tilespmem:$0x1EEB0]  }
0x621: {  	s2 =	smov.u32 s19;
	s19 =	sadd.s32 $0x80, s19;
	v20 =	vbroadcast v35, $0xB;
	v22 =	vbroadcast v35, $0xC;
	v35 =	vmovc v13;
	v13 =	vadd.f32 v29, v30;
	v33 =	vld [tilespmem:$0x1EEC0]  }
0x622: {  	v17 =	vmul.f32 v17, v55;
	v16 =	vmul.f32 v16, v56;
	v0 =	vadd.f32 v2, v0  }
0x623: {  	v2 =	vld [tilespmem:s16+$0xC450];
	v18 =	vmul.f32 v18, v57;
	v28 =	vmul.f32 v51, v58;
	v1 =	vadd.f32 v15, v1  }
0x624: {  	v51 =	vld [tilespmem:s16+$0xC460];
	v29 =	vmul.f32 v52, v59;
	v30 =	vmul.f32 v53, v61;
	v7 =	vadd.f32 v7, v48  }
0x625: {  	v31 =	vld [tilespmem:s16+$0xC470];
	v32 =	vmul.f32 v54, v62;
	v3 =	vadd.f32 v8, v3;
	v5 =	vadd.f32 v10, v5  }
0x626: {  	v21 =	vmul.f32 v21, v63;
	v6 =	vadd.f32 v11, v6;
	v57 =	vadd.f32 v50, v49  }
0x627: {  	v48 =	vld [tilespmem:$0x1F320];
	v54 =	vmul.f32 v25, v19;
	v55 =	vmul.f32 v26, v20;
	v10 =	vadd.f32 v14, v13  }
0x628: {  	v49 =	vld [tilespmem:$0x1F350];
	v19 =	vadd.f32 v40, v39;
	v20 =	vadd.f32 v42, v41;
	v56 =	vmul.f32 v27, v22  }
0x629: {  	v50 =	vld [tilespmem:$0x1F380];
	v16 =	vadd.f32 v16, v17;
	v58 =	vadd.f32 v28, v18;
	v2 =	vmul.f32 v2, v23  }
0x62a: {  	v53 =	vld [tilespmem:$0x1F290];
	v59 =	vadd.f32 v30, v29;
	v15 =	vmul.f32 v51, v24;
	v60 =	vmul.f32 v31, v60  }
0x62b: {  	v25 =	vld [tilespmem:$0x1F5A0];
	v21 =	vadd.f32 v21, v32;
	v8 =	vadd.f32 v55, v54  }
0x62c: {  	v26 =	vld [tilespmem:$0x1F5B0];
	v2 =	vadd.f32 v2, v56;
	v61 =	vadd.f32 v60, v15  }
0x62d: {  	v39 =	vld [tilespmem:$0x1F470];
	v11 =	vadd.f32 v16, v57;
	v62 =	vadd.f32 v59, v58  }
0x62e: {  	v40 =	vld [tilespmem:$0x1F480];
	v8 =	vadd.f32 v8, v21;
	v2 =	vadd.f32 v61, v2  }
0x62f: {  	v41 =	vld [tilespmem:$0x1F4A0];
	v3 =	vadd.f32 v3, v7;
	v5 =	vadd.f32 v6, v5  }
0x630: {  	v27 =	vld [tilespmem:$0x1F5C0];
	v63 =	vadd.f32 v62, v11;
	v2 =	vadd.f32 v2, v8  }
0x631: {  	v14 =	vadd.f32 v4, v47;
	v0 =	vadd.f32 v1, v0;
	v29 =	vld [tilespmem:$0x1F570]  }
0x632: {  	v30 =	vld [tilespmem:$0x1F580];
	v13 =	vadd.f32 v5, v3;
	v11 =	vadd.f32 v2, v63  }
0x633: {  	v22 =	vadd.f32 v36, v35;
	v35 =	vld [tilespmem:$0x1F520];
	v0 =	vadd.f32 v0, v10  }
0x634: {  	v36 =	vld [tilespmem:$0x1F550];
	v15 =	vadd.f32 v12, v9;
	v1 =	vadd.f32 v13, v11  }
0x635: {  	v17 =	vadd.f32 v46, v45;
	v45 =	vld [tilespmem:$0x1F430];
	v16 =	vadd.f32 v44, v43  }
0x636: {  	v46 =	vld [tilespmem:$0x1F450];
	v18 =	vadd.f32 v15, v14;
	v0 =	vadd.f32 v0, v1  }
0x637: {  	v54 =	vld [tilespmem:$0x1F2C0]  }
0x638: {  	v31 =	vld [tilespmem:$0x1F590];
	v21 =	vadd.f32 v17, v16;
	v0 =	vadd.f32 v18, v0  }
0x639: {  	v55 =	vld [tilespmem:$0x1F2E0];
	v23 =	vadd.f32 v38, v37;
	v24 =	vadd.f32 v20, v19  }
0x63a: {  	v4 =	vadd.f32 v34, v27;
	v34 =	vld [tilespmem:$0x1F4F0];
	v0 =	vadd.f32 v21, v0  }
0x63b: {  	v3 =	vadd.f32 v26, v25;
	v2 =	vadd.f32 v33, v29;
	v33 =	vld [tilespmem:$0x1F4C0]  }
0x63c: {  	v38 =	vld [tilespmem:$0x1F460];
	v28 =	vadd.f32 v23, v22;
	v0 =	vadd.f32 v24, v0  }
0x63d: {  	v43 =	vld [tilespmem:$0x1F3E0];
	v5 =	vadd.f32 v31, v30  }
0x63e: {  	v44 =	vld [tilespmem:$0x1F410];
	v32 =	vadd.f32 v4, v3;
	v0 =	vadd.f32 v28, v0  }
0x63f: {  	v58 =	vld [tilespmem:$0x1F1F0];
	v4 =	vadd.f32 v36, v35;
	v37 =	vadd.f32 v5, v2  }
0x640: {  	v51 =	vld [tilespmem:$0x1F3B0];
	v3 =	vadd.f32 v34, v33;
	v0 =	vadd.f32 v32, v0  }
0x641: {  	v59 =	vld [tilespmem:$0x1F210];
	v2 =	vadd.f32 v39, v38;
	v5 =	vadd.f32 v41, v40  }
0x642: {  	v56 =	vld [tilespmem:$0x1F300];
	v42 =	vadd.f32 v4, v3;
	v0 =	vadd.f32 v37, v0  }
0x643: {  	v60 =	vld [tilespmem:$0x1F230];
	v47 =	vadd.f32 v5, v2;
	v3 =	vadd.f32 v44, v43  }
0x644: {  	v61 =	vld [tilespmem:$0x1F260];
	v4 =	vadd.f32 v46, v45;
	v0 =	vadd.f32 v42, v0  }
0x645: {  	v2 =	vadd.f32 v49, v48;
	v5 =	vadd.f32 v51, v50  }
0x646: {  	v52 =	vadd.f32 v4, v3;
	v0 =	vadd.f32 v47, v0  }
0x647: {  	v57 =	vadd.f32 v5, v2;
	v3 =	vadd.f32 v54, v53  }
0x648: {  	v4 =	vadd.f32 v56, v55;
	v0 =	vadd.f32 v52, v0  }
0x649: {  	v2 =	vadd.f32 v59, v58;
	v5 =	vadd.f32 v61, v60  }
0x64a: {  	s13 =	sadd.s32 $0x1, s13;
	v62 =	vadd.f32 v4, v3;
	v0 =	vadd.f32 v57, v0  }
0x64b: {  	p0 =	sne.s32 s13, $0x20  }
.Ltmp2:
0x64c: {  	v63 =	vadd.f32 v5, v2;
	v0 =	vadd.f32 v62, v0;
	(pc) =	sbr.rel @p0 .LBB2_2-.Ltmp2, $4  }
0x64d: {  	s14 =	rddreg [dreg:$0x3];
	s11 =	sadd.s32 $0x10, s11;
	s2 =	sand.u32 $0x400, s2  }
0x64e: {  	s11 =	sand.u32 $0x70, s11;
	s2 =	sadd.s32 s2, s14;
	v0 =	vadd.f32 v63, v0  }
0x64f: {  	s2 =	sadd.s32 s11, s2  }
0x650: {  	[tilespmem:s2+$0x0] =	vst v0  }
0x651: {  	s11 =	simm.s32 $0x0;
	s2 =	rddreg [dreg:$0x6];
	s13 =	simm.s32 $0x14000  }
0x652: {  	[hbm4b:s2+s11] =	stream.linear.scatter [tilespmem:s13], [sflag:$0x3], $0x4000, $0x38;
	[tilespmem:$0x18000] =	vst v63  }
0x653: {  	s13 =	simm.s32 $0x3  }
0x654: {  	_ =	swait.ge [sflag:s13], $0x4000  }
0x655: {  	s14 =	rddreg [dreg:$0x8]  }
0x656: {  	s24 =	rddreg [dreg:$0x7];
	s14 =	sadd.s32 $0x1, s14  }
0x657: {  	p0 =	sne.s32 s14, s24  }
.Ltmp3:
0x658: {  	_ = 	snop;
	(pc) =	sbr.rel @p0 .LBB2_1-.Ltmp3, $3  }
0x659: {  	_ =	sdelay $0x1  }
0x65a: {  	[sflag:s13] =	ssyncset.done $0x0  }
0x65b: {  	[sflag:s13] =	ssyncadd.s32 $0xFFFFC000  }
0x65c: {  	_ =	sfence.sel $0x180000  }
0x65d: {  	[bflag:$0x0] =	sbarrier.arrive $0xFFFF  }
0x65e: {  	_ =	strace $0x90000047  }
0x65f: {  	s0 =	stileid.u32;
	[bflag:$0x2] =	sbarrier.arrive $0xFFFF  }
0x660: {  	p0 =	sne.s32 s0, $0x0;
	s0 =	rddreg [dreg:$0x1]  }
0x661: {  	s0 =	sadd.s32 @!p0 $0x100000, s0  }
0x662: {  	[sflag:s0] =	ssyncadd.tile.s32 @!p0 $0x1;
	_ =	shalt  }
.Lfunc_end2:
_tile_overlayer_lowered:
.L_overlay_start_2:
0x663: {  	(tag) =	ssettag $0x2  }
0x664: {  	s0 =	rddreg [dreg:$0x0];
	s2 =	stileid.u32  }
0x665: {  	s1 =	rddreg [dreg:$0x1];
	p0 =	sne.s32 s2, $0x0  }
0x666: {  	s3 =	rddreg [dreg:$0x2];
	[bflag:$0x3] =	sbarrier.arrive $0xFFFF;
	s2 =	simm.s32 @!p0 $0x1C03  }
0x667: {  	[timem:s3], [sflag:s2] =	dma.local @!p0 [hbm:s0], s1  }
0x668: {  	s0 =	simm.s32 @!p0 $0x3  }
0x669: {  	_ =	swait.ge @!p0 [sflag:s0], s1  }
0x66a: {  	s1 =	ssub.s32 @!p0 $0x0, s1;
	[sflag:s0] =	ssyncset.done @!p0 $0x0  }
0x66b: {  	[sflag:s0] =	ssyncadd.s32 @!p0 s1  }
0x66c: {  	[bflag:$0x3] =	sbarrier.arrive $0xFFFF  }
0x66d: {  	_ =	shalt  }

</sc_bundles>
